<compile_context>
chip_gen: v7x
topology: tpu7x:2x2x1
jax: 0.10.2.dev20260603
libtpu: 0.0.44.dev20260713+nightly
codegen_flags: <defaults>
</compile_context>

<pallas_src>
import functools

import jax
import jax.numpy as jnp
from jax import lax
from jax.experimental import pallas as pl
from jax.experimental.pallas import tpu as pltpu
from jax.experimental.pallas import tpu_sc as plsc

N = 10000
E = 320000
C_IN = 128
C_HID = 256
C_OUT = 128

NC = 2
NT = 16
NW = NC * NT

_MESH = plsc.VectorSubcoreMesh(core_axis_name="c", subcore_axis_name="s")


EPW = E // NW


@functools.partial(
    pl.kernel, mesh=_MESH,
    out_type=jax.ShapeDtypeStruct((NW * N,), jnp.float32),
    scratch_types=[
        pltpu.VMEM((EPW,), jnp.int32),
        pltpu.VMEM((N,), jnp.float32),
    ],
    compiler_params=pltpu.CompilerParams(needs_layout_passes=False),
)
def _deg_kernel(ei_hbm, out_hbm, colv, degv):
    wid = lax.axis_index("s") * NC + lax.axis_index("c")
    pltpu.sync_copy(ei_hbm.at[pl.ds(E + wid * EPW, EPW)], colv)
    zeros = jnp.zeros((16,), jnp.float32)

    def _zero(i, carry):
        for j in range(5):
            degv[pl.ds(i * 80 + j * 16, 16)] = zeros
        return carry

    lax.fori_loop(0, N // 80, _zero, 0)
    ones = jnp.ones((16,), jnp.float32)

    def _count(i, carry):
        for j in range(5):
            idx = colv[pl.ds(i * 80 + j * 16, 16)]
            plsc.addupdate_scatter(degv, [idx], ones)
        return carry

    lax.fori_loop(0, EPW // 80, _count, 0)
    pltpu.sync_copy(degv, out_hbm.at[pl.ds(wid * N, N)])




def _make_scatter(H, K, NBUF, edge_split):
    EPT = (E // NC // NT) if edge_split else (E // NT)
    NCH = EPT // K
    NG = NCH // NBUF
    REM = NCH % NBUF
    RPT = 624
    TAIL0 = NT * RPT
    TAILN = N - TAIL0
    assert K % 8 == 0 and K <= 128 and NG >= 2

    _SCRATCH = [
        pltpu.VMEM((NBUF, K), jnp.int32),
        pltpu.VMEM((NBUF, K), jnp.int32),
        pltpu.VMEM((NBUF, K, H), jnp.float32),
        pltpu.VMEM_SHARED((N, H), jnp.float32),
    ] + [pltpu.SemaphoreType.DMA] * (3 * NBUF)

    def _scatter_body(tabs, ei_hbm, out_hbm, rowv, colv, rows, acc, sems):
        isem = sems[:NBUF]
        gsem = sems[NBUF:2 * NBUF]
        ssem = sems[2 * NBUF:]
        sc = lax.axis_index("c")
        tid = lax.axis_index("s")
        r0 = tid * RPT
        if edge_split:
            rb = sc * (E // NC) + tid * EPT
        else:
            rb = tid * EPT
        cb = E + rb

        def _i_start(c, b):
            pltpu.async_copy(ei_hbm.at[pl.ds(rb + c * K, K)],
                             rowv.at[b], isem[b])
            pltpu.async_copy(ei_hbm.at[pl.ds(cb + c * K, K)],
                             colv.at[b], isem[b])

        def _i_wait(c, b):
            pltpu.make_async_copy(ei_hbm.at[pl.ds(rb + c * K, K)],
                                  rowv.at[b], isem[b]).wait()
            pltpu.make_async_copy(ei_hbm.at[pl.ds(cb + c * K, K)],
                                  colv.at[b], isem[b]).wait()

        def _per_table(fn):
            if len(tabs) == 1:
                fn(tabs[0])
            else:
                @pl.when(sc == 0)
                def _t0():
                    fn(tabs[0])

                @pl.when(sc == 1)
                def _t1():
                    fn(tabs[1])

        def _g_start(b):
            _per_table(lambda t: pltpu.async_copy(
                t.at[rowv.at[b]], rows.at[b], gsem[b]))

        def _g_wait(b):
            _per_table(lambda t: pltpu.make_async_copy(
                t.at[rowv.at[b]], rows.at[b], gsem[b]).wait())

        def _s_start(b):
            pltpu.async_copy(rows.at[b], acc.at[colv.at[b]], ssem[b],
                             add=True)

        def _s_wait(b):
            pltpu.make_async_copy(rows.at[b], acc.at[colv.at[b]],
                                  ssem[b]).wait()

        _per_table(lambda t: pltpu.sync_copy(t.at[pl.ds(r0, RPT)],
                                             acc.at[pl.ds(r0, RPT)]))

        @pl.when(tid == NT - 1)
        def _init_tail():
            _per_table(lambda t: pltpu.sync_copy(t.at[pl.ds(TAIL0, TAILN)],
                                                 acc.at[pl.ds(TAIL0, TAILN)]))

        plsc.subcore_barrier()
        _i_start(0, 0)

        def _group(p, carry):
            for b in range(NBUF):
                c = p * NBUF + b
                b1 = (b + 1) % NBUF
                bp = (b - 2) % NBUF
                _i_wait(c, b)
                _g_start(b)

                @pl.when(c >= NBUF - 1)
                def _free_next():
                    _s_wait(b1)

                @pl.when(c + 1 < NCH)
                def _prefetch():
                    _i_start(c + 1, b1)

                @pl.when(c >= 2)
                def _drain_prev():
                    _g_wait(bp)
                    _s_start(bp)
            return carry

        lax.fori_loop(0, NG, _group, 0)
        for t in range(REM):
            c = NG * NBUF + t
            b = t
            if t > 0:
                _s_wait(b)
                _i_start(c, b)
            _i_wait(c, b)
            _g_start(b)
            bp = (b - 2) % NBUF
            _g_wait(bp)
            _s_start(bp)
        for q in (NCH - 2, NCH - 1):
            _g_wait(q % NBUF)
            _s_start(q % NBUF)
        for q in range(NCH - NBUF + (1 if REM == 0 else 0), NCH):
            _s_wait(q % NBUF)
        plsc.subcore_barrier()
        pltpu.sync_copy(acc.at[pl.ds(r0, RPT)], out_hbm.at[sc, pl.ds(r0, RPT)])

        @pl.when(tid == NT - 1)
        def _out_tail():
            pltpu.sync_copy(acc.at[pl.ds(TAIL0, TAILN)],
                            out_hbm.at[sc, pl.ds(TAIL0, TAILN)])

    if edge_split:
        @functools.partial(
            pl.kernel, mesh=_MESH,
            out_type=jax.ShapeDtypeStruct((NC, N, H), jnp.float32),
            scratch_types=_SCRATCH,
            compiler_params=pltpu.CompilerParams(needs_layout_passes=False),
        )
        def _scatter(g_hbm, ei_hbm, out_hbm, rowv, colv, rows, acc, *sems):
            _scatter_body((g_hbm,), ei_hbm, out_hbm, rowv, colv, rows, acc,
                          sems)
    else:
        @functools.partial(
            pl.kernel, mesh=_MESH,
            out_type=jax.ShapeDtypeStruct((NC, N, H), jnp.float32),
            scratch_types=_SCRATCH,
            compiler_params=pltpu.CompilerParams(needs_layout_passes=False),
        )
        def _scatter(glo_hbm, ghi_hbm, ei_hbm, out_hbm,
                     rowv, colv, rows, acc, *sems):
            _scatter_body((glo_hbm, ghi_hbm), ei_hbm, out_hbm,
                          rowv, colv, rows, acc, sems)

    return _scatter


_scatter_l1 = _make_scatter(C_HID // 2, 80, 4, False)
_scatter_l2 = _make_scatter(C_OUT, 80, 4, True)



_BM = 2000


def _tc1_body(degp_ref, x_ref, w_ref, b_ref, glo_ref, ghi_ref, dis_ref):
    deg = degp_ref[pl.ds(0, N)] + 1.0
    for w in range(1, NW):
        deg = deg + degp_ref[pl.ds(w * N, N)]
    dis = lax.rsqrt(deg).reshape(-1, 1)
    h = lax.dot_general(x_ref[...], w_ref[...], (((1,), (1,)), ((), ())),
                        preferred_element_type=jnp.float32) + b_ref[...]
    g = h * dis
    glo_ref[...] = g[:, :C_HID // 2]
    ghi_ref[...] = g[:, C_HID // 2:]
    dis_ref[...] = dis


def _tc1(degp, x, W1, b1r):
    return pl.pallas_call(
        _tc1_body,
        grid=(1,),
        in_specs=[
            pl.BlockSpec((NW * N,), lambda i: (0,)),
            pl.BlockSpec((N, C_IN), lambda i: (0, 0)),
            pl.BlockSpec((C_HID, C_IN), lambda i: (0, 0)),
            pl.BlockSpec((1, C_HID), lambda i: (0, 0)),
        ],
        out_specs=[
            pl.BlockSpec((N, C_HID // 2), lambda i: (0, 0)),
            pl.BlockSpec((N, C_HID // 2), lambda i: (0, 0)),
            pl.BlockSpec((N, 1), lambda i: (0, 0)),
        ],
        out_shape=[
            jax.ShapeDtypeStruct((N, C_HID // 2), jnp.float32),
            jax.ShapeDtypeStruct((N, C_HID // 2), jnp.float32),
            jax.ShapeDtypeStruct((N, 1), jnp.float32),
        ],
    )(degp, x, W1, b1r)


def _tc2_body(s_ref, dis_ref, w_ref, b_ref, g_ref):
    dis = dis_ref[...]
    s = jnp.concatenate([s_ref[0], s_ref[1]], axis=1)
    u = jnp.maximum(s * dis, 0.0)
    h = lax.dot_general(u, w_ref[...], (((1,), (1,)), ((), ())),
                        preferred_element_type=jnp.float32) + b_ref[...]
    g_ref[...] = h * dis


def _tc2(s1, dis, W2, b2r):
    return pl.pallas_call(
        _tc2_body,
        grid=(N // _BM,),
        in_specs=[
            pl.BlockSpec((NC, _BM, C_HID // 2), lambda i: (0, i, 0)),
            pl.BlockSpec((_BM, 1), lambda i: (i, 0)),
            pl.BlockSpec((C_OUT, C_HID), lambda i: (0, 0)),
            pl.BlockSpec((1, C_OUT), lambda i: (0, 0)),
        ],
        out_specs=pl.BlockSpec((_BM, C_OUT), lambda i: (i, 0)),
        out_shape=jax.ShapeDtypeStruct((N, C_OUT), jnp.float32),
    )(s1, dis, W2, b2r)


def _tc3_body(p_ref, g_ref, dis_ref, o_ref):
    o_ref[...] = (p_ref[0] + p_ref[1] - g_ref[...]) * dis_ref[...]


def _tc3(p2, g2, dis):
    return pl.pallas_call(
        _tc3_body,
        grid=(N // _BM,),
        in_specs=[
            pl.BlockSpec((NC, _BM, C_OUT), lambda i: (0, i, 0)),
            pl.BlockSpec((_BM, C_OUT), lambda i: (i, 0)),
            pl.BlockSpec((_BM, 1), lambda i: (i, 0)),
        ],
        out_specs=pl.BlockSpec((_BM, C_OUT), lambda i: (i, 0)),
        out_shape=jax.ShapeDtypeStruct((N, C_OUT), jnp.float32),
    )(p2, g2, dis)




def kernel(x, edge_index, W1, b1, W2, b2):
    eif = edge_index.astype(jnp.int32).reshape(2 * E)
    degp = _deg_kernel(eif)
    glo, ghi, dis = _tc1(degp, x, W1, b1.reshape(1, -1))
    s1 = _scatter_l1(glo, ghi, eif)
    g2 = _tc2(s1, dis, W2, b2.reshape(1, -1))
    p2 = _scatter_l2(g2, eif)
    return _tc3(p2, g2, dis)

# --- scband reference (transcript-rebuilt; emitter-appended) ---
"""Pipeline reference for scband-gcnencoder-26577257628042 (READ-ONLY COPY).

The authoritative reference and input builder live on the scoring server;
editing this copy changes nothing except your own understanding.
"""

import jax, jax.numpy as jnp
import numpy as np

N_NODES = 10000
N_EDGES = 320000
IN_CH = 128
OUT_CH = 128
HID = 2 * OUT_CH


def setup_inputs(seed: int = 0) -> dict:
    key = jax.random.key(seed)
    k1, k2, k3, k4, k5, k6, k7 = jax.random.split(key, 7)
    x = jax.random.normal(k1, (N_NODES, IN_CH), dtype=jnp.float32)
    edge_index = jax.random.randint(k2, (2, N_EDGES), 0, N_NODES, dtype=jnp.int64)
    lim1 = 1.0 / np.sqrt(IN_CH)
    W1 = jax.random.uniform(k3, (HID, IN_CH), minval=-lim1, maxval=lim1, dtype=jnp.float32)
    b1 = jax.random.uniform(k4, (HID,), minval=-lim1, maxval=lim1, dtype=jnp.float32)
    lim2 = 1.0 / np.sqrt(HID)
    W2 = jax.random.uniform(k5, (OUT_CH, HID), minval=-lim2, maxval=lim2, dtype=jnp.float32)
    b2 = jax.random.uniform(k6, (OUT_CH,), minval=-lim2, maxval=lim2, dtype=jnp.float32)
    return {"x": x, "edge_index": edge_index, "W1": W1, "b1": b1, "W2": W2, "b2": b2}


def _gcn_conv(x, row, col, W, b):
    n = x.shape[0]
    h = x @ W.T + b
    deg = jnp.zeros((n,), dtype=x.dtype).at[col].add(1.0)
    deg_inv_sqrt = deg ** -0.5
    norm = deg_inv_sqrt[row] * deg_inv_sqrt[col]
    msg = norm[:, None] * h[row]
    out = jnp.zeros_like(h).at[col].add(msg)
    return out


def reference(x, edge_index, W1, b1, W2, b2):
    n = x.shape[0]
    loops = jnp.arange(n, dtype=edge_index.dtype)
    row = jnp.concatenate([edge_index[0], loops])
    col = jnp.concatenate([edge_index[1], loops])
    h = _gcn_conv(x, row, col, W1, b1)
    h = jax.nn.relu(h)
    out = _gcn_conv(h, row, col, W2, b2)
    return out

if __name__ == "__main__":
    import jax
    _d = setup_inputs()
    print(jax.jit(kernel)(*tuple(_d.values())))

</pallas_src>

<mosaic_0001>
#map = affine_map<(d0, d1) -> (0, 0)>
#map1 = affine_map<(d0, d1) -> (0)>
#map2 = affine_map<(d0, d1) -> (0, 0, 0)>
module attributes {stable_mosaic.version = 14 : i64} {
  func.func @_scatter(%arg0: i32, %arg1: i32, %arg2: memref<10000x128xf32, #tpu.memory_space<hbm>>, %arg3: memref<10000x128xf32, #tpu.memory_space<hbm>>, %arg4: memref<640000xi32, #tpu.memory_space<hbm>>, %arg5: memref<2x10000x128xf32, #tpu.memory_space<hbm>>, %arg6: memref<4x80xi32, #tpu.memory_space<vmem>>, %arg7: memref<4x80xi32, #tpu.memory_space<vmem>>, %arg8: memref<4x80x128xf32, #tpu.memory_space<vmem>>, %arg9: memref<10000x128xf32, #tpu.memory_space<vmem_shared>>, %arg10: memref<!tpu.dma_semaphore, #tpu.memory_space<semaphore_mem>>, %arg11: memref<!tpu.dma_semaphore, #tpu.memory_space<semaphore_mem>>, %arg12: memref<!tpu.dma_semaphore, #tpu.memory_space<semaphore_mem>>, %arg13: memref<!tpu.dma_semaphore, #tpu.memory_space<semaphore_mem>>, %arg14: memref<!tpu.dma_semaphore, #tpu.memory_space<semaphore_mem>>, %arg15: memref<!tpu.dma_semaphore, #tpu.memory_space<semaphore_mem>>, %arg16: memref<!tpu.dma_semaphore, #tpu.memory_space<semaphore_mem>>, %arg17: memref<!tpu.dma_semaphore, #tpu.memory_space<semaphore_mem>>, %arg18: memref<!tpu.dma_semaphore, #tpu.memory_space<semaphore_mem>>, %arg19: memref<!tpu.dma_semaphore, #tpu.memory_space<semaphore_mem>>, %arg20: memref<!tpu.dma_semaphore, #tpu.memory_space<semaphore_mem>>, %arg21: memref<!tpu.dma_semaphore, #tpu.memory_space<semaphore_mem>>) attributes {dimension_semantics = [#tpu.dimension_semantics<core_parallel>, #tpu.dimension_semantics<subcore_parallel>], iteration_bounds = array<i64: 2, 16>, scalar_prefetch = 0 : i64, scratch_operands = 16 : i64, tpu.core_type = #tpu.core_type<sc_vector_subcore>, window_params = [{transform_indices = #map}, {transform_indices = #map}, {transform_indices = #map1}, {transform_indices = #map2}]} {
    %mul3A = arith.constant 624 : i32
    %mul3A_0 = arith.muli %arg1, %mul3A : i32
    %mul3A_1 = arith.constant 20000 : i32
    %mul3A_2 = arith.muli %arg1, %mul3A_1 : i32
    %add3A = arith.constant 320000 : i32
    %add3A_3 = arith.addi %add3A, %mul3A_2 : i32
    %eq3A = arith.constant 0 : i32
    %eq3A_4 = arith.cmpi eq, %arg0, %eq3A : i32
    %convert_element_type3A = arith.extui %eq3A_4 : i1 to i32
    %cond3A = arith.constant 0 : i32
    %cond3A_5 = arith.cmpi ne, %convert_element_type3A, %cond3A : i32
    scf.if %cond3A_5 {
      "tpu.region"() ({
        %run_scoped3A = tpu.sem_alloc : memref<!tpu.dma_semaphore, #tpu.memory_space<semaphore_mem>>
        %dma_start3A_281 = arith.constant 0 : i32
        %dma_start3A_282 = tpu.memref_slice %arg9[%mul3A_0, %dma_start3A_281] : memref<10000x128xf32, #tpu.memory_space<vmem_shared>> -> memref<624x128xf32, #tpu.memory_space<vmem_shared>>
        %dma_start3A_283 = arith.constant 0 : i32
        %dma_start3A_284 = tpu.memref_slice %arg2[%mul3A_0, %dma_start3A_283] : memref<10000x128xf32, #tpu.memory_space<hbm>> -> memref<624x128xf32, #tpu.memory_space<hbm>>
        tpu.enqueue_dma source(%dma_start3A_284 : memref<624x128xf32, #tpu.memory_space<hbm>>) target(%dma_start3A_282 : memref<624x128xf32, #tpu.memory_space<vmem_shared>>) target_semaphore(%run_scoped3A : memref<!tpu.dma_semaphore, #tpu.memory_space<semaphore_mem>>)
        %dma_wait3A_285 = arith.constant 0 : i32
        %dma_wait3A_286 = tpu.memref_slice %arg9[%mul3A_0, %dma_wait3A_285] : memref<10000x128xf32, #tpu.memory_space<vmem_shared>> -> memref<624x128xf32, #tpu.memory_space<vmem_shared>>
        %dma_wait3A_287 = arith.constant 0 : i32
        %dma_wait3A_288 = tpu.memref_slice %arg2[%mul3A_0, %dma_wait3A_287] : memref<10000x128xf32, #tpu.memory_space<hbm>> -> memref<624x128xf32, #tpu.memory_space<hbm>>
        tpu.wait_dma2 semaphore(%run_scoped3A : memref<!tpu.dma_semaphore, #tpu.memory_space<semaphore_mem>>) src(%dma_wait3A_288 : memref<624x128xf32, #tpu.memory_space<hbm>>) dst(%dma_wait3A_286 : memref<624x128xf32, #tpu.memory_space<vmem_shared>>)
        tpu.yield
      }) : () -> ()
    } else {
    }
    %eq3A_6 = arith.constant 1 : i32
    %eq3A_7 = arith.cmpi eq, %arg0, %eq3A_6 : i32
    %convert_element_type3A_8 = arith.extui %eq3A_7 : i1 to i32
    %cond3A_9 = arith.constant 0 : i32
    %cond3A_10 = arith.cmpi ne, %convert_element_type3A_8, %cond3A_9 : i32
    scf.if %cond3A_10 {
      "tpu.region"() ({
        %run_scoped3A = tpu.sem_alloc : memref<!tpu.dma_semaphore, #tpu.memory_space<semaphore_mem>>
        %dma_start3A_281 = arith.constant 0 : i32
        %dma_start3A_282 = tpu.memref_slice %arg9[%mul3A_0, %dma_start3A_281] : memref<10000x128xf32, #tpu.memory_space<vmem_shared>> -> memref<624x128xf32, #tpu.memory_space<vmem_shared>>
        %dma_start3A_283 = arith.constant 0 : i32
        %dma_start3A_284 = tpu.memref_slice %arg3[%mul3A_0, %dma_start3A_283] : memref<10000x128xf32, #tpu.memory_space<hbm>> -> memref<624x128xf32, #tpu.memory_space<hbm>>
        tpu.enqueue_dma source(%dma_start3A_284 : memref<624x128xf32, #tpu.memory_space<hbm>>) target(%dma_start3A_282 : memref<624x128xf32, #tpu.memory_space<vmem_shared>>) target_semaphore(%run_scoped3A : memref<!tpu.dma_semaphore, #tpu.memory_space<semaphore_mem>>)
        %dma_wait3A_285 = arith.constant 0 : i32
        %dma_wait3A_286 = tpu.memref_slice %arg9[%mul3A_0, %dma_wait3A_285] : memref<10000x128xf32, #tpu.memory_space<vmem_shared>> -> memref<624x128xf32, #tpu.memory_space<vmem_shared>>
        %dma_wait3A_287 = arith.constant 0 : i32
        %dma_wait3A_288 = tpu.memref_slice %arg3[%mul3A_0, %dma_wait3A_287] : memref<10000x128xf32, #tpu.memory_space<hbm>> -> memref<624x128xf32, #tpu.memory_space<hbm>>
        tpu.wait_dma2 semaphore(%run_scoped3A : memref<!tpu.dma_semaphore, #tpu.memory_space<semaphore_mem>>) src(%dma_wait3A_288 : memref<624x128xf32, #tpu.memory_space<hbm>>) dst(%dma_wait3A_286 : memref<624x128xf32, #tpu.memory_space<vmem_shared>>)
        tpu.yield
      }) : () -> ()
    } else {
    }
    %eq3A_11 = arith.constant 15 : i32
    %eq3A_12 = arith.cmpi eq, %arg1, %eq3A_11 : i32
    %convert_element_type3A_13 = arith.extui %eq3A_12 : i1 to i32
    %cond3A_14 = arith.constant 0 : i32
    %cond3A_15 = arith.cmpi ne, %convert_element_type3A_13, %cond3A_14 : i32
    scf.if %cond3A_15 {
      %eq3A_281 = arith.constant 0 : i32
      %eq3A_282 = arith.cmpi eq, %arg0, %eq3A_281 : i32
      %convert_element_type3A_283 = arith.extui %eq3A_282 : i1 to i32
      %cond3A_284 = arith.constant 0 : i32
      %cond3A_285 = arith.cmpi ne, %convert_element_type3A_283, %cond3A_284 : i32
      scf.if %cond3A_285 {
        "tpu.region"() ({
          %run_scoped3A = tpu.sem_alloc : memref<!tpu.dma_semaphore, #tpu.memory_space<semaphore_mem>>
          %dma_start3A_291 = arith.constant 9984 : i32
          %dma_start3A_292 = arith.constant 0 : i32
          %dma_start3A_293 = tpu.memref_slice %arg9[%dma_start3A_291, %dma_start3A_292] : memref<10000x128xf32, #tpu.memory_space<vmem_shared>> -> memref<16x128xf32, #tpu.memory_space<vmem_shared>>
          %dma_start3A_294 = arith.constant 9984 : i32
          %dma_start3A_295 = arith.constant 0 : i32
          %dma_start3A_296 = tpu.memref_slice %arg2[%dma_start3A_294, %dma_start3A_295] : memref<10000x128xf32, #tpu.memory_space<hbm>> -> memref<16x128xf32, #tpu.memory_space<hbm>>
          tpu.enqueue_dma source(%dma_start3A_296 : memref<16x128xf32, #tpu.memory_space<hbm>>) target(%dma_start3A_293 : memref<16x128xf32, #tpu.memory_space<vmem_shared>>) target_semaphore(%run_scoped3A : memref<!tpu.dma_semaphore, #tpu.memory_space<semaphore_mem>>)
          %dma_wait3A_297 = arith.constant 9984 : i32
          %dma_wait3A_298 = arith.constant 0 : i32
          %dma_wait3A_299 = tpu.memref_slice %arg9[%dma_wait3A_297, %dma_wait3A_298] : memref<10000x128xf32, #tpu.memory_space<vmem_shared>> -> memref<16x128xf32, #tpu.memory_space<vmem_shared>>
          %dma_wait3A_300 = arith.constant 9984 : i32
          %dma_wait3A_301 = arith.constant 0 : i32
          %dma_wait3A_302 = tpu.memref_slice %arg2[%dma_wait3A_300, %dma_wait3A_301] : memref<10000x128xf32, #tpu.memory_space<hbm>> -> memref<16x128xf32, #tpu.memory_space<hbm>>
          tpu.wait_dma2 semaphore(%run_scoped3A : memref<!tpu.dma_semaphore, #tpu.memory_space<semaphore_mem>>) src(%dma_wait3A_302 : memref<16x128xf32, #tpu.memory_space<hbm>>) dst(%dma_wait3A_299 : memref<16x128xf32, #tpu.memory_space<vmem_shared>>)
          tpu.yield
        }) : () -> ()
      } else {
      }
      %eq3A_286 = arith.constant 1 : i32
      %eq3A_287 = arith.cmpi eq, %arg0, %eq3A_286 : i32
      %convert_element_type3A_288 = arith.extui %eq3A_287 : i1 to i32
      %cond3A_289 = arith.constant 0 : i32
      %cond3A_290 = arith.cmpi ne, %convert_element_type3A_288, %cond3A_289 : i32
      scf.if %cond3A_290 {
        "tpu.region"() ({
          %run_scoped3A = tpu.sem_alloc : memref<!tpu.dma_semaphore, #tpu.memory_space<semaphore_mem>>
          %dma_start3A_291 = arith.constant 9984 : i32
          %dma_start3A_292 = arith.constant 0 : i32
          %dma_start3A_293 = tpu.memref_slice %arg9[%dma_start3A_291, %dma_start3A_292] : memref<10000x128xf32, #tpu.memory_space<vmem_shared>> -> memref<16x128xf32, #tpu.memory_space<vmem_shared>>
          %dma_start3A_294 = arith.constant 9984 : i32
          %dma_start3A_295 = arith.constant 0 : i32
          %dma_start3A_296 = tpu.memref_slice %arg3[%dma_start3A_294, %dma_start3A_295] : memref<10000x128xf32, #tpu.memory_space<hbm>> -> memref<16x128xf32, #tpu.memory_space<hbm>>
          tpu.enqueue_dma source(%dma_start3A_296 : memref<16x128xf32, #tpu.memory_space<hbm>>) target(%dma_start3A_293 : memref<16x128xf32, #tpu.memory_space<vmem_shared>>) target_semaphore(%run_scoped3A : memref<!tpu.dma_semaphore, #tpu.memory_space<semaphore_mem>>)
          %dma_wait3A_297 = arith.constant 9984 : i32
          %dma_wait3A_298 = arith.constant 0 : i32
          %dma_wait3A_299 = tpu.memref_slice %arg9[%dma_wait3A_297, %dma_wait3A_298] : memref<10000x128xf32, #tpu.memory_space<vmem_shared>> -> memref<16x128xf32, #tpu.memory_space<vmem_shared>>
          %dma_wait3A_300 = arith.constant 9984 : i32
          %dma_wait3A_301 = arith.constant 0 : i32
          %dma_wait3A_302 = tpu.memref_slice %arg3[%dma_wait3A_300, %dma_wait3A_301] : memref<10000x128xf32, #tpu.memory_space<hbm>> -> memref<16x128xf32, #tpu.memory_space<hbm>>
          tpu.wait_dma2 semaphore(%run_scoped3A : memref<!tpu.dma_semaphore, #tpu.memory_space<semaphore_mem>>) src(%dma_wait3A_302 : memref<16x128xf32, #tpu.memory_space<hbm>>) dst(%dma_wait3A_299 : memref<16x128xf32, #tpu.memory_space<vmem_shared>>)
          tpu.yield
        }) : () -> ()
      } else {
      }
    } else {
    }
    %barrier3A = arith.constant 0 : index
    tpu.barrier barrier_id(%barrier3A)
    %add3A_16 = arith.constant 0 : i32
    %add3A_17 = arith.addi %mul3A_2, %add3A_16 : i32
    %dma_start3A = arith.constant 0 : i32
    %dma_start3A_18 = arith.constant 0 : i32
    %dma_start3A_19 = tpu.memref_slice %arg6[%dma_start3A, %dma_start3A_18] : memref<4x80xi32, #tpu.memory_space<vmem>> -> memref<1x80xi32, #tpu.memory_space<vmem>>
    %dma_start3A_20 = tpu.memref_squeeze %dma_start3A_19 : memref<1x80xi32, #tpu.memory_space<vmem>> -> memref<80xi32, #tpu.memory_space<vmem>>
    %dma_start3A_21 = tpu.memref_slice %arg4[%add3A_17] : memref<640000xi32, #tpu.memory_space<hbm>> -> memref<80xi32, #tpu.memory_space<hbm>>
    %dma_start3A_22 = arith.constant 0 : i32
    %dma_start3A_23 = tpu.memref_slice %arg6[%dma_start3A, %dma_start3A_22] : memref<4x80xi32, #tpu.memory_space<vmem>> -> memref<1x80xi32, #tpu.memory_space<vmem>>
    %dma_start3A_24 = tpu.memref_squeeze %dma_start3A_23 : memref<1x80xi32, #tpu.memory_space<vmem>> -> memref<80xi32, #tpu.memory_space<vmem>>
    %dma_start3A_25 = tpu.memref_slice %arg4[%add3A_17] : memref<640000xi32, #tpu.memory_space<hbm>> -> memref<80xi32, #tpu.memory_space<hbm>>
    tpu.enqueue_dma source(%dma_start3A_25 : memref<80xi32, #tpu.memory_space<hbm>>) target(%dma_start3A_24 : memref<80xi32, #tpu.memory_space<vmem>>) target_semaphore(%arg10 : memref<!tpu.dma_semaphore, #tpu.memory_space<semaphore_mem>>)
    %add3A_26 = arith.constant 0 : i32
    %add3A_27 = arith.addi %add3A_3, %add3A_26 : i32
    %dma_start3A_28 = arith.constant 0 : i32
    %dma_start3A_29 = arith.constant 0 : i32
    %dma_start3A_30 = tpu.memref_slice %arg7[%dma_start3A_28, %dma_start3A_29] : memref<4x80xi32, #tpu.memory_space<vmem>> -> memref<1x80xi32, #tpu.memory_space<vmem>>
    %dma_start3A_31 = tpu.memref_squeeze %dma_start3A_30 : memref<1x80xi32, #tpu.memory_space<vmem>> -> memref<80xi32, #tpu.memory_space<vmem>>
    %dma_start3A_32 = tpu.memref_slice %arg4[%add3A_27] : memref<640000xi32, #tpu.memory_space<hbm>> -> memref<80xi32, #tpu.memory_space<hbm>>
    %dma_start3A_33 = arith.constant 0 : i32
    %dma_start3A_34 = tpu.memref_slice %arg7[%dma_start3A_28, %dma_start3A_33] : memref<4x80xi32, #tpu.memory_space<vmem>> -> memref<1x80xi32, #tpu.memory_space<vmem>>
    %dma_start3A_35 = tpu.memref_squeeze %dma_start3A_34 : memref<1x80xi32, #tpu.memory_space<vmem>> -> memref<80xi32, #tpu.memory_space<vmem>>
    %dma_start3A_36 = tpu.memref_slice %arg4[%add3A_27] : memref<640000xi32, #tpu.memory_space<hbm>> -> memref<80xi32, #tpu.memory_space<hbm>>
    tpu.enqueue_dma source(%dma_start3A_36 : memref<80xi32, #tpu.memory_space<hbm>>) target(%dma_start3A_35 : memref<80xi32, #tpu.memory_space<vmem>>) target_semaphore(%arg10 : memref<!tpu.dma_semaphore, #tpu.memory_space<semaphore_mem>>)
    %scan3A = arith.constant 0 : i32
    %scan3A_37 = arith.constant 0 : i32
    %scan3A_38 = arith.constant 62 : i32
    %scan3A_39 = arith.addi %scan3A_37, %scan3A_38 : i32
    %scan3A_40 = arith.constant 1 : i32
    scf.for %scan3A_281 = %scan3A_37 to %scan3A_39 step %scan3A_40  : i32 {
      %mul3A_282 = arith.constant 4 : i32
      %mul3A_283 = arith.muli %scan3A_281, %mul3A_282 : i32
      %add3A_284 = arith.constant 0 : i32
      %add3A_285 = arith.addi %mul3A_283, %add3A_284 : i32
      %mul3A_286 = arith.constant 80 : i32
      %mul3A_287 = arith.muli %add3A_285, %mul3A_286 : i32
      %add3A_288 = arith.addi %mul3A_2, %mul3A_287 : i32
      %dma_wait3A_289 = arith.constant 0 : i32
      %dma_wait3A_290 = arith.constant 0 : i32
      %dma_wait3A_291 = tpu.memref_slice %arg6[%dma_wait3A_289, %dma_wait3A_290] : memref<4x80xi32, #tpu.memory_space<vmem>> -> memref<1x80xi32, #tpu.memory_space<vmem>>
      %dma_wait3A_292 = tpu.memref_squeeze %dma_wait3A_291 : memref<1x80xi32, #tpu.memory_space<vmem>> -> memref<80xi32, #tpu.memory_space<vmem>>
      %dma_wait3A_293 = tpu.memref_slice %arg4[%add3A_288] : memref<640000xi32, #tpu.memory_space<hbm>> -> memref<80xi32, #tpu.memory_space<hbm>>
      %dma_wait3A_294 = arith.constant 0 : i32
      %dma_wait3A_295 = tpu.memref_slice %arg6[%dma_wait3A_289, %dma_wait3A_294] : memref<4x80xi32, #tpu.memory_space<vmem>> -> memref<1x80xi32, #tpu.memory_space<vmem>>
      %dma_wait3A_296 = tpu.memref_squeeze %dma_wait3A_295 : memref<1x80xi32, #tpu.memory_space<vmem>> -> memref<80xi32, #tpu.memory_space<vmem>>
      %dma_wait3A_297 = tpu.memref_slice %arg4[%add3A_288] : memref<640000xi32, #tpu.memory_space<hbm>> -> memref<80xi32, #tpu.memory_space<hbm>>
      tpu.wait_dma2 semaphore(%arg10 : memref<!tpu.dma_semaphore, #tpu.memory_space<semaphore_mem>>) src(%dma_wait3A_297 : memref<80xi32, #tpu.memory_space<hbm>>) dst(%dma_wait3A_296 : memref<80xi32, #tpu.memory_space<vmem>>)
      %mul3A_298 = arith.constant 80 : i32
      %mul3A_299 = arith.muli %add3A_285, %mul3A_298 : i32
      %add3A_300 = arith.addi %add3A_3, %mul3A_299 : i32
      %dma_wait3A_301 = arith.constant 0 : i32
      %dma_wait3A_302 = arith.constant 0 : i32
      %dma_wait3A_303 = tpu.memref_slice %arg7[%dma_wait3A_301, %dma_wait3A_302] : memref<4x80xi32, #tpu.memory_space<vmem>> -> memref<1x80xi32, #tpu.memory_space<vmem>>
      %dma_wait3A_304 = tpu.memref_squeeze %dma_wait3A_303 : memref<1x80xi32, #tpu.memory_space<vmem>> -> memref<80xi32, #tpu.memory_space<vmem>>
      %dma_wait3A_305 = tpu.memref_slice %arg4[%add3A_300] : memref<640000xi32, #tpu.memory_space<hbm>> -> memref<80xi32, #tpu.memory_space<hbm>>
      %dma_wait3A_306 = arith.constant 0 : i32
      %dma_wait3A_307 = tpu.memref_slice %arg7[%dma_wait3A_301, %dma_wait3A_306] : memref<4x80xi32, #tpu.memory_space<vmem>> -> memref<1x80xi32, #tpu.memory_space<vmem>>
      %dma_wait3A_308 = tpu.memref_squeeze %dma_wait3A_307 : memref<1x80xi32, #tpu.memory_space<vmem>> -> memref<80xi32, #tpu.memory_space<vmem>>
      %dma_wait3A_309 = tpu.memref_slice %arg4[%add3A_300] : memref<640000xi32, #tpu.memory_space<hbm>> -> memref<80xi32, #tpu.memory_space<hbm>>
      tpu.wait_dma2 semaphore(%arg10 : memref<!tpu.dma_semaphore, #tpu.memory_space<semaphore_mem>>) src(%dma_wait3A_309 : memref<80xi32, #tpu.memory_space<hbm>>) dst(%dma_wait3A_308 : memref<80xi32, #tpu.memory_space<vmem>>)
      %eq3A_310 = arith.constant 0 : i32
      %eq3A_311 = arith.cmpi eq, %arg0, %eq3A_310 : i32
      %convert_element_type3A_312 = arith.extui %eq3A_311 : i1 to i32
      %cond3A_313 = arith.constant 0 : i32
      %cond3A_314 = arith.cmpi ne, %convert_element_type3A_312, %cond3A_313 : i32
      scf.if %cond3A_314 {
        %dma_start3A_500 = arith.constant 0 : i32
        %dma_start3A_501 = arith.constant 0 : i32
        %dma_start3A_502 = arith.constant 0 : i32
        %dma_start3A_503 = arith.constant 0 : i32
        %dma_start3A_504 = tpu.memref_slice %arg8[%dma_start3A_501, %dma_start3A_502, %dma_start3A_503] : memref<4x80x128xf32, #tpu.memory_space<vmem>> -> memref<1x80x128xf32, #tpu.memory_space<vmem>>
        %dma_start3A_505 = tpu.memref_squeeze %dma_start3A_504 : memref<1x80x128xf32, #tpu.memory_space<vmem>> -> memref<80x128xf32, #tpu.memory_space<vmem>>
        %dma_start3A_506 = arith.constant 0 : i32
        %dma_start3A_507 = tpu.memref_slice %arg6[%dma_start3A_500, %dma_start3A_506] : memref<4x80xi32, #tpu.memory_space<vmem>> -> memref<1x80xi32, #tpu.memory_space<vmem>>
        %dma_start3A_508 = tpu.memref_squeeze %dma_start3A_507 : memref<1x80xi32, #tpu.memory_space<vmem>> -> memref<80xi32, #tpu.memory_space<vmem>>
        %dma_start3A_509 = arith.constant 0 : i32
        %dma_start3A_510 = arith.constant 0 : i32
        %dma_start3A_511 = tpu.memref_slice %arg2[%dma_start3A_509, %dma_start3A_510] : memref<10000x128xf32, #tpu.memory_space<hbm>> -> memref<10000x128xf32, #tpu.memory_space<hbm>>
        tpu.enqueue_indirect_dma source(%dma_start3A_511 : memref<10000x128xf32, #tpu.memory_space<hbm>>) target(%dma_start3A_505 : memref<80x128xf32, #tpu.memory_space<vmem>>) offsets(%dma_start3A_508 : memref<80xi32, #tpu.memory_space<vmem>>) semaphore(%arg14 : memref<!tpu.dma_semaphore, #tpu.memory_space<semaphore_mem>>)
      } else {
      }
      %eq3A_315 = arith.constant 1 : i32
      %eq3A_316 = arith.cmpi eq, %arg0, %eq3A_315 : i32
      %convert_element_type3A_317 = arith.extui %eq3A_316 : i1 to i32
      %cond3A_318 = arith.constant 0 : i32
      %cond3A_319 = arith.cmpi ne, %convert_element_type3A_317, %cond3A_318 : i32
      scf.if %cond3A_319 {
        %dma_start3A_500 = arith.constant 0 : i32
        %dma_start3A_501 = arith.constant 0 : i32
        %dma_start3A_502 = arith.constant 0 : i32
        %dma_start3A_503 = arith.constant 0 : i32
        %dma_start3A_504 = tpu.memref_slice %arg8[%dma_start3A_501, %dma_start3A_502, %dma_start3A_503] : memref<4x80x128xf32, #tpu.memory_space<vmem>> -> memref<1x80x128xf32, #tpu.memory_space<vmem>>
        %dma_start3A_505 = tpu.memref_squeeze %dma_start3A_504 : memref<1x80x128xf32, #tpu.memory_space<vmem>> -> memref<80x128xf32, #tpu.memory_space<vmem>>
        %dma_start3A_506 = arith.constant 0 : i32
        %dma_start3A_507 = tpu.memref_slice %arg6[%dma_start3A_500, %dma_start3A_506] : memref<4x80xi32, #tpu.memory_space<vmem>> -> memref<1x80xi32, #tpu.memory_space<vmem>>
        %dma_start3A_508 = tpu.memref_squeeze %dma_start3A_507 : memref<1x80xi32, #tpu.memory_space<vmem>> -> memref<80xi32, #tpu.memory_space<vmem>>
        %dma_start3A_509 = arith.constant 0 : i32
        %dma_start3A_510 = arith.constant 0 : i32
        %dma_start3A_511 = tpu.memref_slice %arg3[%dma_start3A_509, %dma_start3A_510] : memref<10000x128xf32, #tpu.memory_space<hbm>> -> memref<10000x128xf32, #tpu.memory_space<hbm>>
        tpu.enqueue_indirect_dma source(%dma_start3A_511 : memref<10000x128xf32, #tpu.memory_space<hbm>>) target(%dma_start3A_505 : memref<80x128xf32, #tpu.memory_space<vmem>>) offsets(%dma_start3A_508 : memref<80xi32, #tpu.memory_space<vmem>>) semaphore(%arg14 : memref<!tpu.dma_semaphore, #tpu.memory_space<semaphore_mem>>)
      } else {
      }
      %ge3A = arith.constant 3 : i32
      %ge3A_320 = arith.cmpi sge, %add3A_285, %ge3A : i32
      %convert_element_type3A_321 = arith.extui %ge3A_320 : i1 to i32
      %cond3A_322 = arith.constant 0 : i32
      %cond3A_323 = arith.cmpi ne, %convert_element_type3A_321, %cond3A_322 : i32
      scf.if %cond3A_323 {
        %dma_wait3A_500 = arith.constant 1 : i32
        %dma_wait3A_501 = arith.constant 1 : i32
        %dma_wait3A_502 = arith.constant 0 : i32
        %dma_wait3A_503 = arith.constant 0 : i32
        %dma_wait3A_504 = tpu.memref_slice %arg8[%dma_wait3A_500, %dma_wait3A_502, %dma_wait3A_503] : memref<4x80x128xf32, #tpu.memory_space<vmem>> -> memref<1x80x128xf32, #tpu.memory_space<vmem>>
        %dma_wait3A_505 = tpu.memref_squeeze %dma_wait3A_504 : memref<1x80x128xf32, #tpu.memory_space<vmem>> -> memref<80x128xf32, #tpu.memory_space<vmem>>
        %dma_wait3A_506 = arith.constant 0 : i32
        %dma_wait3A_507 = tpu.memref_slice %arg7[%dma_wait3A_501, %dma_wait3A_506] : memref<4x80xi32, #tpu.memory_space<vmem>> -> memref<1x80xi32, #tpu.memory_space<vmem>>
        %dma_wait3A_508 = tpu.memref_squeeze %dma_wait3A_507 : memref<1x80xi32, #tpu.memory_space<vmem>> -> memref<80xi32, #tpu.memory_space<vmem>>
        %dma_wait3A_509 = arith.constant 0 : i32
        %dma_wait3A_510 = arith.constant 0 : i32
        %dma_wait3A_511 = tpu.memref_slice %arg9[%dma_wait3A_509, %dma_wait3A_510] : memref<10000x128xf32, #tpu.memory_space<vmem_shared>> -> memref<10000x128xf32, #tpu.memory_space<vmem_shared>>
        tpu.wait_indirect_dma semaphore(%arg19 : memref<!tpu.dma_semaphore, #tpu.memory_space<semaphore_mem>>) src(%dma_wait3A_505 : memref<80x128xf32, #tpu.memory_space<vmem>>) dst(%dma_wait3A_511 : memref<10000x128xf32, #tpu.memory_space<vmem_shared>>)
      } else {
      }
      %add3A_324 = arith.constant 1 : i32
      %add3A_325 = arith.addi %add3A_285, %add3A_324 : i32
      %lt3A = arith.constant 250 : i32
      %lt3A_326 = arith.cmpi slt, %add3A_325, %lt3A : i32
      %convert_element_type3A_327 = arith.extui %lt3A_326 : i1 to i32
      %cond3A_328 = arith.constant 0 : i32
      %cond3A_329 = arith.cmpi ne, %convert_element_type3A_327, %cond3A_328 : i32
      scf.if %cond3A_329 {
        %add3A_500 = arith.constant 1 : i32
        %add3A_501 = arith.addi %add3A_285, %add3A_500 : i32
        %mul3A_502 = arith.constant 80 : i32
        %mul3A_503 = arith.muli %add3A_501, %mul3A_502 : i32
        %add3A_504 = arith.addi %mul3A_2, %mul3A_503 : i32
        %dma_start3A_505 = arith.constant 1 : i32
        %dma_start3A_506 = arith.constant 0 : i32
        %dma_start3A_507 = tpu.memref_slice %arg6[%dma_start3A_505, %dma_start3A_506] : memref<4x80xi32, #tpu.memory_space<vmem>> -> memref<1x80xi32, #tpu.memory_space<vmem>>
        %dma_start3A_508 = tpu.memref_squeeze %dma_start3A_507 : memref<1x80xi32, #tpu.memory_space<vmem>> -> memref<80xi32, #tpu.memory_space<vmem>>
        %dma_start3A_509 = tpu.memref_slice %arg4[%add3A_504] : memref<640000xi32, #tpu.memory_space<hbm>> -> memref<80xi32, #tpu.memory_space<hbm>>
        %dma_start3A_510 = arith.constant 0 : i32
        %dma_start3A_511 = tpu.memref_slice %arg6[%dma_start3A_505, %dma_start3A_510] : memref<4x80xi32, #tpu.memory_space<vmem>> -> memref<1x80xi32, #tpu.memory_space<vmem>>
        %dma_start3A_512 = tpu.memref_squeeze %dma_start3A_511 : memref<1x80xi32, #tpu.memory_space<vmem>> -> memref<80xi32, #tpu.memory_space<vmem>>
        %dma_start3A_513 = tpu.memref_slice %arg4[%add3A_504] : memref<640000xi32, #tpu.memory_space<hbm>> -> memref<80xi32, #tpu.memory_space<hbm>>
        tpu.enqueue_dma source(%dma_start3A_513 : memref<80xi32, #tpu.memory_space<hbm>>) target(%dma_start3A_512 : memref<80xi32, #tpu.memory_space<vmem>>) target_semaphore(%arg11 : memref<!tpu.dma_semaphore, #tpu.memory_space<semaphore_mem>>)
        %mul3A_514 = arith.constant 80 : i32
        %mul3A_515 = arith.muli %add3A_501, %mul3A_514 : i32
        %add3A_516 = arith.addi %add3A_3, %mul3A_515 : i32
        %dma_start3A_517 = arith.constant 1 : i32
        %dma_start3A_518 = arith.constant 0 : i32
        %dma_start3A_519 = tpu.memref_slice %arg7[%dma_start3A_517, %dma_start3A_518] : memref<4x80xi32, #tpu.memory_space<vmem>> -> memref<1x80xi32, #tpu.memory_space<vmem>>
        %dma_start3A_520 = tpu.memref_squeeze %dma_start3A_519 : memref<1x80xi32, #tpu.memory_space<vmem>> -> memref<80xi32, #tpu.memory_space<vmem>>
        %dma_start3A_521 = tpu.memref_slice %arg4[%add3A_516] : memref<640000xi32, #tpu.memory_space<hbm>> -> memref<80xi32, #tpu.memory_space<hbm>>
        %dma_start3A_522 = arith.constant 0 : i32
        %dma_start3A_523 = tpu.memref_slice %arg7[%dma_start3A_517, %dma_start3A_522] : memref<4x80xi32, #tpu.memory_space<vmem>> -> memref<1x80xi32, #tpu.memory_space<vmem>>
        %dma_start3A_524 = tpu.memref_squeeze %dma_start3A_523 : memref<1x80xi32, #tpu.memory_space<vmem>> -> memref<80xi32, #tpu.memory_space<vmem>>
        %dma_start3A_525 = tpu.memref_slice %arg4[%add3A_516] : memref<640000xi32, #tpu.memory_space<hbm>> -> memref<80xi32, #tpu.memory_space<hbm>>
        tpu.enqueue_dma source(%dma_start3A_525 : memref<80xi32, #tpu.memory_space<hbm>>) target(%dma_start3A_524 : memref<80xi32, #tpu.memory_space<vmem>>) target_semaphore(%arg11 : memref<!tpu.dma_semaphore, #tpu.memory_space<semaphore_mem>>)
      } else {
      }
      %ge3A_330 = arith.constant 2 : i32
      %ge3A_331 = arith.cmpi sge, %add3A_285, %ge3A_330 : i32
      %convert_element_type3A_332 = arith.extui %ge3A_331 : i1 to i32
      %cond3A_333 = arith.constant 0 : i32
      %cond3A_334 = arith.cmpi ne, %convert_element_type3A_332, %cond3A_333 : i32
      scf.if %cond3A_334 {
        %eq3A_500 = arith.constant 0 : i32
        %eq3A_501 = arith.cmpi eq, %arg0, %eq3A_500 : i32
        %convert_element_type3A_502 = arith.extui %eq3A_501 : i1 to i32
        %cond3A_503 = arith.constant 0 : i32
        %cond3A_504 = arith.cmpi ne, %convert_element_type3A_502, %cond3A_503 : i32
        scf.if %cond3A_504 {
          %dma_wait3A_522 = arith.constant 2 : i32
          %dma_wait3A_523 = arith.constant 2 : i32
          %dma_wait3A_524 = arith.constant 0 : i32
          %dma_wait3A_525 = arith.constant 0 : i32
          %dma_wait3A_526 = tpu.memref_slice %arg8[%dma_wait3A_523, %dma_wait3A_524, %dma_wait3A_525] : memref<4x80x128xf32, #tpu.memory_space<vmem>> -> memref<1x80x128xf32, #tpu.memory_space<vmem>>
          %dma_wait3A_527 = tpu.memref_squeeze %dma_wait3A_526 : memref<1x80x128xf32, #tpu.memory_space<vmem>> -> memref<80x128xf32, #tpu.memory_space<vmem>>
          %dma_wait3A_528 = arith.constant 0 : i32
          %dma_wait3A_529 = tpu.memref_slice %arg6[%dma_wait3A_522, %dma_wait3A_528] : memref<4x80xi32, #tpu.memory_space<vmem>> -> memref<1x80xi32, #tpu.memory_space<vmem>>
          %dma_wait3A_530 = tpu.memref_squeeze %dma_wait3A_529 : memref<1x80xi32, #tpu.memory_space<vmem>> -> memref<80xi32, #tpu.memory_space<vmem>>
          %dma_wait3A_531 = arith.constant 0 : i32
          %dma_wait3A_532 = arith.constant 0 : i32
          %dma_wait3A_533 = tpu.memref_slice %arg2[%dma_wait3A_531, %dma_wait3A_532] : memref<10000x128xf32, #tpu.memory_space<hbm>> -> memref<10000x128xf32, #tpu.memory_space<hbm>>
          tpu.wait_indirect_dma semaphore(%arg16 : memref<!tpu.dma_semaphore, #tpu.memory_space<semaphore_mem>>) src(%dma_wait3A_533 : memref<10000x128xf32, #tpu.memory_space<hbm>>) dst(%dma_wait3A_527 : memref<80x128xf32, #tpu.memory_space<vmem>>)
        } else {
        }
        %eq3A_505 = arith.constant 1 : i32
        %eq3A_506 = arith.cmpi eq, %arg0, %eq3A_505 : i32
        %convert_element_type3A_507 = arith.extui %eq3A_506 : i1 to i32
        %cond3A_508 = arith.constant 0 : i32
        %cond3A_509 = arith.cmpi ne, %convert_element_type3A_507, %cond3A_508 : i32
        scf.if %cond3A_509 {
          %dma_wait3A_522 = arith.constant 2 : i32
          %dma_wait3A_523 = arith.constant 2 : i32
          %dma_wait3A_524 = arith.constant 0 : i32
          %dma_wait3A_525 = arith.constant 0 : i32
          %dma_wait3A_526 = tpu.memref_slice %arg8[%dma_wait3A_523, %dma_wait3A_524, %dma_wait3A_525] : memref<4x80x128xf32, #tpu.memory_space<vmem>> -> memref<1x80x128xf32, #tpu.memory_space<vmem>>
          %dma_wait3A_527 = tpu.memref_squeeze %dma_wait3A_526 : memref<1x80x128xf32, #tpu.memory_space<vmem>> -> memref<80x128xf32, #tpu.memory_space<vmem>>
          %dma_wait3A_528 = arith.constant 0 : i32
          %dma_wait3A_529 = tpu.memref_slice %arg6[%dma_wait3A_522, %dma_wait3A_528] : memref<4x80xi32, #tpu.memory_space<vmem>> -> memref<1x80xi32, #tpu.memory_space<vmem>>
          %dma_wait3A_530 = tpu.memref_squeeze %dma_wait3A_529 : memref<1x80xi32, #tpu.memory_space<vmem>> -> memref<80xi32, #tpu.memory_space<vmem>>
          %dma_wait3A_531 = arith.constant 0 : i32
          %dma_wait3A_532 = arith.constant 0 : i32
          %dma_wait3A_533 = tpu.memref_slice %arg3[%dma_wait3A_531, %dma_wait3A_532] : memref<10000x128xf32, #tpu.memory_space<hbm>> -> memref<10000x128xf32, #tpu.memory_space<hbm>>
          tpu.wait_indirect_dma semaphore(%arg16 : memref<!tpu.dma_semaphore, #tpu.memory_space<semaphore_mem>>) src(%dma_wait3A_533 : memref<10000x128xf32, #tpu.memory_space<hbm>>) dst(%dma_wait3A_527 : memref<80x128xf32, #tpu.memory_space<vmem>>)
        } else {
        }
        %dma_start3A_510 = arith.constant 2 : i32
        %dma_start3A_511 = arith.constant 2 : i32
        %dma_start3A_512 = arith.constant 0 : i32
        %dma_start3A_513 = arith.constant 0 : i32
        %dma_start3A_514 = tpu.memref_slice %arg8[%dma_start3A_510, %dma_start3A_512, %dma_start3A_513] : memref<4x80x128xf32, #tpu.memory_space<vmem>> -> memref<1x80x128xf32, #tpu.memory_space<vmem>>
        %dma_start3A_515 = tpu.memref_squeeze %dma_start3A_514 : memref<1x80x128xf32, #tpu.memory_space<vmem>> -> memref<80x128xf32, #tpu.memory_space<vmem>>
        %dma_start3A_516 = arith.constant 0 : i32
        %dma_start3A_517 = tpu.memref_slice %arg7[%dma_start3A_511, %dma_start3A_516] : memref<4x80xi32, #tpu.memory_space<vmem>> -> memref<1x80xi32, #tpu.memory_space<vmem>>
        %dma_start3A_518 = tpu.memref_squeeze %dma_start3A_517 : memref<1x80xi32, #tpu.memory_space<vmem>> -> memref<80xi32, #tpu.memory_space<vmem>>
        %dma_start3A_519 = arith.constant 0 : i32
        %dma_start3A_520 = arith.constant 0 : i32
        %dma_start3A_521 = tpu.memref_slice %arg9[%dma_start3A_519, %dma_start3A_520] : memref<10000x128xf32, #tpu.memory_space<vmem_shared>> -> memref<10000x128xf32, #tpu.memory_space<vmem_shared>>
        tpu.enqueue_indirect_dma source(%dma_start3A_515 : memref<80x128xf32, #tpu.memory_space<vmem>>) target(%dma_start3A_521 : memref<10000x128xf32, #tpu.memory_space<vmem_shared>>) offsets(%dma_start3A_518 : memref<80xi32, #tpu.memory_space<vmem>>) semaphore(%arg20 : memref<!tpu.dma_semaphore, #tpu.memory_space<semaphore_mem>>) {add = true}
      } else {
      }
      %mul3A_335 = arith.constant 4 : i32
      %mul3A_336 = arith.muli %scan3A_281, %mul3A_335 : i32
      %add3A_337 = arith.constant 1 : i32
      %add3A_338 = arith.addi %mul3A_336, %add3A_337 : i32
      %mul3A_339 = arith.constant 80 : i32
      %mul3A_340 = arith.muli %add3A_338, %mul3A_339 : i32
      %add3A_341 = arith.addi %mul3A_2, %mul3A_340 : i32
      %dma_wait3A_342 = arith.constant 1 : i32
      %dma_wait3A_343 = arith.constant 0 : i32
      %dma_wait3A_344 = tpu.memref_slice %arg6[%dma_wait3A_342, %dma_wait3A_343] : memref<4x80xi32, #tpu.memory_space<vmem>> -> memref<1x80xi32, #tpu.memory_space<vmem>>
      %dma_wait3A_345 = tpu.memref_squeeze %dma_wait3A_344 : memref<1x80xi32, #tpu.memory_space<vmem>> -> memref<80xi32, #tpu.memory_space<vmem>>
      %dma_wait3A_346 = tpu.memref_slice %arg4[%add3A_341] : memref<640000xi32, #tpu.memory_space<hbm>> -> memref<80xi32, #tpu.memory_space<hbm>>
      %dma_wait3A_347 = arith.constant 0 : i32
      %dma_wait3A_348 = tpu.memref_slice %arg6[%dma_wait3A_342, %dma_wait3A_347] : memref<4x80xi32, #tpu.memory_space<vmem>> -> memref<1x80xi32, #tpu.memory_space<vmem>>
      %dma_wait3A_349 = tpu.memref_squeeze %dma_wait3A_348 : memref<1x80xi32, #tpu.memory_space<vmem>> -> memref<80xi32, #tpu.memory_space<vmem>>
      %dma_wait3A_350 = tpu.memref_slice %arg4[%add3A_341] : memref<640000xi32, #tpu.memory_space<hbm>> -> memref<80xi32, #tpu.memory_space<hbm>>
      tpu.wait_dma2 semaphore(%arg11 : memref<!tpu.dma_semaphore, #tpu.memory_space<semaphore_mem>>) src(%dma_wait3A_350 : memref<80xi32, #tpu.memory_space<hbm>>) dst(%dma_wait3A_349 : memref<80xi32, #tpu.memory_space<vmem>>)
      %mul3A_351 = arith.constant 80 : i32
      %mul3A_352 = arith.muli %add3A_338, %mul3A_351 : i32
      %add3A_353 = arith.addi %add3A_3, %mul3A_352 : i32
      %dma_wait3A_354 = arith.constant 1 : i32
      %dma_wait3A_355 = arith.constant 0 : i32
      %dma_wait3A_356 = tpu.memref_slice %arg7[%dma_wait3A_354, %dma_wait3A_355] : memref<4x80xi32, #tpu.memory_space<vmem>> -> memref<1x80xi32, #tpu.memory_space<vmem>>
      %dma_wait3A_357 = tpu.memref_squeeze %dma_wait3A_356 : memref<1x80xi32, #tpu.memory_space<vmem>> -> memref<80xi32, #tpu.memory_space<vmem>>
      %dma_wait3A_358 = tpu.memref_slice %arg4[%add3A_353] : memref<640000xi32, #tpu.memory_space<hbm>> -> memref<80xi32, #tpu.memory_space<hbm>>
      %dma_wait3A_359 = arith.constant 0 : i32
      %dma_wait3A_360 = tpu.memref_slice %arg7[%dma_wait3A_354, %dma_wait3A_359] : memref<4x80xi32, #tpu.memory_space<vmem>> -> memref<1x80xi32, #tpu.memory_space<vmem>>
      %dma_wait3A_361 = tpu.memref_squeeze %dma_wait3A_360 : memref<1x80xi32, #tpu.memory_space<vmem>> -> memref<80xi32, #tpu.memory_space<vmem>>
      %dma_wait3A_362 = tpu.memref_slice %arg4[%add3A_353] : memref<640000xi32, #tpu.memory_space<hbm>> -> memref<80xi32, #tpu.memory_space<hbm>>
      tpu.wait_dma2 semaphore(%arg11 : memref<!tpu.dma_semaphore, #tpu.memory_space<semaphore_mem>>) src(%dma_wait3A_362 : memref<80xi32, #tpu.memory_space<hbm>>) dst(%dma_wait3A_361 : memref<80xi32, #tpu.memory_space<vmem>>)
      %eq3A_363 = arith.constant 0 : i32
      %eq3A_364 = arith.cmpi eq, %arg0, %eq3A_363 : i32
      %convert_element_type3A_365 = arith.extui %eq3A_364 : i1 to i32
      %cond3A_366 = arith.constant 0 : i32
      %cond3A_367 = arith.cmpi ne, %convert_element_type3A_365, %cond3A_366 : i32
      scf.if %cond3A_367 {
        %dma_start3A_500 = arith.constant 1 : i32
        %dma_start3A_501 = arith.constant 1 : i32
        %dma_start3A_502 = arith.constant 0 : i32
        %dma_start3A_503 = arith.constant 0 : i32
        %dma_start3A_504 = tpu.memref_slice %arg8[%dma_start3A_501, %dma_start3A_502, %dma_start3A_503] : memref<4x80x128xf32, #tpu.memory_space<vmem>> -> memref<1x80x128xf32, #tpu.memory_space<vmem>>
        %dma_start3A_505 = tpu.memref_squeeze %dma_start3A_504 : memref<1x80x128xf32, #tpu.memory_space<vmem>> -> memref<80x128xf32, #tpu.memory_space<vmem>>
        %dma_start3A_506 = arith.constant 0 : i32
        %dma_start3A_507 = tpu.memref_slice %arg6[%dma_start3A_500, %dma_start3A_506] : memref<4x80xi32, #tpu.memory_space<vmem>> -> memref<1x80xi32, #tpu.memory_space<vmem>>
        %dma_start3A_508 = tpu.memref_squeeze %dma_start3A_507 : memref<1x80xi32, #tpu.memory_space<vmem>> -> memref<80xi32, #tpu.memory_space<vmem>>
        %dma_start3A_509 = arith.constant 0 : i32
        %dma_start3A_510 = arith.constant 0 : i32
        %dma_start3A_511 = tpu.memref_slice %arg2[%dma_start3A_509, %dma_start3A_510] : memref<10000x128xf32, #tpu.memory_space<hbm>> -> memref<10000x128xf32, #tpu.memory_space<hbm>>
        tpu.enqueue_indirect_dma source(%dma_start3A_511 : memref<10000x128xf32, #tpu.memory_space<hbm>>) target(%dma_start3A_505 : memref<80x128xf32, #tpu.memory_space<vmem>>) offsets(%dma_start3A_508 : memref<80xi32, #tpu.memory_space<vmem>>) semaphore(%arg15 : memref<!tpu.dma_semaphore, #tpu.memory_space<semaphore_mem>>)
      } else {
      }
      %eq3A_368 = arith.constant 1 : i32
      %eq3A_369 = arith.cmpi eq, %arg0, %eq3A_368 : i32
      %convert_element_type3A_370 = arith.extui %eq3A_369 : i1 to i32
      %cond3A_371 = arith.constant 0 : i32
      %cond3A_372 = arith.cmpi ne, %convert_element_type3A_370, %cond3A_371 : i32
      scf.if %cond3A_372 {
        %dma_start3A_500 = arith.constant 1 : i32
        %dma_start3A_501 = arith.constant 1 : i32
        %dma_start3A_502 = arith.constant 0 : i32
        %dma_start3A_503 = arith.constant 0 : i32
        %dma_start3A_504 = tpu.memref_slice %arg8[%dma_start3A_501, %dma_start3A_502, %dma_start3A_503] : memref<4x80x128xf32, #tpu.memory_space<vmem>> -> memref<1x80x128xf32, #tpu.memory_space<vmem>>
        %dma_start3A_505 = tpu.memref_squeeze %dma_start3A_504 : memref<1x80x128xf32, #tpu.memory_space<vmem>> -> memref<80x128xf32, #tpu.memory_space<vmem>>
        %dma_start3A_506 = arith.constant 0 : i32
        %dma_start3A_507 = tpu.memref_slice %arg6[%dma_start3A_500, %dma_start3A_506] : memref<4x80xi32, #tpu.memory_space<vmem>> -> memref<1x80xi32, #tpu.memory_space<vmem>>
        %dma_start3A_508 = tpu.memref_squeeze %dma_start3A_507 : memref<1x80xi32, #tpu.memory_space<vmem>> -> memref<80xi32, #tpu.memory_space<vmem>>
        %dma_start3A_509 = arith.constant 0 : i32
        %dma_start3A_510 = arith.constant 0 : i32
        %dma_start3A_511 = tpu.memref_slice %arg3[%dma_start3A_509, %dma_start3A_510] : memref<10000x128xf32, #tpu.memory_space<hbm>> -> memref<10000x128xf32, #tpu.memory_space<hbm>>
        tpu.enqueue_indirect_dma source(%dma_start3A_511 : memref<10000x128xf32, #tpu.memory_space<hbm>>) target(%dma_start3A_505 : memref<80x128xf32, #tpu.memory_space<vmem>>) offsets(%dma_start3A_508 : memref<80xi32, #tpu.memory_space<vmem>>) semaphore(%arg15 : memref<!tpu.dma_semaphore, #tpu.memory_space<semaphore_mem>>)
      } else {
      }
      %ge3A_373 = arith.constant 3 : i32
      %ge3A_374 = arith.cmpi sge, %add3A_338, %ge3A_373 : i32
      %convert_element_type3A_375 = arith.extui %ge3A_374 : i1 to i32
      %cond3A_376 = arith.constant 0 : i32
      %cond3A_377 = arith.cmpi ne, %convert_element_type3A_375, %cond3A_376 : i32
      scf.if %cond3A_377 {
        %dma_wait3A_500 = arith.constant 2 : i32
        %dma_wait3A_501 = arith.constant 2 : i32
        %dma_wait3A_502 = arith.constant 0 : i32
        %dma_wait3A_503 = arith.constant 0 : i32
        %dma_wait3A_504 = tpu.memref_slice %arg8[%dma_wait3A_500, %dma_wait3A_502, %dma_wait3A_503] : memref<4x80x128xf32, #tpu.memory_space<vmem>> -> memref<1x80x128xf32, #tpu.memory_space<vmem>>
        %dma_wait3A_505 = tpu.memref_squeeze %dma_wait3A_504 : memref<1x80x128xf32, #tpu.memory_space<vmem>> -> memref<80x128xf32, #tpu.memory_space<vmem>>
        %dma_wait3A_506 = arith.constant 0 : i32
        %dma_wait3A_507 = tpu.memref_slice %arg7[%dma_wait3A_501, %dma_wait3A_506] : memref<4x80xi32, #tpu.memory_space<vmem>> -> memref<1x80xi32, #tpu.memory_space<vmem>>
        %dma_wait3A_508 = tpu.memref_squeeze %dma_wait3A_507 : memref<1x80xi32, #tpu.memory_space<vmem>> -> memref<80xi32, #tpu.memory_space<vmem>>
        %dma_wait3A_509 = arith.constant 0 : i32
        %dma_wait3A_510 = arith.constant 0 : i32
        %dma_wait3A_511 = tpu.memref_slice %arg9[%dma_wait3A_509, %dma_wait3A_510] : memref<10000x128xf32, #tpu.memory_space<vmem_shared>> -> memref<10000x128xf32, #tpu.memory_space<vmem_shared>>
        tpu.wait_indirect_dma semaphore(%arg20 : memref<!tpu.dma_semaphore, #tpu.memory_space<semaphore_mem>>) src(%dma_wait3A_505 : memref<80x128xf32, #tpu.memory_space<vmem>>) dst(%dma_wait3A_511 : memref<10000x128xf32, #tpu.memory_space<vmem_shared>>)
      } else {
      }
      %add3A_378 = arith.constant 1 : i32
      %add3A_379 = arith.addi %add3A_338, %add3A_378 : i32
      %lt3A_380 = arith.constant 250 : i32
      %lt3A_381 = arith.cmpi slt, %add3A_379, %lt3A_380 : i32
      %convert_element_type3A_382 = arith.extui %lt3A_381 : i1 to i32
      %cond3A_383 = arith.constant 0 : i32
      %cond3A_384 = arith.cmpi ne, %convert_element_type3A_382, %cond3A_383 : i32
      scf.if %cond3A_384 {
        %add3A_500 = arith.constant 1 : i32
        %add3A_501 = arith.addi %add3A_338, %add3A_500 : i32
        %mul3A_502 = arith.constant 80 : i32
        %mul3A_503 = arith.muli %add3A_501, %mul3A_502 : i32
        %add3A_504 = arith.addi %mul3A_2, %mul3A_503 : i32
        %dma_start3A_505 = arith.constant 2 : i32
        %dma_start3A_506 = arith.constant 0 : i32
        %dma_start3A_507 = tpu.memref_slice %arg6[%dma_start3A_505, %dma_start3A_506] : memref<4x80xi32, #tpu.memory_space<vmem>> -> memref<1x80xi32, #tpu.memory_space<vmem>>
        %dma_start3A_508 = tpu.memref_squeeze %dma_start3A_507 : memref<1x80xi32, #tpu.memory_space<vmem>> -> memref<80xi32, #tpu.memory_space<vmem>>
        %dma_start3A_509 = tpu.memref_slice %arg4[%add3A_504] : memref<640000xi32, #tpu.memory_space<hbm>> -> memref<80xi32, #tpu.memory_space<hbm>>
        %dma_start3A_510 = arith.constant 0 : i32
        %dma_start3A_511 = tpu.memref_slice %arg6[%dma_start3A_505, %dma_start3A_510] : memref<4x80xi32, #tpu.memory_space<vmem>> -> memref<1x80xi32, #tpu.memory_space<vmem>>
        %dma_start3A_512 = tpu.memref_squeeze %dma_start3A_511 : memref<1x80xi32, #tpu.memory_space<vmem>> -> memref<80xi32, #tpu.memory_space<vmem>>
        %dma_start3A_513 = tpu.memref_slice %arg4[%add3A_504] : memref<640000xi32, #tpu.memory_space<hbm>> -> memref<80xi32, #tpu.memory_space<hbm>>
        tpu.enqueue_dma source(%dma_start3A_513 : memref<80xi32, #tpu.memory_space<hbm>>) target(%dma_start3A_512 : memref<80xi32, #tpu.memory_space<vmem>>) target_semaphore(%arg12 : memref<!tpu.dma_semaphore, #tpu.memory_space<semaphore_mem>>)
        %mul3A_514 = arith.constant 80 : i32
        %mul3A_515 = arith.muli %add3A_501, %mul3A_514 : i32
        %add3A_516 = arith.addi %add3A_3, %mul3A_515 : i32
        %dma_start3A_517 = arith.constant 2 : i32
        %dma_start3A_518 = arith.constant 0 : i32
        %dma_start3A_519 = tpu.memref_slice %arg7[%dma_start3A_517, %dma_start3A_518] : memref<4x80xi32, #tpu.memory_space<vmem>> -> memref<1x80xi32, #tpu.memory_space<vmem>>
        %dma_start3A_520 = tpu.memref_squeeze %dma_start3A_519 : memref<1x80xi32, #tpu.memory_space<vmem>> -> memref<80xi32, #tpu.memory_space<vmem>>
        %dma_start3A_521 = tpu.memref_slice %arg4[%add3A_516] : memref<640000xi32, #tpu.memory_space<hbm>> -> memref<80xi32, #tpu.memory_space<hbm>>
        %dma_start3A_522 = arith.constant 0 : i32
        %dma_start3A_523 = tpu.memref_slice %arg7[%dma_start3A_517, %dma_start3A_522] : memref<4x80xi32, #tpu.memory_space<vmem>> -> memref<1x80xi32, #tpu.memory_space<vmem>>
        %dma_start3A_524 = tpu.memref_squeeze %dma_start3A_523 : memref<1x80xi32, #tpu.memory_space<vmem>> -> memref<80xi32, #tpu.memory_space<vmem>>
        %dma_start3A_525 = tpu.memref_slice %arg4[%add3A_516] : memref<640000xi32, #tpu.memory_space<hbm>> -> memref<80xi32, #tpu.memory_space<hbm>>
        tpu.enqueue_dma source(%dma_start3A_525 : memref<80xi32, #tpu.memory_space<hbm>>) target(%dma_start3A_524 : memref<80xi32, #tpu.memory_space<vmem>>) target_semaphore(%arg12 : memref<!tpu.dma_semaphore, #tpu.memory_space<semaphore_mem>>)
      } else {
      }
      %ge3A_385 = arith.constant 2 : i32
      %ge3A_386 = arith.cmpi sge, %add3A_338, %ge3A_385 : i32
      %convert_element_type3A_387 = arith.extui %ge3A_386 : i1 to i32
      %cond3A_388 = arith.constant 0 : i32
      %cond3A_389 = arith.cmpi ne, %convert_element_type3A_387, %cond3A_388 : i32
      scf.if %cond3A_389 {
        %eq3A_500 = arith.constant 0 : i32
        %eq3A_501 = arith.cmpi eq, %arg0, %eq3A_500 : i32
        %convert_element_type3A_502 = arith.extui %eq3A_501 : i1 to i32
        %cond3A_503 = arith.constant 0 : i32
        %cond3A_504 = arith.cmpi ne, %convert_element_type3A_502, %cond3A_503 : i32
        scf.if %cond3A_504 {
          %dma_wait3A_522 = arith.constant 3 : i32
          %dma_wait3A_523 = arith.constant 3 : i32
          %dma_wait3A_524 = arith.constant 0 : i32
          %dma_wait3A_525 = arith.constant 0 : i32
          %dma_wait3A_526 = tpu.memref_slice %arg8[%dma_wait3A_523, %dma_wait3A_524, %dma_wait3A_525] : memref<4x80x128xf32, #tpu.memory_space<vmem>> -> memref<1x80x128xf32, #tpu.memory_space<vmem>>
          %dma_wait3A_527 = tpu.memref_squeeze %dma_wait3A_526 : memref<1x80x128xf32, #tpu.memory_space<vmem>> -> memref<80x128xf32, #tpu.memory_space<vmem>>
          %dma_wait3A_528 = arith.constant 0 : i32
          %dma_wait3A_529 = tpu.memref_slice %arg6[%dma_wait3A_522, %dma_wait3A_528] : memref<4x80xi32, #tpu.memory_space<vmem>> -> memref<1x80xi32, #tpu.memory_space<vmem>>
          %dma_wait3A_530 = tpu.memref_squeeze %dma_wait3A_529 : memref<1x80xi32, #tpu.memory_space<vmem>> -> memref<80xi32, #tpu.memory_space<vmem>>
          %dma_wait3A_531 = arith.constant 0 : i32
          %dma_wait3A_532 = arith.constant 0 : i32
          %dma_wait3A_533 = tpu.memref_slice %arg2[%dma_wait3A_531, %dma_wait3A_532] : memref<10000x128xf32, #tpu.memory_space<hbm>> -> memref<10000x128xf32, #tpu.memory_space<hbm>>
          tpu.wait_indirect_dma semaphore(%arg17 : memref<!tpu.dma_semaphore, #tpu.memory_space<semaphore_mem>>) src(%dma_wait3A_533 : memref<10000x128xf32, #tpu.memory_space<hbm>>) dst(%dma_wait3A_527 : memref<80x128xf32, #tpu.memory_space<vmem>>)
        } else {
        }
        %eq3A_505 = arith.constant 1 : i32
        %eq3A_506 = arith.cmpi eq, %arg0, %eq3A_505 : i32
        %convert_element_type3A_507 = arith.extui %eq3A_506 : i1 to i32
        %cond3A_508 = arith.constant 0 : i32
        %cond3A_509 = arith.cmpi ne, %convert_element_type3A_507, %cond3A_508 : i32
        scf.if %cond3A_509 {
          %dma_wait3A_522 = arith.constant 3 : i32
          %dma_wait3A_523 = arith.constant 3 : i32
          %dma_wait3A_524 = arith.constant 0 : i32
          %dma_wait3A_525 = arith.constant 0 : i32
          %dma_wait3A_526 = tpu.memref_slice %arg8[%dma_wait3A_523, %dma_wait3A_524, %dma_wait3A_525] : memref<4x80x128xf32, #tpu.memory_space<vmem>> -> memref<1x80x128xf32, #tpu.memory_space<vmem>>
          %dma_wait3A_527 = tpu.memref_squeeze %dma_wait3A_526 : memref<1x80x128xf32, #tpu.memory_space<vmem>> -> memref<80x128xf32, #tpu.memory_space<vmem>>
          %dma_wait3A_528 = arith.constant 0 : i32
          %dma_wait3A_529 = tpu.memref_slice %arg6[%dma_wait3A_522, %dma_wait3A_528] : memref<4x80xi32, #tpu.memory_space<vmem>> -> memref<1x80xi32, #tpu.memory_space<vmem>>
          %dma_wait3A_530 = tpu.memref_squeeze %dma_wait3A_529 : memref<1x80xi32, #tpu.memory_space<vmem>> -> memref<80xi32, #tpu.memory_space<vmem>>
          %dma_wait3A_531 = arith.constant 0 : i32
          %dma_wait3A_532 = arith.constant 0 : i32
          %dma_wait3A_533 = tpu.memref_slice %arg3[%dma_wait3A_531, %dma_wait3A_532] : memref<10000x128xf32, #tpu.memory_space<hbm>> -> memref<10000x128xf32, #tpu.memory_space<hbm>>
          tpu.wait_indirect_dma semaphore(%arg17 : memref<!tpu.dma_semaphore, #tpu.memory_space<semaphore_mem>>) src(%dma_wait3A_533 : memref<10000x128xf32, #tpu.memory_space<hbm>>) dst(%dma_wait3A_527 : memref<80x128xf32, #tpu.memory_space<vmem>>)
        } else {
        }
        %dma_start3A_510 = arith.constant 3 : i32
        %dma_start3A_511 = arith.constant 3 : i32
        %dma_start3A_512 = arith.constant 0 : i32
        %dma_start3A_513 = arith.constant 0 : i32
        %dma_start3A_514 = tpu.memref_slice %arg8[%dma_start3A_510, %dma_start3A_512, %dma_start3A_513] : memref<4x80x128xf32, #tpu.memory_space<vmem>> -> memref<1x80x128xf32, #tpu.memory_space<vmem>>
        %dma_start3A_515 = tpu.memref_squeeze %dma_start3A_514 : memref<1x80x128xf32, #tpu.memory_space<vmem>> -> memref<80x128xf32, #tpu.memory_space<vmem>>
        %dma_start3A_516 = arith.constant 0 : i32
        %dma_start3A_517 = tpu.memref_slice %arg7[%dma_start3A_511, %dma_start3A_516] : memref<4x80xi32, #tpu.memory_space<vmem>> -> memref<1x80xi32, #tpu.memory_space<vmem>>
        %dma_start3A_518 = tpu.memref_squeeze %dma_start3A_517 : memref<1x80xi32, #tpu.memory_space<vmem>> -> memref<80xi32, #tpu.memory_space<vmem>>
        %dma_start3A_519 = arith.constant 0 : i32
        %dma_start3A_520 = arith.constant 0 : i32
        %dma_start3A_521 = tpu.memref_slice %arg9[%dma_start3A_519, %dma_start3A_520] : memref<10000x128xf32, #tpu.memory_space<vmem_shared>> -> memref<10000x128xf32, #tpu.memory_space<vmem_shared>>
        tpu.enqueue_indirect_dma source(%dma_start3A_515 : memref<80x128xf32, #tpu.memory_space<vmem>>) target(%dma_start3A_521 : memref<10000x128xf32, #tpu.memory_space<vmem_shared>>) offsets(%dma_start3A_518 : memref<80xi32, #tpu.memory_space<vmem>>) semaphore(%arg21 : memref<!tpu.dma_semaphore, #tpu.memory_space<semaphore_mem>>) {add = true}
      } else {
      }
      %mul3A_390 = arith.constant 4 : i32
      %mul3A_391 = arith.muli %scan3A_281, %mul3A_390 : i32
      %add3A_392 = arith.constant 2 : i32
      %add3A_393 = arith.addi %mul3A_391, %add3A_392 : i32
      %mul3A_394 = arith.constant 80 : i32
      %mul3A_395 = arith.muli %add3A_393, %mul3A_394 : i32
      %add3A_396 = arith.addi %mul3A_2, %mul3A_395 : i32
      %dma_wait3A_397 = arith.constant 2 : i32
      %dma_wait3A_398 = arith.constant 0 : i32
      %dma_wait3A_399 = tpu.memref_slice %arg6[%dma_wait3A_397, %dma_wait3A_398] : memref<4x80xi32, #tpu.memory_space<vmem>> -> memref<1x80xi32, #tpu.memory_space<vmem>>
      %dma_wait3A_400 = tpu.memref_squeeze %dma_wait3A_399 : memref<1x80xi32, #tpu.memory_space<vmem>> -> memref<80xi32, #tpu.memory_space<vmem>>
      %dma_wait3A_401 = tpu.memref_slice %arg4[%add3A_396] : memref<640000xi32, #tpu.memory_space<hbm>> -> memref<80xi32, #tpu.memory_space<hbm>>
      %dma_wait3A_402 = arith.constant 0 : i32
      %dma_wait3A_403 = tpu.memref_slice %arg6[%dma_wait3A_397, %dma_wait3A_402] : memref<4x80xi32, #tpu.memory_space<vmem>> -> memref<1x80xi32, #tpu.memory_space<vmem>>
      %dma_wait3A_404 = tpu.memref_squeeze %dma_wait3A_403 : memref<1x80xi32, #tpu.memory_space<vmem>> -> memref<80xi32, #tpu.memory_space<vmem>>
      %dma_wait3A_405 = tpu.memref_slice %arg4[%add3A_396] : memref<640000xi32, #tpu.memory_space<hbm>> -> memref<80xi32, #tpu.memory_space<hbm>>
      tpu.wait_dma2 semaphore(%arg12 : memref<!tpu.dma_semaphore, #tpu.memory_space<semaphore_mem>>) src(%dma_wait3A_405 : memref<80xi32, #tpu.memory_space<hbm>>) dst(%dma_wait3A_404 : memref<80xi32, #tpu.memory_space<vmem>>)
      %mul3A_406 = arith.constant 80 : i32
      %mul3A_407 = arith.muli %add3A_393, %mul3A_406 : i32
      %add3A_408 = arith.addi %add3A_3, %mul3A_407 : i32
      %dma_wait3A_409 = arith.constant 2 : i32
      %dma_wait3A_410 = arith.constant 0 : i32
      %dma_wait3A_411 = tpu.memref_slice %arg7[%dma_wait3A_409, %dma_wait3A_410] : memref<4x80xi32, #tpu.memory_space<vmem>> -> memref<1x80xi32, #tpu.memory_space<vmem>>
      %dma_wait3A_412 = tpu.memref_squeeze %dma_wait3A_411 : memref<1x80xi32, #tpu.memory_space<vmem>> -> memref<80xi32, #tpu.memory_space<vmem>>
      %dma_wait3A_413 = tpu.memref_slice %arg4[%add3A_408] : memref<640000xi32, #tpu.memory_space<hbm>> -> memref<80xi32, #tpu.memory_space<hbm>>
      %dma_wait3A_414 = arith.constant 0 : i32
      %dma_wait3A_415 = tpu.memref_slice %arg7[%dma_wait3A_409, %dma_wait3A_414] : memref<4x80xi32, #tpu.memory_space<vmem>> -> memref<1x80xi32, #tpu.memory_space<vmem>>
      %dma_wait3A_416 = tpu.memref_squeeze %dma_wait3A_415 : memref<1x80xi32, #tpu.memory_space<vmem>> -> memref<80xi32, #tpu.memory_space<vmem>>
      %dma_wait3A_417 = tpu.memref_slice %arg4[%add3A_408] : memref<640000xi32, #tpu.memory_space<hbm>> -> memref<80xi32, #tpu.memory_space<hbm>>
      tpu.wait_dma2 semaphore(%arg12 : memref<!tpu.dma_semaphore, #tpu.memory_space<semaphore_mem>>) src(%dma_wait3A_417 : memref<80xi32, #tpu.memory_space<hbm>>) dst(%dma_wait3A_416 : memref<80xi32, #tpu.memory_space<vmem>>)
      %eq3A_418 = arith.constant 0 : i32
      %eq3A_419 = arith.cmpi eq, %arg0, %eq3A_418 : i32
      %convert_element_type3A_420 = arith.extui %eq3A_419 : i1 to i32
      %cond3A_421 = arith.constant 0 : i32
      %cond3A_422 = arith.cmpi ne, %convert_element_type3A_420, %cond3A_421 : i32
      scf.if %cond3A_422 {
        %dma_start3A_500 = arith.constant 2 : i32
        %dma_start3A_501 = arith.constant 2 : i32
        %dma_start3A_502 = arith.constant 0 : i32
        %dma_start3A_503 = arith.constant 0 : i32
        %dma_start3A_504 = tpu.memref_slice %arg8[%dma_start3A_501, %dma_start3A_502, %dma_start3A_503] : memref<4x80x128xf32, #tpu.memory_space<vmem>> -> memref<1x80x128xf32, #tpu.memory_space<vmem>>
        %dma_start3A_505 = tpu.memref_squeeze %dma_start3A_504 : memref<1x80x128xf32, #tpu.memory_space<vmem>> -> memref<80x128xf32, #tpu.memory_space<vmem>>
        %dma_start3A_506 = arith.constant 0 : i32
        %dma_start3A_507 = tpu.memref_slice %arg6[%dma_start3A_500, %dma_start3A_506] : memref<4x80xi32, #tpu.memory_space<vmem>> -> memref<1x80xi32, #tpu.memory_space<vmem>>
        %dma_start3A_508 = tpu.memref_squeeze %dma_start3A_507 : memref<1x80xi32, #tpu.memory_space<vmem>> -> memref<80xi32, #tpu.memory_space<vmem>>
        %dma_start3A_509 = arith.constant 0 : i32
        %dma_start3A_510 = arith.constant 0 : i32
        %dma_start3A_511 = tpu.memref_slice %arg2[%dma_start3A_509, %dma_start3A_510] : memref<10000x128xf32, #tpu.memory_space<hbm>> -> memref<10000x128xf32, #tpu.memory_space<hbm>>
        tpu.enqueue_indirect_dma source(%dma_start3A_511 : memref<10000x128xf32, #tpu.memory_space<hbm>>) target(%dma_start3A_505 : memref<80x128xf32, #tpu.memory_space<vmem>>) offsets(%dma_start3A_508 : memref<80xi32, #tpu.memory_space<vmem>>) semaphore(%arg16 : memref<!tpu.dma_semaphore, #tpu.memory_space<semaphore_mem>>)
      } else {
      }
      %eq3A_423 = arith.constant 1 : i32
      %eq3A_424 = arith.cmpi eq, %arg0, %eq3A_423 : i32
      %convert_element_type3A_425 = arith.extui %eq3A_424 : i1 to i32
      %cond3A_426 = arith.constant 0 : i32
      %cond3A_427 = arith.cmpi ne, %convert_element_type3A_425, %cond3A_426 : i32
      scf.if %cond3A_427 {
        %dma_start3A_500 = arith.constant 2 : i32
        %dma_start3A_501 = arith.constant 2 : i32
        %dma_start3A_502 = arith.constant 0 : i32
        %dma_start3A_503 = arith.constant 0 : i32
        %dma_start3A_504 = tpu.memref_slice %arg8[%dma_start3A_501, %dma_start3A_502, %dma_start3A_503] : memref<4x80x128xf32, #tpu.memory_space<vmem>> -> memref<1x80x128xf32, #tpu.memory_space<vmem>>
        %dma_start3A_505 = tpu.memref_squeeze %dma_start3A_504 : memref<1x80x128xf32, #tpu.memory_space<vmem>> -> memref<80x128xf32, #tpu.memory_space<vmem>>
        %dma_start3A_506 = arith.constant 0 : i32
        %dma_start3A_507 = tpu.memref_slice %arg6[%dma_start3A_500, %dma_start3A_506] : memref<4x80xi32, #tpu.memory_space<vmem>> -> memref<1x80xi32, #tpu.memory_space<vmem>>
        %dma_start3A_508 = tpu.memref_squeeze %dma_start3A_507 : memref<1x80xi32, #tpu.memory_space<vmem>> -> memref<80xi32, #tpu.memory_space<vmem>>
        %dma_start3A_509 = arith.constant 0 : i32
        %dma_start3A_510 = arith.constant 0 : i32
        %dma_start3A_511 = tpu.memref_slice %arg3[%dma_start3A_509, %dma_start3A_510] : memref<10000x128xf32, #tpu.memory_space<hbm>> -> memref<10000x128xf32, #tpu.memory_space<hbm>>
        tpu.enqueue_indirect_dma source(%dma_start3A_511 : memref<10000x128xf32, #tpu.memory_space<hbm>>) target(%dma_start3A_505 : memref<80x128xf32, #tpu.memory_space<vmem>>) offsets(%dma_start3A_508 : memref<80xi32, #tpu.memory_space<vmem>>) semaphore(%arg16 : memref<!tpu.dma_semaphore, #tpu.memory_space<semaphore_mem>>)
      } else {
      }
      %ge3A_428 = arith.constant 3 : i32
      %ge3A_429 = arith.cmpi sge, %add3A_393, %ge3A_428 : i32
      %convert_element_type3A_430 = arith.extui %ge3A_429 : i1 to i32
      %cond3A_431 = arith.constant 0 : i32
      %cond3A_432 = arith.cmpi ne, %convert_element_type3A_430, %cond3A_431 : i32
      scf.if %cond3A_432 {
        %dma_wait3A_500 = arith.constant 3 : i32
        %dma_wait3A_501 = arith.constant 3 : i32
        %dma_wait3A_502 = arith.constant 0 : i32
        %dma_wait3A_503 = arith.constant 0 : i32
        %dma_wait3A_504 = tpu.memref_slice %arg8[%dma_wait3A_500, %dma_wait3A_502, %dma_wait3A_503] : memref<4x80x128xf32, #tpu.memory_space<vmem>> -> memref<1x80x128xf32, #tpu.memory_space<vmem>>
        %dma_wait3A_505 = tpu.memref_squeeze %dma_wait3A_504 : memref<1x80x128xf32, #tpu.memory_space<vmem>> -> memref<80x128xf32, #tpu.memory_space<vmem>>
        %dma_wait3A_506 = arith.constant 0 : i32
        %dma_wait3A_507 = tpu.memref_slice %arg7[%dma_wait3A_501, %dma_wait3A_506] : memref<4x80xi32, #tpu.memory_space<vmem>> -> memref<1x80xi32, #tpu.memory_space<vmem>>
        %dma_wait3A_508 = tpu.memref_squeeze %dma_wait3A_507 : memref<1x80xi32, #tpu.memory_space<vmem>> -> memref<80xi32, #tpu.memory_space<vmem>>
        %dma_wait3A_509 = arith.constant 0 : i32
        %dma_wait3A_510 = arith.constant 0 : i32
        %dma_wait3A_511 = tpu.memref_slice %arg9[%dma_wait3A_509, %dma_wait3A_510] : memref<10000x128xf32, #tpu.memory_space<vmem_shared>> -> memref<10000x128xf32, #tpu.memory_space<vmem_shared>>
        tpu.wait_indirect_dma semaphore(%arg21 : memref<!tpu.dma_semaphore, #tpu.memory_space<semaphore_mem>>) src(%dma_wait3A_505 : memref<80x128xf32, #tpu.memory_space<vmem>>) dst(%dma_wait3A_511 : memref<10000x128xf32, #tpu.memory_space<vmem_shared>>)
      } else {
      }
      %add3A_433 = arith.constant 1 : i32
      %add3A_434 = arith.addi %add3A_393, %add3A_433 : i32
      %lt3A_435 = arith.constant 250 : i32
      %lt3A_436 = arith.cmpi slt, %add3A_434, %lt3A_435 : i32
      %convert_element_type3A_437 = arith.extui %lt3A_436 : i1 to i32
      %cond3A_438 = arith.constant 0 : i32
      %cond3A_439 = arith.cmpi ne, %convert_element_type3A_437, %cond3A_438 : i32
      scf.if %cond3A_439 {
        %add3A_500 = arith.constant 1 : i32
        %add3A_501 = arith.addi %add3A_393, %add3A_500 : i32
        %mul3A_502 = arith.constant 80 : i32
        %mul3A_503 = arith.muli %add3A_501, %mul3A_502 : i32
        %add3A_504 = arith.addi %mul3A_2, %mul3A_503 : i32
        %dma_start3A_505 = arith.constant 3 : i32
        %dma_start3A_506 = arith.constant 0 : i32
        %dma_start3A_507 = tpu.memref_slice %arg6[%dma_start3A_505, %dma_start3A_506] : memref<4x80xi32, #tpu.memory_space<vmem>> -> memref<1x80xi32, #tpu.memory_space<vmem>>
        %dma_start3A_508 = tpu.memref_squeeze %dma_start3A_507 : memref<1x80xi32, #tpu.memory_space<vmem>> -> memref<80xi32, #tpu.memory_space<vmem>>
        %dma_start3A_509 = tpu.memref_slice %arg4[%add3A_504] : memref<640000xi32, #tpu.memory_space<hbm>> -> memref<80xi32, #tpu.memory_space<hbm>>
        %dma_start3A_510 = arith.constant 0 : i32
        %dma_start3A_511 = tpu.memref_slice %arg6[%dma_start3A_505, %dma_start3A_510] : memref<4x80xi32, #tpu.memory_space<vmem>> -> memref<1x80xi32, #tpu.memory_space<vmem>>
        %dma_start3A_512 = tpu.memref_squeeze %dma_start3A_511 : memref<1x80xi32, #tpu.memory_space<vmem>> -> memref<80xi32, #tpu.memory_space<vmem>>
        %dma_start3A_513 = tpu.memref_slice %arg4[%add3A_504] : memref<640000xi32, #tpu.memory_space<hbm>> -> memref<80xi32, #tpu.memory_space<hbm>>
        tpu.enqueue_dma source(%dma_start3A_513 : memref<80xi32, #tpu.memory_space<hbm>>) target(%dma_start3A_512 : memref<80xi32, #tpu.memory_space<vmem>>) target_semaphore(%arg13 : memref<!tpu.dma_semaphore, #tpu.memory_space<semaphore_mem>>)
        %mul3A_514 = arith.constant 80 : i32
        %mul3A_515 = arith.muli %add3A_501, %mul3A_514 : i32
        %add3A_516 = arith.addi %add3A_3, %mul3A_515 : i32
        %dma_start3A_517 = arith.constant 3 : i32
        %dma_start3A_518 = arith.constant 0 : i32
        %dma_start3A_519 = tpu.memref_slice %arg7[%dma_start3A_517, %dma_start3A_518] : memref<4x80xi32, #tpu.memory_space<vmem>> -> memref<1x80xi32, #tpu.memory_space<vmem>>
        %dma_start3A_520 = tpu.memref_squeeze %dma_start3A_519 : memref<1x80xi32, #tpu.memory_space<vmem>> -> memref<80xi32, #tpu.memory_space<vmem>>
        %dma_start3A_521 = tpu.memref_slice %arg4[%add3A_516] : memref<640000xi32, #tpu.memory_space<hbm>> -> memref<80xi32, #tpu.memory_space<hbm>>
        %dma_start3A_522 = arith.constant 0 : i32
        %dma_start3A_523 = tpu.memref_slice %arg7[%dma_start3A_517, %dma_start3A_522] : memref<4x80xi32, #tpu.memory_space<vmem>> -> memref<1x80xi32, #tpu.memory_space<vmem>>
        %dma_start3A_524 = tpu.memref_squeeze %dma_start3A_523 : memref<1x80xi32, #tpu.memory_space<vmem>> -> memref<80xi32, #tpu.memory_space<vmem>>
        %dma_start3A_525 = tpu.memref_slice %arg4[%add3A_516] : memref<640000xi32, #tpu.memory_space<hbm>> -> memref<80xi32, #tpu.memory_space<hbm>>
        tpu.enqueue_dma source(%dma_start3A_525 : memref<80xi32, #tpu.memory_space<hbm>>) target(%dma_start3A_524 : memref<80xi32, #tpu.memory_space<vmem>>) target_semaphore(%arg13 : memref<!tpu.dma_semaphore, #tpu.memory_space<semaphore_mem>>)
      } else {
      }
      %ge3A_440 = arith.constant 2 : i32
      %ge3A_441 = arith.cmpi sge, %add3A_393, %ge3A_440 : i32
      %convert_element_type3A_442 = arith.extui %ge3A_441 : i1 to i32
      %cond3A_443 = arith.constant 0 : i32
      %cond3A_444 = arith.cmpi ne, %convert_element_type3A_442, %cond3A_443 : i32
      scf.if %cond3A_444 {
        %eq3A_500 = arith.constant 0 : i32
        %eq3A_501 = arith.cmpi eq, %arg0, %eq3A_500 : i32
        %convert_element_type3A_502 = arith.extui %eq3A_501 : i1 to i32
        %cond3A_503 = arith.constant 0 : i32
        %cond3A_504 = arith.cmpi ne, %convert_element_type3A_502, %cond3A_503 : i32
        scf.if %cond3A_504 {
          %dma_wait3A_522 = arith.constant 0 : i32
          %dma_wait3A_523 = arith.constant 0 : i32
          %dma_wait3A_524 = arith.constant 0 : i32
          %dma_wait3A_525 = arith.constant 0 : i32
          %dma_wait3A_526 = tpu.memref_slice %arg8[%dma_wait3A_523, %dma_wait3A_524, %dma_wait3A_525] : memref<4x80x128xf32, #tpu.memory_space<vmem>> -> memref<1x80x128xf32, #tpu.memory_space<vmem>>
          %dma_wait3A_527 = tpu.memref_squeeze %dma_wait3A_526 : memref<1x80x128xf32, #tpu.memory_space<vmem>> -> memref<80x128xf32, #tpu.memory_space<vmem>>
          %dma_wait3A_528 = arith.constant 0 : i32
          %dma_wait3A_529 = tpu.memref_slice %arg6[%dma_wait3A_522, %dma_wait3A_528] : memref<4x80xi32, #tpu.memory_space<vmem>> -> memref<1x80xi32, #tpu.memory_space<vmem>>
          %dma_wait3A_530 = tpu.memref_squeeze %dma_wait3A_529 : memref<1x80xi32, #tpu.memory_space<vmem>> -> memref<80xi32, #tpu.memory_space<vmem>>
          %dma_wait3A_531 = arith.constant 0 : i32
          %dma_wait3A_532 = arith.constant 0 : i32
          %dma_wait3A_533 = tpu.memref_slice %arg2[%dma_wait3A_531, %dma_wait3A_532] : memref<10000x128xf32, #tpu.memory_space<hbm>> -> memref<10000x128xf32, #tpu.memory_space<hbm>>
          tpu.wait_indirect_dma semaphore(%arg14 : memref<!tpu.dma_semaphore, #tpu.memory_space<semaphore_mem>>) src(%dma_wait3A_533 : memref<10000x128xf32, #tpu.memory_space<hbm>>) dst(%dma_wait3A_527 : memref<80x128xf32, #tpu.memory_space<vmem>>)
        } else {
        }
        %eq3A_505 = arith.constant 1 : i32
        %eq3A_506 = arith.cmpi eq, %arg0, %eq3A_505 : i32
        %convert_element_type3A_507 = arith.extui %eq3A_506 : i1 to i32
        %cond3A_508 = arith.constant 0 : i32
        %cond3A_509 = arith.cmpi ne, %convert_element_type3A_507, %cond3A_508 : i32
        scf.if %cond3A_509 {
          %dma_wait3A_522 = arith.constant 0 : i32
          %dma_wait3A_523 = arith.constant 0 : i32
          %dma_wait3A_524 = arith.constant 0 : i32
          %dma_wait3A_525 = arith.constant 0 : i32
          %dma_wait3A_526 = tpu.memref_slice %arg8[%dma_wait3A_523, %dma_wait3A_524, %dma_wait3A_525] : memref<4x80x128xf32, #tpu.memory_space<vmem>> -> memref<1x80x128xf32, #tpu.memory_space<vmem>>
          %dma_wait3A_527 = tpu.memref_squeeze %dma_wait3A_526 : memref<1x80x128xf32, #tpu.memory_space<vmem>> -> memref<80x128xf32, #tpu.memory_space<vmem>>
          %dma_wait3A_528 = arith.constant 0 : i32
          %dma_wait3A_529 = tpu.memref_slice %arg6[%dma_wait3A_522, %dma_wait3A_528] : memref<4x80xi32, #tpu.memory_space<vmem>> -> memref<1x80xi32, #tpu.memory_space<vmem>>
          %dma_wait3A_530 = tpu.memref_squeeze %dma_wait3A_529 : memref<1x80xi32, #tpu.memory_space<vmem>> -> memref<80xi32, #tpu.memory_space<vmem>>
          %dma_wait3A_531 = arith.constant 0 : i32
          %dma_wait3A_532 = arith.constant 0 : i32
          %dma_wait3A_533 = tpu.memref_slice %arg3[%dma_wait3A_531, %dma_wait3A_532] : memref<10000x128xf32, #tpu.memory_space<hbm>> -> memref<10000x128xf32, #tpu.memory_space<hbm>>
          tpu.wait_indirect_dma semaphore(%arg14 : memref<!tpu.dma_semaphore, #tpu.memory_space<semaphore_mem>>) src(%dma_wait3A_533 : memref<10000x128xf32, #tpu.memory_space<hbm>>) dst(%dma_wait3A_527 : memref<80x128xf32, #tpu.memory_space<vmem>>)
        } else {
        }
        %dma_start3A_510 = arith.constant 0 : i32
        %dma_start3A_511 = arith.constant 0 : i32
        %dma_start3A_512 = arith.constant 0 : i32
        %dma_start3A_513 = arith.constant 0 : i32
        %dma_start3A_514 = tpu.memref_slice %arg8[%dma_start3A_510, %dma_start3A_512, %dma_start3A_513] : memref<4x80x128xf32, #tpu.memory_space<vmem>> -> memref<1x80x128xf32, #tpu.memory_space<vmem>>
        %dma_start3A_515 = tpu.memref_squeeze %dma_start3A_514 : memref<1x80x128xf32, #tpu.memory_space<vmem>> -> memref<80x128xf32, #tpu.memory_space<vmem>>
        %dma_start3A_516 = arith.constant 0 : i32
        %dma_start3A_517 = tpu.memref_slice %arg7[%dma_start3A_511, %dma_start3A_516] : memref<4x80xi32, #tpu.memory_space<vmem>> -> memref<1x80xi32, #tpu.memory_space<vmem>>
        %dma_start3A_518 = tpu.memref_squeeze %dma_start3A_517 : memref<1x80xi32, #tpu.memory_space<vmem>> -> memref<80xi32, #tpu.memory_space<vmem>>
        %dma_start3A_519 = arith.constant 0 : i32
        %dma_start3A_520 = arith.constant 0 : i32
        %dma_start3A_521 = tpu.memref_slice %arg9[%dma_start3A_519, %dma_start3A_520] : memref<10000x128xf32, #tpu.memory_space<vmem_shared>> -> memref<10000x128xf32, #tpu.memory_space<vmem_shared>>
        tpu.enqueue_indirect_dma source(%dma_start3A_515 : memref<80x128xf32, #tpu.memory_space<vmem>>) target(%dma_start3A_521 : memref<10000x128xf32, #tpu.memory_space<vmem_shared>>) offsets(%dma_start3A_518 : memref<80xi32, #tpu.memory_space<vmem>>) semaphore(%arg18 : memref<!tpu.dma_semaphore, #tpu.memory_space<semaphore_mem>>) {add = true}
      } else {
      }
      %mul3A_445 = arith.constant 4 : i32
      %mul3A_446 = arith.muli %scan3A_281, %mul3A_445 : i32
      %add3A_447 = arith.constant 3 : i32
      %add3A_448 = arith.addi %mul3A_446, %add3A_447 : i32
      %mul3A_449 = arith.constant 80 : i32
      %mul3A_450 = arith.muli %add3A_448, %mul3A_449 : i32
      %add3A_451 = arith.addi %mul3A_2, %mul3A_450 : i32
      %dma_wait3A_452 = arith.constant 3 : i32
      %dma_wait3A_453 = arith.constant 0 : i32
      %dma_wait3A_454 = tpu.memref_slice %arg6[%dma_wait3A_452, %dma_wait3A_453] : memref<4x80xi32, #tpu.memory_space<vmem>> -> memref<1x80xi32, #tpu.memory_space<vmem>>
      %dma_wait3A_455 = tpu.memref_squeeze %dma_wait3A_454 : memref<1x80xi32, #tpu.memory_space<vmem>> -> memref<80xi32, #tpu.memory_space<vmem>>
      %dma_wait3A_456 = tpu.memref_slice %arg4[%add3A_451] : memref<640000xi32, #tpu.memory_space<hbm>> -> memref<80xi32, #tpu.memory_space<hbm>>
      %dma_wait3A_457 = arith.constant 0 : i32
      %dma_wait3A_458 = tpu.memref_slice %arg6[%dma_wait3A_452, %dma_wait3A_457] : memref<4x80xi32, #tpu.memory_space<vmem>> -> memref<1x80xi32, #tpu.memory_space<vmem>>
      %dma_wait3A_459 = tpu.memref_squeeze %dma_wait3A_458 : memref<1x80xi32, #tpu.memory_space<vmem>> -> memref<80xi32, #tpu.memory_space<vmem>>
      %dma_wait3A_460 = tpu.memref_slice %arg4[%add3A_451] : memref<640000xi32, #tpu.memory_space<hbm>> -> memref<80xi32, #tpu.memory_space<hbm>>
      tpu.wait_dma2 semaphore(%arg13 : memref<!tpu.dma_semaphore, #tpu.memory_space<semaphore_mem>>) src(%dma_wait3A_460 : memref<80xi32, #tpu.memory_space<hbm>>) dst(%dma_wait3A_459 : memref<80xi32, #tpu.memory_space<vmem>>)
      %mul3A_461 = arith.constant 80 : i32
      %mul3A_462 = arith.muli %add3A_448, %mul3A_461 : i32
      %add3A_463 = arith.addi %add3A_3, %mul3A_462 : i32
      %dma_wait3A_464 = arith.constant 3 : i32
      %dma_wait3A_465 = arith.constant 0 : i32
      %dma_wait3A_466 = tpu.memref_slice %arg7[%dma_wait3A_464, %dma_wait3A_465] : memref<4x80xi32, #tpu.memory_space<vmem>> -> memref<1x80xi32, #tpu.memory_space<vmem>>
      %dma_wait3A_467 = tpu.memref_squeeze %dma_wait3A_466 : memref<1x80xi32, #tpu.memory_space<vmem>> -> memref<80xi32, #tpu.memory_space<vmem>>
      %dma_wait3A_468 = tpu.memref_slice %arg4[%add3A_463] : memref<640000xi32, #tpu.memory_space<hbm>> -> memref<80xi32, #tpu.memory_space<hbm>>
      %dma_wait3A_469 = arith.constant 0 : i32
      %dma_wait3A_470 = tpu.memref_slice %arg7[%dma_wait3A_464, %dma_wait3A_469] : memref<4x80xi32, #tpu.memory_space<vmem>> -> memref<1x80xi32, #tpu.memory_space<vmem>>
      %dma_wait3A_471 = tpu.memref_squeeze %dma_wait3A_470 : memref<1x80xi32, #tpu.memory_space<vmem>> -> memref<80xi32, #tpu.memory_space<vmem>>
      %dma_wait3A_472 = tpu.memref_slice %arg4[%add3A_463] : memref<640000xi32, #tpu.memory_space<hbm>> -> memref<80xi32, #tpu.memory_space<hbm>>
      tpu.wait_dma2 semaphore(%arg13 : memref<!tpu.dma_semaphore, #tpu.memory_space<semaphore_mem>>) src(%dma_wait3A_472 : memref<80xi32, #tpu.memory_space<hbm>>) dst(%dma_wait3A_471 : memref<80xi32, #tpu.memory_space<vmem>>)
      %eq3A_473 = arith.constant 0 : i32
      %eq3A_474 = arith.cmpi eq, %arg0, %eq3A_473 : i32
      %convert_element_type3A_475 = arith.extui %eq3A_474 : i1 to i32
      %cond3A_476 = arith.constant 0 : i32
      %cond3A_477 = arith.cmpi ne, %convert_element_type3A_475, %cond3A_476 : i32
      scf.if %cond3A_477 {
        %dma_start3A_500 = arith.constant 3 : i32
        %dma_start3A_501 = arith.constant 3 : i32
        %dma_start3A_502 = arith.constant 0 : i32
        %dma_start3A_503 = arith.constant 0 : i32
        %dma_start3A_504 = tpu.memref_slice %arg8[%dma_start3A_501, %dma_start3A_502, %dma_start3A_503] : memref<4x80x128xf32, #tpu.memory_space<vmem>> -> memref<1x80x128xf32, #tpu.memory_space<vmem>>
        %dma_start3A_505 = tpu.memref_squeeze %dma_start3A_504 : memref<1x80x128xf32, #tpu.memory_space<vmem>> -> memref<80x128xf32, #tpu.memory_space<vmem>>
        %dma_start3A_506 = arith.constant 0 : i32
        %dma_start3A_507 = tpu.memref_slice %arg6[%dma_start3A_500, %dma_start3A_506] : memref<4x80xi32, #tpu.memory_space<vmem>> -> memref<1x80xi32, #tpu.memory_space<vmem>>
        %dma_start3A_508 = tpu.memref_squeeze %dma_start3A_507 : memref<1x80xi32, #tpu.memory_space<vmem>> -> memref<80xi32, #tpu.memory_space<vmem>>
        %dma_start3A_509 = arith.constant 0 : i32
        %dma_start3A_510 = arith.constant 0 : i32
        %dma_start3A_511 = tpu.memref_slice %arg2[%dma_start3A_509, %dma_start3A_510] : memref<10000x128xf32, #tpu.memory_space<hbm>> -> memref<10000x128xf32, #tpu.memory_space<hbm>>
        tpu.enqueue_indirect_dma source(%dma_start3A_511 : memref<10000x128xf32, #tpu.memory_space<hbm>>) target(%dma_start3A_505 : memref<80x128xf32, #tpu.memory_space<vmem>>) offsets(%dma_start3A_508 : memref<80xi32, #tpu.memory_space<vmem>>) semaphore(%arg17 : memref<!tpu.dma_semaphore, #tpu.memory_space<semaphore_mem>>)
      } else {
      }
      %eq3A_478 = arith.constant 1 : i32
      %eq3A_479 = arith.cmpi eq, %arg0, %eq3A_478 : i32
      %convert_element_type3A_480 = arith.extui %eq3A_479 : i1 to i32
      %cond3A_481 = arith.constant 0 : i32
      %cond3A_482 = arith.cmpi ne, %convert_element_type3A_480, %cond3A_481 : i32
      scf.if %cond3A_482 {
        %dma_start3A_500 = arith.constant 3 : i32
        %dma_start3A_501 = arith.constant 3 : i32
        %dma_start3A_502 = arith.constant 0 : i32
        %dma_start3A_503 = arith.constant 0 : i32
        %dma_start3A_504 = tpu.memref_slice %arg8[%dma_start3A_501, %dma_start3A_502, %dma_start3A_503] : memref<4x80x128xf32, #tpu.memory_space<vmem>> -> memref<1x80x128xf32, #tpu.memory_space<vmem>>
        %dma_start3A_505 = tpu.memref_squeeze %dma_start3A_504 : memref<1x80x128xf32, #tpu.memory_space<vmem>> -> memref<80x128xf32, #tpu.memory_space<vmem>>
        %dma_start3A_506 = arith.constant 0 : i32
        %dma_start3A_507 = tpu.memref_slice %arg6[%dma_start3A_500, %dma_start3A_506] : memref<4x80xi32, #tpu.memory_space<vmem>> -> memref<1x80xi32, #tpu.memory_space<vmem>>
        %dma_start3A_508 = tpu.memref_squeeze %dma_start3A_507 : memref<1x80xi32, #tpu.memory_space<vmem>> -> memref<80xi32, #tpu.memory_space<vmem>>
        %dma_start3A_509 = arith.constant 0 : i32
        %dma_start3A_510 = arith.constant 0 : i32
        %dma_start3A_511 = tpu.memref_slice %arg3[%dma_start3A_509, %dma_start3A_510] : memref<10000x128xf32, #tpu.memory_space<hbm>> -> memref<10000x128xf32, #tpu.memory_space<hbm>>
        tpu.enqueue_indirect_dma source(%dma_start3A_511 : memref<10000x128xf32, #tpu.memory_space<hbm>>) target(%dma_start3A_505 : memref<80x128xf32, #tpu.memory_space<vmem>>) offsets(%dma_start3A_508 : memref<80xi32, #tpu.memory_space<vmem>>) semaphore(%arg17 : memref<!tpu.dma_semaphore, #tpu.memory_space<semaphore_mem>>)
      } else {
      }
      %ge3A_483 = arith.constant 3 : i32
      %ge3A_484 = arith.cmpi sge, %add3A_448, %ge3A_483 : i32
      %convert_element_type3A_485 = arith.extui %ge3A_484 : i1 to i32
      %cond3A_486 = arith.constant 0 : i32
      %cond3A_487 = arith.cmpi ne, %convert_element_type3A_485, %cond3A_486 : i32
      scf.if %cond3A_487 {
        %dma_wait3A_500 = arith.constant 0 : i32
        %dma_wait3A_501 = arith.constant 0 : i32
        %dma_wait3A_502 = arith.constant 0 : i32
        %dma_wait3A_503 = arith.constant 0 : i32
        %dma_wait3A_504 = tpu.memref_slice %arg8[%dma_wait3A_500, %dma_wait3A_502, %dma_wait3A_503] : memref<4x80x128xf32, #tpu.memory_space<vmem>> -> memref<1x80x128xf32, #tpu.memory_space<vmem>>
        %dma_wait3A_505 = tpu.memref_squeeze %dma_wait3A_504 : memref<1x80x128xf32, #tpu.memory_space<vmem>> -> memref<80x128xf32, #tpu.memory_space<vmem>>
        %dma_wait3A_506 = arith.constant 0 : i32
        %dma_wait3A_507 = tpu.memref_slice %arg7[%dma_wait3A_501, %dma_wait3A_506] : memref<4x80xi32, #tpu.memory_space<vmem>> -> memref<1x80xi32, #tpu.memory_space<vmem>>
        %dma_wait3A_508 = tpu.memref_squeeze %dma_wait3A_507 : memref<1x80xi32, #tpu.memory_space<vmem>> -> memref<80xi32, #tpu.memory_space<vmem>>
        %dma_wait3A_509 = arith.constant 0 : i32
        %dma_wait3A_510 = arith.constant 0 : i32
        %dma_wait3A_511 = tpu.memref_slice %arg9[%dma_wait3A_509, %dma_wait3A_510] : memref<10000x128xf32, #tpu.memory_space<vmem_shared>> -> memref<10000x128xf32, #tpu.memory_space<vmem_shared>>
        tpu.wait_indirect_dma semaphore(%arg18 : memref<!tpu.dma_semaphore, #tpu.memory_space<semaphore_mem>>) src(%dma_wait3A_505 : memref<80x128xf32, #tpu.memory_space<vmem>>) dst(%dma_wait3A_511 : memref<10000x128xf32, #tpu.memory_space<vmem_shared>>)
      } else {
      }
      %add3A_488 = arith.constant 1 : i32
      %add3A_489 = arith.addi %add3A_448, %add3A_488 : i32
      %lt3A_490 = arith.constant 250 : i32
      %lt3A_491 = arith.cmpi slt, %add3A_489, %lt3A_490 : i32
      %convert_element_type3A_492 = arith.extui %lt3A_491 : i1 to i32
      %cond3A_493 = arith.constant 0 : i32
      %cond3A_494 = arith.cmpi ne, %convert_element_type3A_492, %cond3A_493 : i32
      scf.if %cond3A_494 {
        %add3A_500 = arith.constant 1 : i32
        %add3A_501 = arith.addi %add3A_448, %add3A_500 : i32
        %mul3A_502 = arith.constant 80 : i32
        %mul3A_503 = arith.muli %add3A_501, %mul3A_502 : i32
        %add3A_504 = arith.addi %mul3A_2, %mul3A_503 : i32
        %dma_start3A_505 = arith.constant 0 : i32
        %dma_start3A_506 = arith.constant 0 : i32
        %dma_start3A_507 = tpu.memref_slice %arg6[%dma_start3A_505, %dma_start3A_506] : memref<4x80xi32, #tpu.memory_space<vmem>> -> memref<1x80xi32, #tpu.memory_space<vmem>>
        %dma_start3A_508 = tpu.memref_squeeze %dma_start3A_507 : memref<1x80xi32, #tpu.memory_space<vmem>> -> memref<80xi32, #tpu.memory_space<vmem>>
        %dma_start3A_509 = tpu.memref_slice %arg4[%add3A_504] : memref<640000xi32, #tpu.memory_space<hbm>> -> memref<80xi32, #tpu.memory_space<hbm>>
        %dma_start3A_510 = arith.constant 0 : i32
        %dma_start3A_511 = tpu.memref_slice %arg6[%dma_start3A_505, %dma_start3A_510] : memref<4x80xi32, #tpu.memory_space<vmem>> -> memref<1x80xi32, #tpu.memory_space<vmem>>
        %dma_start3A_512 = tpu.memref_squeeze %dma_start3A_511 : memref<1x80xi32, #tpu.memory_space<vmem>> -> memref<80xi32, #tpu.memory_space<vmem>>
        %dma_start3A_513 = tpu.memref_slice %arg4[%add3A_504] : memref<640000xi32, #tpu.memory_space<hbm>> -> memref<80xi32, #tpu.memory_space<hbm>>
        tpu.enqueue_dma source(%dma_start3A_513 : memref<80xi32, #tpu.memory_space<hbm>>) target(%dma_start3A_512 : memref<80xi32, #tpu.memory_space<vmem>>) target_semaphore(%arg10 : memref<!tpu.dma_semaphore, #tpu.memory_space<semaphore_mem>>)
        %mul3A_514 = arith.constant 80 : i32
        %mul3A_515 = arith.muli %add3A_501, %mul3A_514 : i32
        %add3A_516 = arith.addi %add3A_3, %mul3A_515 : i32
        %dma_start3A_517 = arith.constant 0 : i32
        %dma_start3A_518 = arith.constant 0 : i32
        %dma_start3A_519 = tpu.memref_slice %arg7[%dma_start3A_517, %dma_start3A_518] : memref<4x80xi32, #tpu.memory_space<vmem>> -> memref<1x80xi32, #tpu.memory_space<vmem>>
        %dma_start3A_520 = tpu.memref_squeeze %dma_start3A_519 : memref<1x80xi32, #tpu.memory_space<vmem>> -> memref<80xi32, #tpu.memory_space<vmem>>
        %dma_start3A_521 = tpu.memref_slice %arg4[%add3A_516] : memref<640000xi32, #tpu.memory_space<hbm>> -> memref<80xi32, #tpu.memory_space<hbm>>
        %dma_start3A_522 = arith.constant 0 : i32
        %dma_start3A_523 = tpu.memref_slice %arg7[%dma_start3A_517, %dma_start3A_522] : memref<4x80xi32, #tpu.memory_space<vmem>> -> memref<1x80xi32, #tpu.memory_space<vmem>>
        %dma_start3A_524 = tpu.memref_squeeze %dma_start3A_523 : memref<1x80xi32, #tpu.memory_space<vmem>> -> memref<80xi32, #tpu.memory_space<vmem>>
        %dma_start3A_525 = tpu.memref_slice %arg4[%add3A_516] : memref<640000xi32, #tpu.memory_space<hbm>> -> memref<80xi32, #tpu.memory_space<hbm>>
        tpu.enqueue_dma source(%dma_start3A_525 : memref<80xi32, #tpu.memory_space<hbm>>) target(%dma_start3A_524 : memref<80xi32, #tpu.memory_space<vmem>>) target_semaphore(%arg10 : memref<!tpu.dma_semaphore, #tpu.memory_space<semaphore_mem>>)
      } else {
      }
      %ge3A_495 = arith.constant 2 : i32
      %ge3A_496 = arith.cmpi sge, %add3A_448, %ge3A_495 : i32
      %convert_element_type3A_497 = arith.extui %ge3A_496 : i1 to i32
      %cond3A_498 = arith.constant 0 : i32
      %cond3A_499 = arith.cmpi ne, %convert_element_type3A_497, %cond3A_498 : i32
      scf.if %cond3A_499 {
        %eq3A_500 = arith.constant 0 : i32
        %eq3A_501 = arith.cmpi eq, %arg0, %eq3A_500 : i32
        %convert_element_type3A_502 = arith.extui %eq3A_501 : i1 to i32
        %cond3A_503 = arith.constant 0 : i32
        %cond3A_504 = arith.cmpi ne, %convert_element_type3A_502, %cond3A_503 : i32
        scf.if %cond3A_504 {
          %dma_wait3A_522 = arith.constant 1 : i32
          %dma_wait3A_523 = arith.constant 1 : i32
          %dma_wait3A_524 = arith.constant 0 : i32
          %dma_wait3A_525 = arith.constant 0 : i32
          %dma_wait3A_526 = tpu.memref_slice %arg8[%dma_wait3A_523, %dma_wait3A_524, %dma_wait3A_525] : memref<4x80x128xf32, #tpu.memory_space<vmem>> -> memref<1x80x128xf32, #tpu.memory_space<vmem>>
          %dma_wait3A_527 = tpu.memref_squeeze %dma_wait3A_526 : memref<1x80x128xf32, #tpu.memory_space<vmem>> -> memref<80x128xf32, #tpu.memory_space<vmem>>
          %dma_wait3A_528 = arith.constant 0 : i32
          %dma_wait3A_529 = tpu.memref_slice %arg6[%dma_wait3A_522, %dma_wait3A_528] : memref<4x80xi32, #tpu.memory_space<vmem>> -> memref<1x80xi32, #tpu.memory_space<vmem>>
          %dma_wait3A_530 = tpu.memref_squeeze %dma_wait3A_529 : memref<1x80xi32, #tpu.memory_space<vmem>> -> memref<80xi32, #tpu.memory_space<vmem>>
          %dma_wait3A_531 = arith.constant 0 : i32
          %dma_wait3A_532 = arith.constant 0 : i32
          %dma_wait3A_533 = tpu.memref_slice %arg2[%dma_wait3A_531, %dma_wait3A_532] : memref<10000x128xf32, #tpu.memory_space<hbm>> -> memref<10000x128xf32, #tpu.memory_space<hbm>>
          tpu.wait_indirect_dma semaphore(%arg15 : memref<!tpu.dma_semaphore, #tpu.memory_space<semaphore_mem>>) src(%dma_wait3A_533 : memref<10000x128xf32, #tpu.memory_space<hbm>>) dst(%dma_wait3A_527 : memref<80x128xf32, #tpu.memory_space<vmem>>)
        } else {
        }
        %eq3A_505 = arith.constant 1 : i32
        %eq3A_506 = arith.cmpi eq, %arg0, %eq3A_505 : i32
        %convert_element_type3A_507 = arith.extui %eq3A_506 : i1 to i32
        %cond3A_508 = arith.constant 0 : i32
        %cond3A_509 = arith.cmpi ne, %convert_element_type3A_507, %cond3A_508 : i32
        scf.if %cond3A_509 {
          %dma_wait3A_522 = arith.constant 1 : i32
          %dma_wait3A_523 = arith.constant 1 : i32
          %dma_wait3A_524 = arith.constant 0 : i32
          %dma_wait3A_525 = arith.constant 0 : i32
          %dma_wait3A_526 = tpu.memref_slice %arg8[%dma_wait3A_523, %dma_wait3A_524, %dma_wait3A_525] : memref<4x80x128xf32, #tpu.memory_space<vmem>> -> memref<1x80x128xf32, #tpu.memory_space<vmem>>
          %dma_wait3A_527 = tpu.memref_squeeze %dma_wait3A_526 : memref<1x80x128xf32, #tpu.memory_space<vmem>> -> memref<80x128xf32, #tpu.memory_space<vmem>>
          %dma_wait3A_528 = arith.constant 0 : i32
          %dma_wait3A_529 = tpu.memref_slice %arg6[%dma_wait3A_522, %dma_wait3A_528] : memref<4x80xi32, #tpu.memory_space<vmem>> -> memref<1x80xi32, #tpu.memory_space<vmem>>
          %dma_wait3A_530 = tpu.memref_squeeze %dma_wait3A_529 : memref<1x80xi32, #tpu.memory_space<vmem>> -> memref<80xi32, #tpu.memory_space<vmem>>
          %dma_wait3A_531 = arith.constant 0 : i32
          %dma_wait3A_532 = arith.constant 0 : i32
          %dma_wait3A_533 = tpu.memref_slice %arg3[%dma_wait3A_531, %dma_wait3A_532] : memref<10000x128xf32, #tpu.memory_space<hbm>> -> memref<10000x128xf32, #tpu.memory_space<hbm>>
          tpu.wait_indirect_dma semaphore(%arg15 : memref<!tpu.dma_semaphore, #tpu.memory_space<semaphore_mem>>) src(%dma_wait3A_533 : memref<10000x128xf32, #tpu.memory_space<hbm>>) dst(%dma_wait3A_527 : memref<80x128xf32, #tpu.memory_space<vmem>>)
        } else {
        }
        %dma_start3A_510 = arith.constant 1 : i32
        %dma_start3A_511 = arith.constant 1 : i32
        %dma_start3A_512 = arith.constant 0 : i32
        %dma_start3A_513 = arith.constant 0 : i32
        %dma_start3A_514 = tpu.memref_slice %arg8[%dma_start3A_510, %dma_start3A_512, %dma_start3A_513] : memref<4x80x128xf32, #tpu.memory_space<vmem>> -> memref<1x80x128xf32, #tpu.memory_space<vmem>>
        %dma_start3A_515 = tpu.memref_squeeze %dma_start3A_514 : memref<1x80x128xf32, #tpu.memory_space<vmem>> -> memref<80x128xf32, #tpu.memory_space<vmem>>
        %dma_start3A_516 = arith.constant 0 : i32
        %dma_start3A_517 = tpu.memref_slice %arg7[%dma_start3A_511, %dma_start3A_516] : memref<4x80xi32, #tpu.memory_space<vmem>> -> memref<1x80xi32, #tpu.memory_space<vmem>>
        %dma_start3A_518 = tpu.memref_squeeze %dma_start3A_517 : memref<1x80xi32, #tpu.memory_space<vmem>> -> memref<80xi32, #tpu.memory_space<vmem>>
        %dma_start3A_519 = arith.constant 0 : i32
        %dma_start3A_520 = arith.constant 0 : i32
        %dma_start3A_521 = tpu.memref_slice %arg9[%dma_start3A_519, %dma_start3A_520] : memref<10000x128xf32, #tpu.memory_space<vmem_shared>> -> memref<10000x128xf32, #tpu.memory_space<vmem_shared>>
        tpu.enqueue_indirect_dma source(%dma_start3A_515 : memref<80x128xf32, #tpu.memory_space<vmem>>) target(%dma_start3A_521 : memref<10000x128xf32, #tpu.memory_space<vmem_shared>>) offsets(%dma_start3A_518 : memref<80xi32, #tpu.memory_space<vmem>>) semaphore(%arg19 : memref<!tpu.dma_semaphore, #tpu.memory_space<semaphore_mem>>) {add = true}
      } else {
      }
    }
    %scan3A_41 = arith.constant 62 : i32
    %add3A_42 = arith.constant 19840 : i32
    %add3A_43 = arith.addi %mul3A_2, %add3A_42 : i32
    %dma_wait3A = arith.constant 0 : i32
    %dma_wait3A_44 = arith.constant 0 : i32
    %dma_wait3A_45 = tpu.memref_slice %arg6[%dma_wait3A, %dma_wait3A_44] : memref<4x80xi32, #tpu.memory_space<vmem>> -> memref<1x80xi32, #tpu.memory_space<vmem>>
    %dma_wait3A_46 = tpu.memref_squeeze %dma_wait3A_45 : memref<1x80xi32, #tpu.memory_space<vmem>> -> memref<80xi32, #tpu.memory_space<vmem>>
    %dma_wait3A_47 = tpu.memref_slice %arg4[%add3A_43] : memref<640000xi32, #tpu.memory_space<hbm>> -> memref<80xi32, #tpu.memory_space<hbm>>
    %dma_wait3A_48 = arith.constant 0 : i32
    %dma_wait3A_49 = tpu.memref_slice %arg6[%dma_wait3A, %dma_wait3A_48] : memref<4x80xi32, #tpu.memory_space<vmem>> -> memref<1x80xi32, #tpu.memory_space<vmem>>
    %dma_wait3A_50 = tpu.memref_squeeze %dma_wait3A_49 : memref<1x80xi32, #tpu.memory_space<vmem>> -> memref<80xi32, #tpu.memory_space<vmem>>
    %dma_wait3A_51 = tpu.memref_slice %arg4[%add3A_43] : memref<640000xi32, #tpu.memory_space<hbm>> -> memref<80xi32, #tpu.memory_space<hbm>>
    tpu.wait_dma2 semaphore(%arg10 : memref<!tpu.dma_semaphore, #tpu.memory_space<semaphore_mem>>) src(%dma_wait3A_51 : memref<80xi32, #tpu.memory_space<hbm>>) dst(%dma_wait3A_50 : memref<80xi32, #tpu.memory_space<vmem>>)
    %add3A_52 = arith.constant 19840 : i32
    %add3A_53 = arith.addi %add3A_3, %add3A_52 : i32
    %dma_wait3A_54 = arith.constant 0 : i32
    %dma_wait3A_55 = arith.constant 0 : i32
    %dma_wait3A_56 = tpu.memref_slice %arg7[%dma_wait3A_54, %dma_wait3A_55] : memref<4x80xi32, #tpu.memory_space<vmem>> -> memref<1x80xi32, #tpu.memory_space<vmem>>
    %dma_wait3A_57 = tpu.memref_squeeze %dma_wait3A_56 : memref<1x80xi32, #tpu.memory_space<vmem>> -> memref<80xi32, #tpu.memory_space<vmem>>
    %dma_wait3A_58 = tpu.memref_slice %arg4[%add3A_53] : memref<640000xi32, #tpu.memory_space<hbm>> -> memref<80xi32, #tpu.memory_space<hbm>>
    %dma_wait3A_59 = arith.constant 0 : i32
    %dma_wait3A_60 = tpu.memref_slice %arg7[%dma_wait3A_54, %dma_wait3A_59] : memref<4x80xi32, #tpu.memory_space<vmem>> -> memref<1x80xi32, #tpu.memory_space<vmem>>
    %dma_wait3A_61 = tpu.memref_squeeze %dma_wait3A_60 : memref<1x80xi32, #tpu.memory_space<vmem>> -> memref<80xi32, #tpu.memory_space<vmem>>
    %dma_wait3A_62 = tpu.memref_slice %arg4[%add3A_53] : memref<640000xi32, #tpu.memory_space<hbm>> -> memref<80xi32, #tpu.memory_space<hbm>>
    tpu.wait_dma2 semaphore(%arg10 : memref<!tpu.dma_semaphore, #tpu.memory_space<semaphore_mem>>) src(%dma_wait3A_62 : memref<80xi32, #tpu.memory_space<hbm>>) dst(%dma_wait3A_61 : memref<80xi32, #tpu.memory_space<vmem>>)
    %eq3A_63 = arith.constant 0 : i32
    %eq3A_64 = arith.cmpi eq, %arg0, %eq3A_63 : i32
    %convert_element_type3A_65 = arith.extui %eq3A_64 : i1 to i32
    %cond3A_66 = arith.constant 0 : i32
    %cond3A_67 = arith.cmpi ne, %convert_element_type3A_65, %cond3A_66 : i32
    scf.if %cond3A_67 {
      %dma_start3A_281 = arith.constant 0 : i32
      %dma_start3A_282 = arith.constant 0 : i32
      %dma_start3A_283 = arith.constant 0 : i32
      %dma_start3A_284 = arith.constant 0 : i32
      %dma_start3A_285 = tpu.memref_slice %arg8[%dma_start3A_282, %dma_start3A_283, %dma_start3A_284] : memref<4x80x128xf32, #tpu.memory_space<vmem>> -> memref<1x80x128xf32, #tpu.memory_space<vmem>>
      %dma_start3A_286 = tpu.memref_squeeze %dma_start3A_285 : memref<1x80x128xf32, #tpu.memory_space<vmem>> -> memref<80x128xf32, #tpu.memory_space<vmem>>
      %dma_start3A_287 = arith.constant 0 : i32
      %dma_start3A_288 = tpu.memref_slice %arg6[%dma_start3A_281, %dma_start3A_287] : memref<4x80xi32, #tpu.memory_space<vmem>> -> memref<1x80xi32, #tpu.memory_space<vmem>>
      %dma_start3A_289 = tpu.memref_squeeze %dma_start3A_288 : memref<1x80xi32, #tpu.memory_space<vmem>> -> memref<80xi32, #tpu.memory_space<vmem>>
      %dma_start3A_290 = arith.constant 0 : i32
      %dma_start3A_291 = arith.constant 0 : i32
      %dma_start3A_292 = tpu.memref_slice %arg2[%dma_start3A_290, %dma_start3A_291] : memref<10000x128xf32, #tpu.memory_space<hbm>> -> memref<10000x128xf32, #tpu.memory_space<hbm>>
      tpu.enqueue_indirect_dma source(%dma_start3A_292 : memref<10000x128xf32, #tpu.memory_space<hbm>>) target(%dma_start3A_286 : memref<80x128xf32, #tpu.memory_space<vmem>>) offsets(%dma_start3A_289 : memref<80xi32, #tpu.memory_space<vmem>>) semaphore(%arg14 : memref<!tpu.dma_semaphore, #tpu.memory_space<semaphore_mem>>)
    } else {
    }
    %eq3A_68 = arith.constant 1 : i32
    %eq3A_69 = arith.cmpi eq, %arg0, %eq3A_68 : i32
    %convert_element_type3A_70 = arith.extui %eq3A_69 : i1 to i32
    %cond3A_71 = arith.constant 0 : i32
    %cond3A_72 = arith.cmpi ne, %convert_element_type3A_70, %cond3A_71 : i32
    scf.if %cond3A_72 {
      %dma_start3A_281 = arith.constant 0 : i32
      %dma_start3A_282 = arith.constant 0 : i32
      %dma_start3A_283 = arith.constant 0 : i32
      %dma_start3A_284 = arith.constant 0 : i32
      %dma_start3A_285 = tpu.memref_slice %arg8[%dma_start3A_282, %dma_start3A_283, %dma_start3A_284] : memref<4x80x128xf32, #tpu.memory_space<vmem>> -> memref<1x80x128xf32, #tpu.memory_space<vmem>>
      %dma_start3A_286 = tpu.memref_squeeze %dma_start3A_285 : memref<1x80x128xf32, #tpu.memory_space<vmem>> -> memref<80x128xf32, #tpu.memory_space<vmem>>
      %dma_start3A_287 = arith.constant 0 : i32
      %dma_start3A_288 = tpu.memref_slice %arg6[%dma_start3A_281, %dma_start3A_287] : memref<4x80xi32, #tpu.memory_space<vmem>> -> memref<1x80xi32, #tpu.memory_space<vmem>>
      %dma_start3A_289 = tpu.memref_squeeze %dma_start3A_288 : memref<1x80xi32, #tpu.memory_space<vmem>> -> memref<80xi32, #tpu.memory_space<vmem>>
      %dma_start3A_290 = arith.constant 0 : i32
      %dma_start3A_291 = arith.constant 0 : i32
      %dma_start3A_292 = tpu.memref_slice %arg3[%dma_start3A_290, %dma_start3A_291] : memref<10000x128xf32, #tpu.memory_space<hbm>> -> memref<10000x128xf32, #tpu.memory_space<hbm>>
      tpu.enqueue_indirect_dma source(%dma_start3A_292 : memref<10000x128xf32, #tpu.memory_space<hbm>>) target(%dma_start3A_286 : memref<80x128xf32, #tpu.memory_space<vmem>>) offsets(%dma_start3A_289 : memref<80xi32, #tpu.memory_space<vmem>>) semaphore(%arg14 : memref<!tpu.dma_semaphore, #tpu.memory_space<semaphore_mem>>)
    } else {
    }
    %eq3A_73 = arith.constant 0 : i32
    %eq3A_74 = arith.cmpi eq, %arg0, %eq3A_73 : i32
    %convert_element_type3A_75 = arith.extui %eq3A_74 : i1 to i32
    %cond3A_76 = arith.constant 0 : i32
    %cond3A_77 = arith.cmpi ne, %convert_element_type3A_75, %cond3A_76 : i32
    scf.if %cond3A_77 {
      %dma_wait3A_281 = arith.constant 2 : i32
      %dma_wait3A_282 = arith.constant 2 : i32
      %dma_wait3A_283 = arith.constant 0 : i32
      %dma_wait3A_284 = arith.constant 0 : i32
      %dma_wait3A_285 = tpu.memref_slice %arg8[%dma_wait3A_282, %dma_wait3A_283, %dma_wait3A_284] : memref<4x80x128xf32, #tpu.memory_space<vmem>> -> memref<1x80x128xf32, #tpu.memory_space<vmem>>
      %dma_wait3A_286 = tpu.memref_squeeze %dma_wait3A_285 : memref<1x80x128xf32, #tpu.memory_space<vmem>> -> memref<80x128xf32, #tpu.memory_space<vmem>>
      %dma_wait3A_287 = arith.constant 0 : i32
      %dma_wait3A_288 = tpu.memref_slice %arg6[%dma_wait3A_281, %dma_wait3A_287] : memref<4x80xi32, #tpu.memory_space<vmem>> -> memref<1x80xi32, #tpu.memory_space<vmem>>
      %dma_wait3A_289 = tpu.memref_squeeze %dma_wait3A_288 : memref<1x80xi32, #tpu.memory_space<vmem>> -> memref<80xi32, #tpu.memory_space<vmem>>
      %dma_wait3A_290 = arith.constant 0 : i32
      %dma_wait3A_291 = arith.constant 0 : i32
      %dma_wait3A_292 = tpu.memref_slice %arg2[%dma_wait3A_290, %dma_wait3A_291] : memref<10000x128xf32, #tpu.memory_space<hbm>> -> memref<10000x128xf32, #tpu.memory_space<hbm>>
      tpu.wait_indirect_dma semaphore(%arg16 : memref<!tpu.dma_semaphore, #tpu.memory_space<semaphore_mem>>) src(%dma_wait3A_292 : memref<10000x128xf32, #tpu.memory_space<hbm>>) dst(%dma_wait3A_286 : memref<80x128xf32, #tpu.memory_space<vmem>>)
    } else {
    }
    %eq3A_78 = arith.constant 1 : i32
    %eq3A_79 = arith.cmpi eq, %arg0, %eq3A_78 : i32
    %convert_element_type3A_80 = arith.extui %eq3A_79 : i1 to i32
    %cond3A_81 = arith.constant 0 : i32
    %cond3A_82 = arith.cmpi ne, %convert_element_type3A_80, %cond3A_81 : i32
    scf.if %cond3A_82 {
      %dma_wait3A_281 = arith.constant 2 : i32
      %dma_wait3A_282 = arith.constant 2 : i32
      %dma_wait3A_283 = arith.constant 0 : i32
      %dma_wait3A_284 = arith.constant 0 : i32
      %dma_wait3A_285 = tpu.memref_slice %arg8[%dma_wait3A_282, %dma_wait3A_283, %dma_wait3A_284] : memref<4x80x128xf32, #tpu.memory_space<vmem>> -> memref<1x80x128xf32, #tpu.memory_space<vmem>>
      %dma_wait3A_286 = tpu.memref_squeeze %dma_wait3A_285 : memref<1x80x128xf32, #tpu.memory_space<vmem>> -> memref<80x128xf32, #tpu.memory_space<vmem>>
      %dma_wait3A_287 = arith.constant 0 : i32
      %dma_wait3A_288 = tpu.memref_slice %arg6[%dma_wait3A_281, %dma_wait3A_287] : memref<4x80xi32, #tpu.memory_space<vmem>> -> memref<1x80xi32, #tpu.memory_space<vmem>>
      %dma_wait3A_289 = tpu.memref_squeeze %dma_wait3A_288 : memref<1x80xi32, #tpu.memory_space<vmem>> -> memref<80xi32, #tpu.memory_space<vmem>>
      %dma_wait3A_290 = arith.constant 0 : i32
      %dma_wait3A_291 = arith.constant 0 : i32
      %dma_wait3A_292 = tpu.memref_slice %arg3[%dma_wait3A_290, %dma_wait3A_291] : memref<10000x128xf32, #tpu.memory_space<hbm>> -> memref<10000x128xf32, #tpu.memory_space<hbm>>
      tpu.wait_indirect_dma semaphore(%arg16 : memref<!tpu.dma_semaphore, #tpu.memory_space<semaphore_mem>>) src(%dma_wait3A_292 : memref<10000x128xf32, #tpu.memory_space<hbm>>) dst(%dma_wait3A_286 : memref<80x128xf32, #tpu.memory_space<vmem>>)
    } else {
    }
    %dma_start3A_83 = arith.constant 2 : i32
    %dma_start3A_84 = arith.constant 2 : i32
    %dma_start3A_85 = arith.constant 0 : i32
    %dma_start3A_86 = arith.constant 0 : i32
    %dma_start3A_87 = tpu.memref_slice %arg8[%dma_start3A_83, %dma_start3A_85, %dma_start3A_86] : memref<4x80x128xf32, #tpu.memory_space<vmem>> -> memref<1x80x128xf32, #tpu.memory_space<vmem>>
    %dma_start3A_88 = tpu.memref_squeeze %dma_start3A_87 : memref<1x80x128xf32, #tpu.memory_space<vmem>> -> memref<80x128xf32, #tpu.memory_space<vmem>>
    %dma_start3A_89 = arith.constant 0 : i32
    %dma_start3A_90 = tpu.memref_slice %arg7[%dma_start3A_84, %dma_start3A_89] : memref<4x80xi32, #tpu.memory_space<vmem>> -> memref<1x80xi32, #tpu.memory_space<vmem>>
    %dma_start3A_91 = tpu.memref_squeeze %dma_start3A_90 : memref<1x80xi32, #tpu.memory_space<vmem>> -> memref<80xi32, #tpu.memory_space<vmem>>
    %dma_start3A_92 = arith.constant 0 : i32
    %dma_start3A_93 = arith.constant 0 : i32
    %dma_start3A_94 = tpu.memref_slice %arg9[%dma_start3A_92, %dma_start3A_93] : memref<10000x128xf32, #tpu.memory_space<vmem_shared>> -> memref<10000x128xf32, #tpu.memory_space<vmem_shared>>
    tpu.enqueue_indirect_dma source(%dma_start3A_88 : memref<80x128xf32, #tpu.memory_space<vmem>>) target(%dma_start3A_94 : memref<10000x128xf32, #tpu.memory_space<vmem_shared>>) offsets(%dma_start3A_91 : memref<80xi32, #tpu.memory_space<vmem>>) semaphore(%arg20 : memref<!tpu.dma_semaphore, #tpu.memory_space<semaphore_mem>>) {add = true}
    %dma_wait3A_95 = arith.constant 1 : i32
    %dma_wait3A_96 = arith.constant 1 : i32
    %dma_wait3A_97 = arith.constant 0 : i32
    %dma_wait3A_98 = arith.constant 0 : i32
    %dma_wait3A_99 = tpu.memref_slice %arg8[%dma_wait3A_95, %dma_wait3A_97, %dma_wait3A_98] : memref<4x80x128xf32, #tpu.memory_space<vmem>> -> memref<1x80x128xf32, #tpu.memory_space<vmem>>
    %dma_wait3A_100 = tpu.memref_squeeze %dma_wait3A_99 : memref<1x80x128xf32, #tpu.memory_space<vmem>> -> memref<80x128xf32, #tpu.memory_space<vmem>>
    %dma_wait3A_101 = arith.constant 0 : i32
    %dma_wait3A_102 = tpu.memref_slice %arg7[%dma_wait3A_96, %dma_wait3A_101] : memref<4x80xi32, #tpu.memory_space<vmem>> -> memref<1x80xi32, #tpu.memory_space<vmem>>
    %dma_wait3A_103 = tpu.memref_squeeze %dma_wait3A_102 : memref<1x80xi32, #tpu.memory_space<vmem>> -> memref<80xi32, #tpu.memory_space<vmem>>
    %dma_wait3A_104 = arith.constant 0 : i32
    %dma_wait3A_105 = arith.constant 0 : i32
    %dma_wait3A_106 = tpu.memref_slice %arg9[%dma_wait3A_104, %dma_wait3A_105] : memref<10000x128xf32, #tpu.memory_space<vmem_shared>> -> memref<10000x128xf32, #tpu.memory_space<vmem_shared>>
    tpu.wait_indirect_dma semaphore(%arg19 : memref<!tpu.dma_semaphore, #tpu.memory_space<semaphore_mem>>) src(%dma_wait3A_100 : memref<80x128xf32, #tpu.memory_space<vmem>>) dst(%dma_wait3A_106 : memref<10000x128xf32, #tpu.memory_space<vmem_shared>>)
    %add3A_107 = arith.constant 19920 : i32
    %add3A_108 = arith.addi %mul3A_2, %add3A_107 : i32
    %dma_start3A_109 = arith.constant 1 : i32
    %dma_start3A_110 = arith.constant 0 : i32
    %dma_start3A_111 = tpu.memref_slice %arg6[%dma_start3A_109, %dma_start3A_110] : memref<4x80xi32, #tpu.memory_space<vmem>> -> memref<1x80xi32, #tpu.memory_space<vmem>>
    %dma_start3A_112 = tpu.memref_squeeze %dma_start3A_111 : memref<1x80xi32, #tpu.memory_space<vmem>> -> memref<80xi32, #tpu.memory_space<vmem>>
    %dma_start3A_113 = tpu.memref_slice %arg4[%add3A_108] : memref<640000xi32, #tpu.memory_space<hbm>> -> memref<80xi32, #tpu.memory_space<hbm>>
    %dma_start3A_114 = arith.constant 0 : i32
    %dma_start3A_115 = tpu.memref_slice %arg6[%dma_start3A_109, %dma_start3A_114] : memref<4x80xi32, #tpu.memory_space<vmem>> -> memref<1x80xi32, #tpu.memory_space<vmem>>
    %dma_start3A_116 = tpu.memref_squeeze %dma_start3A_115 : memref<1x80xi32, #tpu.memory_space<vmem>> -> memref<80xi32, #tpu.memory_space<vmem>>
    %dma_start3A_117 = tpu.memref_slice %arg4[%add3A_108] : memref<640000xi32, #tpu.memory_space<hbm>> -> memref<80xi32, #tpu.memory_space<hbm>>
    tpu.enqueue_dma source(%dma_start3A_117 : memref<80xi32, #tpu.memory_space<hbm>>) target(%dma_start3A_116 : memref<80xi32, #tpu.memory_space<vmem>>) target_semaphore(%arg11 : memref<!tpu.dma_semaphore, #tpu.memory_space<semaphore_mem>>)
    %add3A_118 = arith.constant 19920 : i32
    %add3A_119 = arith.addi %add3A_3, %add3A_118 : i32
    %dma_start3A_120 = arith.constant 1 : i32
    %dma_start3A_121 = arith.constant 0 : i32
    %dma_start3A_122 = tpu.memref_slice %arg7[%dma_start3A_120, %dma_start3A_121] : memref<4x80xi32, #tpu.memory_space<vmem>> -> memref<1x80xi32, #tpu.memory_space<vmem>>
    %dma_start3A_123 = tpu.memref_squeeze %dma_start3A_122 : memref<1x80xi32, #tpu.memory_space<vmem>> -> memref<80xi32, #tpu.memory_space<vmem>>
    %dma_start3A_124 = tpu.memref_slice %arg4[%add3A_119] : memref<640000xi32, #tpu.memory_space<hbm>> -> memref<80xi32, #tpu.memory_space<hbm>>
    %dma_start3A_125 = arith.constant 0 : i32
    %dma_start3A_126 = tpu.memref_slice %arg7[%dma_start3A_120, %dma_start3A_125] : memref<4x80xi32, #tpu.memory_space<vmem>> -> memref<1x80xi32, #tpu.memory_space<vmem>>
    %dma_start3A_127 = tpu.memref_squeeze %dma_start3A_126 : memref<1x80xi32, #tpu.memory_space<vmem>> -> memref<80xi32, #tpu.memory_space<vmem>>
    %dma_start3A_128 = tpu.memref_slice %arg4[%add3A_119] : memref<640000xi32, #tpu.memory_space<hbm>> -> memref<80xi32, #tpu.memory_space<hbm>>
    tpu.enqueue_dma source(%dma_start3A_128 : memref<80xi32, #tpu.memory_space<hbm>>) target(%dma_start3A_127 : memref<80xi32, #tpu.memory_space<vmem>>) target_semaphore(%arg11 : memref<!tpu.dma_semaphore, #tpu.memory_space<semaphore_mem>>)
    %add3A_129 = arith.constant 19920 : i32
    %add3A_130 = arith.addi %mul3A_2, %add3A_129 : i32
    %dma_wait3A_131 = arith.constant 1 : i32
    %dma_wait3A_132 = arith.constant 0 : i32
    %dma_wait3A_133 = tpu.memref_slice %arg6[%dma_wait3A_131, %dma_wait3A_132] : memref<4x80xi32, #tpu.memory_space<vmem>> -> memref<1x80xi32, #tpu.memory_space<vmem>>
    %dma_wait3A_134 = tpu.memref_squeeze %dma_wait3A_133 : memref<1x80xi32, #tpu.memory_space<vmem>> -> memref<80xi32, #tpu.memory_space<vmem>>
    %dma_wait3A_135 = tpu.memref_slice %arg4[%add3A_130] : memref<640000xi32, #tpu.memory_space<hbm>> -> memref<80xi32, #tpu.memory_space<hbm>>
    %dma_wait3A_136 = arith.constant 0 : i32
    %dma_wait3A_137 = tpu.memref_slice %arg6[%dma_wait3A_131, %dma_wait3A_136] : memref<4x80xi32, #tpu.memory_space<vmem>> -> memref<1x80xi32, #tpu.memory_space<vmem>>
    %dma_wait3A_138 = tpu.memref_squeeze %dma_wait3A_137 : memref<1x80xi32, #tpu.memory_space<vmem>> -> memref<80xi32, #tpu.memory_space<vmem>>
    %dma_wait3A_139 = tpu.memref_slice %arg4[%add3A_130] : memref<640000xi32, #tpu.memory_space<hbm>> -> memref<80xi32, #tpu.memory_space<hbm>>
    tpu.wait_dma2 semaphore(%arg11 : memref<!tpu.dma_semaphore, #tpu.memory_space<semaphore_mem>>) src(%dma_wait3A_139 : memref<80xi32, #tpu.memory_space<hbm>>) dst(%dma_wait3A_138 : memref<80xi32, #tpu.memory_space<vmem>>)
    %add3A_140 = arith.constant 19920 : i32
    %add3A_141 = arith.addi %add3A_3, %add3A_140 : i32
    %dma_wait3A_142 = arith.constant 1 : i32
    %dma_wait3A_143 = arith.constant 0 : i32
    %dma_wait3A_144 = tpu.memref_slice %arg7[%dma_wait3A_142, %dma_wait3A_143] : memref<4x80xi32, #tpu.memory_space<vmem>> -> memref<1x80xi32, #tpu.memory_space<vmem>>
    %dma_wait3A_145 = tpu.memref_squeeze %dma_wait3A_144 : memref<1x80xi32, #tpu.memory_space<vmem>> -> memref<80xi32, #tpu.memory_space<vmem>>
    %dma_wait3A_146 = tpu.memref_slice %arg4[%add3A_141] : memref<640000xi32, #tpu.memory_space<hbm>> -> memref<80xi32, #tpu.memory_space<hbm>>
    %dma_wait3A_147 = arith.constant 0 : i32
    %dma_wait3A_148 = tpu.memref_slice %arg7[%dma_wait3A_142, %dma_wait3A_147] : memref<4x80xi32, #tpu.memory_space<vmem>> -> memref<1x80xi32, #tpu.memory_space<vmem>>
    %dma_wait3A_149 = tpu.memref_squeeze %dma_wait3A_148 : memref<1x80xi32, #tpu.memory_space<vmem>> -> memref<80xi32, #tpu.memory_space<vmem>>
    %dma_wait3A_150 = tpu.memref_slice %arg4[%add3A_141] : memref<640000xi32, #tpu.memory_space<hbm>> -> memref<80xi32, #tpu.memory_space<hbm>>
    tpu.wait_dma2 semaphore(%arg11 : memref<!tpu.dma_semaphore, #tpu.memory_space<semaphore_mem>>) src(%dma_wait3A_150 : memref<80xi32, #tpu.memory_space<hbm>>) dst(%dma_wait3A_149 : memref<80xi32, #tpu.memory_space<vmem>>)
    %eq3A_151 = arith.constant 0 : i32
    %eq3A_152 = arith.cmpi eq, %arg0, %eq3A_151 : i32
    %convert_element_type3A_153 = arith.extui %eq3A_152 : i1 to i32
    %cond3A_154 = arith.constant 0 : i32
    %cond3A_155 = arith.cmpi ne, %convert_element_type3A_153, %cond3A_154 : i32
    scf.if %cond3A_155 {
      %dma_start3A_281 = arith.constant 1 : i32
      %dma_start3A_282 = arith.constant 1 : i32
      %dma_start3A_283 = arith.constant 0 : i32
      %dma_start3A_284 = arith.constant 0 : i32
      %dma_start3A_285 = tpu.memref_slice %arg8[%dma_start3A_282, %dma_start3A_283, %dma_start3A_284] : memref<4x80x128xf32, #tpu.memory_space<vmem>> -> memref<1x80x128xf32, #tpu.memory_space<vmem>>
      %dma_start3A_286 = tpu.memref_squeeze %dma_start3A_285 : memref<1x80x128xf32, #tpu.memory_space<vmem>> -> memref<80x128xf32, #tpu.memory_space<vmem>>
      %dma_start3A_287 = arith.constant 0 : i32
      %dma_start3A_288 = tpu.memref_slice %arg6[%dma_start3A_281, %dma_start3A_287] : memref<4x80xi32, #tpu.memory_space<vmem>> -> memref<1x80xi32, #tpu.memory_space<vmem>>
      %dma_start3A_289 = tpu.memref_squeeze %dma_start3A_288 : memref<1x80xi32, #tpu.memory_space<vmem>> -> memref<80xi32, #tpu.memory_space<vmem>>
      %dma_start3A_290 = arith.constant 0 : i32
      %dma_start3A_291 = arith.constant 0 : i32
      %dma_start3A_292 = tpu.memref_slice %arg2[%dma_start3A_290, %dma_start3A_291] : memref<10000x128xf32, #tpu.memory_space<hbm>> -> memref<10000x128xf32, #tpu.memory_space<hbm>>
      tpu.enqueue_indirect_dma source(%dma_start3A_292 : memref<10000x128xf32, #tpu.memory_space<hbm>>) target(%dma_start3A_286 : memref<80x128xf32, #tpu.memory_space<vmem>>) offsets(%dma_start3A_289 : memref<80xi32, #tpu.memory_space<vmem>>) semaphore(%arg15 : memref<!tpu.dma_semaphore, #tpu.memory_space<semaphore_mem>>)
    } else {
    }
    %eq3A_156 = arith.constant 1 : i32
    %eq3A_157 = arith.cmpi eq, %arg0, %eq3A_156 : i32
    %convert_element_type3A_158 = arith.extui %eq3A_157 : i1 to i32
    %cond3A_159 = arith.constant 0 : i32
    %cond3A_160 = arith.cmpi ne, %convert_element_type3A_158, %cond3A_159 : i32
    scf.if %cond3A_160 {
      %dma_start3A_281 = arith.constant 1 : i32
      %dma_start3A_282 = arith.constant 1 : i32
      %dma_start3A_283 = arith.constant 0 : i32
      %dma_start3A_284 = arith.constant 0 : i32
      %dma_start3A_285 = tpu.memref_slice %arg8[%dma_start3A_282, %dma_start3A_283, %dma_start3A_284] : memref<4x80x128xf32, #tpu.memory_space<vmem>> -> memref<1x80x128xf32, #tpu.memory_space<vmem>>
      %dma_start3A_286 = tpu.memref_squeeze %dma_start3A_285 : memref<1x80x128xf32, #tpu.memory_space<vmem>> -> memref<80x128xf32, #tpu.memory_space<vmem>>
      %dma_start3A_287 = arith.constant 0 : i32
      %dma_start3A_288 = tpu.memref_slice %arg6[%dma_start3A_281, %dma_start3A_287] : memref<4x80xi32, #tpu.memory_space<vmem>> -> memref<1x80xi32, #tpu.memory_space<vmem>>
      %dma_start3A_289 = tpu.memref_squeeze %dma_start3A_288 : memref<1x80xi32, #tpu.memory_space<vmem>> -> memref<80xi32, #tpu.memory_space<vmem>>
      %dma_start3A_290 = arith.constant 0 : i32
      %dma_start3A_291 = arith.constant 0 : i32
      %dma_start3A_292 = tpu.memref_slice %arg3[%dma_start3A_290, %dma_start3A_291] : memref<10000x128xf32, #tpu.memory_space<hbm>> -> memref<10000x128xf32, #tpu.memory_space<hbm>>
      tpu.enqueue_indirect_dma source(%dma_start3A_292 : memref<10000x128xf32, #tpu.memory_space<hbm>>) target(%dma_start3A_286 : memref<80x128xf32, #tpu.memory_space<vmem>>) offsets(%dma_start3A_289 : memref<80xi32, #tpu.memory_space<vmem>>) semaphore(%arg15 : memref<!tpu.dma_semaphore, #tpu.memory_space<semaphore_mem>>)
    } else {
    }
    %eq3A_161 = arith.constant 0 : i32
    %eq3A_162 = arith.cmpi eq, %arg0, %eq3A_161 : i32
    %convert_element_type3A_163 = arith.extui %eq3A_162 : i1 to i32
    %cond3A_164 = arith.constant 0 : i32
    %cond3A_165 = arith.cmpi ne, %convert_element_type3A_163, %cond3A_164 : i32
    scf.if %cond3A_165 {
      %dma_wait3A_281 = arith.constant 3 : i32
      %dma_wait3A_282 = arith.constant 3 : i32
      %dma_wait3A_283 = arith.constant 0 : i32
      %dma_wait3A_284 = arith.constant 0 : i32
      %dma_wait3A_285 = tpu.memref_slice %arg8[%dma_wait3A_282, %dma_wait3A_283, %dma_wait3A_284] : memref<4x80x128xf32, #tpu.memory_space<vmem>> -> memref<1x80x128xf32, #tpu.memory_space<vmem>>
      %dma_wait3A_286 = tpu.memref_squeeze %dma_wait3A_285 : memref<1x80x128xf32, #tpu.memory_space<vmem>> -> memref<80x128xf32, #tpu.memory_space<vmem>>
      %dma_wait3A_287 = arith.constant 0 : i32
      %dma_wait3A_288 = tpu.memref_slice %arg6[%dma_wait3A_281, %dma_wait3A_287] : memref<4x80xi32, #tpu.memory_space<vmem>> -> memref<1x80xi32, #tpu.memory_space<vmem>>
      %dma_wait3A_289 = tpu.memref_squeeze %dma_wait3A_288 : memref<1x80xi32, #tpu.memory_space<vmem>> -> memref<80xi32, #tpu.memory_space<vmem>>
      %dma_wait3A_290 = arith.constant 0 : i32
      %dma_wait3A_291 = arith.constant 0 : i32
      %dma_wait3A_292 = tpu.memref_slice %arg2[%dma_wait3A_290, %dma_wait3A_291] : memref<10000x128xf32, #tpu.memory_space<hbm>> -> memref<10000x128xf32, #tpu.memory_space<hbm>>
      tpu.wait_indirect_dma semaphore(%arg17 : memref<!tpu.dma_semaphore, #tpu.memory_space<semaphore_mem>>) src(%dma_wait3A_292 : memref<10000x128xf32, #tpu.memory_space<hbm>>) dst(%dma_wait3A_286 : memref<80x128xf32, #tpu.memory_space<vmem>>)
    } else {
    }
    %eq3A_166 = arith.constant 1 : i32
    %eq3A_167 = arith.cmpi eq, %arg0, %eq3A_166 : i32
    %convert_element_type3A_168 = arith.extui %eq3A_167 : i1 to i32
    %cond3A_169 = arith.constant 0 : i32
    %cond3A_170 = arith.cmpi ne, %convert_element_type3A_168, %cond3A_169 : i32
    scf.if %cond3A_170 {
      %dma_wait3A_281 = arith.constant 3 : i32
      %dma_wait3A_282 = arith.constant 3 : i32
      %dma_wait3A_283 = arith.constant 0 : i32
      %dma_wait3A_284 = arith.constant 0 : i32
      %dma_wait3A_285 = tpu.memref_slice %arg8[%dma_wait3A_282, %dma_wait3A_283, %dma_wait3A_284] : memref<4x80x128xf32, #tpu.memory_space<vmem>> -> memref<1x80x128xf32, #tpu.memory_space<vmem>>
      %dma_wait3A_286 = tpu.memref_squeeze %dma_wait3A_285 : memref<1x80x128xf32, #tpu.memory_space<vmem>> -> memref<80x128xf32, #tpu.memory_space<vmem>>
      %dma_wait3A_287 = arith.constant 0 : i32
      %dma_wait3A_288 = tpu.memref_slice %arg6[%dma_wait3A_281, %dma_wait3A_287] : memref<4x80xi32, #tpu.memory_space<vmem>> -> memref<1x80xi32, #tpu.memory_space<vmem>>
      %dma_wait3A_289 = tpu.memref_squeeze %dma_wait3A_288 : memref<1x80xi32, #tpu.memory_space<vmem>> -> memref<80xi32, #tpu.memory_space<vmem>>
      %dma_wait3A_290 = arith.constant 0 : i32
      %dma_wait3A_291 = arith.constant 0 : i32
      %dma_wait3A_292 = tpu.memref_slice %arg3[%dma_wait3A_290, %dma_wait3A_291] : memref<10000x128xf32, #tpu.memory_space<hbm>> -> memref<10000x128xf32, #tpu.memory_space<hbm>>
      tpu.wait_indirect_dma semaphore(%arg17 : memref<!tpu.dma_semaphore, #tpu.memory_space<semaphore_mem>>) src(%dma_wait3A_292 : memref<10000x128xf32, #tpu.memory_space<hbm>>) dst(%dma_wait3A_286 : memref<80x128xf32, #tpu.memory_space<vmem>>)
    } else {
    }
    %dma_start3A_171 = arith.constant 3 : i32
    %dma_start3A_172 = arith.constant 3 : i32
    %dma_start3A_173 = arith.constant 0 : i32
    %dma_start3A_174 = arith.constant 0 : i32
    %dma_start3A_175 = tpu.memref_slice %arg8[%dma_start3A_171, %dma_start3A_173, %dma_start3A_174] : memref<4x80x128xf32, #tpu.memory_space<vmem>> -> memref<1x80x128xf32, #tpu.memory_space<vmem>>
    %dma_start3A_176 = tpu.memref_squeeze %dma_start3A_175 : memref<1x80x128xf32, #tpu.memory_space<vmem>> -> memref<80x128xf32, #tpu.memory_space<vmem>>
    %dma_start3A_177 = arith.constant 0 : i32
    %dma_start3A_178 = tpu.memref_slice %arg7[%dma_start3A_172, %dma_start3A_177] : memref<4x80xi32, #tpu.memory_space<vmem>> -> memref<1x80xi32, #tpu.memory_space<vmem>>
    %dma_start3A_179 = tpu.memref_squeeze %dma_start3A_178 : memref<1x80xi32, #tpu.memory_space<vmem>> -> memref<80xi32, #tpu.memory_space<vmem>>
    %dma_start3A_180 = arith.constant 0 : i32
    %dma_start3A_181 = arith.constant 0 : i32
    %dma_start3A_182 = tpu.memref_slice %arg9[%dma_start3A_180, %dma_start3A_181] : memref<10000x128xf32, #tpu.memory_space<vmem_shared>> -> memref<10000x128xf32, #tpu.memory_space<vmem_shared>>
    tpu.enqueue_indirect_dma source(%dma_start3A_176 : memref<80x128xf32, #tpu.memory_space<vmem>>) target(%dma_start3A_182 : memref<10000x128xf32, #tpu.memory_space<vmem_shared>>) offsets(%dma_start3A_179 : memref<80xi32, #tpu.memory_space<vmem>>) semaphore(%arg21 : memref<!tpu.dma_semaphore, #tpu.memory_space<semaphore_mem>>) {add = true}
    %eq3A_183 = arith.constant 0 : i32
    %eq3A_184 = arith.cmpi eq, %arg0, %eq3A_183 : i32
    %convert_element_type3A_185 = arith.extui %eq3A_184 : i1 to i32
    %cond3A_186 = arith.constant 0 : i32
    %cond3A_187 = arith.cmpi ne, %convert_element_type3A_185, %cond3A_186 : i32
    scf.if %cond3A_187 {
      %dma_wait3A_281 = arith.constant 0 : i32
      %dma_wait3A_282 = arith.constant 0 : i32
      %dma_wait3A_283 = arith.constant 0 : i32
      %dma_wait3A_284 = arith.constant 0 : i32
      %dma_wait3A_285 = tpu.memref_slice %arg8[%dma_wait3A_282, %dma_wait3A_283, %dma_wait3A_284] : memref<4x80x128xf32, #tpu.memory_space<vmem>> -> memref<1x80x128xf32, #tpu.memory_space<vmem>>
      %dma_wait3A_286 = tpu.memref_squeeze %dma_wait3A_285 : memref<1x80x128xf32, #tpu.memory_space<vmem>> -> memref<80x128xf32, #tpu.memory_space<vmem>>
      %dma_wait3A_287 = arith.constant 0 : i32
      %dma_wait3A_288 = tpu.memref_slice %arg6[%dma_wait3A_281, %dma_wait3A_287] : memref<4x80xi32, #tpu.memory_space<vmem>> -> memref<1x80xi32, #tpu.memory_space<vmem>>
      %dma_wait3A_289 = tpu.memref_squeeze %dma_wait3A_288 : memref<1x80xi32, #tpu.memory_space<vmem>> -> memref<80xi32, #tpu.memory_space<vmem>>
      %dma_wait3A_290 = arith.constant 0 : i32
      %dma_wait3A_291 = arith.constant 0 : i32
      %dma_wait3A_292 = tpu.memref_slice %arg2[%dma_wait3A_290, %dma_wait3A_291] : memref<10000x128xf32, #tpu.memory_space<hbm>> -> memref<10000x128xf32, #tpu.memory_space<hbm>>
      tpu.wait_indirect_dma semaphore(%arg14 : memref<!tpu.dma_semaphore, #tpu.memory_space<semaphore_mem>>) src(%dma_wait3A_292 : memref<10000x128xf32, #tpu.memory_space<hbm>>) dst(%dma_wait3A_286 : memref<80x128xf32, #tpu.memory_space<vmem>>)
    } else {
    }
    %eq3A_188 = arith.constant 1 : i32
    %eq3A_189 = arith.cmpi eq, %arg0, %eq3A_188 : i32
    %convert_element_type3A_190 = arith.extui %eq3A_189 : i1 to i32
    %cond3A_191 = arith.constant 0 : i32
    %cond3A_192 = arith.cmpi ne, %convert_element_type3A_190, %cond3A_191 : i32
    scf.if %cond3A_192 {
      %dma_wait3A_281 = arith.constant 0 : i32
      %dma_wait3A_282 = arith.constant 0 : i32
      %dma_wait3A_283 = arith.constant 0 : i32
      %dma_wait3A_284 = arith.constant 0 : i32
      %dma_wait3A_285 = tpu.memref_slice %arg8[%dma_wait3A_282, %dma_wait3A_283, %dma_wait3A_284] : memref<4x80x128xf32, #tpu.memory_space<vmem>> -> memref<1x80x128xf32, #tpu.memory_space<vmem>>
      %dma_wait3A_286 = tpu.memref_squeeze %dma_wait3A_285 : memref<1x80x128xf32, #tpu.memory_space<vmem>> -> memref<80x128xf32, #tpu.memory_space<vmem>>
      %dma_wait3A_287 = arith.constant 0 : i32
      %dma_wait3A_288 = tpu.memref_slice %arg6[%dma_wait3A_281, %dma_wait3A_287] : memref<4x80xi32, #tpu.memory_space<vmem>> -> memref<1x80xi32, #tpu.memory_space<vmem>>
      %dma_wait3A_289 = tpu.memref_squeeze %dma_wait3A_288 : memref<1x80xi32, #tpu.memory_space<vmem>> -> memref<80xi32, #tpu.memory_space<vmem>>
      %dma_wait3A_290 = arith.constant 0 : i32
      %dma_wait3A_291 = arith.constant 0 : i32
      %dma_wait3A_292 = tpu.memref_slice %arg3[%dma_wait3A_290, %dma_wait3A_291] : memref<10000x128xf32, #tpu.memory_space<hbm>> -> memref<10000x128xf32, #tpu.memory_space<hbm>>
      tpu.wait_indirect_dma semaphore(%arg14 : memref<!tpu.dma_semaphore, #tpu.memory_space<semaphore_mem>>) src(%dma_wait3A_292 : memref<10000x128xf32, #tpu.memory_space<hbm>>) dst(%dma_wait3A_286 : memref<80x128xf32, #tpu.memory_space<vmem>>)
    } else {
    }
    %dma_start3A_193 = arith.constant 0 : i32
    %dma_start3A_194 = arith.constant 0 : i32
    %dma_start3A_195 = arith.constant 0 : i32
    %dma_start3A_196 = arith.constant 0 : i32
    %dma_start3A_197 = tpu.memref_slice %arg8[%dma_start3A_193, %dma_start3A_195, %dma_start3A_196] : memref<4x80x128xf32, #tpu.memory_space<vmem>> -> memref<1x80x128xf32, #tpu.memory_space<vmem>>
    %dma_start3A_198 = tpu.memref_squeeze %dma_start3A_197 : memref<1x80x128xf32, #tpu.memory_space<vmem>> -> memref<80x128xf32, #tpu.memory_space<vmem>>
    %dma_start3A_199 = arith.constant 0 : i32
    %dma_start3A_200 = tpu.memref_slice %arg7[%dma_start3A_194, %dma_start3A_199] : memref<4x80xi32, #tpu.memory_space<vmem>> -> memref<1x80xi32, #tpu.memory_space<vmem>>
    %dma_start3A_201 = tpu.memref_squeeze %dma_start3A_200 : memref<1x80xi32, #tpu.memory_space<vmem>> -> memref<80xi32, #tpu.memory_space<vmem>>
    %dma_start3A_202 = arith.constant 0 : i32
    %dma_start3A_203 = arith.constant 0 : i32
    %dma_start3A_204 = tpu.memref_slice %arg9[%dma_start3A_202, %dma_start3A_203] : memref<10000x128xf32, #tpu.memory_space<vmem_shared>> -> memref<10000x128xf32, #tpu.memory_space<vmem_shared>>
    tpu.enqueue_indirect_dma source(%dma_start3A_198 : memref<80x128xf32, #tpu.memory_space<vmem>>) target(%dma_start3A_204 : memref<10000x128xf32, #tpu.memory_space<vmem_shared>>) offsets(%dma_start3A_201 : memref<80xi32, #tpu.memory_space<vmem>>) semaphore(%arg18 : memref<!tpu.dma_semaphore, #tpu.memory_space<semaphore_mem>>) {add = true}
    %eq3A_205 = arith.constant 0 : i32
    %eq3A_206 = arith.cmpi eq, %arg0, %eq3A_205 : i32
    %convert_element_type3A_207 = arith.extui %eq3A_206 : i1 to i32
    %cond3A_208 = arith.constant 0 : i32
    %cond3A_209 = arith.cmpi ne, %convert_element_type3A_207, %cond3A_208 : i32
    scf.if %cond3A_209 {
      %dma_wait3A_281 = arith.constant 1 : i32
      %dma_wait3A_282 = arith.constant 1 : i32
      %dma_wait3A_283 = arith.constant 0 : i32
      %dma_wait3A_284 = arith.constant 0 : i32
      %dma_wait3A_285 = tpu.memref_slice %arg8[%dma_wait3A_282, %dma_wait3A_283, %dma_wait3A_284] : memref<4x80x128xf32, #tpu.memory_space<vmem>> -> memref<1x80x128xf32, #tpu.memory_space<vmem>>
      %dma_wait3A_286 = tpu.memref_squeeze %dma_wait3A_285 : memref<1x80x128xf32, #tpu.memory_space<vmem>> -> memref<80x128xf32, #tpu.memory_space<vmem>>
      %dma_wait3A_287 = arith.constant 0 : i32
      %dma_wait3A_288 = tpu.memref_slice %arg6[%dma_wait3A_281, %dma_wait3A_287] : memref<4x80xi32, #tpu.memory_space<vmem>> -> memref<1x80xi32, #tpu.memory_space<vmem>>
      %dma_wait3A_289 = tpu.memref_squeeze %dma_wait3A_288 : memref<1x80xi32, #tpu.memory_space<vmem>> -> memref<80xi32, #tpu.memory_space<vmem>>
      %dma_wait3A_290 = arith.constant 0 : i32
      %dma_wait3A_291 = arith.constant 0 : i32
      %dma_wait3A_292 = tpu.memref_slice %arg2[%dma_wait3A_290, %dma_wait3A_291] : memref<10000x128xf32, #tpu.memory_space<hbm>> -> memref<10000x128xf32, #tpu.memory_space<hbm>>
      tpu.wait_indirect_dma semaphore(%arg15 : memref<!tpu.dma_semaphore, #tpu.memory_space<semaphore_mem>>) src(%dma_wait3A_292 : memref<10000x128xf32, #tpu.memory_space<hbm>>) dst(%dma_wait3A_286 : memref<80x128xf32, #tpu.memory_space<vmem>>)
    } else {
    }
    %eq3A_210 = arith.constant 1 : i32
    %eq3A_211 = arith.cmpi eq, %arg0, %eq3A_210 : i32
    %convert_element_type3A_212 = arith.extui %eq3A_211 : i1 to i32
    %cond3A_213 = arith.constant 0 : i32
    %cond3A_214 = arith.cmpi ne, %convert_element_type3A_212, %cond3A_213 : i32
    scf.if %cond3A_214 {
      %dma_wait3A_281 = arith.constant 1 : i32
      %dma_wait3A_282 = arith.constant 1 : i32
      %dma_wait3A_283 = arith.constant 0 : i32
      %dma_wait3A_284 = arith.constant 0 : i32
      %dma_wait3A_285 = tpu.memref_slice %arg8[%dma_wait3A_282, %dma_wait3A_283, %dma_wait3A_284] : memref<4x80x128xf32, #tpu.memory_space<vmem>> -> memref<1x80x128xf32, #tpu.memory_space<vmem>>
      %dma_wait3A_286 = tpu.memref_squeeze %dma_wait3A_285 : memref<1x80x128xf32, #tpu.memory_space<vmem>> -> memref<80x128xf32, #tpu.memory_space<vmem>>
      %dma_wait3A_287 = arith.constant 0 : i32
      %dma_wait3A_288 = tpu.memref_slice %arg6[%dma_wait3A_281, %dma_wait3A_287] : memref<4x80xi32, #tpu.memory_space<vmem>> -> memref<1x80xi32, #tpu.memory_space<vmem>>
      %dma_wait3A_289 = tpu.memref_squeeze %dma_wait3A_288 : memref<1x80xi32, #tpu.memory_space<vmem>> -> memref<80xi32, #tpu.memory_space<vmem>>
      %dma_wait3A_290 = arith.constant 0 : i32
      %dma_wait3A_291 = arith.constant 0 : i32
      %dma_wait3A_292 = tpu.memref_slice %arg3[%dma_wait3A_290, %dma_wait3A_291] : memref<10000x128xf32, #tpu.memory_space<hbm>> -> memref<10000x128xf32, #tpu.memory_space<hbm>>
      tpu.wait_indirect_dma semaphore(%arg15 : memref<!tpu.dma_semaphore, #tpu.memory_space<semaphore_mem>>) src(%dma_wait3A_292 : memref<10000x128xf32, #tpu.memory_space<hbm>>) dst(%dma_wait3A_286 : memref<80x128xf32, #tpu.memory_space<vmem>>)
    } else {
    }
    %dma_start3A_215 = arith.constant 1 : i32
    %dma_start3A_216 = arith.constant 1 : i32
    %dma_start3A_217 = arith.constant 0 : i32
    %dma_start3A_218 = arith.constant 0 : i32
    %dma_start3A_219 = tpu.memref_slice %arg8[%dma_start3A_215, %dma_start3A_217, %dma_start3A_218] : memref<4x80x128xf32, #tpu.memory_space<vmem>> -> memref<1x80x128xf32, #tpu.memory_space<vmem>>
    %dma_start3A_220 = tpu.memref_squeeze %dma_start3A_219 : memref<1x80x128xf32, #tpu.memory_space<vmem>> -> memref<80x128xf32, #tpu.memory_space<vmem>>
    %dma_start3A_221 = arith.constant 0 : i32
    %dma_start3A_222 = tpu.memref_slice %arg7[%dma_start3A_216, %dma_start3A_221] : memref<4x80xi32, #tpu.memory_space<vmem>> -> memref<1x80xi32, #tpu.memory_space<vmem>>
    %dma_start3A_223 = tpu.memref_squeeze %dma_start3A_222 : memref<1x80xi32, #tpu.memory_space<vmem>> -> memref<80xi32, #tpu.memory_space<vmem>>
    %dma_start3A_224 = arith.constant 0 : i32
    %dma_start3A_225 = arith.constant 0 : i32
    %dma_start3A_226 = tpu.memref_slice %arg9[%dma_start3A_224, %dma_start3A_225] : memref<10000x128xf32, #tpu.memory_space<vmem_shared>> -> memref<10000x128xf32, #tpu.memory_space<vmem_shared>>
    tpu.enqueue_indirect_dma source(%dma_start3A_220 : memref<80x128xf32, #tpu.memory_space<vmem>>) target(%dma_start3A_226 : memref<10000x128xf32, #tpu.memory_space<vmem_shared>>) offsets(%dma_start3A_223 : memref<80xi32, #tpu.memory_space<vmem>>) semaphore(%arg19 : memref<!tpu.dma_semaphore, #tpu.memory_space<semaphore_mem>>) {add = true}
    %dma_wait3A_227 = arith.constant 2 : i32
    %dma_wait3A_228 = arith.constant 2 : i32
    %dma_wait3A_229 = arith.constant 0 : i32
    %dma_wait3A_230 = arith.constant 0 : i32
    %dma_wait3A_231 = tpu.memref_slice %arg8[%dma_wait3A_227, %dma_wait3A_229, %dma_wait3A_230] : memref<4x80x128xf32, #tpu.memory_space<vmem>> -> memref<1x80x128xf32, #tpu.memory_space<vmem>>
    %dma_wait3A_232 = tpu.memref_squeeze %dma_wait3A_231 : memref<1x80x128xf32, #tpu.memory_space<vmem>> -> memref<80x128xf32, #tpu.memory_space<vmem>>
    %dma_wait3A_233 = arith.constant 0 : i32
    %dma_wait3A_234 = tpu.memref_slice %arg7[%dma_wait3A_228, %dma_wait3A_233] : memref<4x80xi32, #tpu.memory_space<vmem>> -> memref<1x80xi32, #tpu.memory_space<vmem>>
    %dma_wait3A_235 = tpu.memref_squeeze %dma_wait3A_234 : memref<1x80xi32, #tpu.memory_space<vmem>> -> memref<80xi32, #tpu.memory_space<vmem>>
    %dma_wait3A_236 = arith.constant 0 : i32
    %dma_wait3A_237 = arith.constant 0 : i32
    %dma_wait3A_238 = tpu.memref_slice %arg9[%dma_wait3A_236, %dma_wait3A_237] : memref<10000x128xf32, #tpu.memory_space<vmem_shared>> -> memref<10000x128xf32, #tpu.memory_space<vmem_shared>>
    tpu.wait_indirect_dma semaphore(%arg20 : memref<!tpu.dma_semaphore, #tpu.memory_space<semaphore_mem>>) src(%dma_wait3A_232 : memref<80x128xf32, #tpu.memory_space<vmem>>) dst(%dma_wait3A_238 : memref<10000x128xf32, #tpu.memory_space<vmem_shared>>)
    %dma_wait3A_239 = arith.constant 3 : i32
    %dma_wait3A_240 = arith.constant 3 : i32
    %dma_wait3A_241 = arith.constant 0 : i32
    %dma_wait3A_242 = arith.constant 0 : i32
    %dma_wait3A_243 = tpu.memref_slice %arg8[%dma_wait3A_239, %dma_wait3A_241, %dma_wait3A_242] : memref<4x80x128xf32, #tpu.memory_space<vmem>> -> memref<1x80x128xf32, #tpu.memory_space<vmem>>
    %dma_wait3A_244 = tpu.memref_squeeze %dma_wait3A_243 : memref<1x80x128xf32, #tpu.memory_space<vmem>> -> memref<80x128xf32, #tpu.memory_space<vmem>>
    %dma_wait3A_245 = arith.constant 0 : i32
    %dma_wait3A_246 = tpu.memref_slice %arg7[%dma_wait3A_240, %dma_wait3A_245] : memref<4x80xi32, #tpu.memory_space<vmem>> -> memref<1x80xi32, #tpu.memory_space<vmem>>
    %dma_wait3A_247 = tpu.memref_squeeze %dma_wait3A_246 : memref<1x80xi32, #tpu.memory_space<vmem>> -> memref<80xi32, #tpu.memory_space<vmem>>
    %dma_wait3A_248 = arith.constant 0 : i32
    %dma_wait3A_249 = arith.constant 0 : i32
    %dma_wait3A_250 = tpu.memref_slice %arg9[%dma_wait3A_248, %dma_wait3A_249] : memref<10000x128xf32, #tpu.memory_space<vmem_shared>> -> memref<10000x128xf32, #tpu.memory_space<vmem_shared>>
    tpu.wait_indirect_dma semaphore(%arg21 : memref<!tpu.dma_semaphore, #tpu.memory_space<semaphore_mem>>) src(%dma_wait3A_244 : memref<80x128xf32, #tpu.memory_space<vmem>>) dst(%dma_wait3A_250 : memref<10000x128xf32, #tpu.memory_space<vmem_shared>>)
    %dma_wait3A_251 = arith.constant 0 : i32
    %dma_wait3A_252 = arith.constant 0 : i32
    %dma_wait3A_253 = arith.constant 0 : i32
    %dma_wait3A_254 = arith.constant 0 : i32
    %dma_wait3A_255 = tpu.memref_slice %arg8[%dma_wait3A_251, %dma_wait3A_253, %dma_wait3A_254] : memref<4x80x128xf32, #tpu.memory_space<vmem>> -> memref<1x80x128xf32, #tpu.memory_space<vmem>>
    %dma_wait3A_256 = tpu.memref_squeeze %dma_wait3A_255 : memref<1x80x128xf32, #tpu.memory_space<vmem>> -> memref<80x128xf32, #tpu.memory_space<vmem>>
    %dma_wait3A_257 = arith.constant 0 : i32
    %dma_wait3A_258 = tpu.memref_slice %arg7[%dma_wait3A_252, %dma_wait3A_257] : memref<4x80xi32, #tpu.memory_space<vmem>> -> memref<1x80xi32, #tpu.memory_space<vmem>>
    %dma_wait3A_259 = tpu.memref_squeeze %dma_wait3A_258 : memref<1x80xi32, #tpu.memory_space<vmem>> -> memref<80xi32, #tpu.memory_space<vmem>>
    %dma_wait3A_260 = arith.constant 0 : i32
    %dma_wait3A_261 = arith.constant 0 : i32
    %dma_wait3A_262 = tpu.memref_slice %arg9[%dma_wait3A_260, %dma_wait3A_261] : memref<10000x128xf32, #tpu.memory_space<vmem_shared>> -> memref<10000x128xf32, #tpu.memory_space<vmem_shared>>
    tpu.wait_indirect_dma semaphore(%arg18 : memref<!tpu.dma_semaphore, #tpu.memory_space<semaphore_mem>>) src(%dma_wait3A_256 : memref<80x128xf32, #tpu.memory_space<vmem>>) dst(%dma_wait3A_262 : memref<10000x128xf32, #tpu.memory_space<vmem_shared>>)
    %dma_wait3A_263 = arith.constant 1 : i32
    %dma_wait3A_264 = arith.constant 1 : i32
    %dma_wait3A_265 = arith.constant 0 : i32
    %dma_wait3A_266 = arith.constant 0 : i32
    %dma_wait3A_267 = tpu.memref_slice %arg8[%dma_wait3A_263, %dma_wait3A_265, %dma_wait3A_266] : memref<4x80x128xf32, #tpu.memory_space<vmem>> -> memref<1x80x128xf32, #tpu.memory_space<vmem>>
    %dma_wait3A_268 = tpu.memref_squeeze %dma_wait3A_267 : memref<1x80x128xf32, #tpu.memory_space<vmem>> -> memref<80x128xf32, #tpu.memory_space<vmem>>
    %dma_wait3A_269 = arith.constant 0 : i32
    %dma_wait3A_270 = tpu.memref_slice %arg7[%dma_wait3A_264, %dma_wait3A_269] : memref<4x80xi32, #tpu.memory_space<vmem>> -> memref<1x80xi32, #tpu.memory_space<vmem>>
    %dma_wait3A_271 = tpu.memref_squeeze %dma_wait3A_270 : memref<1x80xi32, #tpu.memory_space<vmem>> -> memref<80xi32, #tpu.memory_space<vmem>>
    %dma_wait3A_272 = arith.constant 0 : i32
    %dma_wait3A_273 = arith.constant 0 : i32
    %dma_wait3A_274 = tpu.memref_slice %arg9[%dma_wait3A_272, %dma_wait3A_273] : memref<10000x128xf32, #tpu.memory_space<vmem_shared>> -> memref<10000x128xf32, #tpu.memory_space<vmem_shared>>
    tpu.wait_indirect_dma semaphore(%arg19 : memref<!tpu.dma_semaphore, #tpu.memory_space<semaphore_mem>>) src(%dma_wait3A_268 : memref<80x128xf32, #tpu.memory_space<vmem>>) dst(%dma_wait3A_274 : memref<10000x128xf32, #tpu.memory_space<vmem_shared>>)
    %barrier3A_275 = arith.constant 0 : index
    tpu.barrier barrier_id(%barrier3A_275)
    "tpu.region"() ({
      %run_scoped3A = tpu.sem_alloc : memref<!tpu.dma_semaphore, #tpu.memory_space<semaphore_mem>>
      %dma_start3A_281 = arith.constant 0 : i32
      %dma_start3A_282 = tpu.memref_slice %arg5[%arg0, %mul3A_0, %dma_start3A_281] : memref<2x10000x128xf32, #tpu.memory_space<hbm>> -> memref<1x624x128xf32, #tpu.memory_space<hbm>>
      %dma_start3A_283 = tpu.memref_squeeze %dma_start3A_282 : memref<1x624x128xf32, #tpu.memory_space<hbm>> -> memref<624x128xf32, #tpu.memory_space<hbm>>
      %dma_start3A_284 = arith.constant 0 : i32
      %dma_start3A_285 = tpu.memref_slice %arg9[%mul3A_0, %dma_start3A_284] : memref<10000x128xf32, #tpu.memory_space<vmem_shared>> -> memref<624x128xf32, #tpu.memory_space<vmem_shared>>
      tpu.enqueue_dma source(%dma_start3A_285 : memref<624x128xf32, #tpu.memory_space<vmem_shared>>) target(%dma_start3A_283 : memref<624x128xf32, #tpu.memory_space<hbm>>) target_semaphore(%run_scoped3A : memref<!tpu.dma_semaphore, #tpu.memory_space<semaphore_mem>>)
      %dma_wait3A_286 = arith.constant 0 : i32
      %dma_wait3A_287 = tpu.memref_slice %arg5[%arg0, %mul3A_0, %dma_wait3A_286] : memref<2x10000x128xf32, #tpu.memory_space<hbm>> -> memref<1x624x128xf32, #tpu.memory_space<hbm>>
      %dma_wait3A_288 = tpu.memref_squeeze %dma_wait3A_287 : memref<1x624x128xf32, #tpu.memory_space<hbm>> -> memref<624x128xf32, #tpu.memory_space<hbm>>
      %dma_wait3A_289 = arith.constant 0 : i32
      %dma_wait3A_290 = tpu.memref_slice %arg9[%mul3A_0, %dma_wait3A_289] : memref<10000x128xf32, #tpu.memory_space<vmem_shared>> -> memref<624x128xf32, #tpu.memory_space<vmem_shared>>
      tpu.wait_dma2 semaphore(%run_scoped3A : memref<!tpu.dma_semaphore, #tpu.memory_space<semaphore_mem>>) src(%dma_wait3A_290 : memref<624x128xf32, #tpu.memory_space<vmem_shared>>) dst(%dma_wait3A_288 : memref<624x128xf32, #tpu.memory_space<hbm>>)
      tpu.yield
    }) : () -> ()
    %eq3A_276 = arith.constant 15 : i32
    %eq3A_277 = arith.cmpi eq, %arg1, %eq3A_276 : i32
    %convert_element_type3A_278 = arith.extui %eq3A_277 : i1 to i32
    %cond3A_279 = arith.constant 0 : i32
    %cond3A_280 = arith.cmpi ne, %convert_element_type3A_278, %cond3A_279 : i32
    scf.if %cond3A_280 {
      "tpu.region"() ({
        %run_scoped3A = tpu.sem_alloc : memref<!tpu.dma_semaphore, #tpu.memory_space<semaphore_mem>>
        %dma_start3A_281 = arith.constant 9984 : i32
        %dma_start3A_282 = arith.constant 0 : i32
        %dma_start3A_283 = tpu.memref_slice %arg5[%arg0, %dma_start3A_281, %dma_start3A_282] : memref<2x10000x128xf32, #tpu.memory_space<hbm>> -> memref<1x16x128xf32, #tpu.memory_space<hbm>>
        %dma_start3A_284 = tpu.memref_squeeze %dma_start3A_283 : memref<1x16x128xf32, #tpu.memory_space<hbm>> -> memref<16x128xf32, #tpu.memory_space<hbm>>
        %dma_start3A_285 = arith.constant 9984 : i32
        %dma_start3A_286 = arith.constant 0 : i32
        %dma_start3A_287 = tpu.memref_slice %arg9[%dma_start3A_285, %dma_start3A_286] : memref<10000x128xf32, #tpu.memory_space<vmem_shared>> -> memref<16x128xf32, #tpu.memory_space<vmem_shared>>
        tpu.enqueue_dma source(%dma_start3A_287 : memref<16x128xf32, #tpu.memory_space<vmem_shared>>) target(%dma_start3A_284 : memref<16x128xf32, #tpu.memory_space<hbm>>) target_semaphore(%run_scoped3A : memref<!tpu.dma_semaphore, #tpu.memory_space<semaphore_mem>>)
        %dma_wait3A_288 = arith.constant 9984 : i32
        %dma_wait3A_289 = arith.constant 0 : i32
        %dma_wait3A_290 = tpu.memref_slice %arg5[%arg0, %dma_wait3A_288, %dma_wait3A_289] : memref<2x10000x128xf32, #tpu.memory_space<hbm>> -> memref<1x16x128xf32, #tpu.memory_space<hbm>>
        %dma_wait3A_291 = tpu.memref_squeeze %dma_wait3A_290 : memref<1x16x128xf32, #tpu.memory_space<hbm>> -> memref<16x128xf32, #tpu.memory_space<hbm>>
        %dma_wait3A_292 = arith.constant 9984 : i32
        %dma_wait3A_293 = arith.constant 0 : i32
        %dma_wait3A_294 = tpu.memref_slice %arg9[%dma_wait3A_292, %dma_wait3A_293] : memref<10000x128xf32, #tpu.memory_space<vmem_shared>> -> memref<16x128xf32, #tpu.memory_space<vmem_shared>>
        tpu.wait_dma2 semaphore(%run_scoped3A : memref<!tpu.dma_semaphore, #tpu.memory_space<semaphore_mem>>) src(%dma_wait3A_294 : memref<16x128xf32, #tpu.memory_space<vmem_shared>>) dst(%dma_wait3A_291 : memref<16x128xf32, #tpu.memory_space<hbm>>)
        tpu.yield
      }) : () -> ()
    } else {
    }
    return
  }
}

#map = affine_map<(d0, d1) -> (0)>
module attributes {stable_mosaic.version = 14 : i64} {
  func.func @_deg_kernel(%arg0: i32, %arg1: i32, %arg2: memref<640000xi32, #tpu.memory_space<hbm>>, %arg3: memref<320000xf32, #tpu.memory_space<hbm>>, %arg4: memref<10000xi32, #tpu.memory_space<vmem>>, %arg5: memref<10000xf32, #tpu.memory_space<vmem>>) attributes {dimension_semantics = [#tpu.dimension_semantics<core_parallel>, #tpu.dimension_semantics<subcore_parallel>], iteration_bounds = array<i64: 2, 16>, scalar_prefetch = 0 : i64, scratch_operands = 2 : i64, tpu.core_type = #tpu.core_type<sc_vector_subcore>, window_params = [{transform_indices = #map}, {transform_indices = #map}]} {
    %mul3A = arith.constant 2 : i32
    %mul3A_0 = arith.muli %arg1, %mul3A : i32
    %add3A = arith.addi %mul3A_0, %arg0 : i32
    %mul3A_1 = arith.constant 10000 : i32
    %mul3A_2 = arith.muli %add3A, %mul3A_1 : i32
    %add3A_3 = arith.constant 320000 : i32
    %add3A_4 = arith.addi %add3A_3, %mul3A_2 : i32
    "tpu.region"() ({
      %run_scoped3A = tpu.sem_alloc : memref<!tpu.dma_semaphore, #tpu.memory_space<semaphore_mem>>
      %dma_start3A = tpu.memref_slice %arg2[%add3A_4] : memref<640000xi32, #tpu.memory_space<hbm>> -> memref<10000xi32, #tpu.memory_space<hbm>>
      %dma_start3A_21 = tpu.memref_slice %arg2[%add3A_4] : memref<640000xi32, #tpu.memory_space<hbm>> -> memref<10000xi32, #tpu.memory_space<hbm>>
      tpu.enqueue_dma source(%dma_start3A_21 : memref<10000xi32, #tpu.memory_space<hbm>>) target(%arg4 : memref<10000xi32, #tpu.memory_space<vmem>>) target_semaphore(%run_scoped3A : memref<!tpu.dma_semaphore, #tpu.memory_space<semaphore_mem>>)
      %dma_wait3A = tpu.memref_slice %arg2[%add3A_4] : memref<640000xi32, #tpu.memory_space<hbm>> -> memref<10000xi32, #tpu.memory_space<hbm>>
      %dma_wait3A_22 = tpu.memref_slice %arg2[%add3A_4] : memref<640000xi32, #tpu.memory_space<hbm>> -> memref<10000xi32, #tpu.memory_space<hbm>>
      tpu.wait_dma2 semaphore(%run_scoped3A : memref<!tpu.dma_semaphore, #tpu.memory_space<semaphore_mem>>) src(%dma_wait3A_22 : memref<10000xi32, #tpu.memory_space<hbm>>) dst(%arg4 : memref<10000xi32, #tpu.memory_space<vmem>>)
      tpu.yield
    }) : () -> ()
    %broadcast_in_dim3A = arith.constant 0.000000e+00 : f32
    %broadcast_in_dim3A_5 = vector.broadcast %broadcast_in_dim3A : f32 to vector<16xf32>
    %scan3A = arith.constant 0 : i32
    %scan3A_6 = arith.constant 0 : i32
    %scan3A_7 = arith.constant 125 : i32
    %scan3A_8 = arith.addi %scan3A_6, %scan3A_7 : i32
    %scan3A_9 = arith.constant 1 : i32
    scf.for %scan3A_21 = %scan3A_6 to %scan3A_8 step %scan3A_9  : i32 {
      %mul3A_22 = arith.constant 80 : i32
      %mul3A_23 = arith.muli %scan3A_21, %mul3A_22 : i32
      %add3A_24 = arith.constant 0 : i32
      %add3A_25 = arith.addi %mul3A_23, %add3A_24 : i32
      %swap3A = arith.index_cast %add3A_25 : i32 to index
      %swap3A_26 = tpu.vector_load %arg5[%swap3A] {strides = array<i32>} : memref<10000xf32, #tpu.memory_space<vmem>>, vector<16xf32>,
      tpu.vector_store %arg5[%swap3A], %broadcast_in_dim3A_5 {strides = array<i32>} : memref<10000xf32, #tpu.memory_space<vmem>>, vector<16xf32>,
      %mul3A_27 = arith.constant 80 : i32
      %mul3A_28 = arith.muli %scan3A_21, %mul3A_27 : i32
      %add3A_29 = arith.constant 16 : i32
      %add3A_30 = arith.addi %mul3A_28, %add3A_29 : i32
      %swap3A_31 = arith.index_cast %add3A_30 : i32 to index
      %swap3A_32 = tpu.vector_load %arg5[%swap3A_31] {strides = array<i32>} : memref<10000xf32, #tpu.memory_space<vmem>>, vector<16xf32>,
      tpu.vector_store %arg5[%swap3A_31], %broadcast_in_dim3A_5 {strides = array<i32>} : memref<10000xf32, #tpu.memory_space<vmem>>, vector<16xf32>,
      %mul3A_33 = arith.constant 80 : i32
      %mul3A_34 = arith.muli %scan3A_21, %mul3A_33 : i32
      %add3A_35 = arith.constant 32 : i32
      %add3A_36 = arith.addi %mul3A_34, %add3A_35 : i32
      %swap3A_37 = arith.index_cast %add3A_36 : i32 to index
      %swap3A_38 = tpu.vector_load %arg5[%swap3A_37] {strides = array<i32>} : memref<10000xf32, #tpu.memory_space<vmem>>, vector<16xf32>,
      tpu.vector_store %arg5[%swap3A_37], %broadcast_in_dim3A_5 {strides = array<i32>} : memref<10000xf32, #tpu.memory_space<vmem>>, vector<16xf32>,
      %mul3A_39 = arith.constant 80 : i32
      %mul3A_40 = arith.muli %scan3A_21, %mul3A_39 : i32
      %add3A_41 = arith.constant 48 : i32
      %add3A_42 = arith.addi %mul3A_40, %add3A_41 : i32
      %swap3A_43 = arith.index_cast %add3A_42 : i32 to index
      %swap3A_44 = tpu.vector_load %arg5[%swap3A_43] {strides = array<i32>} : memref<10000xf32, #tpu.memory_space<vmem>>, vector<16xf32>,
      tpu.vector_store %arg5[%swap3A_43], %broadcast_in_dim3A_5 {strides = array<i32>} : memref<10000xf32, #tpu.memory_space<vmem>>, vector<16xf32>,
      %mul3A_45 = arith.constant 80 : i32
      %mul3A_46 = arith.muli %scan3A_21, %mul3A_45 : i32
      %add3A_47 = arith.constant 64 : i32
      %add3A_48 = arith.addi %mul3A_46, %add3A_47 : i32
      %swap3A_49 = arith.index_cast %add3A_48 : i32 to index
      %swap3A_50 = tpu.vector_load %arg5[%swap3A_49] {strides = array<i32>} : memref<10000xf32, #tpu.memory_space<vmem>>, vector<16xf32>,
      tpu.vector_store %arg5[%swap3A_49], %broadcast_in_dim3A_5 {strides = array<i32>} : memref<10000xf32, #tpu.memory_space<vmem>>, vector<16xf32>,
    }
    %scan3A_10 = arith.constant 125 : i32
    %broadcast_in_dim3A_11 = arith.constant 1.000000e+00 : f32
    %broadcast_in_dim3A_12 = vector.broadcast %broadcast_in_dim3A_11 : f32 to vector<16xf32>
    %scan3A_13 = arith.constant 0 : i32
    %scan3A_14 = arith.constant 0 : i32
    %scan3A_15 = arith.constant 125 : i32
    %scan3A_16 = arith.addi %scan3A_14, %scan3A_15 : i32
    %scan3A_17 = arith.constant 1 : i32
    scf.for %scan3A_21 = %scan3A_14 to %scan3A_16 step %scan3A_17  : i32 {
      %mul3A_22 = arith.constant 80 : i32
      %mul3A_23 = arith.muli %scan3A_21, %mul3A_22 : i32
      %add3A_24 = arith.constant 0 : i32
      %add3A_25 = arith.addi %mul3A_23, %add3A_24 : i32
      %get3A = arith.index_cast %add3A_25 : i32 to index
      %get3A_26 = tpu.vector_load %arg4[%get3A] {strides = array<i32>} : memref<10000xi32, #tpu.memory_space<vmem>>, vector<16xi32>,
      tpu.vector_store_idx %arg5[%get3A_26], %broadcast_in_dim3A_12 {add = true} : memref<10000xf32, #tpu.memory_space<vmem>>[vector<16xi32>], vector<16xf32>,
      %mul3A_27 = arith.constant 80 : i32
      %mul3A_28 = arith.muli %scan3A_21, %mul3A_27 : i32
      %add3A_29 = arith.constant 16 : i32
      %add3A_30 = arith.addi %mul3A_28, %add3A_29 : i32
      %get3A_31 = arith.index_cast %add3A_30 : i32 to index
      %get3A_32 = tpu.vector_load %arg4[%get3A_31] {strides = array<i32>} : memref<10000xi32, #tpu.memory_space<vmem>>, vector<16xi32>,
      tpu.vector_store_idx %arg5[%get3A_32], %broadcast_in_dim3A_12 {add = true} : memref<10000xf32, #tpu.memory_space<vmem>>[vector<16xi32>], vector<16xf32>,
      %mul3A_33 = arith.constant 80 : i32
      %mul3A_34 = arith.muli %scan3A_21, %mul3A_33 : i32
      %add3A_35 = arith.constant 32 : i32
      %add3A_36 = arith.addi %mul3A_34, %add3A_35 : i32
      %get3A_37 = arith.index_cast %add3A_36 : i32 to index
      %get3A_38 = tpu.vector_load %arg4[%get3A_37] {strides = array<i32>} : memref<10000xi32, #tpu.memory_space<vmem>>, vector<16xi32>,
      tpu.vector_store_idx %arg5[%get3A_38], %broadcast_in_dim3A_12 {add = true} : memref<10000xf32, #tpu.memory_space<vmem>>[vector<16xi32>], vector<16xf32>,
      %mul3A_39 = arith.constant 80 : i32
      %mul3A_40 = arith.muli %scan3A_21, %mul3A_39 : i32
      %add3A_41 = arith.constant 48 : i32
      %add3A_42 = arith.addi %mul3A_40, %add3A_41 : i32
      %get3A_43 = arith.index_cast %add3A_42 : i32 to index
      %get3A_44 = tpu.vector_load %arg4[%get3A_43] {strides = array<i32>} : memref<10000xi32, #tpu.memory_space<vmem>>, vector<16xi32>,
      tpu.vector_store_idx %arg5[%get3A_44], %broadcast_in_dim3A_12 {add = true} : memref<10000xf32, #tpu.memory_space<vmem>>[vector<16xi32>], vector<16xf32>,
      %mul3A_45 = arith.constant 80 : i32
      %mul3A_46 = arith.muli %scan3A_21, %mul3A_45 : i32
      %add3A_47 = arith.constant 64 : i32
      %add3A_48 = arith.addi %mul3A_46, %add3A_47 : i32
      %get3A_49 = arith.index_cast %add3A_48 : i32 to index
      %get3A_50 = tpu.vector_load %arg4[%get3A_49] {strides = array<i32>} : memref<10000xi32, #tpu.memory_space<vmem>>, vector<16xi32>,
      tpu.vector_store_idx %arg5[%get3A_50], %broadcast_in_dim3A_12 {add = true} : memref<10000xf32, #tpu.memory_space<vmem>>[vector<16xi32>], vector<16xf32>,
    }
    %scan3A_18 = arith.constant 125 : i32
    %mul3A_19 = arith.constant 10000 : i32
    %mul3A_20 = arith.muli %add3A, %mul3A_19 : i32
    "tpu.region"() ({
      %run_scoped3A = tpu.sem_alloc : memref<!tpu.dma_semaphore, #tpu.memory_space<semaphore_mem>>
      %dma_start3A = tpu.memref_slice %arg3[%mul3A_20] : memref<320000xf32, #tpu.memory_space<hbm>> -> memref<10000xf32, #tpu.memory_space<hbm>>
      %dma_start3A_21 = tpu.memref_slice %arg3[%mul3A_20] : memref<320000xf32, #tpu.memory_space<hbm>> -> memref<10000xf32, #tpu.memory_space<hbm>>
      tpu.enqueue_dma source(%arg5 : memref<10000xf32, #tpu.memory_space<vmem>>) target(%dma_start3A_21 : memref<10000xf32, #tpu.memory_space<hbm>>) target_semaphore(%run_scoped3A : memref<!tpu.dma_semaphore, #tpu.memory_space<semaphore_mem>>)
      %dma_wait3A = tpu.memref_slice %arg3[%mul3A_20] : memref<320000xf32, #tpu.memory_space<hbm>> -> memref<10000xf32, #tpu.memory_space<hbm>>
      %dma_wait3A_22 = tpu.memref_slice %arg3[%mul3A_20] : memref<320000xf32, #tpu.memory_space<hbm>> -> memref<10000xf32, #tpu.memory_space<hbm>>
      tpu.wait_dma2 semaphore(%run_scoped3A : memref<!tpu.dma_semaphore, #tpu.memory_space<semaphore_mem>>) src(%arg5 : memref<10000xf32, #tpu.memory_space<vmem>>) dst(%dma_wait3A_22 : memref<10000xf32, #tpu.memory_space<hbm>>)
      tpu.yield
    }) : () -> ()
    return
  }
}

#map = affine_map<(d0, d1) -> (0, 0)>
#map1 = affine_map<(d0, d1) -> (0)>
#map2 = affine_map<(d0, d1) -> (0, 0, 0)>
module attributes {stable_mosaic.version = 14 : i64} {
  func.func @_scatter(%arg0: i32, %arg1: i32, %arg2: memref<10000x128xf32, #tpu.memory_space<hbm>>, %arg3: memref<640000xi32, #tpu.memory_space<hbm>>, %arg4: memref<2x10000x128xf32, #tpu.memory_space<hbm>>, %arg5: memref<4x80xi32, #tpu.memory_space<vmem>>, %arg6: memref<4x80xi32, #tpu.memory_space<vmem>>, %arg7: memref<4x80x128xf32, #tpu.memory_space<vmem>>, %arg8: memref<10000x128xf32, #tpu.memory_space<vmem_shared>>, %arg9: memref<!tpu.dma_semaphore, #tpu.memory_space<semaphore_mem>>, %arg10: memref<!tpu.dma_semaphore, #tpu.memory_space<semaphore_mem>>, %arg11: memref<!tpu.dma_semaphore, #tpu.memory_space<semaphore_mem>>, %arg12: memref<!tpu.dma_semaphore, #tpu.memory_space<semaphore_mem>>, %arg13: memref<!tpu.dma_semaphore, #tpu.memory_space<semaphore_mem>>, %arg14: memref<!tpu.dma_semaphore, #tpu.memory_space<semaphore_mem>>, %arg15: memref<!tpu.dma_semaphore, #tpu.memory_space<semaphore_mem>>, %arg16: memref<!tpu.dma_semaphore, #tpu.memory_space<semaphore_mem>>, %arg17: memref<!tpu.dma_semaphore, #tpu.memory_space<semaphore_mem>>, %arg18: memref<!tpu.dma_semaphore, #tpu.memory_space<semaphore_mem>>, %arg19: memref<!tpu.dma_semaphore, #tpu.memory_space<semaphore_mem>>, %arg20: memref<!tpu.dma_semaphore, #tpu.memory_space<semaphore_mem>>) attributes {dimension_semantics = [#tpu.dimension_semantics<core_parallel>, #tpu.dimension_semantics<subcore_parallel>], iteration_bounds = array<i64: 2, 16>, scalar_prefetch = 0 : i64, scratch_operands = 16 : i64, tpu.core_type = #tpu.core_type<sc_vector_subcore>, window_params = [{transform_indices = #map}, {transform_indices = #map1}, {transform_indices = #map2}]} {
    %mul3A = arith.constant 624 : i32
    %mul3A_0 = arith.muli %arg1, %mul3A : i32
    %mul3A_1 = arith.constant 160000 : i32
    %mul3A_2 = arith.muli %arg0, %mul3A_1 : i32
    %mul3A_3 = arith.constant 10000 : i32
    %mul3A_4 = arith.muli %arg1, %mul3A_3 : i32
    %add3A = arith.addi %mul3A_2, %mul3A_4 : i32
    %add3A_5 = arith.constant 320000 : i32
    %add3A_6 = arith.addi %add3A_5, %add3A : i32
    "tpu.region"() ({
      %run_scoped3A = tpu.sem_alloc : memref<!tpu.dma_semaphore, #tpu.memory_space<semaphore_mem>>
      %dma_start3A_194 = arith.constant 0 : i32
      %dma_start3A_195 = tpu.memref_slice %arg8[%mul3A_0, %dma_start3A_194] : memref<10000x128xf32, #tpu.memory_space<vmem_shared>> -> memref<624x128xf32, #tpu.memory_space<vmem_shared>>
      %dma_start3A_196 = arith.constant 0 : i32
      %dma_start3A_197 = tpu.memref_slice %arg2[%mul3A_0, %dma_start3A_196] : memref<10000x128xf32, #tpu.memory_space<hbm>> -> memref<624x128xf32, #tpu.memory_space<hbm>>
      tpu.enqueue_dma source(%dma_start3A_197 : memref<624x128xf32, #tpu.memory_space<hbm>>) target(%dma_start3A_195 : memref<624x128xf32, #tpu.memory_space<vmem_shared>>) target_semaphore(%run_scoped3A : memref<!tpu.dma_semaphore, #tpu.memory_space<semaphore_mem>>)
      %dma_wait3A_198 = arith.constant 0 : i32
      %dma_wait3A_199 = tpu.memref_slice %arg8[%mul3A_0, %dma_wait3A_198] : memref<10000x128xf32, #tpu.memory_space<vmem_shared>> -> memref<624x128xf32, #tpu.memory_space<vmem_shared>>
      %dma_wait3A_200 = arith.constant 0 : i32
      %dma_wait3A_201 = tpu.memref_slice %arg2[%mul3A_0, %dma_wait3A_200] : memref<10000x128xf32, #tpu.memory_space<hbm>> -> memref<624x128xf32, #tpu.memory_space<hbm>>
      tpu.wait_dma2 semaphore(%run_scoped3A : memref<!tpu.dma_semaphore, #tpu.memory_space<semaphore_mem>>) src(%dma_wait3A_201 : memref<624x128xf32, #tpu.memory_space<hbm>>) dst(%dma_wait3A_199 : memref<624x128xf32, #tpu.memory_space<vmem_shared>>)
      tpu.yield
    }) : () -> ()
    %eq3A = arith.constant 15 : i32
    %eq3A_7 = arith.cmpi eq, %arg1, %eq3A : i32
    %convert_element_type3A = arith.extui %eq3A_7 : i1 to i32
    %cond3A = arith.constant 0 : i32
    %cond3A_8 = arith.cmpi ne, %convert_element_type3A, %cond3A : i32
    scf.if %cond3A_8 {
      "tpu.region"() ({
        %run_scoped3A = tpu.sem_alloc : memref<!tpu.dma_semaphore, #tpu.memory_space<semaphore_mem>>
        %dma_start3A_194 = arith.constant 9984 : i32
        %dma_start3A_195 = arith.constant 0 : i32
        %dma_start3A_196 = tpu.memref_slice %arg8[%dma_start3A_194, %dma_start3A_195] : memref<10000x128xf32, #tpu.memory_space<vmem_shared>> -> memref<16x128xf32, #tpu.memory_space<vmem_shared>>
        %dma_start3A_197 = arith.constant 9984 : i32
        %dma_start3A_198 = arith.constant 0 : i32
        %dma_start3A_199 = tpu.memref_slice %arg2[%dma_start3A_197, %dma_start3A_198] : memref<10000x128xf32, #tpu.memory_space<hbm>> -> memref<16x128xf32, #tpu.memory_space<hbm>>
        tpu.enqueue_dma source(%dma_start3A_199 : memref<16x128xf32, #tpu.memory_space<hbm>>) target(%dma_start3A_196 : memref<16x128xf32, #tpu.memory_space<vmem_shared>>) target_semaphore(%run_scoped3A : memref<!tpu.dma_semaphore, #tpu.memory_space<semaphore_mem>>)
        %dma_wait3A_200 = arith.constant 9984 : i32
        %dma_wait3A_201 = arith.constant 0 : i32
        %dma_wait3A_202 = tpu.memref_slice %arg8[%dma_wait3A_200, %dma_wait3A_201] : memref<10000x128xf32, #tpu.memory_space<vmem_shared>> -> memref<16x128xf32, #tpu.memory_space<vmem_shared>>
        %dma_wait3A_203 = arith.constant 9984 : i32
        %dma_wait3A_204 = arith.constant 0 : i32
        %dma_wait3A_205 = tpu.memref_slice %arg2[%dma_wait3A_203, %dma_wait3A_204] : memref<10000x128xf32, #tpu.memory_space<hbm>> -> memref<16x128xf32, #tpu.memory_space<hbm>>
        tpu.wait_dma2 semaphore(%run_scoped3A : memref<!tpu.dma_semaphore, #tpu.memory_space<semaphore_mem>>) src(%dma_wait3A_205 : memref<16x128xf32, #tpu.memory_space<hbm>>) dst(%dma_wait3A_202 : memref<16x128xf32, #tpu.memory_space<vmem_shared>>)
        tpu.yield
      }) : () -> ()
    } else {
    }
    %barrier3A = arith.constant 0 : index
    tpu.barrier barrier_id(%barrier3A)
    %add3A_9 = arith.constant 0 : i32
    %add3A_10 = arith.addi %add3A, %add3A_9 : i32
    %dma_start3A = arith.constant 0 : i32
    %dma_start3A_11 = arith.constant 0 : i32
    %dma_start3A_12 = tpu.memref_slice %arg5[%dma_start3A, %dma_start3A_11] : memref<4x80xi32, #tpu.memory_space<vmem>> -> memref<1x80xi32, #tpu.memory_space<vmem>>
    %dma_start3A_13 = tpu.memref_squeeze %dma_start3A_12 : memref<1x80xi32, #tpu.memory_space<vmem>> -> memref<80xi32, #tpu.memory_space<vmem>>
    %dma_start3A_14 = tpu.memref_slice %arg3[%add3A_10] : memref<640000xi32, #tpu.memory_space<hbm>> -> memref<80xi32, #tpu.memory_space<hbm>>
    %dma_start3A_15 = arith.constant 0 : i32
    %dma_start3A_16 = tpu.memref_slice %arg5[%dma_start3A, %dma_start3A_15] : memref<4x80xi32, #tpu.memory_space<vmem>> -> memref<1x80xi32, #tpu.memory_space<vmem>>
    %dma_start3A_17 = tpu.memref_squeeze %dma_start3A_16 : memref<1x80xi32, #tpu.memory_space<vmem>> -> memref<80xi32, #tpu.memory_space<vmem>>
    %dma_start3A_18 = tpu.memref_slice %arg3[%add3A_10] : memref<640000xi32, #tpu.memory_space<hbm>> -> memref<80xi32, #tpu.memory_space<hbm>>
    tpu.enqueue_dma source(%dma_start3A_18 : memref<80xi32, #tpu.memory_space<hbm>>) target(%dma_start3A_17 : memref<80xi32, #tpu.memory_space<vmem>>) target_semaphore(%arg9 : memref<!tpu.dma_semaphore, #tpu.memory_space<semaphore_mem>>)
    %add3A_19 = arith.constant 0 : i32
    %add3A_20 = arith.addi %add3A_6, %add3A_19 : i32
    %dma_start3A_21 = arith.constant 0 : i32
    %dma_start3A_22 = arith.constant 0 : i32
    %dma_start3A_23 = tpu.memref_slice %arg6[%dma_start3A_21, %dma_start3A_22] : memref<4x80xi32, #tpu.memory_space<vmem>> -> memref<1x80xi32, #tpu.memory_space<vmem>>
    %dma_start3A_24 = tpu.memref_squeeze %dma_start3A_23 : memref<1x80xi32, #tpu.memory_space<vmem>> -> memref<80xi32, #tpu.memory_space<vmem>>
    %dma_start3A_25 = tpu.memref_slice %arg3[%add3A_20] : memref<640000xi32, #tpu.memory_space<hbm>> -> memref<80xi32, #tpu.memory_space<hbm>>
    %dma_start3A_26 = arith.constant 0 : i32
    %dma_start3A_27 = tpu.memref_slice %arg6[%dma_start3A_21, %dma_start3A_26] : memref<4x80xi32, #tpu.memory_space<vmem>> -> memref<1x80xi32, #tpu.memory_space<vmem>>
    %dma_start3A_28 = tpu.memref_squeeze %dma_start3A_27 : memref<1x80xi32, #tpu.memory_space<vmem>> -> memref<80xi32, #tpu.memory_space<vmem>>
    %dma_start3A_29 = tpu.memref_slice %arg3[%add3A_20] : memref<640000xi32, #tpu.memory_space<hbm>> -> memref<80xi32, #tpu.memory_space<hbm>>
    tpu.enqueue_dma source(%dma_start3A_29 : memref<80xi32, #tpu.memory_space<hbm>>) target(%dma_start3A_28 : memref<80xi32, #tpu.memory_space<vmem>>) target_semaphore(%arg9 : memref<!tpu.dma_semaphore, #tpu.memory_space<semaphore_mem>>)
    %scan3A = arith.constant 0 : i32
    %scan3A_30 = arith.constant 0 : i32
    %scan3A_31 = arith.constant 31 : i32
    %scan3A_32 = arith.addi %scan3A_30, %scan3A_31 : i32
    %scan3A_33 = arith.constant 1 : i32
    scf.for %scan3A_194 = %scan3A_30 to %scan3A_32 step %scan3A_33  : i32 {
      %mul3A_195 = arith.constant 4 : i32
      %mul3A_196 = arith.muli %scan3A_194, %mul3A_195 : i32
      %add3A_197 = arith.constant 0 : i32
      %add3A_198 = arith.addi %mul3A_196, %add3A_197 : i32
      %mul3A_199 = arith.constant 80 : i32
      %mul3A_200 = arith.muli %add3A_198, %mul3A_199 : i32
      %add3A_201 = arith.addi %add3A, %mul3A_200 : i32
      %dma_wait3A_202 = arith.constant 0 : i32
      %dma_wait3A_203 = arith.constant 0 : i32
      %dma_wait3A_204 = tpu.memref_slice %arg5[%dma_wait3A_202, %dma_wait3A_203] : memref<4x80xi32, #tpu.memory_space<vmem>> -> memref<1x80xi32, #tpu.memory_space<vmem>>
      %dma_wait3A_205 = tpu.memref_squeeze %dma_wait3A_204 : memref<1x80xi32, #tpu.memory_space<vmem>> -> memref<80xi32, #tpu.memory_space<vmem>>
      %dma_wait3A_206 = tpu.memref_slice %arg3[%add3A_201] : memref<640000xi32, #tpu.memory_space<hbm>> -> memref<80xi32, #tpu.memory_space<hbm>>
      %dma_wait3A_207 = arith.constant 0 : i32
      %dma_wait3A_208 = tpu.memref_slice %arg5[%dma_wait3A_202, %dma_wait3A_207] : memref<4x80xi32, #tpu.memory_space<vmem>> -> memref<1x80xi32, #tpu.memory_space<vmem>>
      %dma_wait3A_209 = tpu.memref_squeeze %dma_wait3A_208 : memref<1x80xi32, #tpu.memory_space<vmem>> -> memref<80xi32, #tpu.memory_space<vmem>>
      %dma_wait3A_210 = tpu.memref_slice %arg3[%add3A_201] : memref<640000xi32, #tpu.memory_space<hbm>> -> memref<80xi32, #tpu.memory_space<hbm>>
      tpu.wait_dma2 semaphore(%arg9 : memref<!tpu.dma_semaphore, #tpu.memory_space<semaphore_mem>>) src(%dma_wait3A_210 : memref<80xi32, #tpu.memory_space<hbm>>) dst(%dma_wait3A_209 : memref<80xi32, #tpu.memory_space<vmem>>)
      %mul3A_211 = arith.constant 80 : i32
      %mul3A_212 = arith.muli %add3A_198, %mul3A_211 : i32
      %add3A_213 = arith.addi %add3A_6, %mul3A_212 : i32
      %dma_wait3A_214 = arith.constant 0 : i32
      %dma_wait3A_215 = arith.constant 0 : i32
      %dma_wait3A_216 = tpu.memref_slice %arg6[%dma_wait3A_214, %dma_wait3A_215] : memref<4x80xi32, #tpu.memory_space<vmem>> -> memref<1x80xi32, #tpu.memory_space<vmem>>
      %dma_wait3A_217 = tpu.memref_squeeze %dma_wait3A_216 : memref<1x80xi32, #tpu.memory_space<vmem>> -> memref<80xi32, #tpu.memory_space<vmem>>
      %dma_wait3A_218 = tpu.memref_slice %arg3[%add3A_213] : memref<640000xi32, #tpu.memory_space<hbm>> -> memref<80xi32, #tpu.memory_space<hbm>>
      %dma_wait3A_219 = arith.constant 0 : i32
      %dma_wait3A_220 = tpu.memref_slice %arg6[%dma_wait3A_214, %dma_wait3A_219] : memref<4x80xi32, #tpu.memory_space<vmem>> -> memref<1x80xi32, #tpu.memory_space<vmem>>
      %dma_wait3A_221 = tpu.memref_squeeze %dma_wait3A_220 : memref<1x80xi32, #tpu.memory_space<vmem>> -> memref<80xi32, #tpu.memory_space<vmem>>
      %dma_wait3A_222 = tpu.memref_slice %arg3[%add3A_213] : memref<640000xi32, #tpu.memory_space<hbm>> -> memref<80xi32, #tpu.memory_space<hbm>>
      tpu.wait_dma2 semaphore(%arg9 : memref<!tpu.dma_semaphore, #tpu.memory_space<semaphore_mem>>) src(%dma_wait3A_222 : memref<80xi32, #tpu.memory_space<hbm>>) dst(%dma_wait3A_221 : memref<80xi32, #tpu.memory_space<vmem>>)
      %dma_start3A_223 = arith.constant 0 : i32
      %dma_start3A_224 = arith.constant 0 : i32
      %dma_start3A_225 = arith.constant 0 : i32
      %dma_start3A_226 = arith.constant 0 : i32
      %dma_start3A_227 = tpu.memref_slice %arg7[%dma_start3A_224, %dma_start3A_225, %dma_start3A_226] : memref<4x80x128xf32, #tpu.memory_space<vmem>> -> memref<1x80x128xf32, #tpu.memory_space<vmem>>
      %dma_start3A_228 = tpu.memref_squeeze %dma_start3A_227 : memref<1x80x128xf32, #tpu.memory_space<vmem>> -> memref<80x128xf32, #tpu.memory_space<vmem>>
      %dma_start3A_229 = arith.constant 0 : i32
      %dma_start3A_230 = tpu.memref_slice %arg5[%dma_start3A_223, %dma_start3A_229] : memref<4x80xi32, #tpu.memory_space<vmem>> -> memref<1x80xi32, #tpu.memory_space<vmem>>
      %dma_start3A_231 = tpu.memref_squeeze %dma_start3A_230 : memref<1x80xi32, #tpu.memory_space<vmem>> -> memref<80xi32, #tpu.memory_space<vmem>>
      %dma_start3A_232 = arith.constant 0 : i32
      %dma_start3A_233 = arith.constant 0 : i32
      %dma_start3A_234 = tpu.memref_slice %arg2[%dma_start3A_232, %dma_start3A_233] : memref<10000x128xf32, #tpu.memory_space<hbm>> -> memref<10000x128xf32, #tpu.memory_space<hbm>>
      tpu.enqueue_indirect_dma source(%dma_start3A_234 : memref<10000x128xf32, #tpu.memory_space<hbm>>) target(%dma_start3A_228 : memref<80x128xf32, #tpu.memory_space<vmem>>) offsets(%dma_start3A_231 : memref<80xi32, #tpu.memory_space<vmem>>) semaphore(%arg13 : memref<!tpu.dma_semaphore, #tpu.memory_space<semaphore_mem>>)
      %ge3A = arith.constant 3 : i32
      %ge3A_235 = arith.cmpi sge, %add3A_198, %ge3A : i32
      %convert_element_type3A_236 = arith.extui %ge3A_235 : i1 to i32
      %cond3A_237 = arith.constant 0 : i32
      %cond3A_238 = arith.cmpi ne, %convert_element_type3A_236, %cond3A_237 : i32
      scf.if %cond3A_238 {
        %dma_wait3A_421 = arith.constant 1 : i32
        %dma_wait3A_422 = arith.constant 1 : i32
        %dma_wait3A_423 = arith.constant 0 : i32
        %dma_wait3A_424 = arith.constant 0 : i32
        %dma_wait3A_425 = tpu.memref_slice %arg7[%dma_wait3A_421, %dma_wait3A_423, %dma_wait3A_424] : memref<4x80x128xf32, #tpu.memory_space<vmem>> -> memref<1x80x128xf32, #tpu.memory_space<vmem>>
        %dma_wait3A_426 = tpu.memref_squeeze %dma_wait3A_425 : memref<1x80x128xf32, #tpu.memory_space<vmem>> -> memref<80x128xf32, #tpu.memory_space<vmem>>
        %dma_wait3A_427 = arith.constant 0 : i32
        %dma_wait3A_428 = tpu.memref_slice %arg6[%dma_wait3A_422, %dma_wait3A_427] : memref<4x80xi32, #tpu.memory_space<vmem>> -> memref<1x80xi32, #tpu.memory_space<vmem>>
        %dma_wait3A_429 = tpu.memref_squeeze %dma_wait3A_428 : memref<1x80xi32, #tpu.memory_space<vmem>> -> memref<80xi32, #tpu.memory_space<vmem>>
        %dma_wait3A_430 = arith.constant 0 : i32
        %dma_wait3A_431 = arith.constant 0 : i32
        %dma_wait3A_432 = tpu.memref_slice %arg8[%dma_wait3A_430, %dma_wait3A_431] : memref<10000x128xf32, #tpu.memory_space<vmem_shared>> -> memref<10000x128xf32, #tpu.memory_space<vmem_shared>>
        tpu.wait_indirect_dma semaphore(%arg18 : memref<!tpu.dma_semaphore, #tpu.memory_space<semaphore_mem>>) src(%dma_wait3A_426 : memref<80x128xf32, #tpu.memory_space<vmem>>) dst(%dma_wait3A_432 : memref<10000x128xf32, #tpu.memory_space<vmem_shared>>)
      } else {
      }
      %add3A_239 = arith.constant 1 : i32
      %add3A_240 = arith.addi %add3A_198, %add3A_239 : i32
      %lt3A = arith.constant 125 : i32
      %lt3A_241 = arith.cmpi slt, %add3A_240, %lt3A : i32
      %convert_element_type3A_242 = arith.extui %lt3A_241 : i1 to i32
      %cond3A_243 = arith.constant 0 : i32
      %cond3A_244 = arith.cmpi ne, %convert_element_type3A_242, %cond3A_243 : i32
      scf.if %cond3A_244 {
        %add3A_421 = arith.constant 1 : i32
        %add3A_422 = arith.addi %add3A_198, %add3A_421 : i32
        %mul3A_423 = arith.constant 80 : i32
        %mul3A_424 = arith.muli %add3A_422, %mul3A_423 : i32
        %add3A_425 = arith.addi %add3A, %mul3A_424 : i32
        %dma_start3A_426 = arith.constant 1 : i32
        %dma_start3A_427 = arith.constant 0 : i32
        %dma_start3A_428 = tpu.memref_slice %arg5[%dma_start3A_426, %dma_start3A_427] : memref<4x80xi32, #tpu.memory_space<vmem>> -> memref<1x80xi32, #tpu.memory_space<vmem>>
        %dma_start3A_429 = tpu.memref_squeeze %dma_start3A_428 : memref<1x80xi32, #tpu.memory_space<vmem>> -> memref<80xi32, #tpu.memory_space<vmem>>
        %dma_start3A_430 = tpu.memref_slice %arg3[%add3A_425] : memref<640000xi32, #tpu.memory_space<hbm>> -> memref<80xi32, #tpu.memory_space<hbm>>
        %dma_start3A_431 = arith.constant 0 : i32
        %dma_start3A_432 = tpu.memref_slice %arg5[%dma_start3A_426, %dma_start3A_431] : memref<4x80xi32, #tpu.memory_space<vmem>> -> memref<1x80xi32, #tpu.memory_space<vmem>>
        %dma_start3A_433 = tpu.memref_squeeze %dma_start3A_432 : memref<1x80xi32, #tpu.memory_space<vmem>> -> memref<80xi32, #tpu.memory_space<vmem>>
        %dma_start3A_434 = tpu.memref_slice %arg3[%add3A_425] : memref<640000xi32, #tpu.memory_space<hbm>> -> memref<80xi32, #tpu.memory_space<hbm>>
        tpu.enqueue_dma source(%dma_start3A_434 : memref<80xi32, #tpu.memory_space<hbm>>) target(%dma_start3A_433 : memref<80xi32, #tpu.memory_space<vmem>>) target_semaphore(%arg10 : memref<!tpu.dma_semaphore, #tpu.memory_space<semaphore_mem>>)
        %mul3A_435 = arith.constant 80 : i32
        %mul3A_436 = arith.muli %add3A_422, %mul3A_435 : i32
        %add3A_437 = arith.addi %add3A_6, %mul3A_436 : i32
        %dma_start3A_438 = arith.constant 1 : i32
        %dma_start3A_439 = arith.constant 0 : i32
        %dma_start3A_440 = tpu.memref_slice %arg6[%dma_start3A_438, %dma_start3A_439] : memref<4x80xi32, #tpu.memory_space<vmem>> -> memref<1x80xi32, #tpu.memory_space<vmem>>
        %dma_start3A_441 = tpu.memref_squeeze %dma_start3A_440 : memref<1x80xi32, #tpu.memory_space<vmem>> -> memref<80xi32, #tpu.memory_space<vmem>>
        %dma_start3A_442 = tpu.memref_slice %arg3[%add3A_437] : memref<640000xi32, #tpu.memory_space<hbm>> -> memref<80xi32, #tpu.memory_space<hbm>>
        %dma_start3A_443 = arith.constant 0 : i32
        %dma_start3A_444 = tpu.memref_slice %arg6[%dma_start3A_438, %dma_start3A_443] : memref<4x80xi32, #tpu.memory_space<vmem>> -> memref<1x80xi32, #tpu.memory_space<vmem>>
        %dma_start3A_445 = tpu.memref_squeeze %dma_start3A_444 : memref<1x80xi32, #tpu.memory_space<vmem>> -> memref<80xi32, #tpu.memory_space<vmem>>
        %dma_start3A_446 = tpu.memref_slice %arg3[%add3A_437] : memref<640000xi32, #tpu.memory_space<hbm>> -> memref<80xi32, #tpu.memory_space<hbm>>
        tpu.enqueue_dma source(%dma_start3A_446 : memref<80xi32, #tpu.memory_space<hbm>>) target(%dma_start3A_445 : memref<80xi32, #tpu.memory_space<vmem>>) target_semaphore(%arg10 : memref<!tpu.dma_semaphore, #tpu.memory_space<semaphore_mem>>)
      } else {
      }
      %ge3A_245 = arith.constant 2 : i32
      %ge3A_246 = arith.cmpi sge, %add3A_198, %ge3A_245 : i32
      %convert_element_type3A_247 = arith.extui %ge3A_246 : i1 to i32
      %cond3A_248 = arith.constant 0 : i32
      %cond3A_249 = arith.cmpi ne, %convert_element_type3A_247, %cond3A_248 : i32
      scf.if %cond3A_249 {
        %dma_wait3A_421 = arith.constant 2 : i32
        %dma_wait3A_422 = arith.constant 2 : i32
        %dma_wait3A_423 = arith.constant 0 : i32
        %dma_wait3A_424 = arith.constant 0 : i32
        %dma_wait3A_425 = tpu.memref_slice %arg7[%dma_wait3A_422, %dma_wait3A_423, %dma_wait3A_424] : memref<4x80x128xf32, #tpu.memory_space<vmem>> -> memref<1x80x128xf32, #tpu.memory_space<vmem>>
        %dma_wait3A_426 = tpu.memref_squeeze %dma_wait3A_425 : memref<1x80x128xf32, #tpu.memory_space<vmem>> -> memref<80x128xf32, #tpu.memory_space<vmem>>
        %dma_wait3A_427 = arith.constant 0 : i32
        %dma_wait3A_428 = tpu.memref_slice %arg5[%dma_wait3A_421, %dma_wait3A_427] : memref<4x80xi32, #tpu.memory_space<vmem>> -> memref<1x80xi32, #tpu.memory_space<vmem>>
        %dma_wait3A_429 = tpu.memref_squeeze %dma_wait3A_428 : memref<1x80xi32, #tpu.memory_space<vmem>> -> memref<80xi32, #tpu.memory_space<vmem>>
        %dma_wait3A_430 = arith.constant 0 : i32
        %dma_wait3A_431 = arith.constant 0 : i32
        %dma_wait3A_432 = tpu.memref_slice %arg2[%dma_wait3A_430, %dma_wait3A_431] : memref<10000x128xf32, #tpu.memory_space<hbm>> -> memref<10000x128xf32, #tpu.memory_space<hbm>>
        tpu.wait_indirect_dma semaphore(%arg15 : memref<!tpu.dma_semaphore, #tpu.memory_space<semaphore_mem>>) src(%dma_wait3A_432 : memref<10000x128xf32, #tpu.memory_space<hbm>>) dst(%dma_wait3A_426 : memref<80x128xf32, #tpu.memory_space<vmem>>)
        %dma_start3A_433 = arith.constant 2 : i32
        %dma_start3A_434 = arith.constant 2 : i32
        %dma_start3A_435 = arith.constant 0 : i32
        %dma_start3A_436 = arith.constant 0 : i32
        %dma_start3A_437 = tpu.memref_slice %arg7[%dma_start3A_433, %dma_start3A_435, %dma_start3A_436] : memref<4x80x128xf32, #tpu.memory_space<vmem>> -> memref<1x80x128xf32, #tpu.memory_space<vmem>>
        %dma_start3A_438 = tpu.memref_squeeze %dma_start3A_437 : memref<1x80x128xf32, #tpu.memory_space<vmem>> -> memref<80x128xf32, #tpu.memory_space<vmem>>
        %dma_start3A_439 = arith.constant 0 : i32
        %dma_start3A_440 = tpu.memref_slice %arg6[%dma_start3A_434, %dma_start3A_439] : memref<4x80xi32, #tpu.memory_space<vmem>> -> memref<1x80xi32, #tpu.memory_space<vmem>>
        %dma_start3A_441 = tpu.memref_squeeze %dma_start3A_440 : memref<1x80xi32, #tpu.memory_space<vmem>> -> memref<80xi32, #tpu.memory_space<vmem>>
        %dma_start3A_442 = arith.constant 0 : i32
        %dma_start3A_443 = arith.constant 0 : i32
        %dma_start3A_444 = tpu.memref_slice %arg8[%dma_start3A_442, %dma_start3A_443] : memref<10000x128xf32, #tpu.memory_space<vmem_shared>> -> memref<10000x128xf32, #tpu.memory_space<vmem_shared>>
        tpu.enqueue_indirect_dma source(%dma_start3A_438 : memref<80x128xf32, #tpu.memory_space<vmem>>) target(%dma_start3A_444 : memref<10000x128xf32, #tpu.memory_space<vmem_shared>>) offsets(%dma_start3A_441 : memref<80xi32, #tpu.memory_space<vmem>>) semaphore(%arg19 : memref<!tpu.dma_semaphore, #tpu.memory_space<semaphore_mem>>) {add = true}
      } else {
      }
      %mul3A_250 = arith.constant 4 : i32
      %mul3A_251 = arith.muli %scan3A_194, %mul3A_250 : i32
      %add3A_252 = arith.constant 1 : i32
      %add3A_253 = arith.addi %mul3A_251, %add3A_252 : i32
      %mul3A_254 = arith.constant 80 : i32
      %mul3A_255 = arith.muli %add3A_253, %mul3A_254 : i32
      %add3A_256 = arith.addi %add3A, %mul3A_255 : i32
      %dma_wait3A_257 = arith.constant 1 : i32
      %dma_wait3A_258 = arith.constant 0 : i32
      %dma_wait3A_259 = tpu.memref_slice %arg5[%dma_wait3A_257, %dma_wait3A_258] : memref<4x80xi32, #tpu.memory_space<vmem>> -> memref<1x80xi32, #tpu.memory_space<vmem>>
      %dma_wait3A_260 = tpu.memref_squeeze %dma_wait3A_259 : memref<1x80xi32, #tpu.memory_space<vmem>> -> memref<80xi32, #tpu.memory_space<vmem>>
      %dma_wait3A_261 = tpu.memref_slice %arg3[%add3A_256] : memref<640000xi32, #tpu.memory_space<hbm>> -> memref<80xi32, #tpu.memory_space<hbm>>
      %dma_wait3A_262 = arith.constant 0 : i32
      %dma_wait3A_263 = tpu.memref_slice %arg5[%dma_wait3A_257, %dma_wait3A_262] : memref<4x80xi32, #tpu.memory_space<vmem>> -> memref<1x80xi32, #tpu.memory_space<vmem>>
      %dma_wait3A_264 = tpu.memref_squeeze %dma_wait3A_263 : memref<1x80xi32, #tpu.memory_space<vmem>> -> memref<80xi32, #tpu.memory_space<vmem>>
      %dma_wait3A_265 = tpu.memref_slice %arg3[%add3A_256] : memref<640000xi32, #tpu.memory_space<hbm>> -> memref<80xi32, #tpu.memory_space<hbm>>
      tpu.wait_dma2 semaphore(%arg10 : memref<!tpu.dma_semaphore, #tpu.memory_space<semaphore_mem>>) src(%dma_wait3A_265 : memref<80xi32, #tpu.memory_space<hbm>>) dst(%dma_wait3A_264 : memref<80xi32, #tpu.memory_space<vmem>>)
      %mul3A_266 = arith.constant 80 : i32
      %mul3A_267 = arith.muli %add3A_253, %mul3A_266 : i32
      %add3A_268 = arith.addi %add3A_6, %mul3A_267 : i32
      %dma_wait3A_269 = arith.constant 1 : i32
      %dma_wait3A_270 = arith.constant 0 : i32
      %dma_wait3A_271 = tpu.memref_slice %arg6[%dma_wait3A_269, %dma_wait3A_270] : memref<4x80xi32, #tpu.memory_space<vmem>> -> memref<1x80xi32, #tpu.memory_space<vmem>>
      %dma_wait3A_272 = tpu.memref_squeeze %dma_wait3A_271 : memref<1x80xi32, #tpu.memory_space<vmem>> -> memref<80xi32, #tpu.memory_space<vmem>>
      %dma_wait3A_273 = tpu.memref_slice %arg3[%add3A_268] : memref<640000xi32, #tpu.memory_space<hbm>> -> memref<80xi32, #tpu.memory_space<hbm>>
      %dma_wait3A_274 = arith.constant 0 : i32
      %dma_wait3A_275 = tpu.memref_slice %arg6[%dma_wait3A_269, %dma_wait3A_274] : memref<4x80xi32, #tpu.memory_space<vmem>> -> memref<1x80xi32, #tpu.memory_space<vmem>>
      %dma_wait3A_276 = tpu.memref_squeeze %dma_wait3A_275 : memref<1x80xi32, #tpu.memory_space<vmem>> -> memref<80xi32, #tpu.memory_space<vmem>>
      %dma_wait3A_277 = tpu.memref_slice %arg3[%add3A_268] : memref<640000xi32, #tpu.memory_space<hbm>> -> memref<80xi32, #tpu.memory_space<hbm>>
      tpu.wait_dma2 semaphore(%arg10 : memref<!tpu.dma_semaphore, #tpu.memory_space<semaphore_mem>>) src(%dma_wait3A_277 : memref<80xi32, #tpu.memory_space<hbm>>) dst(%dma_wait3A_276 : memref<80xi32, #tpu.memory_space<vmem>>)
      %dma_start3A_278 = arith.constant 1 : i32
      %dma_start3A_279 = arith.constant 1 : i32
      %dma_start3A_280 = arith.constant 0 : i32
      %dma_start3A_281 = arith.constant 0 : i32
      %dma_start3A_282 = tpu.memref_slice %arg7[%dma_start3A_279, %dma_start3A_280, %dma_start3A_281] : memref<4x80x128xf32, #tpu.memory_space<vmem>> -> memref<1x80x128xf32, #tpu.memory_space<vmem>>
      %dma_start3A_283 = tpu.memref_squeeze %dma_start3A_282 : memref<1x80x128xf32, #tpu.memory_space<vmem>> -> memref<80x128xf32, #tpu.memory_space<vmem>>
      %dma_start3A_284 = arith.constant 0 : i32
      %dma_start3A_285 = tpu.memref_slice %arg5[%dma_start3A_278, %dma_start3A_284] : memref<4x80xi32, #tpu.memory_space<vmem>> -> memref<1x80xi32, #tpu.memory_space<vmem>>
      %dma_start3A_286 = tpu.memref_squeeze %dma_start3A_285 : memref<1x80xi32, #tpu.memory_space<vmem>> -> memref<80xi32, #tpu.memory_space<vmem>>
      %dma_start3A_287 = arith.constant 0 : i32
      %dma_start3A_288 = arith.constant 0 : i32
      %dma_start3A_289 = tpu.memref_slice %arg2[%dma_start3A_287, %dma_start3A_288] : memref<10000x128xf32, #tpu.memory_space<hbm>> -> memref<10000x128xf32, #tpu.memory_space<hbm>>
      tpu.enqueue_indirect_dma source(%dma_start3A_289 : memref<10000x128xf32, #tpu.memory_space<hbm>>) target(%dma_start3A_283 : memref<80x128xf32, #tpu.memory_space<vmem>>) offsets(%dma_start3A_286 : memref<80xi32, #tpu.memory_space<vmem>>) semaphore(%arg14 : memref<!tpu.dma_semaphore, #tpu.memory_space<semaphore_mem>>)
      %ge3A_290 = arith.constant 3 : i32
      %ge3A_291 = arith.cmpi sge, %add3A_253, %ge3A_290 : i32
      %convert_element_type3A_292 = arith.extui %ge3A_291 : i1 to i32
      %cond3A_293 = arith.constant 0 : i32
      %cond3A_294 = arith.cmpi ne, %convert_element_type3A_292, %cond3A_293 : i32
      scf.if %cond3A_294 {
        %dma_wait3A_421 = arith.constant 2 : i32
        %dma_wait3A_422 = arith.constant 2 : i32
        %dma_wait3A_423 = arith.constant 0 : i32
        %dma_wait3A_424 = arith.constant 0 : i32
        %dma_wait3A_425 = tpu.memref_slice %arg7[%dma_wait3A_421, %dma_wait3A_423, %dma_wait3A_424] : memref<4x80x128xf32, #tpu.memory_space<vmem>> -> memref<1x80x128xf32, #tpu.memory_space<vmem>>
        %dma_wait3A_426 = tpu.memref_squeeze %dma_wait3A_425 : memref<1x80x128xf32, #tpu.memory_space<vmem>> -> memref<80x128xf32, #tpu.memory_space<vmem>>
        %dma_wait3A_427 = arith.constant 0 : i32
        %dma_wait3A_428 = tpu.memref_slice %arg6[%dma_wait3A_422, %dma_wait3A_427] : memref<4x80xi32, #tpu.memory_space<vmem>> -> memref<1x80xi32, #tpu.memory_space<vmem>>
        %dma_wait3A_429 = tpu.memref_squeeze %dma_wait3A_428 : memref<1x80xi32, #tpu.memory_space<vmem>> -> memref<80xi32, #tpu.memory_space<vmem>>
        %dma_wait3A_430 = arith.constant 0 : i32
        %dma_wait3A_431 = arith.constant 0 : i32
        %dma_wait3A_432 = tpu.memref_slice %arg8[%dma_wait3A_430, %dma_wait3A_431] : memref<10000x128xf32, #tpu.memory_space<vmem_shared>> -> memref<10000x128xf32, #tpu.memory_space<vmem_shared>>
        tpu.wait_indirect_dma semaphore(%arg19 : memref<!tpu.dma_semaphore, #tpu.memory_space<semaphore_mem>>) src(%dma_wait3A_426 : memref<80x128xf32, #tpu.memory_space<vmem>>) dst(%dma_wait3A_432 : memref<10000x128xf32, #tpu.memory_space<vmem_shared>>)
      } else {
      }
      %add3A_295 = arith.constant 1 : i32
      %add3A_296 = arith.addi %add3A_253, %add3A_295 : i32
      %lt3A_297 = arith.constant 125 : i32
      %lt3A_298 = arith.cmpi slt, %add3A_296, %lt3A_297 : i32
      %convert_element_type3A_299 = arith.extui %lt3A_298 : i1 to i32
      %cond3A_300 = arith.constant 0 : i32
      %cond3A_301 = arith.cmpi ne, %convert_element_type3A_299, %cond3A_300 : i32
      scf.if %cond3A_301 {
        %add3A_421 = arith.constant 1 : i32
        %add3A_422 = arith.addi %add3A_253, %add3A_421 : i32
        %mul3A_423 = arith.constant 80 : i32
        %mul3A_424 = arith.muli %add3A_422, %mul3A_423 : i32
        %add3A_425 = arith.addi %add3A, %mul3A_424 : i32
        %dma_start3A_426 = arith.constant 2 : i32
        %dma_start3A_427 = arith.constant 0 : i32
        %dma_start3A_428 = tpu.memref_slice %arg5[%dma_start3A_426, %dma_start3A_427] : memref<4x80xi32, #tpu.memory_space<vmem>> -> memref<1x80xi32, #tpu.memory_space<vmem>>
        %dma_start3A_429 = tpu.memref_squeeze %dma_start3A_428 : memref<1x80xi32, #tpu.memory_space<vmem>> -> memref<80xi32, #tpu.memory_space<vmem>>
        %dma_start3A_430 = tpu.memref_slice %arg3[%add3A_425] : memref<640000xi32, #tpu.memory_space<hbm>> -> memref<80xi32, #tpu.memory_space<hbm>>
        %dma_start3A_431 = arith.constant 0 : i32
        %dma_start3A_432 = tpu.memref_slice %arg5[%dma_start3A_426, %dma_start3A_431] : memref<4x80xi32, #tpu.memory_space<vmem>> -> memref<1x80xi32, #tpu.memory_space<vmem>>
        %dma_start3A_433 = tpu.memref_squeeze %dma_start3A_432 : memref<1x80xi32, #tpu.memory_space<vmem>> -> memref<80xi32, #tpu.memory_space<vmem>>
        %dma_start3A_434 = tpu.memref_slice %arg3[%add3A_425] : memref<640000xi32, #tpu.memory_space<hbm>> -> memref<80xi32, #tpu.memory_space<hbm>>
        tpu.enqueue_dma source(%dma_start3A_434 : memref<80xi32, #tpu.memory_space<hbm>>) target(%dma_start3A_433 : memref<80xi32, #tpu.memory_space<vmem>>) target_semaphore(%arg11 : memref<!tpu.dma_semaphore, #tpu.memory_space<semaphore_mem>>)
        %mul3A_435 = arith.constant 80 : i32
        %mul3A_436 = arith.muli %add3A_422, %mul3A_435 : i32
        %add3A_437 = arith.addi %add3A_6, %mul3A_436 : i32
        %dma_start3A_438 = arith.constant 2 : i32
        %dma_start3A_439 = arith.constant 0 : i32
        %dma_start3A_440 = tpu.memref_slice %arg6[%dma_start3A_438, %dma_start3A_439] : memref<4x80xi32, #tpu.memory_space<vmem>> -> memref<1x80xi32, #tpu.memory_space<vmem>>
        %dma_start3A_441 = tpu.memref_squeeze %dma_start3A_440 : memref<1x80xi32, #tpu.memory_space<vmem>> -> memref<80xi32, #tpu.memory_space<vmem>>
        %dma_start3A_442 = tpu.memref_slice %arg3[%add3A_437] : memref<640000xi32, #tpu.memory_space<hbm>> -> memref<80xi32, #tpu.memory_space<hbm>>
        %dma_start3A_443 = arith.constant 0 : i32
        %dma_start3A_444 = tpu.memref_slice %arg6[%dma_start3A_438, %dma_start3A_443] : memref<4x80xi32, #tpu.memory_space<vmem>> -> memref<1x80xi32, #tpu.memory_space<vmem>>
        %dma_start3A_445 = tpu.memref_squeeze %dma_start3A_444 : memref<1x80xi32, #tpu.memory_space<vmem>> -> memref<80xi32, #tpu.memory_space<vmem>>
        %dma_start3A_446 = tpu.memref_slice %arg3[%add3A_437] : memref<640000xi32, #tpu.memory_space<hbm>> -> memref<80xi32, #tpu.memory_space<hbm>>
        tpu.enqueue_dma source(%dma_start3A_446 : memref<80xi32, #tpu.memory_space<hbm>>) target(%dma_start3A_445 : memref<80xi32, #tpu.memory_space<vmem>>) target_semaphore(%arg11 : memref<!tpu.dma_semaphore, #tpu.memory_space<semaphore_mem>>)
      } else {
      }
      %ge3A_302 = arith.constant 2 : i32
      %ge3A_303 = arith.cmpi sge, %add3A_253, %ge3A_302 : i32
      %convert_element_type3A_304 = arith.extui %ge3A_303 : i1 to i32
      %cond3A_305 = arith.constant 0 : i32
      %cond3A_306 = arith.cmpi ne, %convert_element_type3A_304, %cond3A_305 : i32
      scf.if %cond3A_306 {
        %dma_wait3A_421 = arith.constant 3 : i32
        %dma_wait3A_422 = arith.constant 3 : i32
        %dma_wait3A_423 = arith.constant 0 : i32
        %dma_wait3A_424 = arith.constant 0 : i32
        %dma_wait3A_425 = tpu.memref_slice %arg7[%dma_wait3A_422, %dma_wait3A_423, %dma_wait3A_424] : memref<4x80x128xf32, #tpu.memory_space<vmem>> -> memref<1x80x128xf32, #tpu.memory_space<vmem>>
        %dma_wait3A_426 = tpu.memref_squeeze %dma_wait3A_425 : memref<1x80x128xf32, #tpu.memory_space<vmem>> -> memref<80x128xf32, #tpu.memory_space<vmem>>
        %dma_wait3A_427 = arith.constant 0 : i32
        %dma_wait3A_428 = tpu.memref_slice %arg5[%dma_wait3A_421, %dma_wait3A_427] : memref<4x80xi32, #tpu.memory_space<vmem>> -> memref<1x80xi32, #tpu.memory_space<vmem>>
        %dma_wait3A_429 = tpu.memref_squeeze %dma_wait3A_428 : memref<1x80xi32, #tpu.memory_space<vmem>> -> memref<80xi32, #tpu.memory_space<vmem>>
        %dma_wait3A_430 = arith.constant 0 : i32
        %dma_wait3A_431 = arith.constant 0 : i32
        %dma_wait3A_432 = tpu.memref_slice %arg2[%dma_wait3A_430, %dma_wait3A_431] : memref<10000x128xf32, #tpu.memory_space<hbm>> -> memref<10000x128xf32, #tpu.memory_space<hbm>>
        tpu.wait_indirect_dma semaphore(%arg16 : memref<!tpu.dma_semaphore, #tpu.memory_space<semaphore_mem>>) src(%dma_wait3A_432 : memref<10000x128xf32, #tpu.memory_space<hbm>>) dst(%dma_wait3A_426 : memref<80x128xf32, #tpu.memory_space<vmem>>)
        %dma_start3A_433 = arith.constant 3 : i32
        %dma_start3A_434 = arith.constant 3 : i32
        %dma_start3A_435 = arith.constant 0 : i32
        %dma_start3A_436 = arith.constant 0 : i32
        %dma_start3A_437 = tpu.memref_slice %arg7[%dma_start3A_433, %dma_start3A_435, %dma_start3A_436] : memref<4x80x128xf32, #tpu.memory_space<vmem>> -> memref<1x80x128xf32, #tpu.memory_space<vmem>>
        %dma_start3A_438 = tpu.memref_squeeze %dma_start3A_437 : memref<1x80x128xf32, #tpu.memory_space<vmem>> -> memref<80x128xf32, #tpu.memory_space<vmem>>
        %dma_start3A_439 = arith.constant 0 : i32
        %dma_start3A_440 = tpu.memref_slice %arg6[%dma_start3A_434, %dma_start3A_439] : memref<4x80xi32, #tpu.memory_space<vmem>> -> memref<1x80xi32, #tpu.memory_space<vmem>>
        %dma_start3A_441 = tpu.memref_squeeze %dma_start3A_440 : memref<1x80xi32, #tpu.memory_space<vmem>> -> memref<80xi32, #tpu.memory_space<vmem>>
        %dma_start3A_442 = arith.constant 0 : i32
        %dma_start3A_443 = arith.constant 0 : i32
        %dma_start3A_444 = tpu.memref_slice %arg8[%dma_start3A_442, %dma_start3A_443] : memref<10000x128xf32, #tpu.memory_space<vmem_shared>> -> memref<10000x128xf32, #tpu.memory_space<vmem_shared>>
        tpu.enqueue_indirect_dma source(%dma_start3A_438 : memref<80x128xf32, #tpu.memory_space<vmem>>) target(%dma_start3A_444 : memref<10000x128xf32, #tpu.memory_space<vmem_shared>>) offsets(%dma_start3A_441 : memref<80xi32, #tpu.memory_space<vmem>>) semaphore(%arg20 : memref<!tpu.dma_semaphore, #tpu.memory_space<semaphore_mem>>) {add = true}
      } else {
      }
      %mul3A_307 = arith.constant 4 : i32
      %mul3A_308 = arith.muli %scan3A_194, %mul3A_307 : i32
      %add3A_309 = arith.constant 2 : i32
      %add3A_310 = arith.addi %mul3A_308, %add3A_309 : i32
      %mul3A_311 = arith.constant 80 : i32
      %mul3A_312 = arith.muli %add3A_310, %mul3A_311 : i32
      %add3A_313 = arith.addi %add3A, %mul3A_312 : i32
      %dma_wait3A_314 = arith.constant 2 : i32
      %dma_wait3A_315 = arith.constant 0 : i32
      %dma_wait3A_316 = tpu.memref_slice %arg5[%dma_wait3A_314, %dma_wait3A_315] : memref<4x80xi32, #tpu.memory_space<vmem>> -> memref<1x80xi32, #tpu.memory_space<vmem>>
      %dma_wait3A_317 = tpu.memref_squeeze %dma_wait3A_316 : memref<1x80xi32, #tpu.memory_space<vmem>> -> memref<80xi32, #tpu.memory_space<vmem>>
      %dma_wait3A_318 = tpu.memref_slice %arg3[%add3A_313] : memref<640000xi32, #tpu.memory_space<hbm>> -> memref<80xi32, #tpu.memory_space<hbm>>
      %dma_wait3A_319 = arith.constant 0 : i32
      %dma_wait3A_320 = tpu.memref_slice %arg5[%dma_wait3A_314, %dma_wait3A_319] : memref<4x80xi32, #tpu.memory_space<vmem>> -> memref<1x80xi32, #tpu.memory_space<vmem>>
      %dma_wait3A_321 = tpu.memref_squeeze %dma_wait3A_320 : memref<1x80xi32, #tpu.memory_space<vmem>> -> memref<80xi32, #tpu.memory_space<vmem>>
      %dma_wait3A_322 = tpu.memref_slice %arg3[%add3A_313] : memref<640000xi32, #tpu.memory_space<hbm>> -> memref<80xi32, #tpu.memory_space<hbm>>
      tpu.wait_dma2 semaphore(%arg11 : memref<!tpu.dma_semaphore, #tpu.memory_space<semaphore_mem>>) src(%dma_wait3A_322 : memref<80xi32, #tpu.memory_space<hbm>>) dst(%dma_wait3A_321 : memref<80xi32, #tpu.memory_space<vmem>>)
      %mul3A_323 = arith.constant 80 : i32
      %mul3A_324 = arith.muli %add3A_310, %mul3A_323 : i32
      %add3A_325 = arith.addi %add3A_6, %mul3A_324 : i32
      %dma_wait3A_326 = arith.constant 2 : i32
      %dma_wait3A_327 = arith.constant 0 : i32
      %dma_wait3A_328 = tpu.memref_slice %arg6[%dma_wait3A_326, %dma_wait3A_327] : memref<4x80xi32, #tpu.memory_space<vmem>> -> memref<1x80xi32, #tpu.memory_space<vmem>>
      %dma_wait3A_329 = tpu.memref_squeeze %dma_wait3A_328 : memref<1x80xi32, #tpu.memory_space<vmem>> -> memref<80xi32, #tpu.memory_space<vmem>>
      %dma_wait3A_330 = tpu.memref_slice %arg3[%add3A_325] : memref<640000xi32, #tpu.memory_space<hbm>> -> memref<80xi32, #tpu.memory_space<hbm>>
      %dma_wait3A_331 = arith.constant 0 : i32
      %dma_wait3A_332 = tpu.memref_slice %arg6[%dma_wait3A_326, %dma_wait3A_331] : memref<4x80xi32, #tpu.memory_space<vmem>> -> memref<1x80xi32, #tpu.memory_space<vmem>>
      %dma_wait3A_333 = tpu.memref_squeeze %dma_wait3A_332 : memref<1x80xi32, #tpu.memory_space<vmem>> -> memref<80xi32, #tpu.memory_space<vmem>>
      %dma_wait3A_334 = tpu.memref_slice %arg3[%add3A_325] : memref<640000xi32, #tpu.memory_space<hbm>> -> memref<80xi32, #tpu.memory_space<hbm>>
      tpu.wait_dma2 semaphore(%arg11 : memref<!tpu.dma_semaphore, #tpu.memory_space<semaphore_mem>>) src(%dma_wait3A_334 : memref<80xi32, #tpu.memory_space<hbm>>) dst(%dma_wait3A_333 : memref<80xi32, #tpu.memory_space<vmem>>)
      %dma_start3A_335 = arith.constant 2 : i32
      %dma_start3A_336 = arith.constant 2 : i32
      %dma_start3A_337 = arith.constant 0 : i32
      %dma_start3A_338 = arith.constant 0 : i32
      %dma_start3A_339 = tpu.memref_slice %arg7[%dma_start3A_336, %dma_start3A_337, %dma_start3A_338] : memref<4x80x128xf32, #tpu.memory_space<vmem>> -> memref<1x80x128xf32, #tpu.memory_space<vmem>>
      %dma_start3A_340 = tpu.memref_squeeze %dma_start3A_339 : memref<1x80x128xf32, #tpu.memory_space<vmem>> -> memref<80x128xf32, #tpu.memory_space<vmem>>
      %dma_start3A_341 = arith.constant 0 : i32
      %dma_start3A_342 = tpu.memref_slice %arg5[%dma_start3A_335, %dma_start3A_341] : memref<4x80xi32, #tpu.memory_space<vmem>> -> memref<1x80xi32, #tpu.memory_space<vmem>>
      %dma_start3A_343 = tpu.memref_squeeze %dma_start3A_342 : memref<1x80xi32, #tpu.memory_space<vmem>> -> memref<80xi32, #tpu.memory_space<vmem>>
      %dma_start3A_344 = arith.constant 0 : i32
      %dma_start3A_345 = arith.constant 0 : i32
      %dma_start3A_346 = tpu.memref_slice %arg2[%dma_start3A_344, %dma_start3A_345] : memref<10000x128xf32, #tpu.memory_space<hbm>> -> memref<10000x128xf32, #tpu.memory_space<hbm>>
      tpu.enqueue_indirect_dma source(%dma_start3A_346 : memref<10000x128xf32, #tpu.memory_space<hbm>>) target(%dma_start3A_340 : memref<80x128xf32, #tpu.memory_space<vmem>>) offsets(%dma_start3A_343 : memref<80xi32, #tpu.memory_space<vmem>>) semaphore(%arg15 : memref<!tpu.dma_semaphore, #tpu.memory_space<semaphore_mem>>)
      %ge3A_347 = arith.constant 3 : i32
      %ge3A_348 = arith.cmpi sge, %add3A_310, %ge3A_347 : i32
      %convert_element_type3A_349 = arith.extui %ge3A_348 : i1 to i32
      %cond3A_350 = arith.constant 0 : i32
      %cond3A_351 = arith.cmpi ne, %convert_element_type3A_349, %cond3A_350 : i32
      scf.if %cond3A_351 {
        %dma_wait3A_421 = arith.constant 3 : i32
        %dma_wait3A_422 = arith.constant 3 : i32
        %dma_wait3A_423 = arith.constant 0 : i32
        %dma_wait3A_424 = arith.constant 0 : i32
        %dma_wait3A_425 = tpu.memref_slice %arg7[%dma_wait3A_421, %dma_wait3A_423, %dma_wait3A_424] : memref<4x80x128xf32, #tpu.memory_space<vmem>> -> memref<1x80x128xf32, #tpu.memory_space<vmem>>
        %dma_wait3A_426 = tpu.memref_squeeze %dma_wait3A_425 : memref<1x80x128xf32, #tpu.memory_space<vmem>> -> memref<80x128xf32, #tpu.memory_space<vmem>>
        %dma_wait3A_427 = arith.constant 0 : i32
        %dma_wait3A_428 = tpu.memref_slice %arg6[%dma_wait3A_422, %dma_wait3A_427] : memref<4x80xi32, #tpu.memory_space<vmem>> -> memref<1x80xi32, #tpu.memory_space<vmem>>
        %dma_wait3A_429 = tpu.memref_squeeze %dma_wait3A_428 : memref<1x80xi32, #tpu.memory_space<vmem>> -> memref<80xi32, #tpu.memory_space<vmem>>
        %dma_wait3A_430 = arith.constant 0 : i32
        %dma_wait3A_431 = arith.constant 0 : i32
        %dma_wait3A_432 = tpu.memref_slice %arg8[%dma_wait3A_430, %dma_wait3A_431] : memref<10000x128xf32, #tpu.memory_space<vmem_shared>> -> memref<10000x128xf32, #tpu.memory_space<vmem_shared>>
        tpu.wait_indirect_dma semaphore(%arg20 : memref<!tpu.dma_semaphore, #tpu.memory_space<semaphore_mem>>) src(%dma_wait3A_426 : memref<80x128xf32, #tpu.memory_space<vmem>>) dst(%dma_wait3A_432 : memref<10000x128xf32, #tpu.memory_space<vmem_shared>>)
      } else {
      }
      %add3A_352 = arith.constant 1 : i32
      %add3A_353 = arith.addi %add3A_310, %add3A_352 : i32
      %lt3A_354 = arith.constant 125 : i32
      %lt3A_355 = arith.cmpi slt, %add3A_353, %lt3A_354 : i32
      %convert_element_type3A_356 = arith.extui %lt3A_355 : i1 to i32
      %cond3A_357 = arith.constant 0 : i32
      %cond3A_358 = arith.cmpi ne, %convert_element_type3A_356, %cond3A_357 : i32
      scf.if %cond3A_358 {
        %add3A_421 = arith.constant 1 : i32
        %add3A_422 = arith.addi %add3A_310, %add3A_421 : i32
        %mul3A_423 = arith.constant 80 : i32
        %mul3A_424 = arith.muli %add3A_422, %mul3A_423 : i32
        %add3A_425 = arith.addi %add3A, %mul3A_424 : i32
        %dma_start3A_426 = arith.constant 3 : i32
        %dma_start3A_427 = arith.constant 0 : i32
        %dma_start3A_428 = tpu.memref_slice %arg5[%dma_start3A_426, %dma_start3A_427] : memref<4x80xi32, #tpu.memory_space<vmem>> -> memref<1x80xi32, #tpu.memory_space<vmem>>
        %dma_start3A_429 = tpu.memref_squeeze %dma_start3A_428 : memref<1x80xi32, #tpu.memory_space<vmem>> -> memref<80xi32, #tpu.memory_space<vmem>>
        %dma_start3A_430 = tpu.memref_slice %arg3[%add3A_425] : memref<640000xi32, #tpu.memory_space<hbm>> -> memref<80xi32, #tpu.memory_space<hbm>>
        %dma_start3A_431 = arith.constant 0 : i32
        %dma_start3A_432 = tpu.memref_slice %arg5[%dma_start3A_426, %dma_start3A_431] : memref<4x80xi32, #tpu.memory_space<vmem>> -> memref<1x80xi32, #tpu.memory_space<vmem>>
        %dma_start3A_433 = tpu.memref_squeeze %dma_start3A_432 : memref<1x80xi32, #tpu.memory_space<vmem>> -> memref<80xi32, #tpu.memory_space<vmem>>
        %dma_start3A_434 = tpu.memref_slice %arg3[%add3A_425] : memref<640000xi32, #tpu.memory_space<hbm>> -> memref<80xi32, #tpu.memory_space<hbm>>
        tpu.enqueue_dma source(%dma_start3A_434 : memref<80xi32, #tpu.memory_space<hbm>>) target(%dma_start3A_433 : memref<80xi32, #tpu.memory_space<vmem>>) target_semaphore(%arg12 : memref<!tpu.dma_semaphore, #tpu.memory_space<semaphore_mem>>)
        %mul3A_435 = arith.constant 80 : i32
        %mul3A_436 = arith.muli %add3A_422, %mul3A_435 : i32
        %add3A_437 = arith.addi %add3A_6, %mul3A_436 : i32
        %dma_start3A_438 = arith.constant 3 : i32
        %dma_start3A_439 = arith.constant 0 : i32
        %dma_start3A_440 = tpu.memref_slice %arg6[%dma_start3A_438, %dma_start3A_439] : memref<4x80xi32, #tpu.memory_space<vmem>> -> memref<1x80xi32, #tpu.memory_space<vmem>>
        %dma_start3A_441 = tpu.memref_squeeze %dma_start3A_440 : memref<1x80xi32, #tpu.memory_space<vmem>> -> memref<80xi32, #tpu.memory_space<vmem>>
        %dma_start3A_442 = tpu.memref_slice %arg3[%add3A_437] : memref<640000xi32, #tpu.memory_space<hbm>> -> memref<80xi32, #tpu.memory_space<hbm>>
        %dma_start3A_443 = arith.constant 0 : i32
        %dma_start3A_444 = tpu.memref_slice %arg6[%dma_start3A_438, %dma_start3A_443] : memref<4x80xi32, #tpu.memory_space<vmem>> -> memref<1x80xi32, #tpu.memory_space<vmem>>
        %dma_start3A_445 = tpu.memref_squeeze %dma_start3A_444 : memref<1x80xi32, #tpu.memory_space<vmem>> -> memref<80xi32, #tpu.memory_space<vmem>>
        %dma_start3A_446 = tpu.memref_slice %arg3[%add3A_437] : memref<640000xi32, #tpu.memory_space<hbm>> -> memref<80xi32, #tpu.memory_space<hbm>>
        tpu.enqueue_dma source(%dma_start3A_446 : memref<80xi32, #tpu.memory_space<hbm>>) target(%dma_start3A_445 : memref<80xi32, #tpu.memory_space<vmem>>) target_semaphore(%arg12 : memref<!tpu.dma_semaphore, #tpu.memory_space<semaphore_mem>>)
      } else {
      }
      %ge3A_359 = arith.constant 2 : i32
      %ge3A_360 = arith.cmpi sge, %add3A_310, %ge3A_359 : i32
      %convert_element_type3A_361 = arith.extui %ge3A_360 : i1 to i32
      %cond3A_362 = arith.constant 0 : i32
      %cond3A_363 = arith.cmpi ne, %convert_element_type3A_361, %cond3A_362 : i32
      scf.if %cond3A_363 {
        %dma_wait3A_421 = arith.constant 0 : i32
        %dma_wait3A_422 = arith.constant 0 : i32
        %dma_wait3A_423 = arith.constant 0 : i32
        %dma_wait3A_424 = arith.constant 0 : i32
        %dma_wait3A_425 = tpu.memref_slice %arg7[%dma_wait3A_422, %dma_wait3A_423, %dma_wait3A_424] : memref<4x80x128xf32, #tpu.memory_space<vmem>> -> memref<1x80x128xf32, #tpu.memory_space<vmem>>
        %dma_wait3A_426 = tpu.memref_squeeze %dma_wait3A_425 : memref<1x80x128xf32, #tpu.memory_space<vmem>> -> memref<80x128xf32, #tpu.memory_space<vmem>>
        %dma_wait3A_427 = arith.constant 0 : i32
        %dma_wait3A_428 = tpu.memref_slice %arg5[%dma_wait3A_421, %dma_wait3A_427] : memref<4x80xi32, #tpu.memory_space<vmem>> -> memref<1x80xi32, #tpu.memory_space<vmem>>
        %dma_wait3A_429 = tpu.memref_squeeze %dma_wait3A_428 : memref<1x80xi32, #tpu.memory_space<vmem>> -> memref<80xi32, #tpu.memory_space<vmem>>
        %dma_wait3A_430 = arith.constant 0 : i32
        %dma_wait3A_431 = arith.constant 0 : i32
        %dma_wait3A_432 = tpu.memref_slice %arg2[%dma_wait3A_430, %dma_wait3A_431] : memref<10000x128xf32, #tpu.memory_space<hbm>> -> memref<10000x128xf32, #tpu.memory_space<hbm>>
        tpu.wait_indirect_dma semaphore(%arg13 : memref<!tpu.dma_semaphore, #tpu.memory_space<semaphore_mem>>) src(%dma_wait3A_432 : memref<10000x128xf32, #tpu.memory_space<hbm>>) dst(%dma_wait3A_426 : memref<80x128xf32, #tpu.memory_space<vmem>>)
        %dma_start3A_433 = arith.constant 0 : i32
        %dma_start3A_434 = arith.constant 0 : i32
        %dma_start3A_435 = arith.constant 0 : i32
        %dma_start3A_436 = arith.constant 0 : i32
        %dma_start3A_437 = tpu.memref_slice %arg7[%dma_start3A_433, %dma_start3A_435, %dma_start3A_436] : memref<4x80x128xf32, #tpu.memory_space<vmem>> -> memref<1x80x128xf32, #tpu.memory_space<vmem>>
        %dma_start3A_438 = tpu.memref_squeeze %dma_start3A_437 : memref<1x80x128xf32, #tpu.memory_space<vmem>> -> memref<80x128xf32, #tpu.memory_space<vmem>>
        %dma_start3A_439 = arith.constant 0 : i32
        %dma_start3A_440 = tpu.memref_slice %arg6[%dma_start3A_434, %dma_start3A_439] : memref<4x80xi32, #tpu.memory_space<vmem>> -> memref<1x80xi32, #tpu.memory_space<vmem>>
        %dma_start3A_441 = tpu.memref_squeeze %dma_start3A_440 : memref<1x80xi32, #tpu.memory_space<vmem>> -> memref<80xi32, #tpu.memory_space<vmem>>
        %dma_start3A_442 = arith.constant 0 : i32
        %dma_start3A_443 = arith.constant 0 : i32
        %dma_start3A_444 = tpu.memref_slice %arg8[%dma_start3A_442, %dma_start3A_443] : memref<10000x128xf32, #tpu.memory_space<vmem_shared>> -> memref<10000x128xf32, #tpu.memory_space<vmem_shared>>
        tpu.enqueue_indirect_dma source(%dma_start3A_438 : memref<80x128xf32, #tpu.memory_space<vmem>>) target(%dma_start3A_444 : memref<10000x128xf32, #tpu.memory_space<vmem_shared>>) offsets(%dma_start3A_441 : memref<80xi32, #tpu.memory_space<vmem>>) semaphore(%arg17 : memref<!tpu.dma_semaphore, #tpu.memory_space<semaphore_mem>>) {add = true}
      } else {
      }
      %mul3A_364 = arith.constant 4 : i32
      %mul3A_365 = arith.muli %scan3A_194, %mul3A_364 : i32
      %add3A_366 = arith.constant 3 : i32
      %add3A_367 = arith.addi %mul3A_365, %add3A_366 : i32
      %mul3A_368 = arith.constant 80 : i32
      %mul3A_369 = arith.muli %add3A_367, %mul3A_368 : i32
      %add3A_370 = arith.addi %add3A, %mul3A_369 : i32
      %dma_wait3A_371 = arith.constant 3 : i32
      %dma_wait3A_372 = arith.constant 0 : i32
      %dma_wait3A_373 = tpu.memref_slice %arg5[%dma_wait3A_371, %dma_wait3A_372] : memref<4x80xi32, #tpu.memory_space<vmem>> -> memref<1x80xi32, #tpu.memory_space<vmem>>
      %dma_wait3A_374 = tpu.memref_squeeze %dma_wait3A_373 : memref<1x80xi32, #tpu.memory_space<vmem>> -> memref<80xi32, #tpu.memory_space<vmem>>
      %dma_wait3A_375 = tpu.memref_slice %arg3[%add3A_370] : memref<640000xi32, #tpu.memory_space<hbm>> -> memref<80xi32, #tpu.memory_space<hbm>>
      %dma_wait3A_376 = arith.constant 0 : i32
      %dma_wait3A_377 = tpu.memref_slice %arg5[%dma_wait3A_371, %dma_wait3A_376] : memref<4x80xi32, #tpu.memory_space<vmem>> -> memref<1x80xi32, #tpu.memory_space<vmem>>
      %dma_wait3A_378 = tpu.memref_squeeze %dma_wait3A_377 : memref<1x80xi32, #tpu.memory_space<vmem>> -> memref<80xi32, #tpu.memory_space<vmem>>
      %dma_wait3A_379 = tpu.memref_slice %arg3[%add3A_370] : memref<640000xi32, #tpu.memory_space<hbm>> -> memref<80xi32, #tpu.memory_space<hbm>>
      tpu.wait_dma2 semaphore(%arg12 : memref<!tpu.dma_semaphore, #tpu.memory_space<semaphore_mem>>) src(%dma_wait3A_379 : memref<80xi32, #tpu.memory_space<hbm>>) dst(%dma_wait3A_378 : memref<80xi32, #tpu.memory_space<vmem>>)
      %mul3A_380 = arith.constant 80 : i32
      %mul3A_381 = arith.muli %add3A_367, %mul3A_380 : i32
      %add3A_382 = arith.addi %add3A_6, %mul3A_381 : i32
      %dma_wait3A_383 = arith.constant 3 : i32
      %dma_wait3A_384 = arith.constant 0 : i32
      %dma_wait3A_385 = tpu.memref_slice %arg6[%dma_wait3A_383, %dma_wait3A_384] : memref<4x80xi32, #tpu.memory_space<vmem>> -> memref<1x80xi32, #tpu.memory_space<vmem>>
      %dma_wait3A_386 = tpu.memref_squeeze %dma_wait3A_385 : memref<1x80xi32, #tpu.memory_space<vmem>> -> memref<80xi32, #tpu.memory_space<vmem>>
      %dma_wait3A_387 = tpu.memref_slice %arg3[%add3A_382] : memref<640000xi32, #tpu.memory_space<hbm>> -> memref<80xi32, #tpu.memory_space<hbm>>
      %dma_wait3A_388 = arith.constant 0 : i32
      %dma_wait3A_389 = tpu.memref_slice %arg6[%dma_wait3A_383, %dma_wait3A_388] : memref<4x80xi32, #tpu.memory_space<vmem>> -> memref<1x80xi32, #tpu.memory_space<vmem>>
      %dma_wait3A_390 = tpu.memref_squeeze %dma_wait3A_389 : memref<1x80xi32, #tpu.memory_space<vmem>> -> memref<80xi32, #tpu.memory_space<vmem>>
      %dma_wait3A_391 = tpu.memref_slice %arg3[%add3A_382] : memref<640000xi32, #tpu.memory_space<hbm>> -> memref<80xi32, #tpu.memory_space<hbm>>
      tpu.wait_dma2 semaphore(%arg12 : memref<!tpu.dma_semaphore, #tpu.memory_space<semaphore_mem>>) src(%dma_wait3A_391 : memref<80xi32, #tpu.memory_space<hbm>>) dst(%dma_wait3A_390 : memref<80xi32, #tpu.memory_space<vmem>>)
      %dma_start3A_392 = arith.constant 3 : i32
      %dma_start3A_393 = arith.constant 3 : i32
      %dma_start3A_394 = arith.constant 0 : i32
      %dma_start3A_395 = arith.constant 0 : i32
      %dma_start3A_396 = tpu.memref_slice %arg7[%dma_start3A_393, %dma_start3A_394, %dma_start3A_395] : memref<4x80x128xf32, #tpu.memory_space<vmem>> -> memref<1x80x128xf32, #tpu.memory_space<vmem>>
      %dma_start3A_397 = tpu.memref_squeeze %dma_start3A_396 : memref<1x80x128xf32, #tpu.memory_space<vmem>> -> memref<80x128xf32, #tpu.memory_space<vmem>>
      %dma_start3A_398 = arith.constant 0 : i32
      %dma_start3A_399 = tpu.memref_slice %arg5[%dma_start3A_392, %dma_start3A_398] : memref<4x80xi32, #tpu.memory_space<vmem>> -> memref<1x80xi32, #tpu.memory_space<vmem>>
      %dma_start3A_400 = tpu.memref_squeeze %dma_start3A_399 : memref<1x80xi32, #tpu.memory_space<vmem>> -> memref<80xi32, #tpu.memory_space<vmem>>
      %dma_start3A_401 = arith.constant 0 : i32
      %dma_start3A_402 = arith.constant 0 : i32
      %dma_start3A_403 = tpu.memref_slice %arg2[%dma_start3A_401, %dma_start3A_402] : memref<10000x128xf32, #tpu.memory_space<hbm>> -> memref<10000x128xf32, #tpu.memory_space<hbm>>
      tpu.enqueue_indirect_dma source(%dma_start3A_403 : memref<10000x128xf32, #tpu.memory_space<hbm>>) target(%dma_start3A_397 : memref<80x128xf32, #tpu.memory_space<vmem>>) offsets(%dma_start3A_400 : memref<80xi32, #tpu.memory_space<vmem>>) semaphore(%arg16 : memref<!tpu.dma_semaphore, #tpu.memory_space<semaphore_mem>>)
      %ge3A_404 = arith.constant 3 : i32
      %ge3A_405 = arith.cmpi sge, %add3A_367, %ge3A_404 : i32
      %convert_element_type3A_406 = arith.extui %ge3A_405 : i1 to i32
      %cond3A_407 = arith.constant 0 : i32
      %cond3A_408 = arith.cmpi ne, %convert_element_type3A_406, %cond3A_407 : i32
      scf.if %cond3A_408 {
        %dma_wait3A_421 = arith.constant 0 : i32
        %dma_wait3A_422 = arith.constant 0 : i32
        %dma_wait3A_423 = arith.constant 0 : i32
        %dma_wait3A_424 = arith.constant 0 : i32
        %dma_wait3A_425 = tpu.memref_slice %arg7[%dma_wait3A_421, %dma_wait3A_423, %dma_wait3A_424] : memref<4x80x128xf32, #tpu.memory_space<vmem>> -> memref<1x80x128xf32, #tpu.memory_space<vmem>>
        %dma_wait3A_426 = tpu.memref_squeeze %dma_wait3A_425 : memref<1x80x128xf32, #tpu.memory_space<vmem>> -> memref<80x128xf32, #tpu.memory_space<vmem>>
        %dma_wait3A_427 = arith.constant 0 : i32
        %dma_wait3A_428 = tpu.memref_slice %arg6[%dma_wait3A_422, %dma_wait3A_427] : memref<4x80xi32, #tpu.memory_space<vmem>> -> memref<1x80xi32, #tpu.memory_space<vmem>>
        %dma_wait3A_429 = tpu.memref_squeeze %dma_wait3A_428 : memref<1x80xi32, #tpu.memory_space<vmem>> -> memref<80xi32, #tpu.memory_space<vmem>>
        %dma_wait3A_430 = arith.constant 0 : i32
        %dma_wait3A_431 = arith.constant 0 : i32
        %dma_wait3A_432 = tpu.memref_slice %arg8[%dma_wait3A_430, %dma_wait3A_431] : memref<10000x128xf32, #tpu.memory_space<vmem_shared>> -> memref<10000x128xf32, #tpu.memory_space<vmem_shared>>
        tpu.wait_indirect_dma semaphore(%arg17 : memref<!tpu.dma_semaphore, #tpu.memory_space<semaphore_mem>>) src(%dma_wait3A_426 : memref<80x128xf32, #tpu.memory_space<vmem>>) dst(%dma_wait3A_432 : memref<10000x128xf32, #tpu.memory_space<vmem_shared>>)
      } else {
      }
      %add3A_409 = arith.constant 1 : i32
      %add3A_410 = arith.addi %add3A_367, %add3A_409 : i32
      %lt3A_411 = arith.constant 125 : i32
      %lt3A_412 = arith.cmpi slt, %add3A_410, %lt3A_411 : i32
      %convert_element_type3A_413 = arith.extui %lt3A_412 : i1 to i32
      %cond3A_414 = arith.constant 0 : i32
      %cond3A_415 = arith.cmpi ne, %convert_element_type3A_413, %cond3A_414 : i32
      scf.if %cond3A_415 {
        %add3A_421 = arith.constant 1 : i32
        %add3A_422 = arith.addi %add3A_367, %add3A_421 : i32
        %mul3A_423 = arith.constant 80 : i32
        %mul3A_424 = arith.muli %add3A_422, %mul3A_423 : i32
        %add3A_425 = arith.addi %add3A, %mul3A_424 : i32
        %dma_start3A_426 = arith.constant 0 : i32
        %dma_start3A_427 = arith.constant 0 : i32
        %dma_start3A_428 = tpu.memref_slice %arg5[%dma_start3A_426, %dma_start3A_427] : memref<4x80xi32, #tpu.memory_space<vmem>> -> memref<1x80xi32, #tpu.memory_space<vmem>>
        %dma_start3A_429 = tpu.memref_squeeze %dma_start3A_428 : memref<1x80xi32, #tpu.memory_space<vmem>> -> memref<80xi32, #tpu.memory_space<vmem>>
        %dma_start3A_430 = tpu.memref_slice %arg3[%add3A_425] : memref<640000xi32, #tpu.memory_space<hbm>> -> memref<80xi32, #tpu.memory_space<hbm>>
        %dma_start3A_431 = arith.constant 0 : i32
        %dma_start3A_432 = tpu.memref_slice %arg5[%dma_start3A_426, %dma_start3A_431] : memref<4x80xi32, #tpu.memory_space<vmem>> -> memref<1x80xi32, #tpu.memory_space<vmem>>
        %dma_start3A_433 = tpu.memref_squeeze %dma_start3A_432 : memref<1x80xi32, #tpu.memory_space<vmem>> -> memref<80xi32, #tpu.memory_space<vmem>>
        %dma_start3A_434 = tpu.memref_slice %arg3[%add3A_425] : memref<640000xi32, #tpu.memory_space<hbm>> -> memref<80xi32, #tpu.memory_space<hbm>>
        tpu.enqueue_dma source(%dma_start3A_434 : memref<80xi32, #tpu.memory_space<hbm>>) target(%dma_start3A_433 : memref<80xi32, #tpu.memory_space<vmem>>) target_semaphore(%arg9 : memref<!tpu.dma_semaphore, #tpu.memory_space<semaphore_mem>>)
        %mul3A_435 = arith.constant 80 : i32
        %mul3A_436 = arith.muli %add3A_422, %mul3A_435 : i32
        %add3A_437 = arith.addi %add3A_6, %mul3A_436 : i32
        %dma_start3A_438 = arith.constant 0 : i32
        %dma_start3A_439 = arith.constant 0 : i32
        %dma_start3A_440 = tpu.memref_slice %arg6[%dma_start3A_438, %dma_start3A_439] : memref<4x80xi32, #tpu.memory_space<vmem>> -> memref<1x80xi32, #tpu.memory_space<vmem>>
        %dma_start3A_441 = tpu.memref_squeeze %dma_start3A_440 : memref<1x80xi32, #tpu.memory_space<vmem>> -> memref<80xi32, #tpu.memory_space<vmem>>
        %dma_start3A_442 = tpu.memref_slice %arg3[%add3A_437] : memref<640000xi32, #tpu.memory_space<hbm>> -> memref<80xi32, #tpu.memory_space<hbm>>
        %dma_start3A_443 = arith.constant 0 : i32
        %dma_start3A_444 = tpu.memref_slice %arg6[%dma_start3A_438, %dma_start3A_443] : memref<4x80xi32, #tpu.memory_space<vmem>> -> memref<1x80xi32, #tpu.memory_space<vmem>>
        %dma_start3A_445 = tpu.memref_squeeze %dma_start3A_444 : memref<1x80xi32, #tpu.memory_space<vmem>> -> memref<80xi32, #tpu.memory_space<vmem>>
        %dma_start3A_446 = tpu.memref_slice %arg3[%add3A_437] : memref<640000xi32, #tpu.memory_space<hbm>> -> memref<80xi32, #tpu.memory_space<hbm>>
        tpu.enqueue_dma source(%dma_start3A_446 : memref<80xi32, #tpu.memory_space<hbm>>) target(%dma_start3A_445 : memref<80xi32, #tpu.memory_space<vmem>>) target_semaphore(%arg9 : memref<!tpu.dma_semaphore, #tpu.memory_space<semaphore_mem>>)
      } else {
      }
      %ge3A_416 = arith.constant 2 : i32
      %ge3A_417 = arith.cmpi sge, %add3A_367, %ge3A_416 : i32
      %convert_element_type3A_418 = arith.extui %ge3A_417 : i1 to i32
      %cond3A_419 = arith.constant 0 : i32
      %cond3A_420 = arith.cmpi ne, %convert_element_type3A_418, %cond3A_419 : i32
      scf.if %cond3A_420 {
        %dma_wait3A_421 = arith.constant 1 : i32
        %dma_wait3A_422 = arith.constant 1 : i32
        %dma_wait3A_423 = arith.constant 0 : i32
        %dma_wait3A_424 = arith.constant 0 : i32
        %dma_wait3A_425 = tpu.memref_slice %arg7[%dma_wait3A_422, %dma_wait3A_423, %dma_wait3A_424] : memref<4x80x128xf32, #tpu.memory_space<vmem>> -> memref<1x80x128xf32, #tpu.memory_space<vmem>>
        %dma_wait3A_426 = tpu.memref_squeeze %dma_wait3A_425 : memref<1x80x128xf32, #tpu.memory_space<vmem>> -> memref<80x128xf32, #tpu.memory_space<vmem>>
        %dma_wait3A_427 = arith.constant 0 : i32
        %dma_wait3A_428 = tpu.memref_slice %arg5[%dma_wait3A_421, %dma_wait3A_427] : memref<4x80xi32, #tpu.memory_space<vmem>> -> memref<1x80xi32, #tpu.memory_space<vmem>>
        %dma_wait3A_429 = tpu.memref_squeeze %dma_wait3A_428 : memref<1x80xi32, #tpu.memory_space<vmem>> -> memref<80xi32, #tpu.memory_space<vmem>>
        %dma_wait3A_430 = arith.constant 0 : i32
        %dma_wait3A_431 = arith.constant 0 : i32
        %dma_wait3A_432 = tpu.memref_slice %arg2[%dma_wait3A_430, %dma_wait3A_431] : memref<10000x128xf32, #tpu.memory_space<hbm>> -> memref<10000x128xf32, #tpu.memory_space<hbm>>
        tpu.wait_indirect_dma semaphore(%arg14 : memref<!tpu.dma_semaphore, #tpu.memory_space<semaphore_mem>>) src(%dma_wait3A_432 : memref<10000x128xf32, #tpu.memory_space<hbm>>) dst(%dma_wait3A_426 : memref<80x128xf32, #tpu.memory_space<vmem>>)
        %dma_start3A_433 = arith.constant 1 : i32
        %dma_start3A_434 = arith.constant 1 : i32
        %dma_start3A_435 = arith.constant 0 : i32
        %dma_start3A_436 = arith.constant 0 : i32
        %dma_start3A_437 = tpu.memref_slice %arg7[%dma_start3A_433, %dma_start3A_435, %dma_start3A_436] : memref<4x80x128xf32, #tpu.memory_space<vmem>> -> memref<1x80x128xf32, #tpu.memory_space<vmem>>
        %dma_start3A_438 = tpu.memref_squeeze %dma_start3A_437 : memref<1x80x128xf32, #tpu.memory_space<vmem>> -> memref<80x128xf32, #tpu.memory_space<vmem>>
        %dma_start3A_439 = arith.constant 0 : i32
        %dma_start3A_440 = tpu.memref_slice %arg6[%dma_start3A_434, %dma_start3A_439] : memref<4x80xi32, #tpu.memory_space<vmem>> -> memref<1x80xi32, #tpu.memory_space<vmem>>
        %dma_start3A_441 = tpu.memref_squeeze %dma_start3A_440 : memref<1x80xi32, #tpu.memory_space<vmem>> -> memref<80xi32, #tpu.memory_space<vmem>>
        %dma_start3A_442 = arith.constant 0 : i32
        %dma_start3A_443 = arith.constant 0 : i32
        %dma_start3A_444 = tpu.memref_slice %arg8[%dma_start3A_442, %dma_start3A_443] : memref<10000x128xf32, #tpu.memory_space<vmem_shared>> -> memref<10000x128xf32, #tpu.memory_space<vmem_shared>>
        tpu.enqueue_indirect_dma source(%dma_start3A_438 : memref<80x128xf32, #tpu.memory_space<vmem>>) target(%dma_start3A_444 : memref<10000x128xf32, #tpu.memory_space<vmem_shared>>) offsets(%dma_start3A_441 : memref<80xi32, #tpu.memory_space<vmem>>) semaphore(%arg18 : memref<!tpu.dma_semaphore, #tpu.memory_space<semaphore_mem>>) {add = true}
      } else {
      }
    }
    %scan3A_34 = arith.constant 31 : i32
    %add3A_35 = arith.constant 9920 : i32
    %add3A_36 = arith.addi %add3A, %add3A_35 : i32
    %dma_wait3A = arith.constant 0 : i32
    %dma_wait3A_37 = arith.constant 0 : i32
    %dma_wait3A_38 = tpu.memref_slice %arg5[%dma_wait3A, %dma_wait3A_37] : memref<4x80xi32, #tpu.memory_space<vmem>> -> memref<1x80xi32, #tpu.memory_space<vmem>>
    %dma_wait3A_39 = tpu.memref_squeeze %dma_wait3A_38 : memref<1x80xi32, #tpu.memory_space<vmem>> -> memref<80xi32, #tpu.memory_space<vmem>>
    %dma_wait3A_40 = tpu.memref_slice %arg3[%add3A_36] : memref<640000xi32, #tpu.memory_space<hbm>> -> memref<80xi32, #tpu.memory_space<hbm>>
    %dma_wait3A_41 = arith.constant 0 : i32
    %dma_wait3A_42 = tpu.memref_slice %arg5[%dma_wait3A, %dma_wait3A_41] : memref<4x80xi32, #tpu.memory_space<vmem>> -> memref<1x80xi32, #tpu.memory_space<vmem>>
    %dma_wait3A_43 = tpu.memref_squeeze %dma_wait3A_42 : memref<1x80xi32, #tpu.memory_space<vmem>> -> memref<80xi32, #tpu.memory_space<vmem>>
    %dma_wait3A_44 = tpu.memref_slice %arg3[%add3A_36] : memref<640000xi32, #tpu.memory_space<hbm>> -> memref<80xi32, #tpu.memory_space<hbm>>
    tpu.wait_dma2 semaphore(%arg9 : memref<!tpu.dma_semaphore, #tpu.memory_space<semaphore_mem>>) src(%dma_wait3A_44 : memref<80xi32, #tpu.memory_space<hbm>>) dst(%dma_wait3A_43 : memref<80xi32, #tpu.memory_space<vmem>>)
    %add3A_45 = arith.constant 9920 : i32
    %add3A_46 = arith.addi %add3A_6, %add3A_45 : i32
    %dma_wait3A_47 = arith.constant 0 : i32
    %dma_wait3A_48 = arith.constant 0 : i32
    %dma_wait3A_49 = tpu.memref_slice %arg6[%dma_wait3A_47, %dma_wait3A_48] : memref<4x80xi32, #tpu.memory_space<vmem>> -> memref<1x80xi32, #tpu.memory_space<vmem>>
    %dma_wait3A_50 = tpu.memref_squeeze %dma_wait3A_49 : memref<1x80xi32, #tpu.memory_space<vmem>> -> memref<80xi32, #tpu.memory_space<vmem>>
    %dma_wait3A_51 = tpu.memref_slice %arg3[%add3A_46] : memref<640000xi32, #tpu.memory_space<hbm>> -> memref<80xi32, #tpu.memory_space<hbm>>
    %dma_wait3A_52 = arith.constant 0 : i32
    %dma_wait3A_53 = tpu.memref_slice %arg6[%dma_wait3A_47, %dma_wait3A_52] : memref<4x80xi32, #tpu.memory_space<vmem>> -> memref<1x80xi32, #tpu.memory_space<vmem>>
    %dma_wait3A_54 = tpu.memref_squeeze %dma_wait3A_53 : memref<1x80xi32, #tpu.memory_space<vmem>> -> memref<80xi32, #tpu.memory_space<vmem>>
    %dma_wait3A_55 = tpu.memref_slice %arg3[%add3A_46] : memref<640000xi32, #tpu.memory_space<hbm>> -> memref<80xi32, #tpu.memory_space<hbm>>
    tpu.wait_dma2 semaphore(%arg9 : memref<!tpu.dma_semaphore, #tpu.memory_space<semaphore_mem>>) src(%dma_wait3A_55 : memref<80xi32, #tpu.memory_space<hbm>>) dst(%dma_wait3A_54 : memref<80xi32, #tpu.memory_space<vmem>>)
    %dma_start3A_56 = arith.constant 0 : i32
    %dma_start3A_57 = arith.constant 0 : i32
    %dma_start3A_58 = arith.constant 0 : i32
    %dma_start3A_59 = arith.constant 0 : i32
    %dma_start3A_60 = tpu.memref_slice %arg7[%dma_start3A_57, %dma_start3A_58, %dma_start3A_59] : memref<4x80x128xf32, #tpu.memory_space<vmem>> -> memref<1x80x128xf32, #tpu.memory_space<vmem>>
    %dma_start3A_61 = tpu.memref_squeeze %dma_start3A_60 : memref<1x80x128xf32, #tpu.memory_space<vmem>> -> memref<80x128xf32, #tpu.memory_space<vmem>>
    %dma_start3A_62 = arith.constant 0 : i32
    %dma_start3A_63 = tpu.memref_slice %arg5[%dma_start3A_56, %dma_start3A_62] : memref<4x80xi32, #tpu.memory_space<vmem>> -> memref<1x80xi32, #tpu.memory_space<vmem>>
    %dma_start3A_64 = tpu.memref_squeeze %dma_start3A_63 : memref<1x80xi32, #tpu.memory_space<vmem>> -> memref<80xi32, #tpu.memory_space<vmem>>
    %dma_start3A_65 = arith.constant 0 : i32
    %dma_start3A_66 = arith.constant 0 : i32
    %dma_start3A_67 = tpu.memref_slice %arg2[%dma_start3A_65, %dma_start3A_66] : memref<10000x128xf32, #tpu.memory_space<hbm>> -> memref<10000x128xf32, #tpu.memory_space<hbm>>
    tpu.enqueue_indirect_dma source(%dma_start3A_67 : memref<10000x128xf32, #tpu.memory_space<hbm>>) target(%dma_start3A_61 : memref<80x128xf32, #tpu.memory_space<vmem>>) offsets(%dma_start3A_64 : memref<80xi32, #tpu.memory_space<vmem>>) semaphore(%arg13 : memref<!tpu.dma_semaphore, #tpu.memory_space<semaphore_mem>>)
    %dma_wait3A_68 = arith.constant 2 : i32
    %dma_wait3A_69 = arith.constant 2 : i32
    %dma_wait3A_70 = arith.constant 0 : i32
    %dma_wait3A_71 = arith.constant 0 : i32
    %dma_wait3A_72 = tpu.memref_slice %arg7[%dma_wait3A_69, %dma_wait3A_70, %dma_wait3A_71] : memref<4x80x128xf32, #tpu.memory_space<vmem>> -> memref<1x80x128xf32, #tpu.memory_space<vmem>>
    %dma_wait3A_73 = tpu.memref_squeeze %dma_wait3A_72 : memref<1x80x128xf32, #tpu.memory_space<vmem>> -> memref<80x128xf32, #tpu.memory_space<vmem>>
    %dma_wait3A_74 = arith.constant 0 : i32
    %dma_wait3A_75 = tpu.memref_slice %arg5[%dma_wait3A_68, %dma_wait3A_74] : memref<4x80xi32, #tpu.memory_space<vmem>> -> memref<1x80xi32, #tpu.memory_space<vmem>>
    %dma_wait3A_76 = tpu.memref_squeeze %dma_wait3A_75 : memref<1x80xi32, #tpu.memory_space<vmem>> -> memref<80xi32, #tpu.memory_space<vmem>>
    %dma_wait3A_77 = arith.constant 0 : i32
    %dma_wait3A_78 = arith.constant 0 : i32
    %dma_wait3A_79 = tpu.memref_slice %arg2[%dma_wait3A_77, %dma_wait3A_78] : memref<10000x128xf32, #tpu.memory_space<hbm>> -> memref<10000x128xf32, #tpu.memory_space<hbm>>
    tpu.wait_indirect_dma semaphore(%arg15 : memref<!tpu.dma_semaphore, #tpu.memory_space<semaphore_mem>>) src(%dma_wait3A_79 : memref<10000x128xf32, #tpu.memory_space<hbm>>) dst(%dma_wait3A_73 : memref<80x128xf32, #tpu.memory_space<vmem>>)
    %dma_start3A_80 = arith.constant 2 : i32
    %dma_start3A_81 = arith.constant 2 : i32
    %dma_start3A_82 = arith.constant 0 : i32
    %dma_start3A_83 = arith.constant 0 : i32
    %dma_start3A_84 = tpu.memref_slice %arg7[%dma_start3A_80, %dma_start3A_82, %dma_start3A_83] : memref<4x80x128xf32, #tpu.memory_space<vmem>> -> memref<1x80x128xf32, #tpu.memory_space<vmem>>
    %dma_start3A_85 = tpu.memref_squeeze %dma_start3A_84 : memref<1x80x128xf32, #tpu.memory_space<vmem>> -> memref<80x128xf32, #tpu.memory_space<vmem>>
    %dma_start3A_86 = arith.constant 0 : i32
    %dma_start3A_87 = tpu.memref_slice %arg6[%dma_start3A_81, %dma_start3A_86] : memref<4x80xi32, #tpu.memory_space<vmem>> -> memref<1x80xi32, #tpu.memory_space<vmem>>
    %dma_start3A_88 = tpu.memref_squeeze %dma_start3A_87 : memref<1x80xi32, #tpu.memory_space<vmem>> -> memref<80xi32, #tpu.memory_space<vmem>>
    %dma_start3A_89 = arith.constant 0 : i32
    %dma_start3A_90 = arith.constant 0 : i32
    %dma_start3A_91 = tpu.memref_slice %arg8[%dma_start3A_89, %dma_start3A_90] : memref<10000x128xf32, #tpu.memory_space<vmem_shared>> -> memref<10000x128xf32, #tpu.memory_space<vmem_shared>>
    tpu.enqueue_indirect_dma source(%dma_start3A_85 : memref<80x128xf32, #tpu.memory_space<vmem>>) target(%dma_start3A_91 : memref<10000x128xf32, #tpu.memory_space<vmem_shared>>) offsets(%dma_start3A_88 : memref<80xi32, #tpu.memory_space<vmem>>) semaphore(%arg19 : memref<!tpu.dma_semaphore, #tpu.memory_space<semaphore_mem>>) {add = true}
    %dma_wait3A_92 = arith.constant 3 : i32
    %dma_wait3A_93 = arith.constant 3 : i32
    %dma_wait3A_94 = arith.constant 0 : i32
    %dma_wait3A_95 = arith.constant 0 : i32
    %dma_wait3A_96 = tpu.memref_slice %arg7[%dma_wait3A_93, %dma_wait3A_94, %dma_wait3A_95] : memref<4x80x128xf32, #tpu.memory_space<vmem>> -> memref<1x80x128xf32, #tpu.memory_space<vmem>>
    %dma_wait3A_97 = tpu.memref_squeeze %dma_wait3A_96 : memref<1x80x128xf32, #tpu.memory_space<vmem>> -> memref<80x128xf32, #tpu.memory_space<vmem>>
    %dma_wait3A_98 = arith.constant 0 : i32
    %dma_wait3A_99 = tpu.memref_slice %arg5[%dma_wait3A_92, %dma_wait3A_98] : memref<4x80xi32, #tpu.memory_space<vmem>> -> memref<1x80xi32, #tpu.memory_space<vmem>>
    %dma_wait3A_100 = tpu.memref_squeeze %dma_wait3A_99 : memref<1x80xi32, #tpu.memory_space<vmem>> -> memref<80xi32, #tpu.memory_space<vmem>>
    %dma_wait3A_101 = arith.constant 0 : i32
    %dma_wait3A_102 = arith.constant 0 : i32
    %dma_wait3A_103 = tpu.memref_slice %arg2[%dma_wait3A_101, %dma_wait3A_102] : memref<10000x128xf32, #tpu.memory_space<hbm>> -> memref<10000x128xf32, #tpu.memory_space<hbm>>
    tpu.wait_indirect_dma semaphore(%arg16 : memref<!tpu.dma_semaphore, #tpu.memory_space<semaphore_mem>>) src(%dma_wait3A_103 : memref<10000x128xf32, #tpu.memory_space<hbm>>) dst(%dma_wait3A_97 : memref<80x128xf32, #tpu.memory_space<vmem>>)
    %dma_start3A_104 = arith.constant 3 : i32
    %dma_start3A_105 = arith.constant 3 : i32
    %dma_start3A_106 = arith.constant 0 : i32
    %dma_start3A_107 = arith.constant 0 : i32
    %dma_start3A_108 = tpu.memref_slice %arg7[%dma_start3A_104, %dma_start3A_106, %dma_start3A_107] : memref<4x80x128xf32, #tpu.memory_space<vmem>> -> memref<1x80x128xf32, #tpu.memory_space<vmem>>
    %dma_start3A_109 = tpu.memref_squeeze %dma_start3A_108 : memref<1x80x128xf32, #tpu.memory_space<vmem>> -> memref<80x128xf32, #tpu.memory_space<vmem>>
    %dma_start3A_110 = arith.constant 0 : i32
    %dma_start3A_111 = tpu.memref_slice %arg6[%dma_start3A_105, %dma_start3A_110] : memref<4x80xi32, #tpu.memory_space<vmem>> -> memref<1x80xi32, #tpu.memory_space<vmem>>
    %dma_start3A_112 = tpu.memref_squeeze %dma_start3A_111 : memref<1x80xi32, #tpu.memory_space<vmem>> -> memref<80xi32, #tpu.memory_space<vmem>>
    %dma_start3A_113 = arith.constant 0 : i32
    %dma_start3A_114 = arith.constant 0 : i32
    %dma_start3A_115 = tpu.memref_slice %arg8[%dma_start3A_113, %dma_start3A_114] : memref<10000x128xf32, #tpu.memory_space<vmem_shared>> -> memref<10000x128xf32, #tpu.memory_space<vmem_shared>>
    tpu.enqueue_indirect_dma source(%dma_start3A_109 : memref<80x128xf32, #tpu.memory_space<vmem>>) target(%dma_start3A_115 : memref<10000x128xf32, #tpu.memory_space<vmem_shared>>) offsets(%dma_start3A_112 : memref<80xi32, #tpu.memory_space<vmem>>) semaphore(%arg20 : memref<!tpu.dma_semaphore, #tpu.memory_space<semaphore_mem>>) {add = true}
    %dma_wait3A_116 = arith.constant 0 : i32
    %dma_wait3A_117 = arith.constant 0 : i32
    %dma_wait3A_118 = arith.constant 0 : i32
    %dma_wait3A_119 = arith.constant 0 : i32
    %dma_wait3A_120 = tpu.memref_slice %arg7[%dma_wait3A_117, %dma_wait3A_118, %dma_wait3A_119] : memref<4x80x128xf32, #tpu.memory_space<vmem>> -> memref<1x80x128xf32, #tpu.memory_space<vmem>>
    %dma_wait3A_121 = tpu.memref_squeeze %dma_wait3A_120 : memref<1x80x128xf32, #tpu.memory_space<vmem>> -> memref<80x128xf32, #tpu.memory_space<vmem>>
    %dma_wait3A_122 = arith.constant 0 : i32
    %dma_wait3A_123 = tpu.memref_slice %arg5[%dma_wait3A_116, %dma_wait3A_122] : memref<4x80xi32, #tpu.memory_space<vmem>> -> memref<1x80xi32, #tpu.memory_space<vmem>>
    %dma_wait3A_124 = tpu.memref_squeeze %dma_wait3A_123 : memref<1x80xi32, #tpu.memory_space<vmem>> -> memref<80xi32, #tpu.memory_space<vmem>>
    %dma_wait3A_125 = arith.constant 0 : i32
    %dma_wait3A_126 = arith.constant 0 : i32
    %dma_wait3A_127 = tpu.memref_slice %arg2[%dma_wait3A_125, %dma_wait3A_126] : memref<10000x128xf32, #tpu.memory_space<hbm>> -> memref<10000x128xf32, #tpu.memory_space<hbm>>
    tpu.wait_indirect_dma semaphore(%arg13 : memref<!tpu.dma_semaphore, #tpu.memory_space<semaphore_mem>>) src(%dma_wait3A_127 : memref<10000x128xf32, #tpu.memory_space<hbm>>) dst(%dma_wait3A_121 : memref<80x128xf32, #tpu.memory_space<vmem>>)
    %dma_start3A_128 = arith.constant 0 : i32
    %dma_start3A_129 = arith.constant 0 : i32
    %dma_start3A_130 = arith.constant 0 : i32
    %dma_start3A_131 = arith.constant 0 : i32
    %dma_start3A_132 = tpu.memref_slice %arg7[%dma_start3A_128, %dma_start3A_130, %dma_start3A_131] : memref<4x80x128xf32, #tpu.memory_space<vmem>> -> memref<1x80x128xf32, #tpu.memory_space<vmem>>
    %dma_start3A_133 = tpu.memref_squeeze %dma_start3A_132 : memref<1x80x128xf32, #tpu.memory_space<vmem>> -> memref<80x128xf32, #tpu.memory_space<vmem>>
    %dma_start3A_134 = arith.constant 0 : i32
    %dma_start3A_135 = tpu.memref_slice %arg6[%dma_start3A_129, %dma_start3A_134] : memref<4x80xi32, #tpu.memory_space<vmem>> -> memref<1x80xi32, #tpu.memory_space<vmem>>
    %dma_start3A_136 = tpu.memref_squeeze %dma_start3A_135 : memref<1x80xi32, #tpu.memory_space<vmem>> -> memref<80xi32, #tpu.memory_space<vmem>>
    %dma_start3A_137 = arith.constant 0 : i32
    %dma_start3A_138 = arith.constant 0 : i32
    %dma_start3A_139 = tpu.memref_slice %arg8[%dma_start3A_137, %dma_start3A_138] : memref<10000x128xf32, #tpu.memory_space<vmem_shared>> -> memref<10000x128xf32, #tpu.memory_space<vmem_shared>>
    tpu.enqueue_indirect_dma source(%dma_start3A_133 : memref<80x128xf32, #tpu.memory_space<vmem>>) target(%dma_start3A_139 : memref<10000x128xf32, #tpu.memory_space<vmem_shared>>) offsets(%dma_start3A_136 : memref<80xi32, #tpu.memory_space<vmem>>) semaphore(%arg17 : memref<!tpu.dma_semaphore, #tpu.memory_space<semaphore_mem>>) {add = true}
    %dma_wait3A_140 = arith.constant 1 : i32
    %dma_wait3A_141 = arith.constant 1 : i32
    %dma_wait3A_142 = arith.constant 0 : i32
    %dma_wait3A_143 = arith.constant 0 : i32
    %dma_wait3A_144 = tpu.memref_slice %arg7[%dma_wait3A_140, %dma_wait3A_142, %dma_wait3A_143] : memref<4x80x128xf32, #tpu.memory_space<vmem>> -> memref<1x80x128xf32, #tpu.memory_space<vmem>>
    %dma_wait3A_145 = tpu.memref_squeeze %dma_wait3A_144 : memref<1x80x128xf32, #tpu.memory_space<vmem>> -> memref<80x128xf32, #tpu.memory_space<vmem>>
    %dma_wait3A_146 = arith.constant 0 : i32
    %dma_wait3A_147 = tpu.memref_slice %arg6[%dma_wait3A_141, %dma_wait3A_146] : memref<4x80xi32, #tpu.memory_space<vmem>> -> memref<1x80xi32, #tpu.memory_space<vmem>>
    %dma_wait3A_148 = tpu.memref_squeeze %dma_wait3A_147 : memref<1x80xi32, #tpu.memory_space<vmem>> -> memref<80xi32, #tpu.memory_space<vmem>>
    %dma_wait3A_149 = arith.constant 0 : i32
    %dma_wait3A_150 = arith.constant 0 : i32
    %dma_wait3A_151 = tpu.memref_slice %arg8[%dma_wait3A_149, %dma_wait3A_150] : memref<10000x128xf32, #tpu.memory_space<vmem_shared>> -> memref<10000x128xf32, #tpu.memory_space<vmem_shared>>
    tpu.wait_indirect_dma semaphore(%arg18 : memref<!tpu.dma_semaphore, #tpu.memory_space<semaphore_mem>>) src(%dma_wait3A_145 : memref<80x128xf32, #tpu.memory_space<vmem>>) dst(%dma_wait3A_151 : memref<10000x128xf32, #tpu.memory_space<vmem_shared>>)
    %dma_wait3A_152 = arith.constant 2 : i32
    %dma_wait3A_153 = arith.constant 2 : i32
    %dma_wait3A_154 = arith.constant 0 : i32
    %dma_wait3A_155 = arith.constant 0 : i32
    %dma_wait3A_156 = tpu.memref_slice %arg7[%dma_wait3A_152, %dma_wait3A_154, %dma_wait3A_155] : memref<4x80x128xf32, #tpu.memory_space<vmem>> -> memref<1x80x128xf32, #tpu.memory_space<vmem>>
    %dma_wait3A_157 = tpu.memref_squeeze %dma_wait3A_156 : memref<1x80x128xf32, #tpu.memory_space<vmem>> -> memref<80x128xf32, #tpu.memory_space<vmem>>
    %dma_wait3A_158 = arith.constant 0 : i32
    %dma_wait3A_159 = tpu.memref_slice %arg6[%dma_wait3A_153, %dma_wait3A_158] : memref<4x80xi32, #tpu.memory_space<vmem>> -> memref<1x80xi32, #tpu.memory_space<vmem>>
    %dma_wait3A_160 = tpu.memref_squeeze %dma_wait3A_159 : memref<1x80xi32, #tpu.memory_space<vmem>> -> memref<80xi32, #tpu.memory_space<vmem>>
    %dma_wait3A_161 = arith.constant 0 : i32
    %dma_wait3A_162 = arith.constant 0 : i32
    %dma_wait3A_163 = tpu.memref_slice %arg8[%dma_wait3A_161, %dma_wait3A_162] : memref<10000x128xf32, #tpu.memory_space<vmem_shared>> -> memref<10000x128xf32, #tpu.memory_space<vmem_shared>>
    tpu.wait_indirect_dma semaphore(%arg19 : memref<!tpu.dma_semaphore, #tpu.memory_space<semaphore_mem>>) src(%dma_wait3A_157 : memref<80x128xf32, #tpu.memory_space<vmem>>) dst(%dma_wait3A_163 : memref<10000x128xf32, #tpu.memory_space<vmem_shared>>)
    %dma_wait3A_164 = arith.constant 3 : i32
    %dma_wait3A_165 = arith.constant 3 : i32
    %dma_wait3A_166 = arith.constant 0 : i32
    %dma_wait3A_167 = arith.constant 0 : i32
    %dma_wait3A_168 = tpu.memref_slice %arg7[%dma_wait3A_164, %dma_wait3A_166, %dma_wait3A_167] : memref<4x80x128xf32, #tpu.memory_space<vmem>> -> memref<1x80x128xf32, #tpu.memory_space<vmem>>
    %dma_wait3A_169 = tpu.memref_squeeze %dma_wait3A_168 : memref<1x80x128xf32, #tpu.memory_space<vmem>> -> memref<80x128xf32, #tpu.memory_space<vmem>>
    %dma_wait3A_170 = arith.constant 0 : i32
    %dma_wait3A_171 = tpu.memref_slice %arg6[%dma_wait3A_165, %dma_wait3A_170] : memref<4x80xi32, #tpu.memory_space<vmem>> -> memref<1x80xi32, #tpu.memory_space<vmem>>
    %dma_wait3A_172 = tpu.memref_squeeze %dma_wait3A_171 : memref<1x80xi32, #tpu.memory_space<vmem>> -> memref<80xi32, #tpu.memory_space<vmem>>
    %dma_wait3A_173 = arith.constant 0 : i32
    %dma_wait3A_174 = arith.constant 0 : i32
    %dma_wait3A_175 = tpu.memref_slice %arg8[%dma_wait3A_173, %dma_wait3A_174] : memref<10000x128xf32, #tpu.memory_space<vmem_shared>> -> memref<10000x128xf32, #tpu.memory_space<vmem_shared>>
    tpu.wait_indirect_dma semaphore(%arg20 : memref<!tpu.dma_semaphore, #tpu.memory_space<semaphore_mem>>) src(%dma_wait3A_169 : memref<80x128xf32, #tpu.memory_space<vmem>>) dst(%dma_wait3A_175 : memref<10000x128xf32, #tpu.memory_space<vmem_shared>>)
    %dma_wait3A_176 = arith.constant 0 : i32
    %dma_wait3A_177 = arith.constant 0 : i32
    %dma_wait3A_178 = arith.constant 0 : i32
    %dma_wait3A_179 = arith.constant 0 : i32
    %dma_wait3A_180 = tpu.memref_slice %arg7[%dma_wait3A_176, %dma_wait3A_178, %dma_wait3A_179] : memref<4x80x128xf32, #tpu.memory_space<vmem>> -> memref<1x80x128xf32, #tpu.memory_space<vmem>>
    %dma_wait3A_181 = tpu.memref_squeeze %dma_wait3A_180 : memref<1x80x128xf32, #tpu.memory_space<vmem>> -> memref<80x128xf32, #tpu.memory_space<vmem>>
    %dma_wait3A_182 = arith.constant 0 : i32
    %dma_wait3A_183 = tpu.memref_slice %arg6[%dma_wait3A_177, %dma_wait3A_182] : memref<4x80xi32, #tpu.memory_space<vmem>> -> memref<1x80xi32, #tpu.memory_space<vmem>>
    %dma_wait3A_184 = tpu.memref_squeeze %dma_wait3A_183 : memref<1x80xi32, #tpu.memory_space<vmem>> -> memref<80xi32, #tpu.memory_space<vmem>>
    %dma_wait3A_185 = arith.constant 0 : i32
    %dma_wait3A_186 = arith.constant 0 : i32
    %dma_wait3A_187 = tpu.memref_slice %arg8[%dma_wait3A_185, %dma_wait3A_186] : memref<10000x128xf32, #tpu.memory_space<vmem_shared>> -> memref<10000x128xf32, #tpu.memory_space<vmem_shared>>
    tpu.wait_indirect_dma semaphore(%arg17 : memref<!tpu.dma_semaphore, #tpu.memory_space<semaphore_mem>>) src(%dma_wait3A_181 : memref<80x128xf32, #tpu.memory_space<vmem>>) dst(%dma_wait3A_187 : memref<10000x128xf32, #tpu.memory_space<vmem_shared>>)
    %barrier3A_188 = arith.constant 0 : index
    tpu.barrier barrier_id(%barrier3A_188)
    "tpu.region"() ({
      %run_scoped3A = tpu.sem_alloc : memref<!tpu.dma_semaphore, #tpu.memory_space<semaphore_mem>>
      %dma_start3A_194 = arith.constant 0 : i32
      %dma_start3A_195 = tpu.memref_slice %arg4[%arg0, %mul3A_0, %dma_start3A_194] : memref<2x10000x128xf32, #tpu.memory_space<hbm>> -> memref<1x624x128xf32, #tpu.memory_space<hbm>>
      %dma_start3A_196 = tpu.memref_squeeze %dma_start3A_195 : memref<1x624x128xf32, #tpu.memory_space<hbm>> -> memref<624x128xf32, #tpu.memory_space<hbm>>
      %dma_start3A_197 = arith.constant 0 : i32
      %dma_start3A_198 = tpu.memref_slice %arg8[%mul3A_0, %dma_start3A_197] : memref<10000x128xf32, #tpu.memory_space<vmem_shared>> -> memref<624x128xf32, #tpu.memory_space<vmem_shared>>
      tpu.enqueue_dma source(%dma_start3A_198 : memref<624x128xf32, #tpu.memory_space<vmem_shared>>) target(%dma_start3A_196 : memref<624x128xf32, #tpu.memory_space<hbm>>) target_semaphore(%run_scoped3A : memref<!tpu.dma_semaphore, #tpu.memory_space<semaphore_mem>>)
      %dma_wait3A_199 = arith.constant 0 : i32
      %dma_wait3A_200 = tpu.memref_slice %arg4[%arg0, %mul3A_0, %dma_wait3A_199] : memref<2x10000x128xf32, #tpu.memory_space<hbm>> -> memref<1x624x128xf32, #tpu.memory_space<hbm>>
      %dma_wait3A_201 = tpu.memref_squeeze %dma_wait3A_200 : memref<1x624x128xf32, #tpu.memory_space<hbm>> -> memref<624x128xf32, #tpu.memory_space<hbm>>
      %dma_wait3A_202 = arith.constant 0 : i32
      %dma_wait3A_203 = tpu.memref_slice %arg8[%mul3A_0, %dma_wait3A_202] : memref<10000x128xf32, #tpu.memory_space<vmem_shared>> -> memref<624x128xf32, #tpu.memory_space<vmem_shared>>
      tpu.wait_dma2 semaphore(%run_scoped3A : memref<!tpu.dma_semaphore, #tpu.memory_space<semaphore_mem>>) src(%dma_wait3A_203 : memref<624x128xf32, #tpu.memory_space<vmem_shared>>) dst(%dma_wait3A_201 : memref<624x128xf32, #tpu.memory_space<hbm>>)
      tpu.yield
    }) : () -> ()
    %eq3A_189 = arith.constant 15 : i32
    %eq3A_190 = arith.cmpi eq, %arg1, %eq3A_189 : i32
    %convert_element_type3A_191 = arith.extui %eq3A_190 : i1 to i32
    %cond3A_192 = arith.constant 0 : i32
    %cond3A_193 = arith.cmpi ne, %convert_element_type3A_191, %cond3A_192 : i32
    scf.if %cond3A_193 {
      "tpu.region"() ({
        %run_scoped3A = tpu.sem_alloc : memref<!tpu.dma_semaphore, #tpu.memory_space<semaphore_mem>>
        %dma_start3A_194 = arith.constant 9984 : i32
        %dma_start3A_195 = arith.constant 0 : i32
        %dma_start3A_196 = tpu.memref_slice %arg4[%arg0, %dma_start3A_194, %dma_start3A_195] : memref<2x10000x128xf32, #tpu.memory_space<hbm>> -> memref<1x16x128xf32, #tpu.memory_space<hbm>>
        %dma_start3A_197 = tpu.memref_squeeze %dma_start3A_196 : memref<1x16x128xf32, #tpu.memory_space<hbm>> -> memref<16x128xf32, #tpu.memory_space<hbm>>
        %dma_start3A_198 = arith.constant 9984 : i32
        %dma_start3A_199 = arith.constant 0 : i32
        %dma_start3A_200 = tpu.memref_slice %arg8[%dma_start3A_198, %dma_start3A_199] : memref<10000x128xf32, #tpu.memory_space<vmem_shared>> -> memref<16x128xf32, #tpu.memory_space<vmem_shared>>
        tpu.enqueue_dma source(%dma_start3A_200 : memref<16x128xf32, #tpu.memory_space<vmem_shared>>) target(%dma_start3A_197 : memref<16x128xf32, #tpu.memory_space<hbm>>) target_semaphore(%run_scoped3A : memref<!tpu.dma_semaphore, #tpu.memory_space<semaphore_mem>>)
        %dma_wait3A_201 = arith.constant 9984 : i32
        %dma_wait3A_202 = arith.constant 0 : i32
        %dma_wait3A_203 = tpu.memref_slice %arg4[%arg0, %dma_wait3A_201, %dma_wait3A_202] : memref<2x10000x128xf32, #tpu.memory_space<hbm>> -> memref<1x16x128xf32, #tpu.memory_space<hbm>>
        %dma_wait3A_204 = tpu.memref_squeeze %dma_wait3A_203 : memref<1x16x128xf32, #tpu.memory_space<hbm>> -> memref<16x128xf32, #tpu.memory_space<hbm>>
        %dma_wait3A_205 = arith.constant 9984 : i32
        %dma_wait3A_206 = arith.constant 0 : i32
        %dma_wait3A_207 = tpu.memref_slice %arg8[%dma_wait3A_205, %dma_wait3A_206] : memref<10000x128xf32, #tpu.memory_space<vmem_shared>> -> memref<16x128xf32, #tpu.memory_space<vmem_shared>>
        tpu.wait_dma2 semaphore(%run_scoped3A : memref<!tpu.dma_semaphore, #tpu.memory_space<semaphore_mem>>) src(%dma_wait3A_207 : memref<16x128xf32, #tpu.memory_space<vmem_shared>>) dst(%dma_wait3A_204 : memref<16x128xf32, #tpu.memory_space<hbm>>)
        tpu.yield
      }) : () -> ()
    } else {
    }
    return
  }
}

module attributes {stable_mosaic.version = 14 : i64} {
  func.func @_tc3_body(%arg0: i32, %arg1: memref<2x2000x128xf32, #tpu.memory_space<vmem>>, %arg2: memref<2000x128xf32, #tpu.memory_space<vmem>>, %arg3: memref<2000x1xf32, #tpu.memory_space<vmem>>, %arg4: memref<2000x128xf32, #tpu.memory_space<vmem>>) attributes {dimension_semantics = [#tpu.dimension_semantics<arbitrary>], iteration_bounds = array<i64: 5>, scalar_prefetch = 0 : i64, scratch_operands = 0 : i64, tpu.core_type = #tpu.core_type<tc>, window_params = [{transform_indices = @transform_0, window_bounds = array<i64: 2, 2000, 128>}, {transform_indices = @transform_1, window_bounds = array<i64: 2000, 128>}, {transform_indices = @transform_2, window_bounds = array<i64: 2000, 1>}, {transform_indices = @transform_3, window_bounds = array<i64: 2000, 128>}]} {
    %get3A = arith.constant 0 : index
    %get3A_0 = arith.constant 0 : index
    %get3A_1 = arith.constant 0 : index
    %get3A_2 = vector.load %arg1[%get3A, %get3A_0, %get3A_1] : memref<2x2000x128xf32, #tpu.memory_space<vmem>>, vector<1x2000x128xf32>
    %get3A_3 = vector.shape_cast %get3A_2 : vector<1x2000x128xf32> to vector<2000x128xf32>
    %get3A_4 = arith.constant 1 : index
    %get3A_5 = arith.constant 0 : index
    %get3A_6 = arith.constant 0 : index
    %get3A_7 = vector.load %arg1[%get3A_4, %get3A_5, %get3A_6] : memref<2x2000x128xf32, #tpu.memory_space<vmem>>, vector<1x2000x128xf32>
    %get3A_8 = vector.shape_cast %get3A_7 : vector<1x2000x128xf32> to vector<2000x128xf32>
    %add3A = arith.addf %get3A_3, %get3A_8 : vector<2000x128xf32>
    %get3A_9 = arith.constant 0 : index
    %get3A_10 = arith.constant 0 : index
    %get3A_11 = vector.load %arg2[%get3A_9, %get3A_10] : memref<2000x128xf32, #tpu.memory_space<vmem>>, vector<2000x128xf32>
    %sub3A = arith.subf %add3A, %get3A_11 : vector<2000x128xf32>
    %get3A_12 = arith.constant 0 : index
    %get3A_13 = arith.constant 0 : index
    %get3A_14 = vector.load %arg3[%get3A_12, %get3A_13] : memref<2000x1xf32, #tpu.memory_space<vmem>>, vector<2000x1xf32>
    %mul3A = vector.broadcast %get3A_14 : vector<2000x1xf32> to vector<2000x128xf32>
    %mul3A_15 = arith.mulf %sub3A, %mul3A : vector<2000x128xf32>
    %swap3A = arith.constant 0 : index
    %swap3A_16 = arith.constant 0 : index
    %swap3A_17 = vector.load %arg4[%swap3A, %swap3A_16] : memref<2000x128xf32, #tpu.memory_space<vmem>>, vector<2000x128xf32>
    tpu.vector_store %arg4[%swap3A, %swap3A_16], %mul3A_15 {strides = array<i32>} : memref<2000x128xf32, #tpu.memory_space<vmem>>, vector<2000x128xf32>,
    return
  }
  func.func @transform_0(%arg0: i32) -> (i32, i32, i32) {
    %c0_i32 = arith.constant 0 : i32
    %c0_i32_0 = arith.constant 0 : i32
    %c0_i32_1 = arith.constant 0 : i32
    return %c0_i32, %arg0, %c0_i32_0 : i32, i32, i32
  }
  func.func @transform_1(%arg0: i32) -> (i32, i32) {
    %c0_i32 = arith.constant 0 : i32
    %c0_i32_0 = arith.constant 0 : i32
    return %arg0, %c0_i32 : i32, i32
  }
  func.func @transform_2(%arg0: i32) -> (i32, i32) {
    %c0_i32 = arith.constant 0 : i32
    %c0_i32_0 = arith.constant 0 : i32
    return %arg0, %c0_i32 : i32, i32
  }
  func.func @transform_3(%arg0: i32) -> (i32, i32) {
    %c0_i32 = arith.constant 0 : i32
    %c0_i32_0 = arith.constant 0 : i32
    return %arg0, %c0_i32 : i32, i32
  }
}

module attributes {stable_mosaic.version = 14 : i64} {
  func.func @_tc1_body(%arg0: i32, %arg1: memref<320000xf32, #tpu.memory_space<vmem>>, %arg2: memref<10000x128xf32, #tpu.memory_space<vmem>>, %arg3: memref<256x128xf32, #tpu.memory_space<vmem>>, %arg4: memref<1x256xf32, #tpu.memory_space<vmem>>, %arg5: memref<10000x128xf32, #tpu.memory_space<vmem>>, %arg6: memref<10000x128xf32, #tpu.memory_space<vmem>>, %arg7: memref<10000x1xf32, #tpu.memory_space<vmem>>) attributes {dimension_semantics = [#tpu.dimension_semantics<arbitrary>], iteration_bounds = array<i64: 1>, scalar_prefetch = 0 : i64, scratch_operands = 0 : i64, tpu.core_type = #tpu.core_type<tc>, window_params = [{pipeline_mode = #tpu.pipeline_mode<synchronous>, transform_indices = @transform_0, window_bounds = array<i64: 320000>}, {pipeline_mode = #tpu.pipeline_mode<synchronous>, transform_indices = @transform_1, window_bounds = array<i64: 10000, 128>}, {pipeline_mode = #tpu.pipeline_mode<synchronous>, transform_indices = @transform_2, window_bounds = array<i64: 256, 128>}, {pipeline_mode = #tpu.pipeline_mode<synchronous>, transform_indices = @transform_3, window_bounds = array<i64: 1, 256>}, {pipeline_mode = #tpu.pipeline_mode<synchronous>, transform_indices = @transform_4, window_bounds = array<i64: 10000, 128>}, {pipeline_mode = #tpu.pipeline_mode<synchronous>, transform_indices = @transform_5, window_bounds = array<i64: 10000, 128>}, {pipeline_mode = #tpu.pipeline_mode<synchronous>, transform_indices = @transform_6, window_bounds = array<i64: 10000, 1>}]} {
    %get3A = arith.constant 0 : index
    %get3A_0 = vector.load %arg1[%get3A] : memref<320000xf32, #tpu.memory_space<vmem>>, vector<10000xf32>
    %add3A = arith.constant 1.000000e+00 : f32
    %add3A_1 = vector.broadcast %add3A : f32 to vector<10000xf32>
    %add3A_2 = arith.addf %get3A_0, %add3A_1 : vector<10000xf32>
    %get3A_3 = arith.constant 10000 : index
    %get3A_4 = vector.load %arg1[%get3A_3] : memref<320000xf32, #tpu.memory_space<vmem>>, vector<10000xf32>
    %add3A_5 = arith.addf %add3A_2, %get3A_4 : vector<10000xf32>
    %get3A_6 = arith.constant 20000 : index
    %get3A_7 = vector.load %arg1[%get3A_6] : memref<320000xf32, #tpu.memory_space<vmem>>, vector<10000xf32>
    %add3A_8 = arith.addf %add3A_5, %get3A_7 : vector<10000xf32>
    %get3A_9 = arith.constant 30000 : index
    %get3A_10 = vector.load %arg1[%get3A_9] : memref<320000xf32, #tpu.memory_space<vmem>>, vector<10000xf32>
    %add3A_11 = arith.addf %add3A_8, %get3A_10 : vector<10000xf32>
    %get3A_12 = arith.constant 40000 : index
    %get3A_13 = vector.load %arg1[%get3A_12] : memref<320000xf32, #tpu.memory_space<vmem>>, vector<10000xf32>
    %add3A_14 = arith.addf %add3A_11, %get3A_13 : vector<10000xf32>
    %get3A_15 = arith.constant 50000 : index
    %get3A_16 = vector.load %arg1[%get3A_15] : memref<320000xf32, #tpu.memory_space<vmem>>, vector<10000xf32>
    %add3A_17 = arith.addf %add3A_14, %get3A_16 : vector<10000xf32>
    %get3A_18 = arith.constant 60000 : index
    %get3A_19 = vector.load %arg1[%get3A_18] : memref<320000xf32, #tpu.memory_space<vmem>>, vector<10000xf32>
    %add3A_20 = arith.addf %add3A_17, %get3A_19 : vector<10000xf32>
    %get3A_21 = arith.constant 70000 : index
    %get3A_22 = vector.load %arg1[%get3A_21] : memref<320000xf32, #tpu.memory_space<vmem>>, vector<10000xf32>
    %add3A_23 = arith.addf %add3A_20, %get3A_22 : vector<10000xf32>
    %get3A_24 = arith.constant 80000 : index
    %get3A_25 = vector.load %arg1[%get3A_24] : memref<320000xf32, #tpu.memory_space<vmem>>, vector<10000xf32>
    %add3A_26 = arith.addf %add3A_23, %get3A_25 : vector<10000xf32>
    %get3A_27 = arith.constant 90000 : index
    %get3A_28 = vector.load %arg1[%get3A_27] : memref<320000xf32, #tpu.memory_space<vmem>>, vector<10000xf32>
    %add3A_29 = arith.addf %add3A_26, %get3A_28 : vector<10000xf32>
    %get3A_30 = arith.constant 100000 : index
    %get3A_31 = vector.load %arg1[%get3A_30] : memref<320000xf32, #tpu.memory_space<vmem>>, vector<10000xf32>
    %add3A_32 = arith.addf %add3A_29, %get3A_31 : vector<10000xf32>
    %get3A_33 = arith.constant 110000 : index
    %get3A_34 = vector.load %arg1[%get3A_33] : memref<320000xf32, #tpu.memory_space<vmem>>, vector<10000xf32>
    %add3A_35 = arith.addf %add3A_32, %get3A_34 : vector<10000xf32>
    %get3A_36 = arith.constant 120000 : index
    %get3A_37 = vector.load %arg1[%get3A_36] : memref<320000xf32, #tpu.memory_space<vmem>>, vector<10000xf32>
    %add3A_38 = arith.addf %add3A_35, %get3A_37 : vector<10000xf32>
    %get3A_39 = arith.constant 130000 : index
    %get3A_40 = vector.load %arg1[%get3A_39] : memref<320000xf32, #tpu.memory_space<vmem>>, vector<10000xf32>
    %add3A_41 = arith.addf %add3A_38, %get3A_40 : vector<10000xf32>
    %get3A_42 = arith.constant 140000 : index
    %get3A_43 = vector.load %arg1[%get3A_42] : memref<320000xf32, #tpu.memory_space<vmem>>, vector<10000xf32>
    %add3A_44 = arith.addf %add3A_41, %get3A_43 : vector<10000xf32>
    %get3A_45 = arith.constant 150000 : index
    %get3A_46 = vector.load %arg1[%get3A_45] : memref<320000xf32, #tpu.memory_space<vmem>>, vector<10000xf32>
    %add3A_47 = arith.addf %add3A_44, %get3A_46 : vector<10000xf32>
    %get3A_48 = arith.constant 160000 : index
    %get3A_49 = vector.load %arg1[%get3A_48] : memref<320000xf32, #tpu.memory_space<vmem>>, vector<10000xf32>
    %add3A_50 = arith.addf %add3A_47, %get3A_49 : vector<10000xf32>
    %get3A_51 = arith.constant 170000 : index
    %get3A_52 = vector.load %arg1[%get3A_51] : memref<320000xf32, #tpu.memory_space<vmem>>, vector<10000xf32>
    %add3A_53 = arith.addf %add3A_50, %get3A_52 : vector<10000xf32>
    %get3A_54 = arith.constant 180000 : index
    %get3A_55 = vector.load %arg1[%get3A_54] : memref<320000xf32, #tpu.memory_space<vmem>>, vector<10000xf32>
    %add3A_56 = arith.addf %add3A_53, %get3A_55 : vector<10000xf32>
    %get3A_57 = arith.constant 190000 : index
    %get3A_58 = vector.load %arg1[%get3A_57] : memref<320000xf32, #tpu.memory_space<vmem>>, vector<10000xf32>
    %add3A_59 = arith.addf %add3A_56, %get3A_58 : vector<10000xf32>
    %get3A_60 = arith.constant 200000 : index
    %get3A_61 = vector.load %arg1[%get3A_60] : memref<320000xf32, #tpu.memory_space<vmem>>, vector<10000xf32>
    %add3A_62 = arith.addf %add3A_59, %get3A_61 : vector<10000xf32>
    %get3A_63 = arith.constant 210000 : index
    %get3A_64 = vector.load %arg1[%get3A_63] : memref<320000xf32, #tpu.memory_space<vmem>>, vector<10000xf32>
    %add3A_65 = arith.addf %add3A_62, %get3A_64 : vector<10000xf32>
    %get3A_66 = arith.constant 220000 : index
    %get3A_67 = vector.load %arg1[%get3A_66] : memref<320000xf32, #tpu.memory_space<vmem>>, vector<10000xf32>
    %add3A_68 = arith.addf %add3A_65, %get3A_67 : vector<10000xf32>
    %get3A_69 = arith.constant 230000 : index
    %get3A_70 = vector.load %arg1[%get3A_69] : memref<320000xf32, #tpu.memory_space<vmem>>, vector<10000xf32>
    %add3A_71 = arith.addf %add3A_68, %get3A_70 : vector<10000xf32>
    %get3A_72 = arith.constant 240000 : index
    %get3A_73 = vector.load %arg1[%get3A_72] : memref<320000xf32, #tpu.memory_space<vmem>>, vector<10000xf32>
    %add3A_74 = arith.addf %add3A_71, %get3A_73 : vector<10000xf32>
    %get3A_75 = arith.constant 250000 : index
    %get3A_76 = vector.load %arg1[%get3A_75] : memref<320000xf32, #tpu.memory_space<vmem>>, vector<10000xf32>
    %add3A_77 = arith.addf %add3A_74, %get3A_76 : vector<10000xf32>
    %get3A_78 = arith.constant 260000 : index
    %get3A_79 = vector.load %arg1[%get3A_78] : memref<320000xf32, #tpu.memory_space<vmem>>, vector<10000xf32>
    %add3A_80 = arith.addf %add3A_77, %get3A_79 : vector<10000xf32>
    %get3A_81 = arith.constant 270000 : index
    %get3A_82 = vector.load %arg1[%get3A_81] : memref<320000xf32, #tpu.memory_space<vmem>>, vector<10000xf32>
    %add3A_83 = arith.addf %add3A_80, %get3A_82 : vector<10000xf32>
    %get3A_84 = arith.constant 280000 : index
    %get3A_85 = vector.load %arg1[%get3A_84] : memref<320000xf32, #tpu.memory_space<vmem>>, vector<10000xf32>
    %add3A_86 = arith.addf %add3A_83, %get3A_85 : vector<10000xf32>
    %get3A_87 = arith.constant 290000 : index
    %get3A_88 = vector.load %arg1[%get3A_87] : memref<320000xf32, #tpu.memory_space<vmem>>, vector<10000xf32>
    %add3A_89 = arith.addf %add3A_86, %get3A_88 : vector<10000xf32>
    %get3A_90 = arith.constant 300000 : index
    %get3A_91 = vector.load %arg1[%get3A_90] : memref<320000xf32, #tpu.memory_space<vmem>>, vector<10000xf32>
    %add3A_92 = arith.addf %add3A_89, %get3A_91 : vector<10000xf32>
    %get3A_93 = arith.constant 310000 : index
    %get3A_94 = vector.load %arg1[%get3A_93] : memref<320000xf32, #tpu.memory_space<vmem>>, vector<10000xf32>
    %add3A_95 = arith.addf %add3A_92, %get3A_94 : vector<10000xf32>
    %rsqrt3A = math.rsqrt %add3A_95 : vector<10000xf32>
    %reshape3A = vector.shape_cast %rsqrt3A : vector<10000xf32> to vector<10000x1xf32>
    %get3A_96 = arith.constant 0 : index
    %get3A_97 = arith.constant 0 : index
    %get3A_98 = vector.load %arg2[%get3A_96, %get3A_97] : memref<10000x128xf32, #tpu.memory_space<vmem>>, vector<10000x128xf32>
    %get3A_99 = arith.constant 0 : index
    %get3A_100 = arith.constant 0 : index
    %get3A_101 = vector.load %arg3[%get3A_99, %get3A_100] : memref<256x128xf32, #tpu.memory_space<vmem>>, vector<256x128xf32>
    %dot_general3A = arith.constant dense<0.000000e+00> : vector<10000x256xf32>
    %dot_general3A_102 = tpu.matmul %get3A_98, %get3A_101, %dot_general3A {dimension_numbers = #tpu.dot_dimension_numbers<[1], [1], [0], [0], [0, 0, 1, 0], [], []>, transpose_lhs_hint = false} : vector<10000x128xf32>, vector<256x128xf32>, vector<10000x256xf32> -> vector<10000x256xf32>
    %get3A_103 = arith.constant 0 : index
    %get3A_104 = arith.constant 0 : index
    %get3A_105 = vector.load %arg4[%get3A_103, %get3A_104] : memref<1x256xf32, #tpu.memory_space<vmem>>, vector<1x256xf32>
    %add3A_106 = vector.broadcast %get3A_105 : vector<1x256xf32> to vector<10000x256xf32>
    %add3A_107 = arith.addf %dot_general3A_102, %add3A_106 : vector<10000x256xf32>
    %mul3A = vector.broadcast %reshape3A : vector<10000x1xf32> to vector<10000x256xf32>
    %mul3A_108 = arith.mulf %add3A_107, %mul3A : vector<10000x256xf32>
    %slice3A = vector.extract_strided_slice %mul3A_108 {offsets = [0, 0], sizes = [10000, 128], strides = [1, 1]} : vector<10000x256xf32> to vector<10000x128xf32>
    %swap3A = arith.constant 0 : index
    %swap3A_109 = arith.constant 0 : index
    %swap3A_110 = vector.load %arg5[%swap3A, %swap3A_109] : memref<10000x128xf32, #tpu.memory_space<vmem>>, vector<10000x128xf32>
    tpu.vector_store %arg5[%swap3A, %swap3A_109], %slice3A {strides = array<i32>} : memref<10000x128xf32, #tpu.memory_space<vmem>>, vector<10000x128xf32>,
    %slice3A_111 = vector.extract_strided_slice %mul3A_108 {offsets = [0, 128], sizes = [10000, 128], strides = [1, 1]} : vector<10000x256xf32> to vector<10000x128xf32>
    %swap3A_112 = arith.constant 0 : index
    %swap3A_113 = arith.constant 0 : index
    %swap3A_114 = vector.load %arg6[%swap3A_112, %swap3A_113] : memref<10000x128xf32, #tpu.memory_space<vmem>>, vector<10000x128xf32>
    tpu.vector_store %arg6[%swap3A_112, %swap3A_113], %slice3A_111 {strides = array<i32>} : memref<10000x128xf32, #tpu.memory_space<vmem>>, vector<10000x128xf32>,
    %swap3A_115 = arith.constant 0 : index
    %swap3A_116 = arith.constant 0 : index
    %swap3A_117 = vector.load %arg7[%swap3A_115, %swap3A_116] : memref<10000x1xf32, #tpu.memory_space<vmem>>, vector<10000x1xf32>
    tpu.vector_store %arg7[%swap3A_115, %swap3A_116], %reshape3A {strides = array<i32>} : memref<10000x1xf32, #tpu.memory_space<vmem>>, vector<10000x1xf32>,
    return
  }
  func.func @transform_0(%arg0: i32) -> i32 {
    %c0_i32 = arith.constant 0 : i32
    %c0_i32_0 = arith.constant 0 : i32
    return %c0_i32 : i32
  }
  func.func @transform_1(%arg0: i32) -> (i32, i32) {
    %c0_i32 = arith.constant 0 : i32
    %c0_i32_0 = arith.constant 0 : i32
    %c0_i32_1 = arith.constant 0 : i32
    return %c0_i32, %c0_i32_0 : i32, i32
  }
  func.func @transform_2(%arg0: i32) -> (i32, i32) {
    %c0_i32 = arith.constant 0 : i32
    %c0_i32_0 = arith.constant 0 : i32
    %c0_i32_1 = arith.constant 0 : i32
    return %c0_i32, %c0_i32_0 : i32, i32
  }
  func.func @transform_3(%arg0: i32) -> (i32, i32) {
    %c0_i32 = arith.constant 0 : i32
    %c0_i32_0 = arith.constant 0 : i32
    %c0_i32_1 = arith.constant 0 : i32
    return %c0_i32, %c0_i32_0 : i32, i32
  }
  func.func @transform_4(%arg0: i32) -> (i32, i32) {
    %c0_i32 = arith.constant 0 : i32
    %c0_i32_0 = arith.constant 0 : i32
    %c0_i32_1 = arith.constant 0 : i32
    return %c0_i32, %c0_i32_0 : i32, i32
  }
  func.func @transform_5(%arg0: i32) -> (i32, i32) {
    %c0_i32 = arith.constant 0 : i32
    %c0_i32_0 = arith.constant 0 : i32
    %c0_i32_1 = arith.constant 0 : i32
    return %c0_i32, %c0_i32_0 : i32, i32
  }
  func.func @transform_6(%arg0: i32) -> (i32, i32) {
    %c0_i32 = arith.constant 0 : i32
    %c0_i32_0 = arith.constant 0 : i32
    %c0_i32_1 = arith.constant 0 : i32
    return %c0_i32, %c0_i32_0 : i32, i32
  }
}

module attributes {stable_mosaic.version = 14 : i64} {
  func.func @_tc2_body(%arg0: i32, %arg1: memref<2x2000x128xf32, #tpu.memory_space<vmem>>, %arg2: memref<2000x1xf32, #tpu.memory_space<vmem>>, %arg3: memref<128x256xf32, #tpu.memory_space<vmem>>, %arg4: memref<1x128xf32, #tpu.memory_space<vmem>>, %arg5: memref<2000x128xf32, #tpu.memory_space<vmem>>) attributes {dimension_semantics = [#tpu.dimension_semantics<arbitrary>], iteration_bounds = array<i64: 5>, scalar_prefetch = 0 : i64, scratch_operands = 0 : i64, tpu.core_type = #tpu.core_type<tc>, window_params = [{transform_indices = @transform_0, window_bounds = array<i64: 2, 2000, 128>}, {transform_indices = @transform_1, window_bounds = array<i64: 2000, 1>}, {pipeline_mode = #tpu.pipeline_mode<synchronous>, transform_indices = @transform_2, window_bounds = array<i64: 128, 256>}, {pipeline_mode = #tpu.pipeline_mode<synchronous>, transform_indices = @transform_3, window_bounds = array<i64: 1, 128>}, {transform_indices = @transform_4, window_bounds = array<i64: 2000, 128>}]} {
    %get3A = arith.constant 0 : index
    %get3A_0 = arith.constant 0 : index
    %get3A_1 = vector.load %arg2[%get3A, %get3A_0] : memref<2000x1xf32, #tpu.memory_space<vmem>>, vector<2000x1xf32>
    %get3A_2 = arith.constant 0 : index
    %get3A_3 = arith.constant 0 : index
    %get3A_4 = arith.constant 0 : index
    %get3A_5 = vector.load %arg1[%get3A_2, %get3A_3, %get3A_4] : memref<2x2000x128xf32, #tpu.memory_space<vmem>>, vector<1x2000x128xf32>
    %get3A_6 = vector.shape_cast %get3A_5 : vector<1x2000x128xf32> to vector<2000x128xf32>
    %get3A_7 = arith.constant 1 : index
    %get3A_8 = arith.constant 0 : index
    %get3A_9 = arith.constant 0 : index
    %get3A_10 = vector.load %arg1[%get3A_7, %get3A_8, %get3A_9] : memref<2x2000x128xf32, #tpu.memory_space<vmem>>, vector<1x2000x128xf32>
    %get3A_11 = vector.shape_cast %get3A_10 : vector<1x2000x128xf32> to vector<2000x128xf32>
    %concatenate3A = tpu.concatenate %get3A_6, %get3A_11 in 1 : vector<2000x128xf32>, vector<2000x128xf32> -> vector<2000x256xf32>
    %mul3A = vector.broadcast %get3A_1 : vector<2000x1xf32> to vector<2000x256xf32>
    %mul3A_12 = arith.mulf %concatenate3A, %mul3A : vector<2000x256xf32>
    %max3A = arith.constant 0.000000e+00 : f32
    %max3A_13 = vector.broadcast %max3A : f32 to vector<2000x256xf32>
    %max3A_14 = arith.maximumf %mul3A_12, %max3A_13 : vector<2000x256xf32>
    %get3A_15 = arith.constant 0 : index
    %get3A_16 = arith.constant 0 : index
    %get3A_17 = vector.load %arg3[%get3A_15, %get3A_16] : memref<128x256xf32, #tpu.memory_space<vmem>>, vector<128x256xf32>
    %dot_general3A = arith.constant dense<0.000000e+00> : vector<2000x128xf32>
    %dot_general3A_18 = tpu.matmul %max3A_14, %get3A_17, %dot_general3A {dimension_numbers = #tpu.dot_dimension_numbers<[1], [1], [0], [0], [0, 0, 1, 0], [], []>, transpose_lhs_hint = false} : vector<2000x256xf32>, vector<128x256xf32>, vector<2000x128xf32> -> vector<2000x128xf32>
    %get3A_19 = arith.constant 0 : index
    %get3A_20 = arith.constant 0 : index
    %get3A_21 = vector.load %arg4[%get3A_19, %get3A_20] : memref<1x128xf32, #tpu.memory_space<vmem>>, vector<1x128xf32>
    %add3A = vector.broadcast %get3A_21 : vector<1x128xf32> to vector<2000x128xf32>
    %add3A_22 = arith.addf %dot_general3A_18, %add3A : vector<2000x128xf32>
    %mul3A_23 = vector.broadcast %get3A_1 : vector<2000x1xf32> to vector<2000x128xf32>
    %mul3A_24 = arith.mulf %add3A_22, %mul3A_23 : vector<2000x128xf32>
    %swap3A = arith.constant 0 : index
    %swap3A_25 = arith.constant 0 : index
    %swap3A_26 = vector.load %arg5[%swap3A, %swap3A_25] : memref<2000x128xf32, #tpu.memory_space<vmem>>, vector<2000x128xf32>
    tpu.vector_store %arg5[%swap3A, %swap3A_25], %mul3A_24 {strides = array<i32>} : memref<2000x128xf32, #tpu.memory_space<vmem>>, vector<2000x128xf32>,
    return
  }
  func.func @transform_0(%arg0: i32) -> (i32, i32, i32) {
    %c0_i32 = arith.constant 0 : i32
    %c0_i32_0 = arith.constant 0 : i32
    %c0_i32_1 = arith.constant 0 : i32
    return %c0_i32, %arg0, %c0_i32_0 : i32, i32, i32
  }
  func.func @transform_1(%arg0: i32) -> (i32, i32) {
    %c0_i32 = arith.constant 0 : i32
    %c0_i32_0 = arith.constant 0 : i32
    return %arg0, %c0_i32 : i32, i32
  }
  func.func @transform_2(%arg0: i32) -> (i32, i32) {
    %c0_i32 = arith.constant 0 : i32
    %c0_i32_0 = arith.constant 0 : i32
    %c0_i32_1 = arith.constant 0 : i32
    return %c0_i32, %c0_i32_0 : i32, i32
  }
  func.func @transform_3(%arg0: i32) -> (i32, i32) {
    %c0_i32 = arith.constant 0 : i32
    %c0_i32_0 = arith.constant 0 : i32
    %c0_i32_1 = arith.constant 0 : i32
    return %c0_i32, %c0_i32_0 : i32, i32
  }
  func.func @transform_4(%arg0: i32) -> (i32, i32) {
    %c0_i32 = arith.constant 0 : i32
    %c0_i32_0 = arith.constant 0 : i32
    return %arg0, %c0_i32 : i32, i32
  }
}

</mosaic_0001>

<sc_bundles>
// kernel: kernel.11.cloned.1.call-start
scs
__scs_entry_jumppad:
0x0: {  	(pc) =	sbr.rel $0x88, $3  }
0x1: {  	(tag) =	ssettag $0x0;
	lr =	simm.s32 $0x1  }
0x2: {  	[smem:$0x3F9B] =	sst lr;
	_ =	strace $0xD0000000  }
0x3: {  	_ = 	snop  }
0x4: {  	_ = 	snop  }
0x5: {  	_ = 	snop  }
0x6: {  	_ = 	snop  }
0x7: {  	_ = 	snop  }
__scs_overlays_trampoline_lowered:
0x8: {  	[smem:$0x3FAA] =	sst s0  }
0x9: {  	[smem:$0x3FAB] =	sst s1  }
0xa: {  	[smem:$0x3FAC] =	sst s2  }
0xb: {  	[smem:$0x3FAD] =	sst s3  }
0xc: {  	[smem:$0x3FAE] =	sst s4  }
0xd: {  	[smem:$0x3FAF] =	sst s5  }
0xe: {  	[smem:$0x3FB0] =	sst s6  }
0xf: {  	[smem:$0x3FB1] =	sst s7  }
0x10: {  	[smem:$0x3FB2] =	sst s8  }
0x11: {  	[smem:$0x3FB3] =	sst s9;
	s0 =	simm.s32 @!p0 $0x0  }
0x12: {  	s1 =	sld [smem:$0x3F99];
	s0 =	simm.s32 @p0 $0x1  }
0x13: {  	[smem:$0x3FB4] =	sst s0;
	s0 =	simm.s32 @!p1 $0x0  }
0x14: {  	s2 =	sld [smem:$0x3F98];
	s0 =	simm.s32 @p1 $0x1  }
0x15: {  	[smem:$0x3FB5] =	sst s0;
	s0 =	simm.s32 @!p2 $0x0  }
0x16: {  	s3 =	sld [smem:$0x3FDB];
	s0 =	simm.s32 @p2 $0x1  }
0x17: {  	s4 =	simm.s32 $0x1BF5;
	[smem:$0x3FB7] =	sst s0  }
0x18: {  	s0 =	sld [smem:$0x3F9A];
	_ =	swait.ge [sflag:s4], $0x0  }
0x19: {  	s7 =	sld [smem:$0x3F9B]  }
0x1a: {  	s8 =	sadd.s32 $0xFFFFE003, lr  }
0x1b: {  	s9 =	sadd.s32 $0xFFFFFEF7, lr;
	s5 =	simm.s32 $0xFFFFFFFF;
	p2 =	slt.u32 s8, $0xFFFFF086  }
0x1c: {  	p1 =	slt.u32 s9, $0xF7A;
	s5 =	simm.s32 @!p2 $0x0  }
0x1d: {  	s5 =	simm.s32 @p1 $0x1;
	p0 =	seq.s32 s7, s2  }
0x1e: {  	s7 =	smul.u32 @!p0 $0xF7A, s2;
	p2 =	seq.s32 @!p0 s5, $0x0  }
0x1f: {  	s9 =	smul.u32 $0xF7A, s1;
	s8 =	simm.s32 @!p0 $0x1BF5;
	p2 =	por !p2, p0  }
0x20: {  	[sflag:s8] =	ssyncset.s32 @!p0 $0xFFFFF086;
	s6 =	sadd.s32 @!p0 s3, s7;
	s7 =	simm.s32 @!p0 $0x108  }
0x21: {  	s3 =	sadd.s32 s3, s9;
	s6 =	sadd.s32 @!p0 $0x88, s6;
	s7 =	simm.s32 @p2 $0x1082  }
0x22: {  	[simem:s7], [sflag:s8] =	dma.local @!p0 [hbm:s6], $0xF7A  }
0x23: {  	s9 =	sor.u32 $0xD0000000, s2;
	s6 =	simm.s32 $0x108;
	_ =	swait.ge @!p0 [sflag:s8], $0x0  }
0x24: {  	s3 =	sadd.s32 $0x88, s3;
	s6 =	simm.s32 @!p1 $0x1082;
	[sflag:s4] =	ssyncset.s32 $0xFFFFF086  }
0x25: {  	[simem:s6], [sflag:s4] =	dma.local [hbm:s3], $0xF7A  }
0x26: {  	[smem:$0x3F9B] =	sst s1;
	(tag) =	ssettag s2;
	_ =	strace s9  }
0x27: {  	s1 =	sld [smem:$0x3FAB]  }
0x28: {  	s2 =	sld [smem:$0x3FAC]  }
0x29: {  	s4 =	sld [smem:$0x3FAE]  }
0x2a: {  	p0 =	seq.s32 s5, $0x0;
	s5 =	sld [smem:$0x3FAF]  }
0x2b: {  	s6 =	sld [smem:$0x3FB0]  }
0x2c: {  	s7 =	sld [smem:$0x3FB1]  }
0x2d: {  	s3 =	simm.s32 $0x108;
	s8 =	sld [smem:$0x3FB2]  }
0x2e: {  	s3 =	simm.s32 @!p0 $0x1082;
	s9 =	sld [smem:$0x3FB3]  }
0x2f: {  	lr =	sadd.s32 s0, s3;
	s0 =	sld [smem:$0x3FAA]  }
0x30: {  	s3 =	sld [smem:$0x3FAD]  }
0x31: {  	[smem:$0x3FB6] =	sst s10  }
0x32: {  	s10 =	sld [smem:$0x3FB4];
	_ =	sdelay $0x3  }
0x33: {  	p0 =	seq.s32 s10, $0x1;
	s10 =	sld [smem:$0x3FB6];
	_ =	sdelay $0x3  }
0x34: {  	[smem:$0x3FB6] =	sst s10  }
0x35: {  	s10 =	sld [smem:$0x3FB5];
	_ =	sdelay $0x3  }
0x36: {  	p1 =	seq.s32 s10, $0x1;
	s10 =	sld [smem:$0x3FB6];
	_ =	sdelay $0x3  }
0x37: {  	[smem:$0x3FB6] =	sst s10  }
0x38: {  	s10 =	sld [smem:$0x3FB7]  }
0x39: {  	_ = 	snop;
	(pc) =	sbr.ind lr, $3  }
0x3a: {  	_ = 	snop  }
0x3b: {  	_ = 	snop  }
0x3c: {  	p2 =	seq.s32 s10, $0x1;
	s10 =	sld [smem:$0x3FB6]  }
0x3d: {  	_ =	shalt  }
0x3e: {  	_ =	shalt  }
0x3f: {  	_ =	shalt  }
0x40: {  	_ =	shalt  }
0x41: {  	_ =	shalt  }
0x42: {  	_ =	shalt  }
0x43: {  	_ =	shalt  }
0x44: {  	_ =	shalt  }
0x45: {  	_ =	shalt  }
0x46: {  	_ =	shalt  }
0x47: {  	_ =	shalt  }
0x48: {  	_ =	shalt  }
0x49: {  	_ =	shalt  }
0x4a: {  	_ =	shalt  }
0x4b: {  	_ =	shalt  }
0x4c: {  	_ =	shalt  }
0x4d: {  	_ =	shalt  }
0x4e: {  	_ =	shalt  }
0x4f: {  	_ =	shalt  }
0x50: {  	_ =	shalt  }
0x51: {  	_ =	shalt  }
0x52: {  	_ =	shalt  }
0x53: {  	_ =	shalt  }
0x54: {  	_ =	shalt  }
0x55: {  	_ =	shalt  }
0x56: {  	_ =	shalt  }
0x57: {  	_ =	shalt  }
0x58: {  	_ =	shalt  }
0x59: {  	_ =	shalt  }
0x5a: {  	_ =	shalt  }
0x5b: {  	_ =	shalt  }
0x5c: {  	_ =	shalt  }
0x5d: {  	_ =	shalt  }
0x5e: {  	_ =	shalt  }
0x5f: {  	_ =	shalt  }
0x60: {  	_ =	shalt  }
0x61: {  	_ =	shalt  }
0x62: {  	_ =	shalt  }
0x63: {  	_ =	shalt  }
0x64: {  	_ =	shalt  }
0x65: {  	_ =	shalt  }
0x66: {  	_ =	shalt  }
0x67: {  	_ =	shalt  }
0x68: {  	_ =	shalt  }
0x69: {  	_ =	shalt  }
0x6a: {  	_ =	shalt  }
0x6b: {  	_ =	shalt  }
0x6c: {  	_ =	shalt  }
0x6d: {  	_ =	shalt  }
0x6e: {  	_ =	shalt  }
0x6f: {  	_ =	shalt  }
0x70: {  	_ =	shalt  }
0x71: {  	_ =	shalt  }
0x72: {  	_ =	shalt  }
0x73: {  	_ =	shalt  }
0x74: {  	_ =	shalt  }
0x75: {  	_ =	shalt  }
0x76: {  	_ =	shalt  }
0x77: {  	_ =	shalt  }
0x78: {  	_ =	shalt  }
0x79: {  	_ =	shalt  }
0x7a: {  	_ =	shalt  }
0x7b: {  	_ =	shalt  }
0x7c: {  	_ =	shalt  }
0x7d: {  	_ =	shalt  }
0x7e: {  	_ =	shalt  }
0x7f: {  	_ =	shalt  }
0x80: {  	_ =	shalt  }
0x81: {  	_ =	shalt  }
0x82: {  	_ =	shalt  }
0x83: {  	_ =	shalt  }
0x84: {  	_ =	shalt  }
0x85: {  	_ =	shalt  }
0x86: {  	_ =	shalt  }
0x87: {  	_ =	shalt  }
.Lfunc_end0:
.L_simem_size_0:
called_computation.1_lowered:
.L_overlay_start_0:
0x88: {  	s2 =	sld [smem:$0x3FD9]  }
0x89: {  	s3 =	sld [smem:$0x3FFE];
	_ =	sdelay $0x1  }
0x8a: {  	s1 =	srdreg.scid  }
0x8b: {  	s0 =	sand.u32 $0x1, s1  }
0x8c: {  	s17 =	sshll.u32 s0, $0xA;
	s2 =	sadd.s32 s3, s2  }
0x8d: {  	s2 =	sadd.s32 s2, s17  }
0x8e: {  	[smem:$0x3FC2] =	sst s2  }
0x8f: {  	_ = 	snop  }
0x90: {  	s2 =	sld [smem:$0x3FD0];
	(tm) =	ssettm $0x1  }
0x91: {  	s18 =	sld [smem:$0x3FFB];
	_ =	sdelay $0x3  }
0x92: {  	_ =	strace s18  }
0x93: {  	s3 =	sld [smem:$0x3FFC];
	_ =	sdelay $0x3  }
0x94: {  	_ =	strace s3  }
0x95: {  	s3 =	sld [smem:$0x3FFD];
	_ =	sdelay $0x3  }
0x96: {  	_ =	strace s3  }
0x97: {  	_ =	strace $0x8FFFFFFF  }
0x98: {  	s19 =	sld [smem:$0x3FDB];
	_ =	sdelay $0x1  }
0x99: {  	s4 =	simm.s32 $_scs_section_size  }
0x9a: {  	s5 =	simm.s32 $_size__tile_overlayer_lowered;
	s6 =	simm.s32 $_tile_overlayer_lowered  }
0x9b: {  	s22 =	simm.s32 $0x1BFF;
	s21 =	sshll.u32 s6, $0x1;
	s3 =	sadd.s32 s4, s19  }
0x9c: {  	s7 =	simm.s32 $0x0;
	s20 =	sshll.u32 s5, $0x1;
	s5 =	sadd.s32 s21, s3  }
0x9d: {  	[timem:s7], [sflag:s22] =	dma.local [hbm:s5], s20  }
0x9e: {  	_ =	swait.ge [sflag:s22], s20  }
0x9f: {  	s4 =	ssub.s32 $0x0, s20;
	[sflag:s22] =	ssyncset.done $0x0  }
0xa0: {  	[sflag:s22] =	ssyncadd.s32 s4;
	_ =	sdelay $0x1  }
0xa1: {  	s23 =	simm.s32 $0x1B8B  }
0xa2: {  	_ =	swait.ge [sflag:s23], $0x1  }
0xa3: {  	[sflag:s23] =	ssyncset.done $0x0  }
0xa4: {  	s25 =	simm.s32 $0x1B8E;
	s24 =	sld [smem:$0x3FFE];
	[sflag:s23] =	ssyncadd.s32 $0xFFFFFFFF  }
0xa5: {  	s26 =	simm.s32 $execute0_lowered;
	[smem:$0x3FD2] =	sst s25  }
0xa6: {  	s5 =	sshll.u32 s26, $0x1;
	_ =	strace $0x80000049;
	[dreg:$0x1] =	wrdreg $0xFFFFFFFF  }
0xa7: {  	s28 =	simm.s32 $_size_execute0_lowered;
	s3 =	sadd.s32 s3, s5;
	[dreg:$0x0] =	wrdreg $0x0  }
0xa8: {  	s5 =	sshll.u32 s28, $0x1;
	[dreg:$0x2] =	wrdreg s3  }
0xa9: {  	[dreg:$0x3] =	wrdreg s5  }
0xaa: {  	[dreg:$0x4] =	wrdreg $0xC0  }
0xab: {  	_ =	task [dreg:s7], $0x5FFFF  }
0xac: {  	[dreg:$0x1] =	wrdreg $0xFFFFFFFF  }
0xad: {  	[dreg:$0x0] =	wrdreg $0x60  }
0xae: {  	[dreg:$0x2] =	wrdreg s2  }
0xaf: {  	[dreg:$0x3] =	wrdreg s24  }
0xb0: {  	[dreg:$0x4] =	wrdreg $0xA4000  }
0xb1: {  	[dreg:$0x5] =	wrdreg $0x9  }
0xb2: {  	_ =	task.clear_ibuf [dreg:s7], $0x6FFFF;
	_ =	strace $0x90000049  }
0xb3: {  	s29 =	simm.s32 $0x9;
	_ =	strace $0x8000004B  }
0xb4: {  	_ =	swait.ge [sflag:s29], $0x1  }
0xb5: {  	[sflag:s29] =	ssyncadd.s32 $0xFFFFFFFF  }
0xb6: {  	_ =	strace $0x9000004B  }
0xb7: {  	_ =	sfence  }
0xb8: {  	s30 =	sld [smem:$0x0];
	_ =	sdelay $0x2  }
0xb9: {  	s31 =	sshll.u32 s1, $0xD;
	s1 =	sshrl.u32 s1, $0x2  }
0xba: {  	s3 =	sand.u32 $0x4000, s31;
	s1 =	sadd.s32 s1, s30  }
0xbb: {  	s0 =	sor.u32 s3, s0;
	s1 =	sshll.u32 s1, $0x11  }
0xbc: {  	s0 =	sor.u32 s1, s0  }
0xbd: {  	s0 =	sadd.s32 $0x8F2B, s0  }
0xbe: {  	[sflag:s0] =	ssyncadd.remote.s32 $0x1  }
0xbf: {  	_ =	sfence.sel $0xFFFF  }
0xc0: {  	[dreg:$0x0] =	wrdreg $0xFFFFFFFF;
	(pc) =	sbr.abs _section_cstart, $3  }
0xc1: {  	[dreg:$0x1] =	wrdreg $0xFFFFFFFF  }
0xc2: {  	_ =	task.clear_ibuf [dreg:s7], $0x2FFFF;
	_ =	strace $0x9FFFFFFF  }
0xc3: {  	(tm) =	ssettm $0x7FFFFFFF  }
tec
execute0_lowered:
.L_overlay_start_1:
0x0: {  	(tag) =	ssettag $0x1  }
0x1: {  	s13 =	rddreg [dreg:$0x0]  }
0x2: {  	s0 =	rddreg [dreg:$0x1]  }
0x3: {  	s2 =	rddreg [dreg:$0x2];
	s4 =	simm.s32 $0x0  }
0x4: {  	s1 =	srdreg.scid;
	s14 =	stileid.u32;
	s28 =	simm.s32 $0x400  }
0x5: {  	s29 =	simm.s32 $0x80;
	s30 =	simm.s32 $0x280;
	s6 =	smul.u32 $0x4E20, s14  }
0x6: {  	s31 =	simm.s32 $0x300;
	[smem:$0x7FF] =	sst s4;
	s5 =	smul.u32 $0x4E000, s14  }
0x7: {  	s18 =	sadd.s32 $0x16600, s0;
	s1 =	sand.u32 $0x1, s1;
	s9 =	smul.u32 $0x2700, s14  }
0x8: {  	s7 =	sadd.s32 $0x2C00, s0;
	s0 =	sadd.s32 $0x3D800, s0;
	s12 =	smul.u32 $0x13800, s14  }
0x9: {  	s24 =	sadd.s32 $0x138000, s2;
	s21 =	smul.u32 $0x9C4, s14;
	p1 =	seq.s32 s14, $0xF  }
0xa: {  	p2 =	sne.s32 s14, $0xF;
	_ =	strace $0x8000004A;
	s3 =	ssub.s32 $0x2, s1  }
0xb: {  	p0 =	seq.s32 s1, $0x0;
	[dreg:$0x8] =	wrdreg s24;
	s11 =	smul.u32 $0x138800, s1  }
0xc: {  	[dreg:$0x6] =	wrdreg s18;
	s8 =	sshrl.u32 s3, $0x1;
	s5 =	sshrl.u32 s5, $0x2  }
0xd: {  	s10 =	sadd.s32 s18, s9;
	s25 =	sshrl.u32 s6, $0x3;
	s9 =	sadd.s32 s13, s9  }
0xe: {  	s24 =	sadd.s32 s21, s7;
	s18 =	smov.u32 @p0 s13;
	p0 =	sne.s32 s1, $0x0  }
0xf: {  	s21 =	simm.s32 $0x380;
	s1 =	simm.s32 $0x4;
	s13 =	simm.s32 $0x2C00  }
0x10: {  	s3 =	ssub.s32 s3, s8;
	s8 =	sadd.s32 $0x4E200, s6;
	[dreg:$0x7] =	wrdreg s10  }
0x11: {  	s5 =	sadd.s32 s5, s2;
	s15 =	sadd.s32 s7, s25;
	[dreg:$0xa] =	wrdreg s9  }
0x12: {  	s19 =	sadd.s32 s12, s11;
	s20 =	sshrl.u32 s11, $0x3;
	[dreg:$0x4] =	wrdreg s24  }
0x13: {  	s25 =	sshll.u32 s14, $0x6;
	s17 =	sadd.s32 $0x9BA, s15;
	[dreg:$0x9] =	wrdreg s15  }
0x14: {  	s24 =	simm.s32 $0x200;
	s22 =	sadd.s32 $0xA5FA, s15;
	[dreg:$0xc] =	wrdreg s17  }
0x15: {  	s12 =	simm.s32 $0x9;
	s3 =	smax.u32 s3, $0x1;
	[dreg:$0xd] =	wrdreg s22  }
0x16: {  	s14 =	simm.s32 $0x0;
	s11 =	sor.u32 $0x1C0D, s25;
	[dreg:$0x10] =	wrdreg s3  }
0x17: {  	s26 =	sshrl.u32 s8, $0x3;
	s15 =	sshrl.u32 s5, $0x3;
	[dreg:$0x11] =	wrdreg s11  }
0x18: {  	s9 =	sshrl.u32 s19, $0x3;
	s16 =	sadd.s32 s7, s26;
	[dreg:$0x12] =	wrdreg s15  }
0x19: {  	s10 =	sadd.s32 s0, s20;
	s0 =	sadd.s32 s0, s9;
	[dreg:$0xb] =	wrdreg s16  }
0x1a: {  	s25 =	simm.s32 $0x1;
	s23 =	sadd.s32 $0x27000, s10;
	[dreg:$0xe] =	wrdreg s0  }
0x1b: {  	s5 =	simm.s32 $0x6;
	s26 =	simm.s32 $0x100;
	[dreg:$0xf] =	wrdreg s23  }
0x1c: {  	s9 =	simm.s32 $0x7C00;
	s16 =	simm.s32 $0xD;
	[dreg:$0x5] =	wrdreg s26  }
0x1d: {  	s26 =	simm.s32 $0x50;
	s0 =	simm.s32 $0x180;
	s23 =	simm.s32 $0x5  }
.LBB2_1:
.Ltmp0:
0x1e: {  	(pc) =	sbr.rel @p0 .LBB2_3-.Ltmp0, $2  }
0x1f: {  	_ =	sdelay $0x2  }
0x20: {  	[dreg:$0x13] =	wrdreg s14  }
0x21: {  	s3 =	rddreg [dreg:$0xa]  }
0x22: {  	[spmem:s15], [sflag:s11] =	dma.local [hbm:s3], $0x2700  }
.Ltmp1:
0x23: {  	_ = 	snop;
	(pc) =	sbr.rel @p1 .LBB2_4-.Ltmp1, $4  }
.Ltmp2:
0x24: {  	_ =	swait.ge [sflag:s16], $0x2700;
	(pc) =	sbr.rel @!p1 .LBB2_5-.Ltmp2, $4  }
0x25: {  	[sflag:s16] =	ssyncset.done $0x0  }
0x26: {  	[sflag:s16] =	ssyncadd.s32 $0xFFFFD900  }
0x27: {  	p3 =	por $0x0, $0x0;
	s10 =	rddreg [dreg:$0x0]  }
0x28: {  	_ = 	snop  }
.LBB2_3:
.Ltmp3:
0x29: {  	s3 =	rddreg [dreg:$0x7];
	(pc) =	sbr.rel @p2 .LBB2_5-.Ltmp3, $4  }
0x2a: {  	[spmem:s15], [sflag:s11] =	dma.local [hbm:s3], $0x2700  }
0x2b: {  	_ =	swait.ge [sflag:s16], $0x2700  }
0x2c: {  	[sflag:s16] =	ssyncset.done $0x0  }
0x2d: {  	p3 =	por $0x0, $0x0;
	s10 =	rddreg [dreg:$0x6];
	[sflag:s16] =	ssyncadd.s32 $0xFFFFD900  }
.LBB2_4:
0x2e: {  	s3 =	rddreg [dreg:$0x8]  }
0x2f: {  	s10 =	sadd.s32 $0x27000, s10;
	s22 =	simm.s32 $0x1FCD;
	s11 =	sshrl.u32 s3, $0x3  }
0x30: {  	[spmem:s11], [sflag:s22] =	dma.local [hbm:s10], $0x100  }
0x31: {  	_ =	swait.ge [sflag:s16], $0x100  }
0x32: {  	[sflag:s16] =	ssyncset.done $0x0  }
0x33: {  	p3 =	por $0x1, $0x1;
	[sflag:s16] =	ssyncadd.s32 $0xFFFFFF00  }
.LBB2_5:
0x34: {  	[bflag:$0x0] =	sbarrier.arrive $0xFFFF  }
0x35: {  	s10 =	simm.s32 $0x0;
	s3 =	rddreg [dreg:$0x9]  }
0x36: {  	[tilespmem:s10], [sflag:$0x1] =	stream.linear.gather [hbm4b:s3+s10], $0x50, $0x38;
	[tilespmem:$0x1DC80] =	vst v63  }
0x37: {  	s16 =	rddreg [dreg:$0xb]  }
0x38: {  	[tilespmem:s24], [sflag:$0x1] =	stream.linear.gather [hbm4b:s16+s10], $0x50, $0x38;
	[tilespmem:$0x1DC80] =	vst v63  }
0x39: {  	_ =	swait.ge [sflag:s25], $0x50  }
0x3a: {  	[sflag:s25] =	ssyncset.done $0x0  }
0x3b: {  	[sflag:s25] =	ssyncadd.s32 $0xFFFFFFB0  }
0x3c: {  	_ =	swait.ge [sflag:s25], $0x50  }
0x3d: {  	p4 =	por $0x1, $0x1;
	[sflag:s25] =	ssyncset.done $0x0  }
0x3e: {  	s10 =	simm.s32 @!p4 $0xA;
	[sflag:s25] =	ssyncadd.s32 $0xFFFFFFB0  }
0x3f: {  	[tilespmem:s28], [sflag:$0x5] =	stream.indirect.gather [hbm4b:s18+s26], $0x80, s4, s26, $0xb8;
	[tilespmem:$0x1DC80] =	vst v63  }
0x40: {  	_ =	swait.ge @!p4 [sflag:s10], $0x2800  }
0x41: {  	s11 =	rddreg [dreg:$0x4]  }
0x42: {  	[sflag:s10] =	ssyncset.done @!p4 $0x0;
	s11 =	sadd.s32 $0x0, s11  }
0x43: {  	[sflag:s10] =	ssyncadd.s32 @!p4 $0xFFFFD800;
	s17 =	sadd.s32 $0xA, s11  }
0x44: {  	[tilespmem:s29], [sflag:$0x2] =	stream.linear.gather [hbm4b:s17+s4], $0x50, $0x38;
	[tilespmem:$0x1DC80] =	vst v63  }
0x45: {  	s14 =	simm.s32 @p4 $0x2;
	s19 =	sadd.s32 $0x9C4A, s11  }
0x46: {  	[tilespmem:s30], [sflag:$0x2] =	stream.linear.gather [hbm4b:s19+s4], $0x50, $0x38;
	[tilespmem:$0x1DC80] =	vst v63  }
0x47: {  	_ =	swait.ge @p4 [sflag:s14], $0x50  }
0x48: {  	[sflag:s14] =	ssyncset.done @p4 $0x0  }
0x49: {  	[sflag:s14] =	ssyncadd.s32 @p4 $0xFFFFFFB0  }
0x4a: {  	_ =	swait.ge @p4 [sflag:s14], $0x50  }
0x4b: {  	s15 =	simm.s32 @p4 $0x50;
	s16 =	simm.s32 @p4 $0x80;
	[sflag:s14] =	ssyncset.done @p4 $0x0  }
0x4c: {  	s10 =	simm.s32 @p4 $0x2C00;
	[sflag:s14] =	ssyncadd.s32 @p4 $0xFFFFFFB0;
	s14 =	simm.s32 @!p4 $0x7  }
0x4d: {  	[tilespmem:s10], [sflag:$0x6] =	stream.indirect.gather @p4 [hbm4b:s18+s15], $0x80, s16, s15, $0xb8;
	[tilespmem:$0x1DC80] =	vst v63  }
0x4e: {  	_ =	swait.ge @!p4 [sflag:s14], $0x2800  }
0x4f: {  	s17 =	simm.s32 @!p4 $0x300;
	s10 =	simm.s32 @!p4 $0x5400;
	[sflag:s14] =	ssyncset.done @!p4 $0x0  }
0x50: {  	s16 =	simm.s32 @!p4 $0x50;
	[sflag:s14] =	ssyncadd.s32 @!p4 $0xFFFFD800;
	s14 =	simm.s32 @!p4 $0x2  }
0x51: {  	[spmem:s2] =	stream.indirect.scatter.add.f32 @!p4 [tilespmem:s10], [sflag:$0xB], $0x80, s17, s16, $0xb8;
	[tilespmem:$0x1DC80] =	vst v63  }
0x52: {  	_ =	swait.ge @!p4 [sflag:s14], $0x50  }
0x53: {  	[sflag:s14] =	ssyncset.done @!p4 $0x0  }
0x54: {  	[sflag:s14] =	ssyncadd.s32 @!p4 $0xFFFFFFB0  }
0x55: {  	s20 =	simm.s32 @!p4 $0x2C00;
	_ =	swait.ge @!p4 [sflag:s14], $0x50  }
0x56: {  	s19 =	simm.s32 @!p4 $0x80;
	s17 =	simm.s32 @!p4 $0xA0;
	[sflag:s14] =	ssyncset.done @!p4 $0x0  }
0x57: {  	s17 =	simm.s32 @p4 $0xA0;
	[sflag:s14] =	ssyncadd.s32 @!p4 $0xFFFFFFB0;
	s14 =	simm.s32 @!p4 $0xB  }
0x58: {  	[tilespmem:s20], [sflag:$0x6] =	stream.indirect.gather @!p4 [hbm4b:s18+s16], $0x80, s19, s16, $0xb8;
	[tilespmem:$0x1DC80] =	vst v63  }
0x59: {  	s20 =	sadd.s32 s6, s17;
	s17 =	sadd.s32 s8, s17;
	_ =	swait.ge @!p4 [sflag:s14], $0x2800  }
0x5a: {  	s19 =	sshrl.u32 s20, $0x3;
	s22 =	rddreg [dreg:$0x5];
	[sflag:s14] =	ssyncset.done @!p4 $0x0  }
0x5b: {  	s3 =	sadd.s32 s7, s19;
	[sflag:s14] =	ssyncadd.s32 @!p4 $0xFFFFD800;
	s14 =	sshrl.u32 s17, $0x3  }
0x5c: {  	[tilespmem:s22], [sflag:$0x3] =	stream.linear.gather [hbm4b:s3+s4], $0x50, $0x38;
	[tilespmem:$0x1DC80] =	vst v63  }
0x5d: {  	s17 =	simm.s32 @p4 $0x3;
	s14 =	sadd.s32 s7, s14  }
0x5e: {  	[tilespmem:s31], [sflag:$0x3] =	stream.linear.gather [hbm4b:s14+s4], $0x50, $0x38;
	[tilespmem:$0x1DC80] =	vst v63  }
0x5f: {  	_ =	swait.ge @p4 [sflag:s17], $0x50  }
0x60: {  	[sflag:s17] =	ssyncset.done @p4 $0x0  }
0x61: {  	[sflag:s17] =	ssyncadd.s32 @p4 $0xFFFFFFB0  }
0x62: {  	_ =	swait.ge @p4 [sflag:s17], $0x50  }
0x63: {  	[sflag:s17] =	ssyncset.done @p4 $0x0  }
0x64: {  	s14 =	simm.s32 @p4 $0x100;
	[sflag:s17] =	ssyncadd.s32 @p4 $0xFFFFFFB0;
	s17 =	simm.s32 @p4 $0x5400  }
0x65: {  	[tilespmem:s17], [sflag:$0x7] =	stream.indirect.gather @p4 [hbm4b:s18+s15], $0x80, s14, s15, $0xb8;
	[tilespmem:$0x1DC80] =	vst v63  }
0x66: {  	s14 =	simm.s32 @!p4 $0x8  }
0x67: {  	_ =	swait.ge @!p4 [sflag:s14], $0x2800  }
0x68: {  	[sflag:s14] =	ssyncset.done @!p4 $0x0  }
0x69: {  	s15 =	simm.s32 @!p4 $0x380;
	[sflag:s14] =	ssyncadd.s32 @!p4 $0xFFFFD800;
	s14 =	simm.s32 @!p4 $0x7C00  }
0x6a: {  	[spmem:s2] =	stream.indirect.scatter.add.f32 @!p4 [tilespmem:s14], [sflag:$0xC], $0x80, s15, s16, $0xb8;
	[tilespmem:$0x1DC80] =	vst v63  }
0x6b: {  	s14 =	simm.s32 @!p4 $0x3  }
0x6c: {  	_ =	swait.ge @!p4 [sflag:s14], $0x50  }
0x6d: {  	[sflag:s14] =	ssyncset.done @!p4 $0x0  }
0x6e: {  	[sflag:s14] =	ssyncadd.s32 @!p4 $0xFFFFFFB0  }
0x6f: {  	_ =	swait.ge @!p4 [sflag:s14], $0x50  }
0x70: {  	[sflag:s14] =	ssyncset.done @!p4 $0x0  }
0x71: {  	[sflag:s14] =	ssyncadd.s32 @!p4 $0xFFFFFFB0;
	s14 =	simm.s32 @!p4 $0x100  }
0x72: {  	[tilespmem:s10], [sflag:$0x7] =	stream.indirect.gather @!p4 [hbm4b:s18+s16], $0x80, s14, s16, $0xb8;
	[tilespmem:$0x1DC80] =	vst v63  }
0x73: {  	s10 =	simm.s32 $0xF0  }
0x74: {  	s14 =	simm.s32 @!p4 $0xC;
	s10 =	simm.s32 @p4 $0xF0  }
0x75: {  	_ =	swait.ge @!p4 [sflag:s14], $0x2800;
	s19 =	sadd.s32 s6, s10  }
0x76: {  	[sflag:s14] =	ssyncset.done @!p4 $0x0;
	s10 =	sadd.s32 s8, s10;
	s15 =	sshrl.u32 s19, $0x3  }
0x77: {  	[sflag:s14] =	ssyncadd.s32 @!p4 $0xFFFFD800;
	s10 =	sshrl.u32 s10, $0x3;
	s20 =	sadd.s32 s7, s15  }
0x78: {  	[tilespmem:s0], [sflag:$0x4] =	stream.linear.gather [hbm4b:s20+s4], $0x50, $0x38;
	[tilespmem:$0x1DC80] =	vst v63  }
0x79: {  	s10 =	sadd.s32 s7, s10  }
0x7a: {  	[tilespmem:s21], [sflag:$0x4] =	stream.linear.gather [hbm4b:s10+s4], $0x50, $0x38;
	[tilespmem:$0x1DC80] =	vst v63  }
0x7b: {  	_ =	swait.ge [sflag:s23], $0x2800  }
0x7c: {  	[sflag:s23] =	ssyncset.done $0x0  }
0x7d: {  	[sflag:s23] =	ssyncadd.s32 $0xFFFFD800  }
0x7e: {  	[spmem:s2] =	stream.indirect.scatter.add.f32 [tilespmem:s28], [sflag:$0x9], $0x80, s24, s26, $0xb8;
	[tilespmem:$0x1DC80] =	vst v63  }
0x7f: {  	_ =	swait.ge [sflag:s1], $0x50  }
0x80: {  	[sflag:s1] =	ssyncset.done $0x0  }
0x81: {  	[sflag:s1] =	ssyncadd.s32 $0xFFFFFFB0  }
0x82: {  	_ =	swait.ge [sflag:s1], $0x50  }
0x83: {  	[sflag:s1] =	ssyncset.done $0x0  }
0x84: {  	[sflag:s1] =	ssyncadd.s32 $0xFFFFFFB0  }
0x85: {  	[tilespmem:s9], [sflag:$0x8] =	stream.indirect.gather [hbm4b:s18+s26], $0x80, s0, s26, $0xb8;
	[tilespmem:$0x1DC80] =	vst v63  }
0x86: {  	_ =	swait.ge [sflag:s12], $0x2800  }
0x87: {  	[sflag:s12] =	ssyncset.done $0x0  }
0x88: {  	s22 =	sadd.s32 $0x28, s11;
	[sflag:s12] =	ssyncadd.s32 $0xFFFFD800  }
0x89: {  	[tilespmem:s4], [sflag:$0x1] =	stream.linear.gather [hbm4b:s22+s4], $0x50, $0x38;
	[tilespmem:$0x1DC80] =	vst v63  }
0x8a: {  	s31 =	sadd.s32 $0x9C68, s11  }
0x8b: {  	[tilespmem:s24], [sflag:$0x1] =	stream.linear.gather [hbm4b:s31+s4], $0x50, $0x38;
	[tilespmem:$0x1DC80] =	vst v63  }
0x8c: {  	_ =	swait.ge [sflag:s5], $0x2800  }
0x8d: {  	s17 =	simm.s32 $0x28;
	s14 =	simm.s32 $0xF0;
	[sflag:s5] =	ssyncset.done $0x0  }
.LBB2_6:
0x8e: {  	[sflag:s5] =	ssyncadd.s32 $0xFFFFD800  }
0x8f: {  	[spmem:s2] =	stream.indirect.scatter.add.f32 [tilespmem:s13], [sflag:$0xA], $0x80, s30, s26, $0xb8;
	[tilespmem:$0x1DC80] =	vst v63  }
0x90: {  	_ =	swait.ge [sflag:s25], $0x50  }
0x91: {  	[sflag:s25] =	ssyncset.done $0x0  }
0x92: {  	[sflag:s25] =	ssyncadd.s32 $0xFFFFFFB0  }
0x93: {  	s10 =	smov.u32 s17;
	_ =	swait.ge [sflag:s25], $0x50  }
0x94: {  	p5 =	seq.s32 s10, $0x0;
	[sflag:s25] =	ssyncset.done $0x0  }
0x95: {  	s14 =	sadd.s32 $0x140, s14;
	s11 =	simm.s32 @!p5 $0xA;
	[sflag:s25] =	ssyncadd.s32 $0xFFFFFFB0  }
0x96: {  	[tilespmem:s28], [sflag:$0x5] =	stream.indirect.gather [hbm4b:s18+s26], $0x80, s4, s26, $0xb8;
	[tilespmem:$0x1DC80] =	vst v63  }
0x97: {  	s19 =	smov.u32 s14;
	_ =	swait.ge @!p5 [sflag:s11], $0x2800  }
0x98: {  	s19 =	simm.s32 @p5 $0xF0;
	[sflag:s11] =	ssyncset.done @!p5 $0x0  }
0x99: {  	s20 =	sadd.s32 s6, s19;
	s21 =	rddreg [dreg:$0x4];
	[sflag:s11] =	ssyncadd.s32 @!p5 $0xFFFFD800  }
0x9a: {  	s11 =	sshrl.u32 s20, $0x3;
	s20 =	sadd.s32 s8, s19;
	s19 =	sadd.s32 s10, s21  }
0x9b: {  	s10 =	sadd.s32 $0xA, s19  }
0x9c: {  	[tilespmem:s29], [sflag:$0x2] =	stream.linear.gather [hbm4b:s10+s4], $0x50, $0x38;
	[tilespmem:$0x1DC80] =	vst v63  }
0x9d: {  	s21 =	sshrl.u32 s20, $0x3;
	s3 =	sadd.s32 $0x9C4A, s19;
	s20 =	simm.s32 @p5 $0x2  }
0x9e: {  	[tilespmem:s30], [sflag:$0x2] =	stream.linear.gather [hbm4b:s3+s4], $0x50, $0x38;
	[tilespmem:$0x1DC80] =	vst v63  }
0x9f: {  	_ =	swait.ge @p5 [sflag:s20], $0x50  }
0xa0: {  	s15 =	sadd.s32 @!p5 $0xFFFFFFB0, s14;
	[sflag:s20] =	ssyncset.done @p5 $0x0  }
0xa1: {  	s31 =	simm.s32 @!p5 $0x7;
	s15 =	simm.s32 @p5 $0xA0;
	[sflag:s20] =	ssyncadd.s32 @p5 $0xFFFFFFB0  }
0xa2: {  	s16 =	sadd.s32 s6, s15;
	s15 =	sadd.s32 s8, s15;
	_ =	swait.ge @p5 [sflag:s20], $0x50  }
0xa3: {  	s22 =	sshrl.u32 s15, $0x3;
	s15 =	simm.s32 @p5 $0x2C00;
	[sflag:s20] =	ssyncset.done @p5 $0x0  }
0xa4: {  	s10 =	simm.s32 @p5 $0x50;
	s29 =	simm.s32 @p5 $0x80;
	[sflag:s20] =	ssyncadd.s32 @p5 $0xFFFFFFB0  }
0xa5: {  	[tilespmem:s15], [sflag:$0x6] =	stream.indirect.gather @p5 [hbm4b:s18+s10], $0x80, s29, s10, $0xb8;
	[tilespmem:$0x1DC80] =	vst v63  }
0xa6: {  	_ =	swait.ge @!p5 [sflag:s31], $0x2800  }
0xa7: {  	s20 =	simm.s32 @!p5 $0x5400;
	s15 =	simm.s32 @!p5 $0x50;
	[sflag:s31] =	ssyncset.done @!p5 $0x0  }
0xa8: {  	s29 =	simm.s32 @!p5 $0x300;
	[sflag:s31] =	ssyncadd.s32 @!p5 $0xFFFFD800;
	s31 =	simm.s32 @!p5 $0x2  }
0xa9: {  	[spmem:s2] =	stream.indirect.scatter.add.f32 @!p5 [tilespmem:s20], [sflag:$0xB], $0x80, s29, s15, $0xb8;
	[tilespmem:$0x1DC80] =	vst v63  }
0xaa: {  	_ =	swait.ge @!p5 [sflag:s31], $0x50  }
0xab: {  	[sflag:s31] =	ssyncset.done @!p5 $0x0  }
0xac: {  	[sflag:s31] =	ssyncadd.s32 @!p5 $0xFFFFFFB0  }
0xad: {  	_ =	swait.ge @!p5 [sflag:s31], $0x50  }
0xae: {  	s3 =	simm.s32 @!p5 $0x2C00;
	[sflag:s31] =	ssyncset.done @!p5 $0x0  }
0xaf: {  	s29 =	simm.s32 @!p5 $0x80;
	[sflag:s31] =	ssyncadd.s32 @!p5 $0xFFFFFFB0;
	s31 =	simm.s32 @!p5 $0xB  }
0xb0: {  	[tilespmem:s3], [sflag:$0x6] =	stream.indirect.gather @!p5 [hbm4b:s18+s15], $0x80, s29, s15, $0xb8;
	[tilespmem:$0x1DC80] =	vst v63  }
0xb1: {  	_ =	swait.ge @!p5 [sflag:s31], $0x2800  }
0xb2: {  	s16 =	sshrl.u32 s16, $0x3;
	[sflag:s31] =	ssyncset.done @!p5 $0x0  }
0xb3: {  	s16 =	sadd.s32 s7, s16;
	s3 =	rddreg [dreg:$0x5];
	[sflag:s31] =	ssyncadd.s32 @!p5 $0xFFFFD800  }
0xb4: {  	[tilespmem:s3], [sflag:$0x3] =	stream.linear.gather [hbm4b:s16+s4], $0x50, $0x38;
	[tilespmem:$0x1DC80] =	vst v63  }
0xb5: {  	s22 =	sadd.s32 s7, s22;
	s31 =	simm.s32 $0x300;
	s3 =	simm.s32 @p5 $0x3  }
0xb6: {  	[tilespmem:s31], [sflag:$0x3] =	stream.linear.gather [hbm4b:s22+s4], $0x50, $0x38;
	[tilespmem:$0x1DC80] =	vst v63  }
0xb7: {  	_ =	swait.ge @p5 [sflag:s3], $0x50  }
0xb8: {  	[sflag:s3] =	ssyncset.done @p5 $0x0  }
0xb9: {  	[sflag:s3] =	ssyncadd.s32 @p5 $0xFFFFFFB0  }
0xba: {  	_ =	swait.ge @p5 [sflag:s3], $0x50  }
0xbb: {  	s16 =	simm.s32 @p5 $0x100;
	[sflag:s3] =	ssyncset.done @p5 $0x0  }
0xbc: {  	s22 =	simm.s32 @p5 $0x5400;
	[sflag:s3] =	ssyncadd.s32 @p5 $0xFFFFFFB0;
	s3 =	simm.s32 @!p5 $0x8  }
0xbd: {  	[tilespmem:s22], [sflag:$0x7] =	stream.indirect.gather @p5 [hbm4b:s18+s10], $0x80, s16, s10, $0xb8;
	[tilespmem:$0x1DC80] =	vst v63  }
0xbe: {  	_ =	swait.ge @!p5 [sflag:s3], $0x2800  }
0xbf: {  	s10 =	simm.s32 @!p5 $0x380;
	[sflag:s3] =	ssyncset.done @!p5 $0x0  }
0xc0: {  	s16 =	simm.s32 @!p5 $0x7C00;
	[sflag:s3] =	ssyncadd.s32 @!p5 $0xFFFFD800;
	s3 =	simm.s32 @!p5 $0x3  }
0xc1: {  	[spmem:s2] =	stream.indirect.scatter.add.f32 @!p5 [tilespmem:s16], [sflag:$0xC], $0x80, s10, s15, $0xb8;
	[tilespmem:$0x1DC80] =	vst v63  }
0xc2: {  	_ =	swait.ge @!p5 [sflag:s3], $0x50  }
0xc3: {  	[sflag:s3] =	ssyncset.done @!p5 $0x0  }
0xc4: {  	[sflag:s3] =	ssyncadd.s32 @!p5 $0xFFFFFFB0  }
0xc5: {  	_ =	swait.ge @!p5 [sflag:s3], $0x50  }
0xc6: {  	[sflag:s3] =	ssyncset.done @!p5 $0x0  }
0xc7: {  	s10 =	simm.s32 @!p5 $0x100;
	[sflag:s3] =	ssyncadd.s32 @!p5 $0xFFFFFFB0;
	s3 =	simm.s32 @!p5 $0xC  }
0xc8: {  	[tilespmem:s20], [sflag:$0x7] =	stream.indirect.gather @!p5 [hbm4b:s18+s15], $0x80, s10, s15, $0xb8;
	[tilespmem:$0x1DC80] =	vst v63  }
0xc9: {  	_ =	swait.ge @!p5 [sflag:s3], $0x2800  }
0xca: {  	[sflag:s3] =	ssyncset.done @!p5 $0x0  }
0xcb: {  	s15 =	sadd.s32 s7, s11;
	[sflag:s3] =	ssyncadd.s32 @!p5 $0xFFFFD800  }
0xcc: {  	[tilespmem:s0], [sflag:$0x4] =	stream.linear.gather [hbm4b:s15+s4], $0x50, $0x38;
	[tilespmem:$0x1DC80] =	vst v63  }
0xcd: {  	s16 =	sadd.s32 s7, s21;
	s21 =	simm.s32 $0x380  }
0xce: {  	[tilespmem:s21], [sflag:$0x4] =	stream.linear.gather [hbm4b:s16+s4], $0x50, $0x38;
	[tilespmem:$0x1DC80] =	vst v63  }
0xcf: {  	_ =	swait.ge [sflag:s23], $0x2800  }
0xd0: {  	[sflag:s23] =	ssyncset.done $0x0  }
0xd1: {  	[sflag:s23] =	ssyncadd.s32 $0xFFFFD800  }
0xd2: {  	[spmem:s2] =	stream.indirect.scatter.add.f32 [tilespmem:s28], [sflag:$0x9], $0x80, s24, s26, $0xb8;
	[tilespmem:$0x1DC80] =	vst v63  }
0xd3: {  	_ =	swait.ge [sflag:s1], $0x50  }
0xd4: {  	[sflag:s1] =	ssyncset.done $0x0  }
0xd5: {  	[sflag:s1] =	ssyncadd.s32 $0xFFFFFFB0  }
0xd6: {  	_ =	swait.ge [sflag:s1], $0x50  }
0xd7: {  	[sflag:s1] =	ssyncset.done $0x0  }
0xd8: {  	[sflag:s1] =	ssyncadd.s32 $0xFFFFFFB0  }
0xd9: {  	[tilespmem:s9], [sflag:$0x8] =	stream.indirect.gather [hbm4b:s18+s26], $0x80, s0, s26, $0xb8;
	[tilespmem:$0x1DC80] =	vst v63  }
0xda: {  	_ =	swait.ge [sflag:s12], $0x2800  }
0xdb: {  	s17 =	sadd.s32 $0x28, s17;
	[sflag:s12] =	ssyncset.done $0x0  }
0xdc: {  	p4 =	sne.s32 s17, $0x9B0;
	s20 =	sadd.s32 $0x28, s19;
	[sflag:s12] =	ssyncadd.s32 $0xFFFFD800  }
0xdd: {  	[tilespmem:s4], [sflag:$0x1] =	stream.linear.gather [hbm4b:s20+s4], $0x50, $0x38;
	[tilespmem:$0x1DC80] =	vst v63  }
.Ltmp4:
0xde: {  	_ = 	snop;
	(pc) =	sbr.rel @p4 .LBB2_6-.Ltmp4, $4  }
0xdf: {  	s22 =	sadd.s32 $0x9C68, s19  }
0xe0: {  	[tilespmem:s24], [sflag:$0x1] =	stream.linear.gather [hbm4b:s22+s4], $0x50, $0x38;
	[tilespmem:$0x1DC80] =	vst v63  }
0xe1: {  	_ =	swait.ge [sflag:s5], $0x2800  }
0xe2: {  	s29 =	simm.s32 $0x80;
	[sflag:s5] =	ssyncset.done $0x0  }
0xe3: {  	[sflag:s5] =	ssyncadd.s32 $0xFFFFD800  }
0xe4: {  	[spmem:s2] =	stream.indirect.scatter.add.f32 [tilespmem:s13], [sflag:$0xA], $0x80, s30, s26, $0xb8;
	[tilespmem:$0x1DC80] =	vst v63  }
0xe5: {  	_ =	swait.ge [sflag:s25], $0x50  }
0xe6: {  	[sflag:s25] =	ssyncset.done $0x0  }
0xe7: {  	[sflag:s25] =	ssyncadd.s32 $0xFFFFFFB0  }
0xe8: {  	_ =	swait.ge [sflag:s25], $0x50  }
0xe9: {  	[sflag:s25] =	ssyncset.done $0x0  }
0xea: {  	s3 =	simm.s32 $0x7;
	[sflag:s25] =	ssyncadd.s32 $0xFFFFFFB0  }
0xeb: {  	[tilespmem:s28], [sflag:$0x5] =	stream.indirect.gather [hbm4b:s18+s26], $0x80, s4, s26, $0xb8;
	[tilespmem:$0x1DC80] =	vst v63  }
0xec: {  	_ =	swait.ge [sflag:s3], $0x2800  }
0xed: {  	[sflag:s3] =	ssyncset.done $0x0  }
0xee: {  	s10 =	simm.s32 $0x5400;
	[sflag:s3] =	ssyncadd.s32 $0xFFFFD800  }
0xef: {  	[spmem:s2] =	stream.indirect.scatter.add.f32 [tilespmem:s10], [sflag:$0xB], $0x80, s31, s26, $0xb8;
	[tilespmem:$0x1DC80] =	vst v63  }
0xf0: {  	s10 =	simm.s32 $0xA  }
0xf1: {  	_ =	swait.ge [sflag:s10], $0x2800  }
0xf2: {  	[sflag:s10] =	ssyncset.done $0x0  }
0xf3: {  	s11 =	rddreg [dreg:$0xc];
	[sflag:s10] =	ssyncadd.s32 $0xFFFFD800  }
0xf4: {  	[tilespmem:s29], [sflag:$0x2] =	stream.linear.gather [hbm4b:s11+s4], $0x50, $0x38;
	[tilespmem:$0x1DC80] =	vst v63  }
0xf5: {  	s15 =	simm.s32 $0x2;
	s14 =	rddreg [dreg:$0xd]  }
0xf6: {  	[tilespmem:s30], [sflag:$0x2] =	stream.linear.gather [hbm4b:s14+s4], $0x50, $0x38;
	[tilespmem:$0x1DC80] =	vst v63  }
0xf7: {  	_ =	swait.ge [sflag:s15], $0x50  }
0xf8: {  	[sflag:s15] =	ssyncset.done $0x0  }
0xf9: {  	[sflag:s15] =	ssyncadd.s32 $0xFFFFFFB0  }
0xfa: {  	_ =	swait.ge [sflag:s15], $0x50  }
0xfb: {  	[sflag:s15] =	ssyncset.done $0x0  }
0xfc: {  	s16 =	simm.s32 $0x8;
	[sflag:s15] =	ssyncadd.s32 $0xFFFFFFB0  }
0xfd: {  	[tilespmem:s13], [sflag:$0x6] =	stream.indirect.gather [hbm4b:s18+s26], $0x80, s29, s26, $0xb8;
	[tilespmem:$0x1DC80] =	vst v63  }
0xfe: {  	_ =	swait.ge [sflag:s16], $0x2800  }
0xff: {  	[sflag:s16] =	ssyncset.done $0x0  }
0x100: {  	[sflag:s16] =	ssyncadd.s32 $0xFFFFD800  }
0x101: {  	[spmem:s2] =	stream.indirect.scatter.add.f32 [tilespmem:s9], [sflag:$0xC], $0x80, s21, s26, $0xb8;
	[tilespmem:$0x1DC80] =	vst v63  }
0x102: {  	_ =	swait.ge [sflag:s23], $0x2800  }
0x103: {  	[sflag:s23] =	ssyncset.done $0x0  }
0x104: {  	[sflag:s23] =	ssyncadd.s32 $0xFFFFD800  }
0x105: {  	[spmem:s2] =	stream.indirect.scatter.add.f32 [tilespmem:s28], [sflag:$0x9], $0x80, s24, s26, $0xb8;
	[tilespmem:$0x1DC80] =	vst v63  }
0x106: {  	_ =	swait.ge [sflag:s5], $0x2800  }
0x107: {  	[sflag:s5] =	ssyncset.done $0x0  }
0x108: {  	s17 =	simm.s32 $0xB;
	[sflag:s5] =	ssyncadd.s32 $0xFFFFD800  }
0x109: {  	[spmem:s2] =	stream.indirect.scatter.add.f32 [tilespmem:s13], [sflag:$0xA], $0x80, s30, s26, $0xb8;
	[tilespmem:$0x1DC80] =	vst v63  }
0x10a: {  	_ =	swait.ge [sflag:s17], $0x2800  }
0x10b: {  	[sflag:s17] =	ssyncset.done $0x0  }
0x10c: {  	s19 =	simm.s32 $0xC;
	[sflag:s17] =	ssyncadd.s32 $0xFFFFD800  }
0x10d: {  	_ =	swait.ge [sflag:s19], $0x2800  }
0x10e: {  	[sflag:s19] =	ssyncset.done $0x0  }
0x10f: {  	[sflag:s19] =	ssyncadd.s32 $0xFFFFD800  }
0x110: {  	_ =	swait.ge [sflag:s12], $0x2800  }
0x111: {  	[sflag:s12] =	ssyncset.done $0x0  }
0x112: {  	[sflag:s12] =	ssyncadd.s32 $0xFFFFD800  }
0x113: {  	_ =	swait.ge [sflag:s10], $0x2800  }
0x114: {  	[sflag:s10] =	ssyncset.done $0x0  }
0x115: {  	[sflag:s10] =	ssyncadd.s32 $0xFFFFD800  }
0x116: {  	[bflag:$0x0] =	sbarrier.arrive $0xFFFF  }
0x117: {  	s20 =	rddreg [dreg:$0xe]  }
0x118: {  	s11 =	rddreg [dreg:$0x11]  }
0x119: {  	s16 =	simm.s32 $0xD;
	s15 =	rddreg [dreg:$0x12]  }
0x11a: {  	[hbm:s20], [sflag:s11] =	dma.local [spmem:s15], $0x2700  }
0x11b: {  	_ =	swait.ge [sflag:s16], $0x2700  }
0x11c: {  	[sflag:s16] =	ssyncset.done $0x0;
	s3 =	rddreg [dreg:$0x8]  }
0x11d: {  	s10 =	rddreg [dreg:$0xf];
	[sflag:s16] =	ssyncadd.s32 $0xFFFFD900;
	s3 =	sshrl.u32 @p3 s3, $0x3  }
0x11e: {  	[hbm:s10], [sflag:s11] =	dma.local @p3 [spmem:s3], $0x100  }
0x11f: {  	s3 =	simm.s32 @p3 $0xD  }
0x120: {  	_ =	swait.ge @p3 [sflag:s3], $0x100  }
0x121: {  	s14 =	rddreg [dreg:$0x13]  }
0x122: {  	s22 =	rddreg [dreg:$0x10];
	s14 =	sadd.s32 $0x1, s14  }
0x123: {  	p4 =	sne.s32 s14, s22  }
.Ltmp5:
0x124: {  	_ = 	snop;
	(pc) =	sbr.rel @p4 .LBB2_1-.Ltmp5, $3  }
0x125: {  	_ =	sdelay $0x1  }
0x126: {  	[sflag:s3] =	ssyncset.done @p3 $0x0  }
0x127: {  	[sflag:s3] =	ssyncadd.s32 @p3 $0xFFFFFF00  }
0x128: {  	_ =	sfence.sel $0x180000  }
0x129: {  	[bflag:$0x0] =	sbarrier.arrive $0xFFFF  }
0x12a: {  	_ =	strace $0x9000004A  }
0x12b: {  	s0 =	stileid.u32;
	[bflag:$0x2] =	sbarrier.arrive $0xFFFF  }
0x12c: {  	p0 =	sne.s32 s0, $0x0;
	s0 =	rddreg [dreg:$0x3]  }
0x12d: {  	s0 =	sadd.s32 @!p0 $0x100000, s0  }
0x12e: {  	[sflag:s0] =	ssyncadd.tile.s32 @!p0 $0x1;
	_ =	shalt  }
.Lfunc_end2:
_tile_overlayer_lowered:
.L_overlay_start_2:
0x12f: {  	(tag) =	ssettag $0x2  }
0x130: {  	s0 =	rddreg [dreg:$0x0];
	s2 =	stileid.u32  }
0x131: {  	s1 =	rddreg [dreg:$0x1];
	p0 =	sne.s32 s2, $0x0  }
0x132: {  	s3 =	rddreg [dreg:$0x2];
	[bflag:$0x3] =	sbarrier.arrive $0xFFFF;
	s2 =	simm.s32 @!p0 $0x1C0D  }
0x133: {  	[timem:s3], [sflag:s2] =	dma.local @!p0 [hbm:s0], s1  }
0x134: {  	s0 =	simm.s32 @!p0 $0xD  }
0x135: {  	_ =	swait.ge @!p0 [sflag:s0], s1  }
0x136: {  	s1 =	ssub.s32 @!p0 $0x0, s1;
	[sflag:s0] =	ssyncset.done @!p0 $0x0  }
0x137: {  	[sflag:s0] =	ssyncadd.s32 @!p0 s1  }
0x138: {  	[bflag:$0x3] =	sbarrier.arrive $0xFFFF  }
0x139: {  	_ =	shalt  }

// kernel: kernel.14.cloned.1.call-start
scs
__scs_entry_jumppad:
0x0: {  	(pc) =	sbr.rel $0x88, $3  }
0x1: {  	(tag) =	ssettag $0x0;
	lr =	simm.s32 $0x1  }
0x2: {  	[smem:$0x3F9B] =	sst lr;
	_ =	strace $0xD0000000  }
0x3: {  	_ = 	snop  }
0x4: {  	_ = 	snop  }
0x5: {  	_ = 	snop  }
0x6: {  	_ = 	snop  }
0x7: {  	_ = 	snop  }
__scs_overlays_trampoline_lowered:
0x8: {  	[smem:$0x3FAA] =	sst s0  }
0x9: {  	[smem:$0x3FAB] =	sst s1  }
0xa: {  	[smem:$0x3FAC] =	sst s2  }
0xb: {  	[smem:$0x3FAD] =	sst s3  }
0xc: {  	[smem:$0x3FAE] =	sst s4  }
0xd: {  	[smem:$0x3FAF] =	sst s5  }
0xe: {  	[smem:$0x3FB0] =	sst s6  }
0xf: {  	[smem:$0x3FB1] =	sst s7  }
0x10: {  	[smem:$0x3FB2] =	sst s8  }
0x11: {  	[smem:$0x3FB3] =	sst s9;
	s0 =	simm.s32 @!p0 $0x0  }
0x12: {  	s1 =	sld [smem:$0x3F99];
	s0 =	simm.s32 @p0 $0x1  }
0x13: {  	[smem:$0x3FB4] =	sst s0;
	s0 =	simm.s32 @!p1 $0x0  }
0x14: {  	s2 =	sld [smem:$0x3F98];
	s0 =	simm.s32 @p1 $0x1  }
0x15: {  	[smem:$0x3FB5] =	sst s0;
	s0 =	simm.s32 @!p2 $0x0  }
0x16: {  	s3 =	sld [smem:$0x3FDB];
	s0 =	simm.s32 @p2 $0x1  }
0x17: {  	s4 =	simm.s32 $0x1BF5;
	[smem:$0x3FB7] =	sst s0  }
0x18: {  	s0 =	sld [smem:$0x3F9A];
	_ =	swait.ge [sflag:s4], $0x0  }
0x19: {  	s7 =	sld [smem:$0x3F9B]  }
0x1a: {  	s8 =	sadd.s32 $0xFFFFE003, lr  }
0x1b: {  	s9 =	sadd.s32 $0xFFFFFEF7, lr;
	s5 =	simm.s32 $0xFFFFFFFF;
	p2 =	slt.u32 s8, $0xFFFFF086  }
0x1c: {  	p1 =	slt.u32 s9, $0xF7A;
	s5 =	simm.s32 @!p2 $0x0  }
0x1d: {  	s5 =	simm.s32 @p1 $0x1;
	p0 =	seq.s32 s7, s2  }
0x1e: {  	s7 =	smul.u32 @!p0 $0xF7A, s2;
	p2 =	seq.s32 @!p0 s5, $0x0  }
0x1f: {  	s9 =	smul.u32 $0xF7A, s1;
	s8 =	simm.s32 @!p0 $0x1BF5;
	p2 =	por !p2, p0  }
0x20: {  	[sflag:s8] =	ssyncset.s32 @!p0 $0xFFFFF086;
	s6 =	sadd.s32 @!p0 s3, s7;
	s7 =	simm.s32 @!p0 $0x108  }
0x21: {  	s3 =	sadd.s32 s3, s9;
	s6 =	sadd.s32 @!p0 $0x88, s6;
	s7 =	simm.s32 @p2 $0x1082  }
0x22: {  	[simem:s7], [sflag:s8] =	dma.local @!p0 [hbm:s6], $0xF7A  }
0x23: {  	s9 =	sor.u32 $0xD0000000, s2;
	s6 =	simm.s32 $0x108;
	_ =	swait.ge @!p0 [sflag:s8], $0x0  }
0x24: {  	s3 =	sadd.s32 $0x88, s3;
	s6 =	simm.s32 @!p1 $0x1082;
	[sflag:s4] =	ssyncset.s32 $0xFFFFF086  }
0x25: {  	[simem:s6], [sflag:s4] =	dma.local [hbm:s3], $0xF7A  }
0x26: {  	[smem:$0x3F9B] =	sst s1;
	(tag) =	ssettag s2;
	_ =	strace s9  }
0x27: {  	s1 =	sld [smem:$0x3FAB]  }
0x28: {  	s2 =	sld [smem:$0x3FAC]  }
0x29: {  	s4 =	sld [smem:$0x3FAE]  }
0x2a: {  	p0 =	seq.s32 s5, $0x0;
	s5 =	sld [smem:$0x3FAF]  }
0x2b: {  	s6 =	sld [smem:$0x3FB0]  }
0x2c: {  	s7 =	sld [smem:$0x3FB1]  }
0x2d: {  	s3 =	simm.s32 $0x108;
	s8 =	sld [smem:$0x3FB2]  }
0x2e: {  	s3 =	simm.s32 @!p0 $0x1082;
	s9 =	sld [smem:$0x3FB3]  }
0x2f: {  	lr =	sadd.s32 s0, s3;
	s0 =	sld [smem:$0x3FAA]  }
0x30: {  	s3 =	sld [smem:$0x3FAD]  }
0x31: {  	[smem:$0x3FB6] =	sst s10  }
0x32: {  	s10 =	sld [smem:$0x3FB4];
	_ =	sdelay $0x3  }
0x33: {  	p0 =	seq.s32 s10, $0x1;
	s10 =	sld [smem:$0x3FB6];
	_ =	sdelay $0x3  }
0x34: {  	[smem:$0x3FB6] =	sst s10  }
0x35: {  	s10 =	sld [smem:$0x3FB5];
	_ =	sdelay $0x3  }
0x36: {  	p1 =	seq.s32 s10, $0x1;
	s10 =	sld [smem:$0x3FB6];
	_ =	sdelay $0x3  }
0x37: {  	[smem:$0x3FB6] =	sst s10  }
0x38: {  	s10 =	sld [smem:$0x3FB7]  }
0x39: {  	_ = 	snop;
	(pc) =	sbr.ind lr, $3  }
0x3a: {  	_ = 	snop  }
0x3b: {  	_ = 	snop  }
0x3c: {  	p2 =	seq.s32 s10, $0x1;
	s10 =	sld [smem:$0x3FB6]  }
0x3d: {  	_ =	shalt  }
0x3e: {  	_ =	shalt  }
0x3f: {  	_ =	shalt  }
0x40: {  	_ =	shalt  }
0x41: {  	_ =	shalt  }
0x42: {  	_ =	shalt  }
0x43: {  	_ =	shalt  }
0x44: {  	_ =	shalt  }
0x45: {  	_ =	shalt  }
0x46: {  	_ =	shalt  }
0x47: {  	_ =	shalt  }
0x48: {  	_ =	shalt  }
0x49: {  	_ =	shalt  }
0x4a: {  	_ =	shalt  }
0x4b: {  	_ =	shalt  }
0x4c: {  	_ =	shalt  }
0x4d: {  	_ =	shalt  }
0x4e: {  	_ =	shalt  }
0x4f: {  	_ =	shalt  }
0x50: {  	_ =	shalt  }
0x51: {  	_ =	shalt  }
0x52: {  	_ =	shalt  }
0x53: {  	_ =	shalt  }
0x54: {  	_ =	shalt  }
0x55: {  	_ =	shalt  }
0x56: {  	_ =	shalt  }
0x57: {  	_ =	shalt  }
0x58: {  	_ =	shalt  }
0x59: {  	_ =	shalt  }
0x5a: {  	_ =	shalt  }
0x5b: {  	_ =	shalt  }
0x5c: {  	_ =	shalt  }
0x5d: {  	_ =	shalt  }
0x5e: {  	_ =	shalt  }
0x5f: {  	_ =	shalt  }
0x60: {  	_ =	shalt  }
0x61: {  	_ =	shalt  }
0x62: {  	_ =	shalt  }
0x63: {  	_ =	shalt  }
0x64: {  	_ =	shalt  }
0x65: {  	_ =	shalt  }
0x66: {  	_ =	shalt  }
0x67: {  	_ =	shalt  }
0x68: {  	_ =	shalt  }
0x69: {  	_ =	shalt  }
0x6a: {  	_ =	shalt  }
0x6b: {  	_ =	shalt  }
0x6c: {  	_ =	shalt  }
0x6d: {  	_ =	shalt  }
0x6e: {  	_ =	shalt  }
0x6f: {  	_ =	shalt  }
0x70: {  	_ =	shalt  }
0x71: {  	_ =	shalt  }
0x72: {  	_ =	shalt  }
0x73: {  	_ =	shalt  }
0x74: {  	_ =	shalt  }
0x75: {  	_ =	shalt  }
0x76: {  	_ =	shalt  }
0x77: {  	_ =	shalt  }
0x78: {  	_ =	shalt  }
0x79: {  	_ =	shalt  }
0x7a: {  	_ =	shalt  }
0x7b: {  	_ =	shalt  }
0x7c: {  	_ =	shalt  }
0x7d: {  	_ =	shalt  }
0x7e: {  	_ =	shalt  }
0x7f: {  	_ =	shalt  }
0x80: {  	_ =	shalt  }
0x81: {  	_ =	shalt  }
0x82: {  	_ =	shalt  }
0x83: {  	_ =	shalt  }
0x84: {  	_ =	shalt  }
0x85: {  	_ =	shalt  }
0x86: {  	_ =	shalt  }
0x87: {  	_ =	shalt  }
.Lfunc_end0:
.L_simem_size_0:
called_computation.2_lowered:
.L_overlay_start_0:
0x88: {  	s2 =	sld [smem:$0x3FD9]  }
0x89: {  	s3 =	sld [smem:$0x3FFE];
	_ =	sdelay $0x1  }
0x8a: {  	s1 =	srdreg.scid  }
0x8b: {  	s0 =	sand.u32 $0x1, s1  }
0x8c: {  	s17 =	sshll.u32 s0, $0xA;
	s2 =	sadd.s32 s3, s2  }
0x8d: {  	s2 =	sadd.s32 s2, s17  }
0x8e: {  	[smem:$0x3FC2] =	sst s2  }
0x8f: {  	_ = 	snop  }
0x90: {  	s2 =	sld [smem:$0x3FD0];
	(tm) =	ssettm $0x1  }
0x91: {  	s18 =	sld [smem:$0x3FFB];
	_ =	sdelay $0x3  }
0x92: {  	_ =	strace s18  }
0x93: {  	s3 =	sld [smem:$0x3FFC];
	_ =	sdelay $0x3  }
0x94: {  	_ =	strace s3  }
0x95: {  	s3 =	sld [smem:$0x3FFD];
	_ =	sdelay $0x3  }
0x96: {  	_ =	strace s3  }
0x97: {  	_ =	strace $0x8FFFFFFF  }
0x98: {  	s19 =	sld [smem:$0x3FDB];
	_ =	sdelay $0x1  }
0x99: {  	s4 =	simm.s32 $_scs_section_size  }
0x9a: {  	s5 =	simm.s32 $_size__tile_overlayer_lowered;
	s6 =	simm.s32 $_tile_overlayer_lowered  }
0x9b: {  	s22 =	simm.s32 $0x1BFF;
	s21 =	sshll.u32 s6, $0x1;
	s3 =	sadd.s32 s4, s19  }
0x9c: {  	s7 =	simm.s32 $0x0;
	s20 =	sshll.u32 s5, $0x1;
	s5 =	sadd.s32 s21, s3  }
0x9d: {  	[timem:s7], [sflag:s22] =	dma.local [hbm:s5], s20  }
0x9e: {  	_ =	swait.ge [sflag:s22], s20  }
0x9f: {  	s4 =	ssub.s32 $0x0, s20;
	[sflag:s22] =	ssyncset.done $0x0  }
0xa0: {  	[sflag:s22] =	ssyncadd.s32 s4;
	_ =	sdelay $0x1  }
0xa1: {  	s23 =	simm.s32 $0x1B8B  }
0xa2: {  	_ =	swait.ge [sflag:s23], $0x1  }
0xa3: {  	[sflag:s23] =	ssyncset.done $0x0  }
0xa4: {  	s25 =	simm.s32 $0x1B8E;
	s24 =	sld [smem:$0x3FFE];
	[sflag:s23] =	ssyncadd.s32 $0xFFFFFFFF  }
0xa5: {  	s26 =	simm.s32 $execute0_lowered;
	[smem:$0x3FD2] =	sst s25  }
0xa6: {  	s5 =	sshll.u32 s26, $0x1;
	_ =	strace $0x8000004C;
	[dreg:$0x1] =	wrdreg $0xFFFFFFFF  }
0xa7: {  	s28 =	simm.s32 $_size_execute0_lowered;
	s3 =	sadd.s32 s3, s5;
	[dreg:$0x0] =	wrdreg $0x0  }
0xa8: {  	s5 =	sshll.u32 s28, $0x1;
	[dreg:$0x2] =	wrdreg s3  }
0xa9: {  	[dreg:$0x3] =	wrdreg s5  }
0xaa: {  	[dreg:$0x4] =	wrdreg $0xC0  }
0xab: {  	_ =	task [dreg:s7], $0x5FFFF  }
0xac: {  	[dreg:$0x1] =	wrdreg $0xFFFFFFFF  }
0xad: {  	[dreg:$0x0] =	wrdreg $0x60  }
0xae: {  	[dreg:$0x2] =	wrdreg s2  }
0xaf: {  	[dreg:$0x3] =	wrdreg s24  }
0xb0: {  	[dreg:$0x4] =	wrdreg $0xA4000  }
0xb1: {  	[dreg:$0x5] =	wrdreg $0x9  }
0xb2: {  	_ =	task.clear_ibuf [dreg:s7], $0x6FFFF;
	_ =	strace $0x9000004C  }
0xb3: {  	s29 =	simm.s32 $0x9;
	_ =	strace $0x8000004E  }
0xb4: {  	_ =	swait.ge [sflag:s29], $0x1  }
0xb5: {  	[sflag:s29] =	ssyncadd.s32 $0xFFFFFFFF  }
0xb6: {  	_ =	strace $0x9000004E  }
0xb7: {  	_ =	sfence  }
0xb8: {  	s30 =	sld [smem:$0x0];
	_ =	sdelay $0x2  }
0xb9: {  	s31 =	sshll.u32 s1, $0xD;
	s1 =	sshrl.u32 s1, $0x2  }
0xba: {  	s3 =	sand.u32 $0x4000, s31;
	s1 =	sadd.s32 s1, s30  }
0xbb: {  	s0 =	sor.u32 s3, s0;
	s1 =	sshll.u32 s1, $0x11  }
0xbc: {  	s0 =	sor.u32 s1, s0  }
0xbd: {  	s0 =	sadd.s32 $0x8F2B, s0  }
0xbe: {  	[sflag:s0] =	ssyncadd.remote.s32 $0x1  }
0xbf: {  	_ =	sfence.sel $0xFFFF  }
0xc0: {  	[dreg:$0x0] =	wrdreg $0xFFFFFFFF;
	(pc) =	sbr.abs _section_cstart, $3  }
0xc1: {  	[dreg:$0x1] =	wrdreg $0xFFFFFFFF  }
0xc2: {  	_ =	task.clear_ibuf [dreg:s7], $0x2FFFF;
	_ =	strace $0x9FFFFFFF  }
0xc3: {  	(tm) =	ssettm $0x7FFFFFFF  }
tec
execute0_lowered:
.L_overlay_start_1:
0x0: {  	(tag) =	ssettag $0x1  }
0x1: {  	s1 =	rddreg [dreg:$0x0]  }
0x2: {  	s0 =	rddreg [dreg:$0x1]  }
0x3: {  	s2 =	rddreg [dreg:$0x2];
	s3 =	srdreg.scid;
	s4 =	simm.s32 $0x0  }
0x4: {  	s14 =	stileid.u32;
	s25 =	simm.s32 $0x80;
	s26 =	simm.s32 $0x100  }
0x5: {  	s30 =	simm.s32 $0x2C00;
	s28 =	simm.s32 $0x5;
	s29 =	simm.s32 $0x4  }
0x6: {  	s31 =	simm.s32 $0x9;
	s3 =	sand.u32 $0x1, s3;
	s7 =	smul.u32 $0x2710, s14  }
0x7: {  	[smem:$0x7FF] =	sst s4;
	s9 =	smul.u32 $0x4E000, s14;
	s5 =	sadd.s32 $0x2C00, s0  }
0x8: {  	s11 =	smul.u32 $0x13800, s14;
	s0 =	sadd.s32 $0x16600, s0;
	s15 =	sadd.s32 $0x27000, s1  }
0x9: {  	s19 =	sshll.u32 s14, $0x6;
	_ =	strace $0x8000004D;
	[dreg:$0x9] =	wrdreg s15  }
0xa: {  	s13 =	sadd.s32 $0x138000, s2;
	p0 =	sne.s32 s14, $0xF;
	[dreg:$0x4] =	wrdreg s25  }
0xb: {  	s6 =	smul.u32 $0x27100, s3;
	s8 =	ssub.s32 $0x2, s3;
	[dreg:$0x5] =	wrdreg s26  }
0xc: {  	s3 =	smul.u32 $0x138800, s3;
	[dreg:$0x6] =	wrdreg s30;
	s25 =	simm.s32 $0x180  }
0xd: {  	s10 =	sshrl.u32 s8, $0x1;
	s9 =	sshrl.u32 s9, $0x2;
	s17 =	sshrl.u32 s11, $0x3  }
0xe: {  	s8 =	ssub.s32 s8, s10;
	s6 =	sadd.s32 s7, s6;
	s12 =	sadd.s32 s9, s2  }
0xf: {  	s18 =	sadd.s32 s1, s17;
	s9 =	sor.u32 $0x1C0D, s19;
	s11 =	sadd.s32 s11, s3  }
0x10: {  	s3 =	sshrl.u32 s3, $0x3;
	s19 =	simm.s32 $0x200;
	s7 =	sadd.s32 $0x4E200, s6  }
0x11: {  	[dreg:$0x7] =	wrdreg s18;
	s20 =	sshrl.u32 s6, $0x3;
	s22 =	sshrl.u32 s11, $0x3  }
0x12: {  	s3 =	sadd.s32 s0, s3;
	s24 =	smax.u32 s8, $0x1;
	[dreg:$0x8] =	wrdreg s9  }
0x13: {  	s11 =	simm.s32 $0xD;
	s10 =	sadd.s32 s5, s20;
	[dreg:$0xe] =	wrdreg s24  }
0x14: {  	s21 =	sshrl.u32 s7, $0x3;
	s0 =	sadd.s32 s0, s22;
	[dreg:$0xa] =	wrdreg s10  }
0x15: {  	s23 =	sadd.s32 $0x27000, s3;
	s20 =	simm.s32 $0x1;
	[dreg:$0xc] =	wrdreg s0  }
0x16: {  	s22 =	simm.s32 $0x400;
	s10 =	sadd.s32 s5, s21;
	[dreg:$0xd] =	wrdreg s23  }
0x17: {  	s21 =	simm.s32 $0x50;
	[dreg:$0xb] =	wrdreg s10;
	s10 =	sshrl.u32 s12, $0x3  }
0x18: {  	s23 =	simm.s32 $0x280;
	s12 =	sshrl.u32 @!p0 s13, $0x3;
	[dreg:$0xf] =	wrdreg s10  }
0x19: {  	s0 =	simm.s32 $0x6;
	s13 =	simm.s32 $0x0;
	[dreg:$0x10] =	wrdreg s12  }
.LBB2_1:
0x1a: {  	[dreg:$0x11] =	wrdreg s13  }
0x1b: {  	s3 =	rddreg [dreg:$0x7]  }
0x1c: {  	[spmem:s10], [sflag:s9] =	dma.local [hbm:s3], $0x2700  }
0x1d: {  	_ =	swait.ge [sflag:s11], $0x2700  }
0x1e: {  	[sflag:s11] =	ssyncset.done $0x0  }
0x1f: {  	s3 =	rddreg [dreg:$0x9];
	[sflag:s11] =	ssyncadd.s32 $0xFFFFD900  }
0x20: {  	[spmem:s12], [sflag:s9] =	dma.local @!p0 [hbm:s3], $0x100  }
0x21: {  	s3 =	simm.s32 @!p0 $0xD  }
0x22: {  	_ =	swait.ge @!p0 [sflag:s3], $0x100  }
0x23: {  	[sflag:s3] =	ssyncset.done @!p0 $0x0  }
0x24: {  	[sflag:s3] =	ssyncadd.s32 @!p0 $0xFFFFFF00  }
0x25: {  	[bflag:$0x0] =	sbarrier.arrive $0xFFFF  }
0x26: {  	s18 =	rddreg [dreg:$0xa]  }
0x27: {  	[tilespmem:s4], [sflag:$0x1] =	stream.linear.gather [hbm4b:s18+s4], $0x50, $0x38;
	[tilespmem:$0x1DC80] =	vst v63  }
0x28: {  	s24 =	rddreg [dreg:$0xb]  }
0x29: {  	[tilespmem:s19], [sflag:$0x1] =	stream.linear.gather [hbm4b:s24+s4], $0x50, $0x38;
	[tilespmem:$0x1DC80] =	vst v63  }
0x2a: {  	_ =	swait.ge [sflag:s20], $0x50  }
0x2b: {  	[sflag:s20] =	ssyncset.done $0x0  }
0x2c: {  	[sflag:s20] =	ssyncadd.s32 $0xFFFFFFB0  }
0x2d: {  	p1 =	por $0x1, $0x1;
	_ =	swait.ge [sflag:s20], $0x50  }
0x2e: {  	s3 =	simm.s32 @!p1 $0x50;
	[sflag:s20] =	ssyncset.done $0x0  }
0x2f: {  	s8 =	simm.s32 @!p1 $0xA;
	s3 =	simm.s32 @p1 $0x50;
	[sflag:s20] =	ssyncadd.s32 $0xFFFFFFB0  }
0x30: {  	[tilespmem:s22], [sflag:$0x5] =	stream.indirect.gather [hbm4b:s1+s21], $0x80, s4, s21, $0xb8;
	[tilespmem:$0x1DC80] =	vst v63  }
0x31: {  	s26 =	sadd.s32 s6, s3;
	s3 =	sadd.s32 s7, s3;
	_ =	swait.ge @!p1 [sflag:s8], $0x2800  }
0x32: {  	s10 =	sshrl.u32 s26, $0x3;
	s3 =	sshrl.u32 s3, $0x3;
	[sflag:s8] =	ssyncset.done @!p1 $0x0  }
0x33: {  	s10 =	sadd.s32 s5, s10;
	s30 =	rddreg [dreg:$0x4];
	[sflag:s8] =	ssyncadd.s32 @!p1 $0xFFFFD800  }
0x34: {  	[tilespmem:s30], [sflag:$0x2] =	stream.linear.gather [hbm4b:s10+s4], $0x50, $0x38;
	[tilespmem:$0x1DC80] =	vst v63  }
0x35: {  	s3 =	sadd.s32 s5, s3;
	s8 =	simm.s32 @p1 $0x2  }
0x36: {  	[tilespmem:s23], [sflag:$0x2] =	stream.linear.gather [hbm4b:s3+s4], $0x50, $0x38;
	[tilespmem:$0x1DC80] =	vst v63  }
0x37: {  	_ =	swait.ge @p1 [sflag:s8], $0x50  }
0x38: {  	[sflag:s8] =	ssyncset.done @p1 $0x0  }
0x39: {  	[sflag:s8] =	ssyncadd.s32 @p1 $0xFFFFFFB0  }
0x3a: {  	_ =	swait.ge @p1 [sflag:s8], $0x50  }
0x3b: {  	s11 =	simm.s32 @p1 $0x50;
	s12 =	simm.s32 @p1 $0x80;
	[sflag:s8] =	ssyncset.done @p1 $0x0  }
0x3c: {  	s10 =	simm.s32 @!p1 $0x7;
	s3 =	simm.s32 @p1 $0x2C00;
	[sflag:s8] =	ssyncadd.s32 @p1 $0xFFFFFFB0  }
0x3d: {  	[tilespmem:s3], [sflag:$0x6] =	stream.indirect.gather @p1 [hbm4b:s1+s11], $0x80, s12, s11, $0xb8;
	[tilespmem:$0x1DC80] =	vst v63  }
0x3e: {  	_ =	swait.ge @!p1 [sflag:s10], $0x2800  }
0x3f: {  	s8 =	simm.s32 @!p1 $0x300;
	s3 =	simm.s32 @!p1 $0x50;
	[sflag:s10] =	ssyncset.done @!p1 $0x0  }
0x40: {  	s12 =	simm.s32 @!p1 $0x2;
	[sflag:s10] =	ssyncadd.s32 @!p1 $0xFFFFD800;
	s10 =	simm.s32 @!p1 $0x5400  }
0x41: {  	[spmem:s2] =	stream.indirect.scatter.add.f32 @!p1 [tilespmem:s10], [sflag:$0xB], $0x80, s8, s3, $0xb8;
	[tilespmem:$0x1DC80] =	vst v63  }
0x42: {  	_ =	swait.ge @!p1 [sflag:s12], $0x50  }
0x43: {  	[sflag:s12] =	ssyncset.done @!p1 $0x0  }
0x44: {  	[sflag:s12] =	ssyncadd.s32 @!p1 $0xFFFFFFB0  }
0x45: {  	s14 =	simm.s32 @!p1 $0x80;
	_ =	swait.ge @!p1 [sflag:s12], $0x50  }
0x46: {  	s15 =	simm.s32 @!p1 $0x2C00;
	s8 =	simm.s32 @!p1 $0xA0;
	[sflag:s12] =	ssyncset.done @!p1 $0x0  }
0x47: {  	s8 =	simm.s32 @p1 $0xA0;
	[sflag:s12] =	ssyncadd.s32 @!p1 $0xFFFFFFB0;
	s12 =	simm.s32 @!p1 $0xB  }
0x48: {  	[tilespmem:s15], [sflag:$0x6] =	stream.indirect.gather @!p1 [hbm4b:s1+s3], $0x80, s14, s3, $0xb8;
	[tilespmem:$0x1DC80] =	vst v63  }
0x49: {  	s9 =	sadd.s32 s6, s8;
	s8 =	sadd.s32 s7, s8;
	_ =	swait.ge @!p1 [sflag:s12], $0x2800  }
0x4a: {  	s8 =	sshrl.u32 s8, $0x3;
	s14 =	sshrl.u32 s9, $0x3;
	[sflag:s12] =	ssyncset.done @!p1 $0x0  }
0x4b: {  	s16 =	sadd.s32 s5, s14;
	s13 =	rddreg [dreg:$0x5];
	[sflag:s12] =	ssyncadd.s32 @!p1 $0xFFFFD800  }
0x4c: {  	[tilespmem:s13], [sflag:$0x3] =	stream.linear.gather [hbm4b:s16+s4], $0x50, $0x38;
	[tilespmem:$0x1DC80] =	vst v63  }
0x4d: {  	s17 =	simm.s32 $0x300;
	s8 =	sadd.s32 s5, s8;
	s12 =	simm.s32 @p1 $0x3  }
0x4e: {  	[tilespmem:s17], [sflag:$0x3] =	stream.linear.gather [hbm4b:s8+s4], $0x50, $0x38;
	[tilespmem:$0x1DC80] =	vst v63  }
0x4f: {  	_ =	swait.ge @p1 [sflag:s12], $0x50  }
0x50: {  	[sflag:s12] =	ssyncset.done @p1 $0x0  }
0x51: {  	[sflag:s12] =	ssyncadd.s32 @p1 $0xFFFFFFB0  }
0x52: {  	_ =	swait.ge @p1 [sflag:s12], $0x50  }
0x53: {  	[sflag:s12] =	ssyncset.done @p1 $0x0  }
0x54: {  	s8 =	simm.s32 @p1 $0x5400;
	[sflag:s12] =	ssyncadd.s32 @p1 $0xFFFFFFB0;
	s12 =	simm.s32 @p1 $0x100  }
0x55: {  	[tilespmem:s8], [sflag:$0x7] =	stream.indirect.gather @p1 [hbm4b:s1+s11], $0x80, s12, s11, $0xb8;
	[tilespmem:$0x1DC80] =	vst v63  }
0x56: {  	s8 =	simm.s32 @!p1 $0x8  }
0x57: {  	_ =	swait.ge @!p1 [sflag:s8], $0x2800  }
0x58: {  	[sflag:s8] =	ssyncset.done @!p1 $0x0  }
0x59: {  	s11 =	simm.s32 @!p1 $0x380;
	[sflag:s8] =	ssyncadd.s32 @!p1 $0xFFFFD800;
	s8 =	simm.s32 @!p1 $0x7C00  }
0x5a: {  	[spmem:s2] =	stream.indirect.scatter.add.f32 @!p1 [tilespmem:s8], [sflag:$0xC], $0x80, s11, s3, $0xb8;
	[tilespmem:$0x1DC80] =	vst v63  }
0x5b: {  	s8 =	simm.s32 @!p1 $0x3  }
0x5c: {  	_ =	swait.ge @!p1 [sflag:s8], $0x50  }
0x5d: {  	[sflag:s8] =	ssyncset.done @!p1 $0x0  }
0x5e: {  	[sflag:s8] =	ssyncadd.s32 @!p1 $0xFFFFFFB0  }
0x5f: {  	_ =	swait.ge @!p1 [sflag:s8], $0x50  }
0x60: {  	[sflag:s8] =	ssyncset.done @!p1 $0x0  }
0x61: {  	[sflag:s8] =	ssyncadd.s32 @!p1 $0xFFFFFFB0;
	s8 =	simm.s32 @!p1 $0x100  }
0x62: {  	[tilespmem:s10], [sflag:$0x7] =	stream.indirect.gather @!p1 [hbm4b:s1+s3], $0x80, s8, s3, $0xb8;
	[tilespmem:$0x1DC80] =	vst v63  }
0x63: {  	s3 =	simm.s32 @!p1 $0xF0  }
0x64: {  	s8 =	simm.s32 @!p1 $0xC;
	s3 =	simm.s32 @p1 $0xF0  }
0x65: {  	_ =	swait.ge @!p1 [sflag:s8], $0x2800;
	s18 =	sadd.s32 s6, s3  }
0x66: {  	s3 =	sadd.s32 s7, s3;
	[sflag:s8] =	ssyncset.done @!p1 $0x0;
	s10 =	sshrl.u32 s18, $0x3  }
0x67: {  	s3 =	sshrl.u32 s3, $0x3;
	[sflag:s8] =	ssyncadd.s32 @!p1 $0xFFFFD800;
	s10 =	sadd.s32 s5, s10  }
0x68: {  	[tilespmem:s25], [sflag:$0x4] =	stream.linear.gather [hbm4b:s10+s4], $0x50, $0x38;
	[tilespmem:$0x1DC80] =	vst v63  }
0x69: {  	s24 =	simm.s32 $0x380;
	s3 =	sadd.s32 s5, s3  }
0x6a: {  	[tilespmem:s24], [sflag:$0x4] =	stream.linear.gather [hbm4b:s3+s4], $0x50, $0x38;
	[tilespmem:$0x1DC80] =	vst v63  }
0x6b: {  	_ =	swait.ge [sflag:s28], $0x2800  }
0x6c: {  	[sflag:s28] =	ssyncset.done $0x0  }
0x6d: {  	[sflag:s28] =	ssyncadd.s32 $0xFFFFD800  }
0x6e: {  	[spmem:s2] =	stream.indirect.scatter.add.f32 [tilespmem:s22], [sflag:$0x9], $0x80, s19, s21, $0xb8;
	[tilespmem:$0x1DC80] =	vst v63  }
0x6f: {  	_ =	swait.ge [sflag:s29], $0x50  }
0x70: {  	[sflag:s29] =	ssyncset.done $0x0  }
0x71: {  	[sflag:s29] =	ssyncadd.s32 $0xFFFFFFB0  }
0x72: {  	s26 =	simm.s32 $0x7C00;
	s3 =	simm.s32 $0x140;
	_ =	swait.ge [sflag:s29], $0x50  }
0x73: {  	s14 =	simm.s32 $0x280;
	s3 =	simm.s32 @p1 $0x140;
	[sflag:s29] =	ssyncset.done $0x0  }
0x74: {  	s30 =	sadd.s32 s6, s3;
	s3 =	sadd.s32 s7, s3;
	[sflag:s29] =	ssyncadd.s32 $0xFFFFFFB0  }
0x75: {  	[tilespmem:s26], [sflag:$0x8] =	stream.indirect.gather [hbm4b:s1+s21], $0x80, s25, s21, $0xb8;
	[tilespmem:$0x1DC80] =	vst v63  }
0x76: {  	s15 =	sshrl.u32 s30, $0x3;
	s3 =	sshrl.u32 s3, $0x3;
	_ =	swait.ge [sflag:s31], $0x2800  }
.LBB2_2:
0x77: {  	[sflag:s31] =	ssyncset.done $0x0  }
0x78: {  	s10 =	sadd.s32 s5, s15;
	[sflag:s31] =	ssyncadd.s32 $0xFFFFD800  }
0x79: {  	[tilespmem:s4], [sflag:$0x1] =	stream.linear.gather [hbm4b:s10+s4], $0x50, $0x38;
	[tilespmem:$0x1DC80] =	vst v63  }
0x7a: {  	s3 =	sadd.s32 s5, s3  }
0x7b: {  	[tilespmem:s19], [sflag:$0x1] =	stream.linear.gather [hbm4b:s3+s4], $0x50, $0x38;
	[tilespmem:$0x1DC80] =	vst v63  }
0x7c: {  	s8 =	smov.u32 s14;
	_ =	swait.ge [sflag:s0], $0x2800  }
0x7d: {  	p2 =	seq.s32 s8, $0x140;
	s16 =	smov.u32 s8;
	[sflag:s0] =	ssyncset.done $0x0  }
0x7e: {  	s10 =	sadd.s32 @!p2 $0xFFFFFF10, s8;
	s18 =	rddreg [dreg:$0x6];
	[sflag:s0] =	ssyncadd.s32 $0xFFFFD800  }
0x7f: {  	[spmem:s2] =	stream.indirect.scatter.add.f32 [tilespmem:s18], [sflag:$0xA], $0x80, s23, s21, $0xb8;
	[tilespmem:$0x1DC80] =	vst v63  }
0x80: {  	s11 =	sadd.s32 @!p2 $0xFFFFFF60, s8;
	s16 =	simm.s32 @p2 $0x140;
	_ =	swait.ge [sflag:s20], $0x50  }
0x81: {  	s17 =	sadd.s32 @!p2 $0xFFFFFFB0, s8;
	s15 =	simm.s32 @!p2 $0xA;
	[sflag:s20] =	ssyncset.done $0x0  }
0x82: {  	s10 =	simm.s32 @p2 $0x50;
	s11 =	simm.s32 @p2 $0xA0;
	[sflag:s20] =	ssyncadd.s32 $0xFFFFFFB0  }
0x83: {  	s17 =	simm.s32 @p2 $0xF0;
	s3 =	sadd.s32 s6, s16;
	_ =	swait.ge [sflag:s20], $0x50  }
0x84: {  	s12 =	sadd.s32 s6, s10;
	s10 =	sadd.s32 s7, s10;
	[sflag:s20] =	ssyncset.done $0x0  }
0x85: {  	s26 =	sadd.s32 s6, s11;
	s30 =	sadd.s32 s7, s17;
	[sflag:s20] =	ssyncadd.s32 $0xFFFFFFB0  }
0x86: {  	[tilespmem:s22], [sflag:$0x5] =	stream.indirect.gather [hbm4b:s1+s21], $0x80, s4, s21, $0xb8;
	[tilespmem:$0x1DC80] =	vst v63  }
0x87: {  	s24 =	sshrl.u32 s12, $0x3;
	s12 =	sshrl.u32 s26, $0x3;
	_ =	swait.ge @!p2 [sflag:s15], $0x2800  }
0x88: {  	s10 =	sshrl.u32 s10, $0x3;
	s8 =	sshrl.u32 s30, $0x3;
	[sflag:s15] =	ssyncset.done @!p2 $0x0  }
0x89: {  	s9 =	sadd.s32 s5, s24;
	s13 =	rddreg [dreg:$0x4];
	[sflag:s15] =	ssyncadd.s32 @!p2 $0xFFFFD800  }
0x8a: {  	[tilespmem:s13], [sflag:$0x2] =	stream.linear.gather [hbm4b:s9+s4], $0x50, $0x38;
	[tilespmem:$0x1DC80] =	vst v63  }
0x8b: {  	s26 =	sadd.s32 s7, s16;
	s16 =	simm.s32 @p2 $0x2;
	s30 =	sadd.s32 s5, s10  }
0x8c: {  	[tilespmem:s23], [sflag:$0x2] =	stream.linear.gather [hbm4b:s30+s4], $0x50, $0x38;
	[tilespmem:$0x1DC80] =	vst v63  }
0x8d: {  	_ =	swait.ge @p2 [sflag:s16], $0x50  }
0x8e: {  	s11 =	sadd.s32 s7, s11;
	[sflag:s16] =	ssyncset.done @p2 $0x0  }
0x8f: {  	s17 =	sadd.s32 s6, s17;
	s24 =	simm.s32 @p2 $0x2C00;
	[sflag:s16] =	ssyncadd.s32 @p2 $0xFFFFFFB0  }
0x90: {  	s10 =	sshrl.u32 s17, $0x3;
	s17 =	simm.s32 @p2 $0x50;
	_ =	swait.ge @p2 [sflag:s16], $0x50  }
0x91: {  	s15 =	sshrl.u32 s3, $0x3;
	s3 =	sshrl.u32 s26, $0x3;
	[sflag:s16] =	ssyncset.done @p2 $0x0  }
0x92: {  	s26 =	simm.s32 @!p2 $0x7;
	s30 =	simm.s32 @p2 $0x80;
	[sflag:s16] =	ssyncadd.s32 @p2 $0xFFFFFFB0  }
0x93: {  	[tilespmem:s24], [sflag:$0x6] =	stream.indirect.gather @p2 [hbm4b:s1+s17], $0x80, s30, s17, $0xb8;
	[tilespmem:$0x1DC80] =	vst v63  }
0x94: {  	s18 =	sshrl.u32 s11, $0x3;
	_ =	swait.ge @!p2 [sflag:s26], $0x2800  }
0x95: {  	s11 =	simm.s32 @!p2 $0x50;
	s9 =	simm.s32 @!p2 $0x300;
	[sflag:s26] =	ssyncset.done @!p2 $0x0  }
0x96: {  	s13 =	simm.s32 @!p2 $0x2;
	s16 =	simm.s32 @!p2 $0x5400;
	[sflag:s26] =	ssyncadd.s32 @!p2 $0xFFFFD800  }
0x97: {  	[spmem:s2] =	stream.indirect.scatter.add.f32 @!p2 [tilespmem:s16], [sflag:$0xB], $0x80, s9, s11, $0xb8;
	[tilespmem:$0x1DC80] =	vst v63  }
0x98: {  	_ =	swait.ge @!p2 [sflag:s13], $0x50  }
0x99: {  	[sflag:s13] =	ssyncset.done @!p2 $0x0  }
0x9a: {  	[sflag:s13] =	ssyncadd.s32 @!p2 $0xFFFFFFB0  }
0x9b: {  	_ =	swait.ge @!p2 [sflag:s13], $0x50  }
0x9c: {  	s24 =	simm.s32 @!p2 $0x80;
	[sflag:s13] =	ssyncset.done @!p2 $0x0  }
0x9d: {  	s30 =	simm.s32 @!p2 $0x2C00;
	s9 =	simm.s32 @!p2 $0xB;
	[sflag:s13] =	ssyncadd.s32 @!p2 $0xFFFFFFB0  }
0x9e: {  	[tilespmem:s30], [sflag:$0x6] =	stream.indirect.gather @!p2 [hbm4b:s1+s11], $0x80, s24, s11, $0xb8;
	[tilespmem:$0x1DC80] =	vst v63  }
0x9f: {  	_ =	swait.ge @!p2 [sflag:s9], $0x2800  }
0xa0: {  	[sflag:s9] =	ssyncset.done @!p2 $0x0  }
0xa1: {  	s30 =	sadd.s32 s5, s12;
	s26 =	rddreg [dreg:$0x5];
	[sflag:s9] =	ssyncadd.s32 @!p2 $0xFFFFD800  }
0xa2: {  	[tilespmem:s26], [sflag:$0x3] =	stream.linear.gather [hbm4b:s30+s4], $0x50, $0x38;
	[tilespmem:$0x1DC80] =	vst v63  }
0xa3: {  	s18 =	sadd.s32 s5, s18;
	s13 =	simm.s32 $0x300;
	s12 =	simm.s32 @p2 $0x3  }
0xa4: {  	[tilespmem:s13], [sflag:$0x3] =	stream.linear.gather [hbm4b:s18+s4], $0x50, $0x38;
	[tilespmem:$0x1DC80] =	vst v63  }
0xa5: {  	_ =	swait.ge @p2 [sflag:s12], $0x50  }
0xa6: {  	[sflag:s12] =	ssyncset.done @p2 $0x0  }
0xa7: {  	[sflag:s12] =	ssyncadd.s32 @p2 $0xFFFFFFB0  }
0xa8: {  	_ =	swait.ge @p2 [sflag:s12], $0x50  }
0xa9: {  	s9 =	simm.s32 @p2 $0x5400;
	[sflag:s12] =	ssyncset.done @p2 $0x0  }
0xaa: {  	s13 =	simm.s32 @!p2 $0x8;
	s18 =	simm.s32 @p2 $0x100;
	[sflag:s12] =	ssyncadd.s32 @p2 $0xFFFFFFB0  }
0xab: {  	[tilespmem:s9], [sflag:$0x7] =	stream.indirect.gather @p2 [hbm4b:s1+s17], $0x80, s18, s17, $0xb8;
	[tilespmem:$0x1DC80] =	vst v63  }
0xac: {  	_ =	swait.ge @!p2 [sflag:s13], $0x2800  }
0xad: {  	s12 =	simm.s32 @!p2 $0x7C00;
	[sflag:s13] =	ssyncset.done @!p2 $0x0  }
0xae: {  	s9 =	simm.s32 @!p2 $0x380;
	[sflag:s13] =	ssyncadd.s32 @!p2 $0xFFFFD800;
	s13 =	simm.s32 @!p2 $0x3  }
0xaf: {  	[spmem:s2] =	stream.indirect.scatter.add.f32 @!p2 [tilespmem:s12], [sflag:$0xC], $0x80, s9, s11, $0xb8;
	[tilespmem:$0x1DC80] =	vst v63  }
0xb0: {  	_ =	swait.ge @!p2 [sflag:s13], $0x50  }
0xb1: {  	[sflag:s13] =	ssyncset.done @!p2 $0x0  }
0xb2: {  	[sflag:s13] =	ssyncadd.s32 @!p2 $0xFFFFFFB0  }
0xb3: {  	_ =	swait.ge @!p2 [sflag:s13], $0x50  }
0xb4: {  	[sflag:s13] =	ssyncset.done @!p2 $0x0  }
0xb5: {  	s9 =	simm.s32 @!p2 $0x100;
	s12 =	simm.s32 @!p2 $0xC;
	[sflag:s13] =	ssyncadd.s32 @!p2 $0xFFFFFFB0  }
0xb6: {  	[tilespmem:s16], [sflag:$0x7] =	stream.indirect.gather @!p2 [hbm4b:s1+s11], $0x80, s9, s11, $0xb8;
	[tilespmem:$0x1DC80] =	vst v63  }
0xb7: {  	_ =	swait.ge @!p2 [sflag:s12], $0x2800  }
0xb8: {  	[sflag:s12] =	ssyncset.done @!p2 $0x0  }
0xb9: {  	s24 =	sadd.s32 s5, s10;
	[sflag:s12] =	ssyncadd.s32 @!p2 $0xFFFFD800  }
0xba: {  	[tilespmem:s25], [sflag:$0x4] =	stream.linear.gather [hbm4b:s24+s4], $0x50, $0x38;
	[tilespmem:$0x1DC80] =	vst v63  }
0xbb: {  	s8 =	sadd.s32 s5, s8;
	s26 =	simm.s32 $0x380  }
0xbc: {  	[tilespmem:s26], [sflag:$0x4] =	stream.linear.gather [hbm4b:s8+s4], $0x50, $0x38;
	[tilespmem:$0x1DC80] =	vst v63  }
0xbd: {  	_ =	swait.ge [sflag:s28], $0x2800  }
0xbe: {  	[sflag:s28] =	ssyncset.done $0x0  }
0xbf: {  	[sflag:s28] =	ssyncadd.s32 $0xFFFFD800  }
0xc0: {  	[spmem:s2] =	stream.indirect.scatter.add.f32 [tilespmem:s22], [sflag:$0x9], $0x80, s19, s21, $0xb8;
	[tilespmem:$0x1DC80] =	vst v63  }
0xc1: {  	_ =	swait.ge [sflag:s29], $0x50  }
0xc2: {  	s14 =	sadd.s32 $0x140, s14;
	[sflag:s29] =	ssyncset.done $0x0  }
0xc3: {  	p1 =	sne.s32 s14, $0x2800;
	[sflag:s29] =	ssyncadd.s32 $0xFFFFFFB0  }
.Ltmp0:
0xc4: {  	_ =	swait.ge [sflag:s29], $0x50;
	(pc) =	sbr.rel @p1 .LBB2_2-.Ltmp0, $4  }
0xc5: {  	[sflag:s29] =	ssyncset.done $0x0  }
0xc6: {  	s30 =	simm.s32 $0x7C00;
	[sflag:s29] =	ssyncadd.s32 $0xFFFFFFB0  }
0xc7: {  	[tilespmem:s30], [sflag:$0x8] =	stream.indirect.gather [hbm4b:s1+s21], $0x80, s25, s21, $0xb8;
	[tilespmem:$0x1DC80] =	vst v63  }
0xc8: {  	_ =	swait.ge [sflag:s31], $0x2800  }
0xc9: {  	[sflag:s31] =	ssyncset.done $0x0  }
0xca: {  	s8 =	sadd.s32 s5, s15;
	[sflag:s31] =	ssyncadd.s32 $0xFFFFD800  }
0xcb: {  	[tilespmem:s4], [sflag:$0x1] =	stream.linear.gather [hbm4b:s8+s4], $0x50, $0x38;
	[tilespmem:$0x1DC80] =	vst v63  }
0xcc: {  	s3 =	sadd.s32 s5, s3  }
0xcd: {  	[tilespmem:s19], [sflag:$0x1] =	stream.linear.gather [hbm4b:s3+s4], $0x50, $0x38;
	[tilespmem:$0x1DC80] =	vst v63  }
0xce: {  	_ =	swait.ge [sflag:s0], $0x2800  }
0xcf: {  	[sflag:s0] =	ssyncset.done $0x0  }
0xd0: {  	s10 =	rddreg [dreg:$0x6];
	[sflag:s0] =	ssyncadd.s32 $0xFFFFD800  }
0xd1: {  	[spmem:s2] =	stream.indirect.scatter.add.f32 [tilespmem:s10], [sflag:$0xA], $0x80, s23, s21, $0xb8;
	[tilespmem:$0x1DC80] =	vst v63  }
0xd2: {  	_ =	swait.ge [sflag:s20], $0x50  }
0xd3: {  	[sflag:s20] =	ssyncset.done $0x0  }
0xd4: {  	[sflag:s20] =	ssyncadd.s32 $0xFFFFFFB0  }
0xd5: {  	_ =	swait.ge [sflag:s20], $0x50  }
0xd6: {  	[sflag:s20] =	ssyncset.done $0x0  }
0xd7: {  	s11 =	simm.s32 $0x7;
	[sflag:s20] =	ssyncadd.s32 $0xFFFFFFB0  }
0xd8: {  	[tilespmem:s22], [sflag:$0x5] =	stream.indirect.gather [hbm4b:s1+s21], $0x80, s4, s21, $0xb8;
	[tilespmem:$0x1DC80] =	vst v63  }
0xd9: {  	_ =	swait.ge [sflag:s11], $0x2800  }
0xda: {  	s12 =	simm.s32 $0x300;
	[sflag:s11] =	ssyncset.done $0x0  }
0xdb: {  	s13 =	simm.s32 $0x5400;
	s14 =	simm.s32 $0x8;
	[sflag:s11] =	ssyncadd.s32 $0xFFFFD800  }
0xdc: {  	[spmem:s2] =	stream.indirect.scatter.add.f32 [tilespmem:s13], [sflag:$0xB], $0x80, s12, s21, $0xb8;
	[tilespmem:$0x1DC80] =	vst v63  }
0xdd: {  	_ =	swait.ge [sflag:s14], $0x2800  }
0xde: {  	[sflag:s14] =	ssyncset.done $0x0  }
0xdf: {  	s15 =	simm.s32 $0x380;
	s16 =	simm.s32 $0x7C00;
	[sflag:s14] =	ssyncadd.s32 $0xFFFFD800  }
0xe0: {  	[spmem:s2] =	stream.indirect.scatter.add.f32 [tilespmem:s16], [sflag:$0xC], $0x80, s15, s21, $0xb8;
	[tilespmem:$0x1DC80] =	vst v63  }
0xe1: {  	_ =	swait.ge [sflag:s28], $0x2800  }
0xe2: {  	[sflag:s28] =	ssyncset.done $0x0  }
0xe3: {  	s17 =	simm.s32 $0xA;
	[sflag:s28] =	ssyncadd.s32 $0xFFFFD800  }
0xe4: {  	[spmem:s2] =	stream.indirect.scatter.add.f32 [tilespmem:s22], [sflag:$0x9], $0x80, s19, s21, $0xb8;
	[tilespmem:$0x1DC80] =	vst v63  }
0xe5: {  	_ =	swait.ge [sflag:s17], $0x2800  }
0xe6: {  	[sflag:s17] =	ssyncset.done $0x0  }
0xe7: {  	s18 =	simm.s32 $0xB;
	[sflag:s17] =	ssyncadd.s32 $0xFFFFD800  }
0xe8: {  	_ =	swait.ge [sflag:s18], $0x2800  }
0xe9: {  	[sflag:s18] =	ssyncset.done $0x0  }
0xea: {  	s24 =	simm.s32 $0xC;
	[sflag:s18] =	ssyncadd.s32 $0xFFFFD800  }
0xeb: {  	_ =	swait.ge [sflag:s24], $0x2800  }
0xec: {  	[sflag:s24] =	ssyncset.done $0x0  }
0xed: {  	[sflag:s24] =	ssyncadd.s32 $0xFFFFD800  }
0xee: {  	_ =	swait.ge [sflag:s31], $0x2800  }
0xef: {  	[sflag:s31] =	ssyncset.done $0x0  }
0xf0: {  	[sflag:s31] =	ssyncadd.s32 $0xFFFFD800  }
0xf1: {  	[bflag:$0x0] =	sbarrier.arrive $0xFFFF  }
0xf2: {  	s9 =	rddreg [dreg:$0x8]  }
0xf3: {  	s26 =	rddreg [dreg:$0xc]  }
0xf4: {  	s11 =	simm.s32 $0xD;
	s10 =	rddreg [dreg:$0xf]  }
0xf5: {  	[hbm:s26], [sflag:s9] =	dma.local [spmem:s10], $0x2700  }
0xf6: {  	_ =	swait.ge [sflag:s11], $0x2700  }
0xf7: {  	[sflag:s11] =	ssyncset.done $0x0;
	s3 =	rddreg [dreg:$0xd]  }
0xf8: {  	s12 =	rddreg [dreg:$0x10];
	[sflag:s11] =	ssyncadd.s32 $0xFFFFD900  }
0xf9: {  	[hbm:s3], [sflag:s9] =	dma.local @!p0 [spmem:s12], $0x100  }
0xfa: {  	s3 =	simm.s32 @!p0 $0xD  }
0xfb: {  	_ =	swait.ge @!p0 [sflag:s3], $0x100  }
0xfc: {  	s13 =	rddreg [dreg:$0x11]  }
0xfd: {  	s30 =	rddreg [dreg:$0xe];
	s13 =	sadd.s32 $0x1, s13  }
0xfe: {  	p1 =	sne.s32 s13, s30  }
.Ltmp1:
0xff: {  	_ = 	snop;
	(pc) =	sbr.rel @p1 .LBB2_1-.Ltmp1, $3  }
0x100: {  	_ =	sdelay $0x1  }
0x101: {  	[sflag:s3] =	ssyncset.done @!p0 $0x0  }
0x102: {  	[sflag:s3] =	ssyncadd.s32 @!p0 $0xFFFFFF00  }
0x103: {  	_ =	sfence.sel $0x180000  }
0x104: {  	[bflag:$0x0] =	sbarrier.arrive $0xFFFF  }
0x105: {  	_ =	strace $0x9000004D  }
0x106: {  	s0 =	stileid.u32;
	[bflag:$0x2] =	sbarrier.arrive $0xFFFF  }
0x107: {  	p0 =	sne.s32 s0, $0x0;
	s0 =	rddreg [dreg:$0x3]  }
0x108: {  	s0 =	sadd.s32 @!p0 $0x100000, s0  }
0x109: {  	[sflag:s0] =	ssyncadd.tile.s32 @!p0 $0x1;
	_ =	shalt  }
.Lfunc_end2:
_tile_overlayer_lowered:
.L_overlay_start_2:
0x10a: {  	(tag) =	ssettag $0x2  }
0x10b: {  	s0 =	rddreg [dreg:$0x0];
	s2 =	stileid.u32  }
0x10c: {  	s1 =	rddreg [dreg:$0x1];
	p0 =	sne.s32 s2, $0x0  }
0x10d: {  	s3 =	rddreg [dreg:$0x2];
	[bflag:$0x3] =	sbarrier.arrive $0xFFFF;
	s2 =	simm.s32 @!p0 $0x1C0D  }
0x10e: {  	[timem:s3], [sflag:s2] =	dma.local @!p0 [hbm:s0], s1  }
0x10f: {  	s0 =	simm.s32 @!p0 $0xD  }
0x110: {  	_ =	swait.ge @!p0 [sflag:s0], s1  }
0x111: {  	s1 =	ssub.s32 @!p0 $0x0, s1;
	[sflag:s0] =	ssyncset.done @!p0 $0x0  }
0x112: {  	[sflag:s0] =	ssyncadd.s32 @!p0 s1  }
0x113: {  	[bflag:$0x3] =	sbarrier.arrive $0xFFFF  }
0x114: {  	_ =	shalt  }

// kernel: kernel.8.cloned.1.call-start
scs
__scs_entry_jumppad:
0x0: {  	(pc) =	sbr.rel $0x88, $3  }
0x1: {  	(tag) =	ssettag $0x0;
	lr =	simm.s32 $0x1  }
0x2: {  	[smem:$0x3F9B] =	sst lr;
	_ =	strace $0xD0000000  }
0x3: {  	_ = 	snop  }
0x4: {  	_ = 	snop  }
0x5: {  	_ = 	snop  }
0x6: {  	_ = 	snop  }
0x7: {  	_ = 	snop  }
__scs_overlays_trampoline_lowered:
0x8: {  	[smem:$0x3FAA] =	sst s0  }
0x9: {  	[smem:$0x3FAB] =	sst s1  }
0xa: {  	[smem:$0x3FAC] =	sst s2  }
0xb: {  	[smem:$0x3FAD] =	sst s3  }
0xc: {  	[smem:$0x3FAE] =	sst s4  }
0xd: {  	[smem:$0x3FAF] =	sst s5  }
0xe: {  	[smem:$0x3FB0] =	sst s6  }
0xf: {  	[smem:$0x3FB1] =	sst s7  }
0x10: {  	[smem:$0x3FB2] =	sst s8  }
0x11: {  	[smem:$0x3FB3] =	sst s9;
	s0 =	simm.s32 @!p0 $0x0  }
0x12: {  	s1 =	sld [smem:$0x3F99];
	s0 =	simm.s32 @p0 $0x1  }
0x13: {  	[smem:$0x3FB4] =	sst s0;
	s0 =	simm.s32 @!p1 $0x0  }
0x14: {  	s2 =	sld [smem:$0x3F98];
	s0 =	simm.s32 @p1 $0x1  }
0x15: {  	[smem:$0x3FB5] =	sst s0;
	s0 =	simm.s32 @!p2 $0x0  }
0x16: {  	s3 =	sld [smem:$0x3FDB];
	s0 =	simm.s32 @p2 $0x1  }
0x17: {  	s4 =	simm.s32 $0x1BF5;
	[smem:$0x3FB7] =	sst s0  }
0x18: {  	s0 =	sld [smem:$0x3F9A];
	_ =	swait.ge [sflag:s4], $0x0  }
0x19: {  	s7 =	sld [smem:$0x3F9B]  }
0x1a: {  	s8 =	sadd.s32 $0xFFFFE003, lr  }
0x1b: {  	s9 =	sadd.s32 $0xFFFFFEF7, lr;
	s5 =	simm.s32 $0xFFFFFFFF;
	p2 =	slt.u32 s8, $0xFFFFF086  }
0x1c: {  	p1 =	slt.u32 s9, $0xF7A;
	s5 =	simm.s32 @!p2 $0x0  }
0x1d: {  	s5 =	simm.s32 @p1 $0x1;
	p0 =	seq.s32 s7, s2  }
0x1e: {  	s7 =	smul.u32 @!p0 $0xF7A, s2;
	p2 =	seq.s32 @!p0 s5, $0x0  }
0x1f: {  	s9 =	smul.u32 $0xF7A, s1;
	s8 =	simm.s32 @!p0 $0x1BF5;
	p2 =	por !p2, p0  }
0x20: {  	[sflag:s8] =	ssyncset.s32 @!p0 $0xFFFFF086;
	s6 =	sadd.s32 @!p0 s3, s7;
	s7 =	simm.s32 @!p0 $0x108  }
0x21: {  	s3 =	sadd.s32 s3, s9;
	s6 =	sadd.s32 @!p0 $0x88, s6;
	s7 =	simm.s32 @p2 $0x1082  }
0x22: {  	[simem:s7], [sflag:s8] =	dma.local @!p0 [hbm:s6], $0xF7A  }
0x23: {  	s9 =	sor.u32 $0xD0000000, s2;
	s6 =	simm.s32 $0x108;
	_ =	swait.ge @!p0 [sflag:s8], $0x0  }
0x24: {  	s3 =	sadd.s32 $0x88, s3;
	s6 =	simm.s32 @!p1 $0x1082;
	[sflag:s4] =	ssyncset.s32 $0xFFFFF086  }
0x25: {  	[simem:s6], [sflag:s4] =	dma.local [hbm:s3], $0xF7A  }
0x26: {  	[smem:$0x3F9B] =	sst s1;
	(tag) =	ssettag s2;
	_ =	strace s9  }
0x27: {  	s1 =	sld [smem:$0x3FAB]  }
0x28: {  	s2 =	sld [smem:$0x3FAC]  }
0x29: {  	s4 =	sld [smem:$0x3FAE]  }
0x2a: {  	p0 =	seq.s32 s5, $0x0;
	s5 =	sld [smem:$0x3FAF]  }
0x2b: {  	s6 =	sld [smem:$0x3FB0]  }
0x2c: {  	s7 =	sld [smem:$0x3FB1]  }
0x2d: {  	s3 =	simm.s32 $0x108;
	s8 =	sld [smem:$0x3FB2]  }
0x2e: {  	s3 =	simm.s32 @!p0 $0x1082;
	s9 =	sld [smem:$0x3FB3]  }
0x2f: {  	lr =	sadd.s32 s0, s3;
	s0 =	sld [smem:$0x3FAA]  }
0x30: {  	s3 =	sld [smem:$0x3FAD]  }
0x31: {  	[smem:$0x3FB6] =	sst s10  }
0x32: {  	s10 =	sld [smem:$0x3FB4];
	_ =	sdelay $0x3  }
0x33: {  	p0 =	seq.s32 s10, $0x1;
	s10 =	sld [smem:$0x3FB6];
	_ =	sdelay $0x3  }
0x34: {  	[smem:$0x3FB6] =	sst s10  }
0x35: {  	s10 =	sld [smem:$0x3FB5];
	_ =	sdelay $0x3  }
0x36: {  	p1 =	seq.s32 s10, $0x1;
	s10 =	sld [smem:$0x3FB6];
	_ =	sdelay $0x3  }
0x37: {  	[smem:$0x3FB6] =	sst s10  }
0x38: {  	s10 =	sld [smem:$0x3FB7]  }
0x39: {  	_ = 	snop;
	(pc) =	sbr.ind lr, $3  }
0x3a: {  	_ = 	snop  }
0x3b: {  	_ = 	snop  }
0x3c: {  	p2 =	seq.s32 s10, $0x1;
	s10 =	sld [smem:$0x3FB6]  }
0x3d: {  	_ =	shalt  }
0x3e: {  	_ =	shalt  }
0x3f: {  	_ =	shalt  }
0x40: {  	_ =	shalt  }
0x41: {  	_ =	shalt  }
0x42: {  	_ =	shalt  }
0x43: {  	_ =	shalt  }
0x44: {  	_ =	shalt  }
0x45: {  	_ =	shalt  }
0x46: {  	_ =	shalt  }
0x47: {  	_ =	shalt  }
0x48: {  	_ =	shalt  }
0x49: {  	_ =	shalt  }
0x4a: {  	_ =	shalt  }
0x4b: {  	_ =	shalt  }
0x4c: {  	_ =	shalt  }
0x4d: {  	_ =	shalt  }
0x4e: {  	_ =	shalt  }
0x4f: {  	_ =	shalt  }
0x50: {  	_ =	shalt  }
0x51: {  	_ =	shalt  }
0x52: {  	_ =	shalt  }
0x53: {  	_ =	shalt  }
0x54: {  	_ =	shalt  }
0x55: {  	_ =	shalt  }
0x56: {  	_ =	shalt  }
0x57: {  	_ =	shalt  }
0x58: {  	_ =	shalt  }
0x59: {  	_ =	shalt  }
0x5a: {  	_ =	shalt  }
0x5b: {  	_ =	shalt  }
0x5c: {  	_ =	shalt  }
0x5d: {  	_ =	shalt  }
0x5e: {  	_ =	shalt  }
0x5f: {  	_ =	shalt  }
0x60: {  	_ =	shalt  }
0x61: {  	_ =	shalt  }
0x62: {  	_ =	shalt  }
0x63: {  	_ =	shalt  }
0x64: {  	_ =	shalt  }
0x65: {  	_ =	shalt  }
0x66: {  	_ =	shalt  }
0x67: {  	_ =	shalt  }
0x68: {  	_ =	shalt  }
0x69: {  	_ =	shalt  }
0x6a: {  	_ =	shalt  }
0x6b: {  	_ =	shalt  }
0x6c: {  	_ =	shalt  }
0x6d: {  	_ =	shalt  }
0x6e: {  	_ =	shalt  }
0x6f: {  	_ =	shalt  }
0x70: {  	_ =	shalt  }
0x71: {  	_ =	shalt  }
0x72: {  	_ =	shalt  }
0x73: {  	_ =	shalt  }
0x74: {  	_ =	shalt  }
0x75: {  	_ =	shalt  }
0x76: {  	_ =	shalt  }
0x77: {  	_ =	shalt  }
0x78: {  	_ =	shalt  }
0x79: {  	_ =	shalt  }
0x7a: {  	_ =	shalt  }
0x7b: {  	_ =	shalt  }
0x7c: {  	_ =	shalt  }
0x7d: {  	_ =	shalt  }
0x7e: {  	_ =	shalt  }
0x7f: {  	_ =	shalt  }
0x80: {  	_ =	shalt  }
0x81: {  	_ =	shalt  }
0x82: {  	_ =	shalt  }
0x83: {  	_ =	shalt  }
0x84: {  	_ =	shalt  }
0x85: {  	_ =	shalt  }
0x86: {  	_ =	shalt  }
0x87: {  	_ =	shalt  }
.Lfunc_end0:
.L_simem_size_0:
called_computation_lowered:
.L_overlay_start_0:
0x88: {  	s2 =	sld [smem:$0x3FD9]  }
0x89: {  	s3 =	sld [smem:$0x3FFE];
	_ =	sdelay $0x1  }
0x8a: {  	s1 =	srdreg.scid  }
0x8b: {  	s0 =	sand.u32 $0x1, s1  }
0x8c: {  	s17 =	sshll.u32 s0, $0xA;
	s2 =	sadd.s32 s3, s2  }
0x8d: {  	s2 =	sadd.s32 s2, s17  }
0x8e: {  	[smem:$0x3FC2] =	sst s2  }
0x8f: {  	_ = 	snop  }
0x90: {  	s2 =	sld [smem:$0x3FD0];
	(tm) =	ssettm $0x1  }
0x91: {  	s18 =	sld [smem:$0x3FFB];
	_ =	sdelay $0x3  }
0x92: {  	_ =	strace s18  }
0x93: {  	s3 =	sld [smem:$0x3FFC];
	_ =	sdelay $0x3  }
0x94: {  	_ =	strace s3  }
0x95: {  	s3 =	sld [smem:$0x3FFD];
	_ =	sdelay $0x3  }
0x96: {  	_ =	strace s3  }
0x97: {  	_ =	strace $0x8FFFFFFF  }
0x98: {  	s19 =	sld [smem:$0x3FDB];
	_ =	sdelay $0x1  }
0x99: {  	s4 =	simm.s32 $_scs_section_size  }
0x9a: {  	s5 =	simm.s32 $_size__tile_overlayer_lowered;
	s6 =	simm.s32 $_tile_overlayer_lowered  }
0x9b: {  	s22 =	simm.s32 $0x1BFF;
	s21 =	sshll.u32 s6, $0x1;
	s3 =	sadd.s32 s4, s19  }
0x9c: {  	s7 =	simm.s32 $0x0;
	s20 =	sshll.u32 s5, $0x1;
	s5 =	sadd.s32 s21, s3  }
0x9d: {  	[timem:s7], [sflag:s22] =	dma.local [hbm:s5], s20  }
0x9e: {  	_ =	swait.ge [sflag:s22], s20  }
0x9f: {  	s4 =	ssub.s32 $0x0, s20;
	[sflag:s22] =	ssyncset.done $0x0  }
0xa0: {  	[sflag:s22] =	ssyncadd.s32 s4;
	_ =	sdelay $0x1  }
0xa1: {  	s23 =	simm.s32 $0x1B8B  }
0xa2: {  	_ =	swait.ge [sflag:s23], $0x1  }
0xa3: {  	[sflag:s23] =	ssyncset.done $0x0  }
0xa4: {  	s25 =	simm.s32 $0x1B8E;
	s24 =	sld [smem:$0x3FFE];
	[sflag:s23] =	ssyncadd.s32 $0xFFFFFFFF  }
0xa5: {  	s26 =	simm.s32 $execute0_lowered;
	[smem:$0x3FD2] =	sst s25  }
0xa6: {  	s5 =	sshll.u32 s26, $0x1;
	_ =	strace $0x80000046;
	[dreg:$0x1] =	wrdreg $0xFFFFFFFF  }
0xa7: {  	s28 =	simm.s32 $_size_execute0_lowered;
	s3 =	sadd.s32 s3, s5;
	[dreg:$0x0] =	wrdreg $0x0  }
0xa8: {  	s5 =	sshll.u32 s28, $0x1;
	[dreg:$0x2] =	wrdreg s3  }
0xa9: {  	[dreg:$0x3] =	wrdreg s5  }
0xaa: {  	[dreg:$0x4] =	wrdreg $0xC0  }
0xab: {  	_ =	task [dreg:s7], $0x5FFFF  }
0xac: {  	[dreg:$0x1] =	wrdreg $0xFFFFFFFF  }
0xad: {  	[dreg:$0x0] =	wrdreg $0x60  }
0xae: {  	[dreg:$0x2] =	wrdreg s24  }
0xaf: {  	[dreg:$0x3] =	wrdreg s2  }
0xb0: {  	[dreg:$0x4] =	wrdreg $0x9  }
0xb1: {  	_ =	task.clear_ibuf [dreg:s7], $0x5FFFF;
	_ =	strace $0x90000046  }
0xb2: {  	s29 =	simm.s32 $0x9;
	_ =	strace $0x80000048  }
0xb3: {  	_ =	swait.ge [sflag:s29], $0x1  }
0xb4: {  	[sflag:s29] =	ssyncadd.s32 $0xFFFFFFFF  }
0xb5: {  	_ =	strace $0x90000048  }
0xb6: {  	_ =	sfence  }
0xb7: {  	s30 =	sld [smem:$0x0];
	_ =	sdelay $0x2  }
0xb8: {  	s31 =	sshll.u32 s1, $0xD;
	s1 =	sshrl.u32 s1, $0x2  }
0xb9: {  	s3 =	sand.u32 $0x4000, s31;
	s1 =	sadd.s32 s1, s30  }
0xba: {  	s0 =	sor.u32 s3, s0;
	s1 =	sshll.u32 s1, $0x11  }
0xbb: {  	s0 =	sor.u32 s1, s0  }
0xbc: {  	s0 =	sadd.s32 $0x8F2B, s0  }
0xbd: {  	[sflag:s0] =	ssyncadd.remote.s32 $0x1  }
0xbe: {  	_ =	sfence.sel $0xFFFF  }
0xbf: {  	[dreg:$0x0] =	wrdreg $0xFFFFFFFF;
	(pc) =	sbr.abs _section_cstart, $3  }
0xc0: {  	[dreg:$0x1] =	wrdreg $0xFFFFFFFF  }
0xc1: {  	_ =	task.clear_ibuf [dreg:s7], $0x2FFFF;
	_ =	strace $0x9FFFFFFF  }
0xc2: {  	(tm) =	ssettm $0x7FFFFFFF  }
0xc3: {  	_ =	shalt  }
tec
execute0_lowered:
.L_overlay_start_1:
0x0: {  	(tag) =	ssettag $0x1  }
0x1: {  	s1 =	srdreg.scid;
	s0 =	stileid.u32  }
0x2: {  	s4 =	rddreg [dreg:$0x0];
	s3 =	sand.u32 $0x1, s1;
	s30 =	sshll.u32 s0, $0x1  }
0x3: {  	s5 =	rddreg [dreg:$0x1];
	s2 =	simm.s32 $0x0;
	s1 =	sor.u32 s3, s30  }
0x4: {  	[smem:$0x7FF] =	sst s2;
	s3 =	ssub.s32 $0x2, s3;
	s6 =	smul.u32 $0x2710, s1  }
0x5: {  	s8 =	simm.s32 $0x0;
	s1 =	rddreg [dreg:$0x2];
	s7 =	sshrl.u32 s3, $0x1  }
0x6: {  	_ =	strace $0x80000047;
	s7 =	ssub.s32 s3, s7;
	s6 =	sshrl.u32 s6, $0x3  }
0x7: {  	s31 =	sadd.s32 s4, s6;
	s4 =	sadd.s32 s5, s6;
	s5 =	smax.u32 s7, $0x1  }
0x8: {  	v0 =	vimm.f32 $0.0e+00;
	v1 =	vimm.f32 $1.000000000e+00;
	s6 =	simm.s32 $0x1;
	s7 =	simm.s32 $0x2780;
	s3 =	sadd.s32 $0xC840, s31  }
.LBB2_1:
0x9: {  	[tilespmem:s2], [sflag:$0x1] =	stream.linear.gather [hbm4b:s3+s2], $0x2710, $0x38;
	[tilespmem:$0x4F00] =	vst v63  }
0xa: {  	_ =	swait.ge [sflag:s6], $0x2710  }
0xb: {  	[sflag:s6] =	ssyncset.done $0x0  }
0xc: {  	s10 =	simm.s32 $0x140;
	s9 =	simm.s32 $0x0;
	[sflag:s6] =	ssyncadd.s32 $0xFFFFD8F0  }
.LBB2_2:
0xd: {  	p0 =	sne.s32 s10, $0x9B00;
	[tilespmem:s9+$0x27C0] =	vst v0;
	s11 =	smov.u32 s10;
	s10 =	sadd.s32 $0x140, s10  }
.Ltmp0:
0xe: {  	[tilespmem:s9+$0x27B0] =	vst v0;
	(pc) =	sbr.rel @p0 .LBB2_2-.Ltmp0, $4  }
0xf: {  	[tilespmem:s9+$0x27A0] =	vst v0  }
0x10: {  	[tilespmem:s9+$0x2780] =	vst v0  }
0x11: {  	[tilespmem:s9+$0x2790] =	vst v0  }
0x12: {  	s9 =	sshra.s32 s11, $0x2  }
0x13: {  	[tilespmem:s9+$0x27C0] =	vst v0  }
0x14: {  	[tilespmem:s9+$0x27B0] =	vst v0  }
0x15: {  	[tilespmem:s9+$0x27A0] =	vst v0  }
0x16: {  	[tilespmem:s9+$0x2780] =	vst v0  }
0x17: {  	[tilespmem:s9+$0x2790] =	vst v0;
	s9 =	simm.s32 $0x0  }
.LBB2_4:
0x18: {  	s10 =	sshra.s32 s9, $0x2  }
0x19: {  	v2 =	vld [tilespmem:s10+$0x0];
	_ =	sdelay $0x7  }
0x1a: {  	[tilespmem:v2+s7+$0x0] =	vst.idx.add.f32.msk $0xffff, v1  }
0x1b: {  	v2 =	vld [tilespmem:s10+$0x10];
	_ =	sdelay $0x7  }
0x1c: {  	[tilespmem:v2+s7+$0x0] =	vst.idx.add.f32.msk $0xffff, v1  }
0x1d: {  	v2 =	vld [tilespmem:s10+$0x20];
	_ =	sdelay $0x7  }
0x1e: {  	[tilespmem:v2+s7+$0x0] =	vst.idx.add.f32.msk $0xffff, v1  }
0x1f: {  	v2 =	vld [tilespmem:s10+$0x30];
	_ =	sdelay $0x7  }
0x20: {  	[tilespmem:v2+s7+$0x0] =	vst.idx.add.f32.msk $0xffff, v1  }
0x21: {  	v2 =	vld [tilespmem:s10+$0x40];
	_ =	sdelay $0x2  }
0x22: {  	p0 =	sne.s32 s9, $0x9B00  }
.Ltmp1:
0x23: {  	_ = 	snop;
	(pc) =	sbr.rel @p0 .LBB2_4-.Ltmp1, $2  }
0x24: {  	_ =	sdelay $0x2  }
0x25: {  	s9 =	sadd.s32 $0x140, s9;
	[tilespmem:v2+s7+$0x0] =	vst.idx.add.f32.msk $0xffff, v1  }
0x26: {  	s8 =	sadd.s32 $0x1, s8  }
0x27: {  	p0 =	sne.s32 s8, s5  }
.Ltmp2:
0x28: {  	_ = 	snop;
	(pc) =	sbr.rel @p0 .LBB2_1-.Ltmp2, $4  }
0x29: {  	[hbm4b:s4+s2] =	stream.linear.scatter [tilespmem:s7], [sflag:$0x1], $0x2710, $0x38;
	[tilespmem:$0x4F00] =	vst v63  }
0x2a: {  	_ =	swait.ge [sflag:s6], $0x2710  }
0x2b: {  	[sflag:s6] =	ssyncset.done $0x0  }
0x2c: {  	[sflag:s6] =	ssyncadd.s32 $0xFFFFD8F0  }
0x2d: {  	_ =	sfence.sel $0x180000  }
0x2e: {  	[bflag:$0x0] =	sbarrier.arrive $0xFFFF  }
0x2f: {  	p0 =	sne.s32 s0, $0x0;
	_ =	strace $0x90000047  }
0x30: {  	s0 =	sadd.s32 @!p0 $0x100000, s1;
	[bflag:$0x2] =	sbarrier.arrive $0xFFFF  }
0x31: {  	[sflag:s0] =	ssyncadd.tile.s32 @!p0 $0x1;
	_ =	shalt  }
.Lfunc_end2:
_tile_overlayer_lowered:
.L_overlay_start_2:
0x32: {  	(tag) =	ssettag $0x2  }
0x33: {  	s0 =	rddreg [dreg:$0x0];
	s2 =	stileid.u32  }
0x34: {  	s1 =	rddreg [dreg:$0x1];
	p0 =	sne.s32 s2, $0x0  }
0x35: {  	s3 =	rddreg [dreg:$0x2];
	[bflag:$0x3] =	sbarrier.arrive $0xFFFF;
	s2 =	simm.s32 @!p0 $0x1C01  }
0x36: {  	[timem:s3], [sflag:s2] =	dma.local @!p0 [hbm:s0], s1  }
0x37: {  	s0 =	simm.s32 @!p0 $0x1  }
0x38: {  	_ =	swait.ge @!p0 [sflag:s0], s1  }
0x39: {  	s1 =	ssub.s32 @!p0 $0x0, s1;
	[sflag:s0] =	ssyncset.done @!p0 $0x0  }
0x3a: {  	[sflag:s0] =	ssyncadd.s32 @!p0 s1  }
0x3b: {  	[bflag:$0x3] =	sbarrier.arrive $0xFFFF  }
0x3c: {  	_ =	shalt  }

</sc_bundles>
